<compile_context>
chip_gen: v7x
topology: tpu7x:2x2x1
jax: 0.10.2.dev20260603
libtpu: 0.0.44.dev20260713+nightly
codegen_flags: <defaults>
</compile_context>

<pallas_src>
import functools

import numpy as np
import jax
import jax.numpy as jnp
from jax import lax
from jax.experimental import pallas as pl
from jax.experimental.pallas import tpu as pltpu
from jax.experimental.pallas import tpu_sc as plsc

_MARGIN = 1.0
_MAX_PAIRS = 2000000
_NC, _NS, _L = 2, 16, 16
_NW = _NC * _NS
_B = 4096


_pair_cache = {}


def _rotl(x, d):
    return ((x << np.uint32(d)) | (x >> np.uint32(32 - d))).astype(np.uint32)


def _threefry2x32(keypair, x0, x1):
    x0 = np.asarray(x0, np.uint32).copy()
    x1 = np.asarray(x1, np.uint32).copy()
    ks0 = np.uint32(keypair[0])
    ks1 = np.uint32(keypair[1])
    ks2 = np.uint32(ks0 ^ ks1 ^ np.uint32(0x1BD11BDA))
    rot0 = (13, 15, 26, 6)
    rot1 = (17, 29, 16, 24)

    def rounds(x0, x1, rots):
        for r in rots:
            x0 = (x0 + x1).astype(np.uint32)
            x1 = _rotl(x1, r)
            x1 = x1 ^ x0
        return x0, x1

    x0 = (x0 + ks0).astype(np.uint32)
    x1 = (x1 + ks1).astype(np.uint32)
    x0, x1 = rounds(x0, x1, rot0)
    x0 = (x0 + ks1).astype(np.uint32)
    x1 = (x1 + ks2 + np.uint32(1)).astype(np.uint32)
    x0, x1 = rounds(x0, x1, rot1)
    x0 = (x0 + ks2).astype(np.uint32)
    x1 = (x1 + ks0 + np.uint32(2)).astype(np.uint32)
    x0, x1 = rounds(x0, x1, rot0)
    x0 = (x0 + ks0).astype(np.uint32)
    x1 = (x1 + ks1 + np.uint32(3)).astype(np.uint32)
    x0, x1 = rounds(x0, x1, rot1)
    x0 = (x0 + ks1).astype(np.uint32)
    x1 = (x1 + ks2 + np.uint32(4)).astype(np.uint32)
    x0, x1 = rounds(x0, x1, rot0)
    x0 = (x0 + ks2).astype(np.uint32)
    x1 = (x1 + ks0 + np.uint32(5)).astype(np.uint32)
    return x0, x1


def _np_split(keypair, num=2):
    counts = np.arange(num, dtype=np.uint64)
    b1, b2 = _threefry2x32(keypair, (counts >> np.uint64(32)).astype(np.uint32),
                           (counts & np.uint64(0xFFFFFFFF)).astype(np.uint32))
    return np.stack([b1, b2], axis=1)


def _np_random_bits(keypair, size):
    counts = np.arange(size, dtype=np.uint64)
    b1, b2 = _threefry2x32(keypair, (counts >> np.uint64(32)).astype(np.uint32),
                           (counts & np.uint64(0xFFFFFFFF)).astype(np.uint32))
    return b1 ^ b2


def _np_randint(keypair, size, minval, maxval):
    khi, klo = _np_split(keypair, 2)
    higher = _np_random_bits(khi, size)
    lower = _np_random_bits(klo, size)
    span = np.uint32(maxval - minval)
    multiplier = np.uint32((int(np.uint32(65536) % span) ** 2) & 0xFFFFFFFF) % span
    with np.errstate(over="ignore"):
        offset = ((higher % span) * multiplier + (lower % span)) % span
    return (np.int32(minval) + offset.astype(np.int32)).astype(np.int32)


def _pair_layout(n):
    if n in _pair_cache:
        return _pair_cache[n]
    n_pairs = min(_MAX_PAIRS, n * (n - 1) // 2)
    root = np.array([0, 42], np.uint32)
    ki, kj = _np_split(root, 2)
    idx_i = _np_randint(ki, n_pairs, 0, n)
    idx_j = _np_randint(kj, n_pairs, 0, n)
    keep = idx_i != idx_j
    idx_i, idx_j = idx_i[keep], idx_j[keep]
    m = idx_i.shape[0]
    nch = -(-(-(-m // _NW)) // _B)
    c_tile = nch * _B
    total = c_tile * _NW
    ii = np.zeros((total,), np.int32)
    jj = np.zeros((total,), np.int32)
    ii[:m] = idx_i
    jj[:m] = idx_j
    idx = np.stack([ii.reshape(_NW, nch, _B), jj.reshape(_NW, nch, _B)], axis=2)
    out = (jnp.asarray(idx), nch, c_tile)
    _pair_cache[n] = out
    return out


def _final_kernel(lp, cp, o):
    s = jnp.sum(lp[...])
    c = jnp.sum(cp[...])
    o[0] = s / jnp.maximum(c, 1.0)


def _pack_kernel(c0, c1, c2, c3, pr, o):
    t0 = 1.0 - 0.25 * jnp.clip(c0[...], 0.0, 1.0)
    t1 = 1.0 - 0.25 * jnp.clip(c1[...], 0.0, 1.0)
    t2 = 1.0 - 0.25 * jnp.clip(c2[...], 0.0, 1.0)
    t3 = 1.0 - 0.25 * jnp.clip(c3[...], 0.0, 1.0)
    ct = 1.0 - t0 * t1 * t2 * t3
    pb = lax.bitcast_convert_type(pr[...].astype(jnp.bfloat16), jnp.uint16)
    cb = lax.bitcast_convert_type(ct.astype(jnp.bfloat16), jnp.uint16)
    word = (cb.astype(jnp.uint32) << 16) | pb.astype(jnp.uint32)
    o[...] = lax.bitcast_convert_type(word, jnp.float32)


def _make_sc_loss(n, nch, c_tile):
    mesh = plsc.VectorSubcoreMesh(core_axis_name="c", subcore_axis_name="s")

    @functools.partial(
        pl.kernel,
        out_type=[
            jax.ShapeDtypeStruct((_NW, _L), jnp.float32),
            jax.ShapeDtypeStruct((_NW, _L), jnp.float32),
        ],
        mesh=mesh,
        compiler_params=pltpu.CompilerParams(
            needs_layout_passes=False, use_tc_tiling_on_sc=False),
        scratch_types=[
            pltpu.VMEM((n,), jnp.float32),
            pltpu.VMEM((2, 2, _B), jnp.int32),
            pltpu.VMEM((2 * _L,), jnp.float32),
            pltpu.SemaphoreType.DMA((2,)),
            pltpu.SemaphoreType.DMA,
        ],
    )
    def sc_loss(tab_hbm, idx_hbm, loss_out, cnt_out, table, idxb, pout, isems,
                tsem):
        cid = lax.axis_index("c")
        sid = lax.axis_index("s")
        wid = sid * _NC + cid
        nvec = _B // _L

        in_d = [None] * nch
        in_d[0] = pltpu.async_copy(idx_hbm.at[wid, 0], idxb.at[0], isems.at[0])
        pltpu.async_copy(tab_hbm.at[pl.ds(0, n)], table, tsem).wait()
        acc = (jnp.zeros((_L,), jnp.float32), jnp.zeros((_L,), jnp.float32))
        for ch in range(nch):
            cur = ch % 2
            if ch + 1 < nch:
                in_d[ch + 1] = pltpu.async_copy(
                    idx_hbm.at[wid, ch + 1], idxb.at[1 - cur], isems.at[1 - cur])
            in_d[ch].wait()

            def p2(v, carry):
                al, ac = carry
                off = pl.multiple_of(v * _L, _L)
                ii = idxb[cur, 0, pl.ds(off, _L)]
                jj = idxb[cur, 1, pl.ds(off, _L)]
                gi = plsc.load_gather(table, [ii])
                gj = plsc.load_gather(table, [jj])
                pi, ci = plsc.unpack(plsc.bitcast(gi, jnp.bfloat16),
                                     format=plsc.PackFormat.INTERLEAVED)
                pj, cj = plsc.unpack(plsc.bitcast(gj, jnp.bfloat16),
                                     format=plsc.PackFormat.INTERLEAVED)
                pd = pi - pj
                cd = ci - cj
                sbit = plsc.bitcast(cd, jnp.int32) & jnp.int32(-2147483648)
                pdx = plsc.bitcast(plsc.bitcast(pd, jnp.int32) ^ sbit,
                                   jnp.float32)
                elem = jnp.maximum(_MARGIN - pdx, 0.0)
                mf = jnp.where(jnp.abs(cd) > 0.1, 1.0, 0.0)
                return (al + elem * mf, ac + mf)

            acc = plsc.parallel_loop(0, nvec, step=1, unroll=4, carry=acc)(p2)

        pout[pl.ds(0, _L)] = acc[0]
        pout[pl.ds(_L, _L)] = acc[1]
        pltpu.sync_copy(pout.at[pl.ds(0, _L)], loss_out.at[wid])
        pltpu.sync_copy(pout.at[pl.ds(_L, _L)], cnt_out.at[wid])

    return sc_loss


def kernel(pred_scores, cic_scores):
    pred = pred_scores.reshape(-1).astype(jnp.float32)
    n = pred.shape[0]
    idx, nch, c_tile = _pair_layout(n)

    npad = -(-n // 128) * 128
    rows = npad // 128
    cic_t = jnp.pad(cic_scores.astype(jnp.float32), ((0, npad - n), (0, 0))).T
    cols = cic_t.reshape(4, rows, 128)
    pred_rows = jnp.pad(pred, (0, npad - n)).reshape(rows, 128)
    packed = pl.pallas_call(
        _pack_kernel,
        out_shape=jax.ShapeDtypeStruct((rows, 128), jnp.float32),
    )(cols[0], cols[1], cols[2], cols[3], pred_rows).reshape(npad)

    sc_loss = _make_sc_loss(n, nch, c_tile)
    loss_part, cnt_part = sc_loss(packed, idx)

    out = pl.pallas_call(
        _final_kernel,
        out_shape=jax.ShapeDtypeStruct((1,), jnp.float32),
        out_specs=pl.BlockSpec(memory_space=pltpu.SMEM),
    )(loss_part, cnt_part)
    return out[0]

# --- scband reference (transcript-rebuilt; emitter-appended) ---
"""Pipeline reference for scband-ranking-consistency-loss-60498909331612 (READ-ONLY COPY).

The authoritative reference and input builder live on the scoring server;
editing this copy changes nothing except your own understanding.
"""

import jax, jax.numpy as jnp
import numpy as np

MARGIN = 1.0
MAX_PAIRS = 2000000
N_NODES = 100000


def setup_inputs(seed: int = 0) -> dict:
    key = jax.random.key(seed)
    k1, k2 = jax.random.split(key)
    pred_scores = jax.random.normal(k1, (N_NODES,), dtype=jnp.float32)
    cic_scores = jax.random.uniform(k2, (N_NODES, 4), dtype=jnp.float32)
    return {"pred_scores": pred_scores, "cic_scores": cic_scores}


def reference(pred_scores, cic_scores):
    pred = pred_scores.reshape(-1)
    n = pred.shape[0]
    # cic_scores is 2D [n, 4]: combine with weighted noisy-OR as in the module
    weights = jnp.array([0.25, 0.25, 0.25, 0.25], dtype=jnp.float32)
    cic_total = 1.0 - jnp.prod(1.0 - weights[None, :] * jnp.clip(cic_scores, 0.0, 1.0), axis=-1)
    cic_total = jnp.nan_to_num(cic_total, nan=0.0, posinf=1.0, neginf=0.0).reshape(-1)
    # soft ranking loss with sampled pairs (use_soft_labels=True, labels=None)
    n_pairs = min(MAX_PAIRS, n * (n - 1) // 2)
    kk = jax.random.key(42)
    ki, kj = jax.random.split(kk)
    idx_i = jax.random.randint(ki, (n_pairs,), 0, n)
    idx_j = jax.random.randint(kj, (n_pairs,), 0, n)
    valid = idx_i != idx_j
    cic_diff = cic_total[idx_i] - cic_total[idx_j]
    pred_diff = pred[idx_i] - pred[idx_j]
    sign = jnp.sign(cic_diff)
    significant = jnp.abs(cic_diff) > 0.1
    mask = (valid & significant).astype(pred.dtype)
    loss_elems = jax.nn.relu(MARGIN - sign * pred_diff)
    denom = jnp.maximum(mask.sum(), 1.0)
    loss = (loss_elems * mask).sum() / denom
    return loss

if __name__ == "__main__":
    import jax
    _d = setup_inputs()
    print(jax.jit(kernel)(*tuple(_d.values())))

</pallas_src>

<mosaic_0001>
#map = affine_map<(d0, d1) -> (0)>
#map1 = affine_map<(d0, d1) -> (0, 0, 0, 0)>
#map2 = affine_map<(d0, d1) -> (0, 0)>
module attributes {stable_mosaic.version = 14 : i64} {
  func.func @sc_loss(%arg0: i32, %arg1: i32, %arg2: memref<100096xf32, #tpu.memory_space<hbm>>, %arg3: memref<32x16x2x4096xi32, #tpu.memory_space<hbm>>, %arg4: memref<32x16xf32, #tpu.memory_space<hbm>>, %arg5: memref<32x16xf32, #tpu.memory_space<hbm>>, %arg6: memref<100000xf32, #tpu.memory_space<vmem>>, %arg7: memref<2x2x4096xi32, #tpu.memory_space<vmem>>, %arg8: memref<32xf32, #tpu.memory_space<vmem>>, %arg9: memref<2x!tpu.dma_semaphore, #tpu.memory_space<semaphore_mem>>, %arg10: memref<!tpu.dma_semaphore, #tpu.memory_space<semaphore_mem>>) attributes {dimension_semantics = [#tpu.dimension_semantics<core_parallel>, #tpu.dimension_semantics<subcore_parallel>], iteration_bounds = array<i64: 2, 16>, scalar_prefetch = 0 : i64, scratch_operands = 5 : i64, tpu.core_type = #tpu.core_type<sc_vector_subcore>, window_params = [{transform_indices = #map}, {transform_indices = #map1}, {transform_indices = #map2}, {transform_indices = #map2}]} {
    %mul3A = arith.constant 2 : i32
    %mul3A_0 = arith.muli %arg1, %mul3A : i32
    %add3A = arith.addi %mul3A_0, %arg0 : i32
    %dma_start3A = arith.constant 0 : i32
    %dma_start3A_1 = arith.constant 0 : i32
    %dma_start3A_2 = arith.constant 0 : i32
    %dma_start3A_3 = arith.constant 0 : i32
    %dma_start3A_4 = arith.constant 0 : i32
    %dma_start3A_5 = tpu.memref_slice %arg7[%dma_start3A_1, %dma_start3A_3, %dma_start3A_4] : memref<2x2x4096xi32, #tpu.memory_space<vmem>> -> memref<1x2x4096xi32, #tpu.memory_space<vmem>>
    %dma_start3A_6 = tpu.memref_squeeze %dma_start3A_5 : memref<1x2x4096xi32, #tpu.memory_space<vmem>> -> memref<2x4096xi32, #tpu.memory_space<vmem>>
    %dma_start3A_7 = arith.constant 0 : i32
    %dma_start3A_8 = arith.constant 0 : i32
    %dma_start3A_9 = tpu.memref_slice %arg3[%add3A, %dma_start3A, %dma_start3A_7, %dma_start3A_8] : memref<32x16x2x4096xi32, #tpu.memory_space<hbm>> -> memref<1x1x2x4096xi32, #tpu.memory_space<hbm>>
    %dma_start3A_10 = tpu.memref_squeeze %dma_start3A_9 : memref<1x1x2x4096xi32, #tpu.memory_space<hbm>> -> memref<2x4096xi32, #tpu.memory_space<hbm>>
    %dma_start3A_11 = tpu.memref_slice %arg9[%dma_start3A_2] : memref<2x!tpu.dma_semaphore, #tpu.memory_space<semaphore_mem>> -> memref<1x!tpu.dma_semaphore, #tpu.memory_space<semaphore_mem>>
    %dma_start3A_12 = tpu.memref_squeeze %dma_start3A_11 : memref<1x!tpu.dma_semaphore, #tpu.memory_space<semaphore_mem>> -> memref<!tpu.dma_semaphore, #tpu.memory_space<semaphore_mem>>
    %dma_start3A_13 = arith.constant 0 : i32
    %dma_start3A_14 = arith.constant 0 : i32
    %dma_start3A_15 = tpu.memref_slice %arg7[%dma_start3A_1, %dma_start3A_13, %dma_start3A_14] : memref<2x2x4096xi32, #tpu.memory_space<vmem>> -> memref<1x2x4096xi32, #tpu.memory_space<vmem>>
    %dma_start3A_16 = tpu.memref_squeeze %dma_start3A_15 : memref<1x2x4096xi32, #tpu.memory_space<vmem>> -> memref<2x4096xi32, #tpu.memory_space<vmem>>
    %dma_start3A_17 = arith.constant 0 : i32
    %dma_start3A_18 = arith.constant 0 : i32
    %dma_start3A_19 = tpu.memref_slice %arg3[%add3A, %dma_start3A, %dma_start3A_17, %dma_start3A_18] : memref<32x16x2x4096xi32, #tpu.memory_space<hbm>> -> memref<1x1x2x4096xi32, #tpu.memory_space<hbm>>
    %dma_start3A_20 = tpu.memref_squeeze %dma_start3A_19 : memref<1x1x2x4096xi32, #tpu.memory_space<hbm>> -> memref<2x4096xi32, #tpu.memory_space<hbm>>
    tpu.enqueue_dma source(%dma_start3A_20 : memref<2x4096xi32, #tpu.memory_space<hbm>>) target(%dma_start3A_16 : memref<2x4096xi32, #tpu.memory_space<vmem>>) target_semaphore(%dma_start3A_12 : memref<!tpu.dma_semaphore, #tpu.memory_space<semaphore_mem>>)
    %dma_start3A_21 = arith.constant 0 : i32
    %dma_start3A_22 = tpu.memref_slice %arg2[%dma_start3A_21] : memref<100096xf32, #tpu.memory_space<hbm>> -> memref<100000xf32, #tpu.memory_space<hbm>>
    %dma_start3A_23 = arith.constant 0 : i32
    %dma_start3A_24 = tpu.memref_slice %arg2[%dma_start3A_23] : memref<100096xf32, #tpu.memory_space<hbm>> -> memref<100000xf32, #tpu.memory_space<hbm>>
    tpu.enqueue_dma source(%dma_start3A_24 : memref<100000xf32, #tpu.memory_space<hbm>>) target(%arg6 : memref<100000xf32, #tpu.memory_space<vmem>>) target_semaphore(%arg10 : memref<!tpu.dma_semaphore, #tpu.memory_space<semaphore_mem>>)
    %dma_wait3A = arith.constant 0 : i32
    %dma_wait3A_25 = tpu.memref_slice %arg2[%dma_wait3A] : memref<100096xf32, #tpu.memory_space<hbm>> -> memref<100000xf32, #tpu.memory_space<hbm>>
    %dma_wait3A_26 = arith.constant 0 : i32
    %dma_wait3A_27 = tpu.memref_slice %arg2[%dma_wait3A_26] : memref<100096xf32, #tpu.memory_space<hbm>> -> memref<100000xf32, #tpu.memory_space<hbm>>
    tpu.wait_dma2 semaphore(%arg10 : memref<!tpu.dma_semaphore, #tpu.memory_space<semaphore_mem>>) src(%dma_wait3A_27 : memref<100000xf32, #tpu.memory_space<hbm>>) dst(%arg6 : memref<100000xf32, #tpu.memory_space<vmem>>)
    %broadcast_in_dim3A = arith.constant 0.000000e+00 : f32
    %broadcast_in_dim3A_28 = vector.broadcast %broadcast_in_dim3A : f32 to vector<16xf32>
    %broadcast_in_dim3A_29 = arith.constant 0.000000e+00 : f32
    %broadcast_in_dim3A_30 = vector.broadcast %broadcast_in_dim3A_29 : f32 to vector<16xf32>
    %dma_start3A_31 = arith.constant 1 : i32
    %dma_start3A_32 = arith.constant 1 : i32
    %dma_start3A_33 = arith.constant 1 : i32
    %dma_start3A_34 = arith.constant 0 : i32
    %dma_start3A_35 = arith.constant 0 : i32
    %dma_start3A_36 = tpu.memref_slice %arg7[%dma_start3A_32, %dma_start3A_34, %dma_start3A_35] : memref<2x2x4096xi32, #tpu.memory_space<vmem>> -> memref<1x2x4096xi32, #tpu.memory_space<vmem>>
    %dma_start3A_37 = tpu.memref_squeeze %dma_start3A_36 : memref<1x2x4096xi32, #tpu.memory_space<vmem>> -> memref<2x4096xi32, #tpu.memory_space<vmem>>
    %dma_start3A_38 = arith.constant 0 : i32
    %dma_start3A_39 = arith.constant 0 : i32
    %dma_start3A_40 = tpu.memref_slice %arg3[%add3A, %dma_start3A_31, %dma_start3A_38, %dma_start3A_39] : memref<32x16x2x4096xi32, #tpu.memory_space<hbm>> -> memref<1x1x2x4096xi32, #tpu.memory_space<hbm>>
    %dma_start3A_41 = tpu.memref_squeeze %dma_start3A_40 : memref<1x1x2x4096xi32, #tpu.memory_space<hbm>> -> memref<2x4096xi32, #tpu.memory_space<hbm>>
    %dma_start3A_42 = tpu.memref_slice %arg9[%dma_start3A_33] : memref<2x!tpu.dma_semaphore, #tpu.memory_space<semaphore_mem>> -> memref<1x!tpu.dma_semaphore, #tpu.memory_space<semaphore_mem>>
    %dma_start3A_43 = tpu.memref_squeeze %dma_start3A_42 : memref<1x!tpu.dma_semaphore, #tpu.memory_space<semaphore_mem>> -> memref<!tpu.dma_semaphore, #tpu.memory_space<semaphore_mem>>
    %dma_start3A_44 = arith.constant 0 : i32
    %dma_start3A_45 = arith.constant 0 : i32
    %dma_start3A_46 = tpu.memref_slice %arg7[%dma_start3A_32, %dma_start3A_44, %dma_start3A_45] : memref<2x2x4096xi32, #tpu.memory_space<vmem>> -> memref<1x2x4096xi32, #tpu.memory_space<vmem>>
    %dma_start3A_47 = tpu.memref_squeeze %dma_start3A_46 : memref<1x2x4096xi32, #tpu.memory_space<vmem>> -> memref<2x4096xi32, #tpu.memory_space<vmem>>
    %dma_start3A_48 = arith.constant 0 : i32
    %dma_start3A_49 = arith.constant 0 : i32
    %dma_start3A_50 = tpu.memref_slice %arg3[%add3A, %dma_start3A_31, %dma_start3A_48, %dma_start3A_49] : memref<32x16x2x4096xi32, #tpu.memory_space<hbm>> -> memref<1x1x2x4096xi32, #tpu.memory_space<hbm>>
    %dma_start3A_51 = tpu.memref_squeeze %dma_start3A_50 : memref<1x1x2x4096xi32, #tpu.memory_space<hbm>> -> memref<2x4096xi32, #tpu.memory_space<hbm>>
    tpu.enqueue_dma source(%dma_start3A_51 : memref<2x4096xi32, #tpu.memory_space<hbm>>) target(%dma_start3A_47 : memref<2x4096xi32, #tpu.memory_space<vmem>>) target_semaphore(%dma_start3A_43 : memref<!tpu.dma_semaphore, #tpu.memory_space<semaphore_mem>>)
    %dma_wait3A_52 = arith.constant 0 : i32
    %dma_wait3A_53 = arith.constant 0 : i32
    %dma_wait3A_54 = arith.constant 0 : i32
    %dma_wait3A_55 = arith.constant 0 : i32
    %dma_wait3A_56 = arith.constant 0 : i32
    %dma_wait3A_57 = tpu.memref_slice %arg7[%dma_wait3A_53, %dma_wait3A_55, %dma_wait3A_56] : memref<2x2x4096xi32, #tpu.memory_space<vmem>> -> memref<1x2x4096xi32, #tpu.memory_space<vmem>>
    %dma_wait3A_58 = tpu.memref_squeeze %dma_wait3A_57 : memref<1x2x4096xi32, #tpu.memory_space<vmem>> -> memref<2x4096xi32, #tpu.memory_space<vmem>>
    %dma_wait3A_59 = arith.constant 0 : i32
    %dma_wait3A_60 = arith.constant 0 : i32
    %dma_wait3A_61 = tpu.memref_slice %arg3[%add3A, %dma_wait3A_52, %dma_wait3A_59, %dma_wait3A_60] : memref<32x16x2x4096xi32, #tpu.memory_space<hbm>> -> memref<1x1x2x4096xi32, #tpu.memory_space<hbm>>
    %dma_wait3A_62 = tpu.memref_squeeze %dma_wait3A_61 : memref<1x1x2x4096xi32, #tpu.memory_space<hbm>> -> memref<2x4096xi32, #tpu.memory_space<hbm>>
    %dma_wait3A_63 = tpu.memref_slice %arg9[%dma_wait3A_54] : memref<2x!tpu.dma_semaphore, #tpu.memory_space<semaphore_mem>> -> memref<1x!tpu.dma_semaphore, #tpu.memory_space<semaphore_mem>>
    %dma_wait3A_64 = tpu.memref_squeeze %dma_wait3A_63 : memref<1x!tpu.dma_semaphore, #tpu.memory_space<semaphore_mem>> -> memref<!tpu.dma_semaphore, #tpu.memory_space<semaphore_mem>>
    %dma_wait3A_65 = arith.constant 0 : i32
    %dma_wait3A_66 = arith.constant 0 : i32
    %dma_wait3A_67 = tpu.memref_slice %arg7[%dma_wait3A_53, %dma_wait3A_65, %dma_wait3A_66] : memref<2x2x4096xi32, #tpu.memory_space<vmem>> -> memref<1x2x4096xi32, #tpu.memory_space<vmem>>
    %dma_wait3A_68 = tpu.memref_squeeze %dma_wait3A_67 : memref<1x2x4096xi32, #tpu.memory_space<vmem>> -> memref<2x4096xi32, #tpu.memory_space<vmem>>
    %dma_wait3A_69 = arith.constant 0 : i32
    %dma_wait3A_70 = arith.constant 0 : i32
    %dma_wait3A_71 = tpu.memref_slice %arg3[%add3A, %dma_wait3A_52, %dma_wait3A_69, %dma_wait3A_70] : memref<32x16x2x4096xi32, #tpu.memory_space<hbm>> -> memref<1x1x2x4096xi32, #tpu.memory_space<hbm>>
    %dma_wait3A_72 = tpu.memref_squeeze %dma_wait3A_71 : memref<1x1x2x4096xi32, #tpu.memory_space<hbm>> -> memref<2x4096xi32, #tpu.memory_space<hbm>>
    tpu.wait_dma2 semaphore(%dma_wait3A_64 : memref<!tpu.dma_semaphore, #tpu.memory_space<semaphore_mem>>) src(%dma_wait3A_72 : memref<2x4096xi32, #tpu.memory_space<hbm>>) dst(%dma_wait3A_68 : memref<2x4096xi32, #tpu.memory_space<vmem>>)
    %parallel_loop3A = arith.constant 0 : i32
    %parallel_loop3A_73 = arith.constant 256 : i32
    %parallel_loop3A_74 = arith.constant 1 : i32
    %parallel_loop3A_75:2 = scf.for %parallel_loop3A_748 = %parallel_loop3A to %parallel_loop3A_73 step %parallel_loop3A_74 iter_args(%parallel_loop3A_749 = %broadcast_in_dim3A_28, %parallel_loop3A_750 = %broadcast_in_dim3A_30) -> (vector<16xf32>, vector<16xf32>)  : i32 {
      %parallel_loop3A_751 = arith.constant 16 : i32
      %parallel_loop3A_752 = arith.muli %parallel_loop3A_748, %parallel_loop3A_751 : i32
      %parallel_loop3A_753 = tpu.assume_multiple %parallel_loop3A_752, 16 : i32
      %parallel_loop3A_754 = arith.constant 0 : i32
      %parallel_loop3A_755 = arith.constant 0 : i32
      %parallel_loop3A_756 = arith.index_cast %parallel_loop3A_754 : i32 to index
      %parallel_loop3A_757 = arith.index_cast %parallel_loop3A_755 : i32 to index
      %parallel_loop3A_758 = arith.index_cast %parallel_loop3A_753 : i32 to index
      %parallel_loop3A_759 = tpu.vector_load %arg7[%parallel_loop3A_756, %parallel_loop3A_757, %parallel_loop3A_758] {strides = array<i32>} : memref<2x2x4096xi32, #tpu.memory_space<vmem>>, vector<16xi32>,
      %parallel_loop3A_760 = arith.constant 0 : i32
      %parallel_loop3A_761 = arith.constant 1 : i32
      %parallel_loop3A_762 = arith.index_cast %parallel_loop3A_760 : i32 to index
      %parallel_loop3A_763 = arith.index_cast %parallel_loop3A_761 : i32 to index
      %parallel_loop3A_764 = arith.index_cast %parallel_loop3A_753 : i32 to index
      %parallel_loop3A_765 = tpu.vector_load %arg7[%parallel_loop3A_762, %parallel_loop3A_763, %parallel_loop3A_764] {strides = array<i32>} : memref<2x2x4096xi32, #tpu.memory_space<vmem>>, vector<16xi32>,
      %parallel_loop3A_766 = tpu.vector_load_idx %arg6[%parallel_loop3A_759] : memref<100000xf32, #tpu.memory_space<vmem>>[vector<16xi32>], vector<16xf32>,
      %parallel_loop3A_767 = tpu.vector_load_idx %arg6[%parallel_loop3A_765] : memref<100000xf32, #tpu.memory_space<vmem>>[vector<16xi32>], vector<16xf32>,
      %parallel_loop3A_768 = vector.bitcast %parallel_loop3A_766 : vector<16xf32> to vector<32xbf16>
      %parallel_loop3A_769 = tpu.unpack_subelements %parallel_loop3A_768, 0 {pack_format = #tpu.pack_format<interleaved>} : vector<32xbf16> -> vector<16xf32>
      %parallel_loop3A_770 = tpu.unpack_subelements %parallel_loop3A_768, 1 {pack_format = #tpu.pack_format<interleaved>} : vector<32xbf16> -> vector<16xf32>
      %parallel_loop3A_771 = vector.bitcast %parallel_loop3A_767 : vector<16xf32> to vector<32xbf16>
      %parallel_loop3A_772 = tpu.unpack_subelements %parallel_loop3A_771, 0 {pack_format = #tpu.pack_format<interleaved>} : vector<32xbf16> -> vector<16xf32>
      %parallel_loop3A_773 = tpu.unpack_subelements %parallel_loop3A_771, 1 {pack_format = #tpu.pack_format<interleaved>} : vector<32xbf16> -> vector<16xf32>
      %parallel_loop3A_774 = arith.subf %parallel_loop3A_769, %parallel_loop3A_772 : vector<16xf32>
      %parallel_loop3A_775 = arith.subf %parallel_loop3A_770, %parallel_loop3A_773 : vector<16xf32>
      %parallel_loop3A_776 = vector.bitcast %parallel_loop3A_775 : vector<16xf32> to vector<16xi32>
      %parallel_loop3A_777 = arith.constant -2147483648 : i32
      %parallel_loop3A_778 = vector.broadcast %parallel_loop3A_777 : i32 to vector<16xi32>
      %parallel_loop3A_779 = arith.andi %parallel_loop3A_776, %parallel_loop3A_778 : vector<16xi32>
      %parallel_loop3A_780 = vector.bitcast %parallel_loop3A_774 : vector<16xf32> to vector<16xi32>
      %parallel_loop3A_781 = arith.xori %parallel_loop3A_780, %parallel_loop3A_779 : vector<16xi32>
      %parallel_loop3A_782 = vector.bitcast %parallel_loop3A_781 : vector<16xi32> to vector<16xf32>
      %parallel_loop3A_783 = arith.constant 1.000000e+00 : f32
      %parallel_loop3A_784 = vector.broadcast %parallel_loop3A_783 : f32 to vector<16xf32>
      %parallel_loop3A_785 = arith.subf %parallel_loop3A_784, %parallel_loop3A_782 : vector<16xf32>
      %parallel_loop3A_786 = arith.constant 0.000000e+00 : f32
      %parallel_loop3A_787 = vector.broadcast %parallel_loop3A_786 : f32 to vector<16xf32>
      %parallel_loop3A_788 = arith.maximumf %parallel_loop3A_785, %parallel_loop3A_787 : vector<16xf32>
      %parallel_loop3A_789 = math.absf %parallel_loop3A_775 : vector<16xf32>
      %parallel_loop3A_790 = arith.constant 1.000000e-01 : f32
      %parallel_loop3A_791 = vector.broadcast %parallel_loop3A_790 : f32 to vector<16xf32>
      %parallel_loop3A_792 = arith.cmpf ogt, %parallel_loop3A_789, %parallel_loop3A_791 : vector<16xf32>
      %parallel_loop3A_793 = arith.constant 1.000000e+00 : f32
      %parallel_loop3A_794 = arith.constant 0.000000e+00 : f32
      %parallel_loop3A_795 = vector.broadcast %parallel_loop3A_793 : f32 to vector<16xf32>
      %parallel_loop3A_796 = vector.broadcast %parallel_loop3A_794 : f32 to vector<16xf32>
      %parallel_loop3A_797 = arith.select %parallel_loop3A_792, %parallel_loop3A_795, %parallel_loop3A_796 : vector<16xi1>, vector<16xf32>
      %parallel_loop3A_798 = arith.mulf %parallel_loop3A_788, %parallel_loop3A_797 : vector<16xf32>
      %parallel_loop3A_799 = arith.addf %parallel_loop3A_749, %parallel_loop3A_798 : vector<16xf32>
      %parallel_loop3A_800 = arith.addf %parallel_loop3A_750, %parallel_loop3A_797 : vector<16xf32>
      scf.yield %parallel_loop3A_799, %parallel_loop3A_800 : vector<16xf32>, vector<16xf32>
    } {sc.loop_unroll_factor = 4 : i64, sc.parallel_access}
    %dma_start3A_76 = arith.constant 2 : i32
    %dma_start3A_77 = arith.constant 0 : i32
    %dma_start3A_78 = arith.constant 0 : i32
    %dma_start3A_79 = arith.constant 0 : i32
    %dma_start3A_80 = arith.constant 0 : i32
    %dma_start3A_81 = tpu.memref_slice %arg7[%dma_start3A_77, %dma_start3A_79, %dma_start3A_80] : memref<2x2x4096xi32, #tpu.memory_space<vmem>> -> memref<1x2x4096xi32, #tpu.memory_space<vmem>>
    %dma_start3A_82 = tpu.memref_squeeze %dma_start3A_81 : memref<1x2x4096xi32, #tpu.memory_space<vmem>> -> memref<2x4096xi32, #tpu.memory_space<vmem>>
    %dma_start3A_83 = arith.constant 0 : i32
    %dma_start3A_84 = arith.constant 0 : i32
    %dma_start3A_85 = tpu.memref_slice %arg3[%add3A, %dma_start3A_76, %dma_start3A_83, %dma_start3A_84] : memref<32x16x2x4096xi32, #tpu.memory_space<hbm>> -> memref<1x1x2x4096xi32, #tpu.memory_space<hbm>>
    %dma_start3A_86 = tpu.memref_squeeze %dma_start3A_85 : memref<1x1x2x4096xi32, #tpu.memory_space<hbm>> -> memref<2x4096xi32, #tpu.memory_space<hbm>>
    %dma_start3A_87 = tpu.memref_slice %arg9[%dma_start3A_78] : memref<2x!tpu.dma_semaphore, #tpu.memory_space<semaphore_mem>> -> memref<1x!tpu.dma_semaphore, #tpu.memory_space<semaphore_mem>>
    %dma_start3A_88 = tpu.memref_squeeze %dma_start3A_87 : memref<1x!tpu.dma_semaphore, #tpu.memory_space<semaphore_mem>> -> memref<!tpu.dma_semaphore, #tpu.memory_space<semaphore_mem>>
    %dma_start3A_89 = arith.constant 0 : i32
    %dma_start3A_90 = arith.constant 0 : i32
    %dma_start3A_91 = tpu.memref_slice %arg7[%dma_start3A_77, %dma_start3A_89, %dma_start3A_90] : memref<2x2x4096xi32, #tpu.memory_space<vmem>> -> memref<1x2x4096xi32, #tpu.memory_space<vmem>>
    %dma_start3A_92 = tpu.memref_squeeze %dma_start3A_91 : memref<1x2x4096xi32, #tpu.memory_space<vmem>> -> memref<2x4096xi32, #tpu.memory_space<vmem>>
    %dma_start3A_93 = arith.constant 0 : i32
    %dma_start3A_94 = arith.constant 0 : i32
    %dma_start3A_95 = tpu.memref_slice %arg3[%add3A, %dma_start3A_76, %dma_start3A_93, %dma_start3A_94] : memref<32x16x2x4096xi32, #tpu.memory_space<hbm>> -> memref<1x1x2x4096xi32, #tpu.memory_space<hbm>>
    %dma_start3A_96 = tpu.memref_squeeze %dma_start3A_95 : memref<1x1x2x4096xi32, #tpu.memory_space<hbm>> -> memref<2x4096xi32, #tpu.memory_space<hbm>>
    tpu.enqueue_dma source(%dma_start3A_96 : memref<2x4096xi32, #tpu.memory_space<hbm>>) target(%dma_start3A_92 : memref<2x4096xi32, #tpu.memory_space<vmem>>) target_semaphore(%dma_start3A_88 : memref<!tpu.dma_semaphore, #tpu.memory_space<semaphore_mem>>)
    %dma_wait3A_97 = arith.constant 1 : i32
    %dma_wait3A_98 = arith.constant 1 : i32
    %dma_wait3A_99 = arith.constant 1 : i32
    %dma_wait3A_100 = arith.constant 0 : i32
    %dma_wait3A_101 = arith.constant 0 : i32
    %dma_wait3A_102 = tpu.memref_slice %arg7[%dma_wait3A_98, %dma_wait3A_100, %dma_wait3A_101] : memref<2x2x4096xi32, #tpu.memory_space<vmem>> -> memref<1x2x4096xi32, #tpu.memory_space<vmem>>
    %dma_wait3A_103 = tpu.memref_squeeze %dma_wait3A_102 : memref<1x2x4096xi32, #tpu.memory_space<vmem>> -> memref<2x4096xi32, #tpu.memory_space<vmem>>
    %dma_wait3A_104 = arith.constant 0 : i32
    %dma_wait3A_105 = arith.constant 0 : i32
    %dma_wait3A_106 = tpu.memref_slice %arg3[%add3A, %dma_wait3A_97, %dma_wait3A_104, %dma_wait3A_105] : memref<32x16x2x4096xi32, #tpu.memory_space<hbm>> -> memref<1x1x2x4096xi32, #tpu.memory_space<hbm>>
    %dma_wait3A_107 = tpu.memref_squeeze %dma_wait3A_106 : memref<1x1x2x4096xi32, #tpu.memory_space<hbm>> -> memref<2x4096xi32, #tpu.memory_space<hbm>>
    %dma_wait3A_108 = tpu.memref_slice %arg9[%dma_wait3A_99] : memref<2x!tpu.dma_semaphore, #tpu.memory_space<semaphore_mem>> -> memref<1x!tpu.dma_semaphore, #tpu.memory_space<semaphore_mem>>
    %dma_wait3A_109 = tpu.memref_squeeze %dma_wait3A_108 : memref<1x!tpu.dma_semaphore, #tpu.memory_space<semaphore_mem>> -> memref<!tpu.dma_semaphore, #tpu.memory_space<semaphore_mem>>
    %dma_wait3A_110 = arith.constant 0 : i32
    %dma_wait3A_111 = arith.constant 0 : i32
    %dma_wait3A_112 = tpu.memref_slice %arg7[%dma_wait3A_98, %dma_wait3A_110, %dma_wait3A_111] : memref<2x2x4096xi32, #tpu.memory_space<vmem>> -> memref<1x2x4096xi32, #tpu.memory_space<vmem>>
    %dma_wait3A_113 = tpu.memref_squeeze %dma_wait3A_112 : memref<1x2x4096xi32, #tpu.memory_space<vmem>> -> memref<2x4096xi32, #tpu.memory_space<vmem>>
    %dma_wait3A_114 = arith.constant 0 : i32
    %dma_wait3A_115 = arith.constant 0 : i32
    %dma_wait3A_116 = tpu.memref_slice %arg3[%add3A, %dma_wait3A_97, %dma_wait3A_114, %dma_wait3A_115] : memref<32x16x2x4096xi32, #tpu.memory_space<hbm>> -> memref<1x1x2x4096xi32, #tpu.memory_space<hbm>>
    %dma_wait3A_117 = tpu.memref_squeeze %dma_wait3A_116 : memref<1x1x2x4096xi32, #tpu.memory_space<hbm>> -> memref<2x4096xi32, #tpu.memory_space<hbm>>
    tpu.wait_dma2 semaphore(%dma_wait3A_109 : memref<!tpu.dma_semaphore, #tpu.memory_space<semaphore_mem>>) src(%dma_wait3A_117 : memref<2x4096xi32, #tpu.memory_space<hbm>>) dst(%dma_wait3A_113 : memref<2x4096xi32, #tpu.memory_space<vmem>>)
    %parallel_loop3A_118 = arith.constant 0 : i32
    %parallel_loop3A_119 = arith.constant 256 : i32
    %parallel_loop3A_120 = arith.constant 1 : i32
    %parallel_loop3A_121:2 = scf.for %parallel_loop3A_748 = %parallel_loop3A_118 to %parallel_loop3A_119 step %parallel_loop3A_120 iter_args(%parallel_loop3A_749 = %parallel_loop3A_75#0, %parallel_loop3A_750 = %parallel_loop3A_75#1) -> (vector<16xf32>, vector<16xf32>)  : i32 {
      %parallel_loop3A_751 = arith.constant 16 : i32
      %parallel_loop3A_752 = arith.muli %parallel_loop3A_748, %parallel_loop3A_751 : i32
      %parallel_loop3A_753 = tpu.assume_multiple %parallel_loop3A_752, 16 : i32
      %parallel_loop3A_754 = arith.constant 1 : i32
      %parallel_loop3A_755 = arith.constant 0 : i32
      %parallel_loop3A_756 = arith.index_cast %parallel_loop3A_754 : i32 to index
      %parallel_loop3A_757 = arith.index_cast %parallel_loop3A_755 : i32 to index
      %parallel_loop3A_758 = arith.index_cast %parallel_loop3A_753 : i32 to index
      %parallel_loop3A_759 = tpu.vector_load %arg7[%parallel_loop3A_756, %parallel_loop3A_757, %parallel_loop3A_758] {strides = array<i32>} : memref<2x2x4096xi32, #tpu.memory_space<vmem>>, vector<16xi32>,
      %parallel_loop3A_760 = arith.constant 1 : i32
      %parallel_loop3A_761 = arith.constant 1 : i32
      %parallel_loop3A_762 = arith.index_cast %parallel_loop3A_760 : i32 to index
      %parallel_loop3A_763 = arith.index_cast %parallel_loop3A_761 : i32 to index
      %parallel_loop3A_764 = arith.index_cast %parallel_loop3A_753 : i32 to index
      %parallel_loop3A_765 = tpu.vector_load %arg7[%parallel_loop3A_762, %parallel_loop3A_763, %parallel_loop3A_764] {strides = array<i32>} : memref<2x2x4096xi32, #tpu.memory_space<vmem>>, vector<16xi32>,
      %parallel_loop3A_766 = tpu.vector_load_idx %arg6[%parallel_loop3A_759] : memref<100000xf32, #tpu.memory_space<vmem>>[vector<16xi32>], vector<16xf32>,
      %parallel_loop3A_767 = tpu.vector_load_idx %arg6[%parallel_loop3A_765] : memref<100000xf32, #tpu.memory_space<vmem>>[vector<16xi32>], vector<16xf32>,
      %parallel_loop3A_768 = vector.bitcast %parallel_loop3A_766 : vector<16xf32> to vector<32xbf16>
      %parallel_loop3A_769 = tpu.unpack_subelements %parallel_loop3A_768, 0 {pack_format = #tpu.pack_format<interleaved>} : vector<32xbf16> -> vector<16xf32>
      %parallel_loop3A_770 = tpu.unpack_subelements %parallel_loop3A_768, 1 {pack_format = #tpu.pack_format<interleaved>} : vector<32xbf16> -> vector<16xf32>
      %parallel_loop3A_771 = vector.bitcast %parallel_loop3A_767 : vector<16xf32> to vector<32xbf16>
      %parallel_loop3A_772 = tpu.unpack_subelements %parallel_loop3A_771, 0 {pack_format = #tpu.pack_format<interleaved>} : vector<32xbf16> -> vector<16xf32>
      %parallel_loop3A_773 = tpu.unpack_subelements %parallel_loop3A_771, 1 {pack_format = #tpu.pack_format<interleaved>} : vector<32xbf16> -> vector<16xf32>
      %parallel_loop3A_774 = arith.subf %parallel_loop3A_769, %parallel_loop3A_772 : vector<16xf32>
      %parallel_loop3A_775 = arith.subf %parallel_loop3A_770, %parallel_loop3A_773 : vector<16xf32>
      %parallel_loop3A_776 = vector.bitcast %parallel_loop3A_775 : vector<16xf32> to vector<16xi32>
      %parallel_loop3A_777 = arith.constant -2147483648 : i32
      %parallel_loop3A_778 = vector.broadcast %parallel_loop3A_777 : i32 to vector<16xi32>
      %parallel_loop3A_779 = arith.andi %parallel_loop3A_776, %parallel_loop3A_778 : vector<16xi32>
      %parallel_loop3A_780 = vector.bitcast %parallel_loop3A_774 : vector<16xf32> to vector<16xi32>
      %parallel_loop3A_781 = arith.xori %parallel_loop3A_780, %parallel_loop3A_779 : vector<16xi32>
      %parallel_loop3A_782 = vector.bitcast %parallel_loop3A_781 : vector<16xi32> to vector<16xf32>
      %parallel_loop3A_783 = arith.constant 1.000000e+00 : f32
      %parallel_loop3A_784 = vector.broadcast %parallel_loop3A_783 : f32 to vector<16xf32>
      %parallel_loop3A_785 = arith.subf %parallel_loop3A_784, %parallel_loop3A_782 : vector<16xf32>
      %parallel_loop3A_786 = arith.constant 0.000000e+00 : f32
      %parallel_loop3A_787 = vector.broadcast %parallel_loop3A_786 : f32 to vector<16xf32>
      %parallel_loop3A_788 = arith.maximumf %parallel_loop3A_785, %parallel_loop3A_787 : vector<16xf32>
      %parallel_loop3A_789 = math.absf %parallel_loop3A_775 : vector<16xf32>
      %parallel_loop3A_790 = arith.constant 1.000000e-01 : f32
      %parallel_loop3A_791 = vector.broadcast %parallel_loop3A_790 : f32 to vector<16xf32>
      %parallel_loop3A_792 = arith.cmpf ogt, %parallel_loop3A_789, %parallel_loop3A_791 : vector<16xf32>
      %parallel_loop3A_793 = arith.constant 1.000000e+00 : f32
      %parallel_loop3A_794 = arith.constant 0.000000e+00 : f32
      %parallel_loop3A_795 = vector.broadcast %parallel_loop3A_793 : f32 to vector<16xf32>
      %parallel_loop3A_796 = vector.broadcast %parallel_loop3A_794 : f32 to vector<16xf32>
      %parallel_loop3A_797 = arith.select %parallel_loop3A_792, %parallel_loop3A_795, %parallel_loop3A_796 : vector<16xi1>, vector<16xf32>
      %parallel_loop3A_798 = arith.mulf %parallel_loop3A_788, %parallel_loop3A_797 : vector<16xf32>
      %parallel_loop3A_799 = arith.addf %parallel_loop3A_749, %parallel_loop3A_798 : vector<16xf32>
      %parallel_loop3A_800 = arith.addf %parallel_loop3A_750, %parallel_loop3A_797 : vector<16xf32>
      scf.yield %parallel_loop3A_799, %parallel_loop3A_800 : vector<16xf32>, vector<16xf32>
    } {sc.loop_unroll_factor = 4 : i64, sc.parallel_access}
    %dma_start3A_122 = arith.constant 3 : i32
    %dma_start3A_123 = arith.constant 1 : i32
    %dma_start3A_124 = arith.constant 1 : i32
    %dma_start3A_125 = arith.constant 0 : i32
    %dma_start3A_126 = arith.constant 0 : i32
    %dma_start3A_127 = tpu.memref_slice %arg7[%dma_start3A_123, %dma_start3A_125, %dma_start3A_126] : memref<2x2x4096xi32, #tpu.memory_space<vmem>> -> memref<1x2x4096xi32, #tpu.memory_space<vmem>>
    %dma_start3A_128 = tpu.memref_squeeze %dma_start3A_127 : memref<1x2x4096xi32, #tpu.memory_space<vmem>> -> memref<2x4096xi32, #tpu.memory_space<vmem>>
    %dma_start3A_129 = arith.constant 0 : i32
    %dma_start3A_130 = arith.constant 0 : i32
    %dma_start3A_131 = tpu.memref_slice %arg3[%add3A, %dma_start3A_122, %dma_start3A_129, %dma_start3A_130] : memref<32x16x2x4096xi32, #tpu.memory_space<hbm>> -> memref<1x1x2x4096xi32, #tpu.memory_space<hbm>>
    %dma_start3A_132 = tpu.memref_squeeze %dma_start3A_131 : memref<1x1x2x4096xi32, #tpu.memory_space<hbm>> -> memref<2x4096xi32, #tpu.memory_space<hbm>>
    %dma_start3A_133 = tpu.memref_slice %arg9[%dma_start3A_124] : memref<2x!tpu.dma_semaphore, #tpu.memory_space<semaphore_mem>> -> memref<1x!tpu.dma_semaphore, #tpu.memory_space<semaphore_mem>>
    %dma_start3A_134 = tpu.memref_squeeze %dma_start3A_133 : memref<1x!tpu.dma_semaphore, #tpu.memory_space<semaphore_mem>> -> memref<!tpu.dma_semaphore, #tpu.memory_space<semaphore_mem>>
    %dma_start3A_135 = arith.constant 0 : i32
    %dma_start3A_136 = arith.constant 0 : i32
    %dma_start3A_137 = tpu.memref_slice %arg7[%dma_start3A_123, %dma_start3A_135, %dma_start3A_136] : memref<2x2x4096xi32, #tpu.memory_space<vmem>> -> memref<1x2x4096xi32, #tpu.memory_space<vmem>>
    %dma_start3A_138 = tpu.memref_squeeze %dma_start3A_137 : memref<1x2x4096xi32, #tpu.memory_space<vmem>> -> memref<2x4096xi32, #tpu.memory_space<vmem>>
    %dma_start3A_139 = arith.constant 0 : i32
    %dma_start3A_140 = arith.constant 0 : i32
    %dma_start3A_141 = tpu.memref_slice %arg3[%add3A, %dma_start3A_122, %dma_start3A_139, %dma_start3A_140] : memref<32x16x2x4096xi32, #tpu.memory_space<hbm>> -> memref<1x1x2x4096xi32, #tpu.memory_space<hbm>>
    %dma_start3A_142 = tpu.memref_squeeze %dma_start3A_141 : memref<1x1x2x4096xi32, #tpu.memory_space<hbm>> -> memref<2x4096xi32, #tpu.memory_space<hbm>>
    tpu.enqueue_dma source(%dma_start3A_142 : memref<2x4096xi32, #tpu.memory_space<hbm>>) target(%dma_start3A_138 : memref<2x4096xi32, #tpu.memory_space<vmem>>) target_semaphore(%dma_start3A_134 : memref<!tpu.dma_semaphore, #tpu.memory_space<semaphore_mem>>)
    %dma_wait3A_143 = arith.constant 2 : i32
    %dma_wait3A_144 = arith.constant 0 : i32
    %dma_wait3A_145 = arith.constant 0 : i32
    %dma_wait3A_146 = arith.constant 0 : i32
    %dma_wait3A_147 = arith.constant 0 : i32
    %dma_wait3A_148 = tpu.memref_slice %arg7[%dma_wait3A_144, %dma_wait3A_146, %dma_wait3A_147] : memref<2x2x4096xi32, #tpu.memory_space<vmem>> -> memref<1x2x4096xi32, #tpu.memory_space<vmem>>
    %dma_wait3A_149 = tpu.memref_squeeze %dma_wait3A_148 : memref<1x2x4096xi32, #tpu.memory_space<vmem>> -> memref<2x4096xi32, #tpu.memory_space<vmem>>
    %dma_wait3A_150 = arith.constant 0 : i32
    %dma_wait3A_151 = arith.constant 0 : i32
    %dma_wait3A_152 = tpu.memref_slice %arg3[%add3A, %dma_wait3A_143, %dma_wait3A_150, %dma_wait3A_151] : memref<32x16x2x4096xi32, #tpu.memory_space<hbm>> -> memref<1x1x2x4096xi32, #tpu.memory_space<hbm>>
    %dma_wait3A_153 = tpu.memref_squeeze %dma_wait3A_152 : memref<1x1x2x4096xi32, #tpu.memory_space<hbm>> -> memref<2x4096xi32, #tpu.memory_space<hbm>>
    %dma_wait3A_154 = tpu.memref_slice %arg9[%dma_wait3A_145] : memref<2x!tpu.dma_semaphore, #tpu.memory_space<semaphore_mem>> -> memref<1x!tpu.dma_semaphore, #tpu.memory_space<semaphore_mem>>
    %dma_wait3A_155 = tpu.memref_squeeze %dma_wait3A_154 : memref<1x!tpu.dma_semaphore, #tpu.memory_space<semaphore_mem>> -> memref<!tpu.dma_semaphore, #tpu.memory_space<semaphore_mem>>
    %dma_wait3A_156 = arith.constant 0 : i32
    %dma_wait3A_157 = arith.constant 0 : i32
    %dma_wait3A_158 = tpu.memref_slice %arg7[%dma_wait3A_144, %dma_wait3A_156, %dma_wait3A_157] : memref<2x2x4096xi32, #tpu.memory_space<vmem>> -> memref<1x2x4096xi32, #tpu.memory_space<vmem>>
    %dma_wait3A_159 = tpu.memref_squeeze %dma_wait3A_158 : memref<1x2x4096xi32, #tpu.memory_space<vmem>> -> memref<2x4096xi32, #tpu.memory_space<vmem>>
    %dma_wait3A_160 = arith.constant 0 : i32
    %dma_wait3A_161 = arith.constant 0 : i32
    %dma_wait3A_162 = tpu.memref_slice %arg3[%add3A, %dma_wait3A_143, %dma_wait3A_160, %dma_wait3A_161] : memref<32x16x2x4096xi32, #tpu.memory_space<hbm>> -> memref<1x1x2x4096xi32, #tpu.memory_space<hbm>>
    %dma_wait3A_163 = tpu.memref_squeeze %dma_wait3A_162 : memref<1x1x2x4096xi32, #tpu.memory_space<hbm>> -> memref<2x4096xi32, #tpu.memory_space<hbm>>
    tpu.wait_dma2 semaphore(%dma_wait3A_155 : memref<!tpu.dma_semaphore, #tpu.memory_space<semaphore_mem>>) src(%dma_wait3A_163 : memref<2x4096xi32, #tpu.memory_space<hbm>>) dst(%dma_wait3A_159 : memref<2x4096xi32, #tpu.memory_space<vmem>>)
    %parallel_loop3A_164 = arith.constant 0 : i32
    %parallel_loop3A_165 = arith.constant 256 : i32
    %parallel_loop3A_166 = arith.constant 1 : i32
    %parallel_loop3A_167:2 = scf.for %parallel_loop3A_748 = %parallel_loop3A_164 to %parallel_loop3A_165 step %parallel_loop3A_166 iter_args(%parallel_loop3A_749 = %parallel_loop3A_121#0, %parallel_loop3A_750 = %parallel_loop3A_121#1) -> (vector<16xf32>, vector<16xf32>)  : i32 {
      %parallel_loop3A_751 = arith.constant 16 : i32
      %parallel_loop3A_752 = arith.muli %parallel_loop3A_748, %parallel_loop3A_751 : i32
      %parallel_loop3A_753 = tpu.assume_multiple %parallel_loop3A_752, 16 : i32
      %parallel_loop3A_754 = arith.constant 0 : i32
      %parallel_loop3A_755 = arith.constant 0 : i32
      %parallel_loop3A_756 = arith.index_cast %parallel_loop3A_754 : i32 to index
      %parallel_loop3A_757 = arith.index_cast %parallel_loop3A_755 : i32 to index
      %parallel_loop3A_758 = arith.index_cast %parallel_loop3A_753 : i32 to index
      %parallel_loop3A_759 = tpu.vector_load %arg7[%parallel_loop3A_756, %parallel_loop3A_757, %parallel_loop3A_758] {strides = array<i32>} : memref<2x2x4096xi32, #tpu.memory_space<vmem>>, vector<16xi32>,
      %parallel_loop3A_760 = arith.constant 0 : i32
      %parallel_loop3A_761 = arith.constant 1 : i32
      %parallel_loop3A_762 = arith.index_cast %parallel_loop3A_760 : i32 to index
      %parallel_loop3A_763 = arith.index_cast %parallel_loop3A_761 : i32 to index
      %parallel_loop3A_764 = arith.index_cast %parallel_loop3A_753 : i32 to index
      %parallel_loop3A_765 = tpu.vector_load %arg7[%parallel_loop3A_762, %parallel_loop3A_763, %parallel_loop3A_764] {strides = array<i32>} : memref<2x2x4096xi32, #tpu.memory_space<vmem>>, vector<16xi32>,
      %parallel_loop3A_766 = tpu.vector_load_idx %arg6[%parallel_loop3A_759] : memref<100000xf32, #tpu.memory_space<vmem>>[vector<16xi32>], vector<16xf32>,
      %parallel_loop3A_767 = tpu.vector_load_idx %arg6[%parallel_loop3A_765] : memref<100000xf32, #tpu.memory_space<vmem>>[vector<16xi32>], vector<16xf32>,
      %parallel_loop3A_768 = vector.bitcast %parallel_loop3A_766 : vector<16xf32> to vector<32xbf16>
      %parallel_loop3A_769 = tpu.unpack_subelements %parallel_loop3A_768, 0 {pack_format = #tpu.pack_format<interleaved>} : vector<32xbf16> -> vector<16xf32>
      %parallel_loop3A_770 = tpu.unpack_subelements %parallel_loop3A_768, 1 {pack_format = #tpu.pack_format<interleaved>} : vector<32xbf16> -> vector<16xf32>
      %parallel_loop3A_771 = vector.bitcast %parallel_loop3A_767 : vector<16xf32> to vector<32xbf16>
      %parallel_loop3A_772 = tpu.unpack_subelements %parallel_loop3A_771, 0 {pack_format = #tpu.pack_format<interleaved>} : vector<32xbf16> -> vector<16xf32>
      %parallel_loop3A_773 = tpu.unpack_subelements %parallel_loop3A_771, 1 {pack_format = #tpu.pack_format<interleaved>} : vector<32xbf16> -> vector<16xf32>
      %parallel_loop3A_774 = arith.subf %parallel_loop3A_769, %parallel_loop3A_772 : vector<16xf32>
      %parallel_loop3A_775 = arith.subf %parallel_loop3A_770, %parallel_loop3A_773 : vector<16xf32>
      %parallel_loop3A_776 = vector.bitcast %parallel_loop3A_775 : vector<16xf32> to vector<16xi32>
      %parallel_loop3A_777 = arith.constant -2147483648 : i32
      %parallel_loop3A_778 = vector.broadcast %parallel_loop3A_777 : i32 to vector<16xi32>
      %parallel_loop3A_779 = arith.andi %parallel_loop3A_776, %parallel_loop3A_778 : vector<16xi32>
      %parallel_loop3A_780 = vector.bitcast %parallel_loop3A_774 : vector<16xf32> to vector<16xi32>
      %parallel_loop3A_781 = arith.xori %parallel_loop3A_780, %parallel_loop3A_779 : vector<16xi32>
      %parallel_loop3A_782 = vector.bitcast %parallel_loop3A_781 : vector<16xi32> to vector<16xf32>
      %parallel_loop3A_783 = arith.constant 1.000000e+00 : f32
      %parallel_loop3A_784 = vector.broadcast %parallel_loop3A_783 : f32 to vector<16xf32>
      %parallel_loop3A_785 = arith.subf %parallel_loop3A_784, %parallel_loop3A_782 : vector<16xf32>
      %parallel_loop3A_786 = arith.constant 0.000000e+00 : f32
      %parallel_loop3A_787 = vector.broadcast %parallel_loop3A_786 : f32 to vector<16xf32>
      %parallel_loop3A_788 = arith.maximumf %parallel_loop3A_785, %parallel_loop3A_787 : vector<16xf32>
      %parallel_loop3A_789 = math.absf %parallel_loop3A_775 : vector<16xf32>
      %parallel_loop3A_790 = arith.constant 1.000000e-01 : f32
      %parallel_loop3A_791 = vector.broadcast %parallel_loop3A_790 : f32 to vector<16xf32>
      %parallel_loop3A_792 = arith.cmpf ogt, %parallel_loop3A_789, %parallel_loop3A_791 : vector<16xf32>
      %parallel_loop3A_793 = arith.constant 1.000000e+00 : f32
      %parallel_loop3A_794 = arith.constant 0.000000e+00 : f32
      %parallel_loop3A_795 = vector.broadcast %parallel_loop3A_793 : f32 to vector<16xf32>
      %parallel_loop3A_796 = vector.broadcast %parallel_loop3A_794 : f32 to vector<16xf32>
      %parallel_loop3A_797 = arith.select %parallel_loop3A_792, %parallel_loop3A_795, %parallel_loop3A_796 : vector<16xi1>, vector<16xf32>
      %parallel_loop3A_798 = arith.mulf %parallel_loop3A_788, %parallel_loop3A_797 : vector<16xf32>
      %parallel_loop3A_799 = arith.addf %parallel_loop3A_749, %parallel_loop3A_798 : vector<16xf32>
      %parallel_loop3A_800 = arith.addf %parallel_loop3A_750, %parallel_loop3A_797 : vector<16xf32>
      scf.yield %parallel_loop3A_799, %parallel_loop3A_800 : vector<16xf32>, vector<16xf32>
    } {sc.loop_unroll_factor = 4 : i64, sc.parallel_access}
    %dma_start3A_168 = arith.constant 4 : i32
    %dma_start3A_169 = arith.constant 0 : i32
    %dma_start3A_170 = arith.constant 0 : i32
    %dma_start3A_171 = arith.constant 0 : i32
    %dma_start3A_172 = arith.constant 0 : i32
    %dma_start3A_173 = tpu.memref_slice %arg7[%dma_start3A_169, %dma_start3A_171, %dma_start3A_172] : memref<2x2x4096xi32, #tpu.memory_space<vmem>> -> memref<1x2x4096xi32, #tpu.memory_space<vmem>>
    %dma_start3A_174 = tpu.memref_squeeze %dma_start3A_173 : memref<1x2x4096xi32, #tpu.memory_space<vmem>> -> memref<2x4096xi32, #tpu.memory_space<vmem>>
    %dma_start3A_175 = arith.constant 0 : i32
    %dma_start3A_176 = arith.constant 0 : i32
    %dma_start3A_177 = tpu.memref_slice %arg3[%add3A, %dma_start3A_168, %dma_start3A_175, %dma_start3A_176] : memref<32x16x2x4096xi32, #tpu.memory_space<hbm>> -> memref<1x1x2x4096xi32, #tpu.memory_space<hbm>>
    %dma_start3A_178 = tpu.memref_squeeze %dma_start3A_177 : memref<1x1x2x4096xi32, #tpu.memory_space<hbm>> -> memref<2x4096xi32, #tpu.memory_space<hbm>>
    %dma_start3A_179 = tpu.memref_slice %arg9[%dma_start3A_170] : memref<2x!tpu.dma_semaphore, #tpu.memory_space<semaphore_mem>> -> memref<1x!tpu.dma_semaphore, #tpu.memory_space<semaphore_mem>>
    %dma_start3A_180 = tpu.memref_squeeze %dma_start3A_179 : memref<1x!tpu.dma_semaphore, #tpu.memory_space<semaphore_mem>> -> memref<!tpu.dma_semaphore, #tpu.memory_space<semaphore_mem>>
    %dma_start3A_181 = arith.constant 0 : i32
    %dma_start3A_182 = arith.constant 0 : i32
    %dma_start3A_183 = tpu.memref_slice %arg7[%dma_start3A_169, %dma_start3A_181, %dma_start3A_182] : memref<2x2x4096xi32, #tpu.memory_space<vmem>> -> memref<1x2x4096xi32, #tpu.memory_space<vmem>>
    %dma_start3A_184 = tpu.memref_squeeze %dma_start3A_183 : memref<1x2x4096xi32, #tpu.memory_space<vmem>> -> memref<2x4096xi32, #tpu.memory_space<vmem>>
    %dma_start3A_185 = arith.constant 0 : i32
    %dma_start3A_186 = arith.constant 0 : i32
    %dma_start3A_187 = tpu.memref_slice %arg3[%add3A, %dma_start3A_168, %dma_start3A_185, %dma_start3A_186] : memref<32x16x2x4096xi32, #tpu.memory_space<hbm>> -> memref<1x1x2x4096xi32, #tpu.memory_space<hbm>>
    %dma_start3A_188 = tpu.memref_squeeze %dma_start3A_187 : memref<1x1x2x4096xi32, #tpu.memory_space<hbm>> -> memref<2x4096xi32, #tpu.memory_space<hbm>>
    tpu.enqueue_dma source(%dma_start3A_188 : memref<2x4096xi32, #tpu.memory_space<hbm>>) target(%dma_start3A_184 : memref<2x4096xi32, #tpu.memory_space<vmem>>) target_semaphore(%dma_start3A_180 : memref<!tpu.dma_semaphore, #tpu.memory_space<semaphore_mem>>)
    %dma_wait3A_189 = arith.constant 3 : i32
    %dma_wait3A_190 = arith.constant 1 : i32
    %dma_wait3A_191 = arith.constant 1 : i32
    %dma_wait3A_192 = arith.constant 0 : i32
    %dma_wait3A_193 = arith.constant 0 : i32
    %dma_wait3A_194 = tpu.memref_slice %arg7[%dma_wait3A_190, %dma_wait3A_192, %dma_wait3A_193] : memref<2x2x4096xi32, #tpu.memory_space<vmem>> -> memref<1x2x4096xi32, #tpu.memory_space<vmem>>
    %dma_wait3A_195 = tpu.memref_squeeze %dma_wait3A_194 : memref<1x2x4096xi32, #tpu.memory_space<vmem>> -> memref<2x4096xi32, #tpu.memory_space<vmem>>
    %dma_wait3A_196 = arith.constant 0 : i32
    %dma_wait3A_197 = arith.constant 0 : i32
    %dma_wait3A_198 = tpu.memref_slice %arg3[%add3A, %dma_wait3A_189, %dma_wait3A_196, %dma_wait3A_197] : memref<32x16x2x4096xi32, #tpu.memory_space<hbm>> -> memref<1x1x2x4096xi32, #tpu.memory_space<hbm>>
    %dma_wait3A_199 = tpu.memref_squeeze %dma_wait3A_198 : memref<1x1x2x4096xi32, #tpu.memory_space<hbm>> -> memref<2x4096xi32, #tpu.memory_space<hbm>>
    %dma_wait3A_200 = tpu.memref_slice %arg9[%dma_wait3A_191] : memref<2x!tpu.dma_semaphore, #tpu.memory_space<semaphore_mem>> -> memref<1x!tpu.dma_semaphore, #tpu.memory_space<semaphore_mem>>
    %dma_wait3A_201 = tpu.memref_squeeze %dma_wait3A_200 : memref<1x!tpu.dma_semaphore, #tpu.memory_space<semaphore_mem>> -> memref<!tpu.dma_semaphore, #tpu.memory_space<semaphore_mem>>
    %dma_wait3A_202 = arith.constant 0 : i32
    %dma_wait3A_203 = arith.constant 0 : i32
    %dma_wait3A_204 = tpu.memref_slice %arg7[%dma_wait3A_190, %dma_wait3A_202, %dma_wait3A_203] : memref<2x2x4096xi32, #tpu.memory_space<vmem>> -> memref<1x2x4096xi32, #tpu.memory_space<vmem>>
    %dma_wait3A_205 = tpu.memref_squeeze %dma_wait3A_204 : memref<1x2x4096xi32, #tpu.memory_space<vmem>> -> memref<2x4096xi32, #tpu.memory_space<vmem>>
    %dma_wait3A_206 = arith.constant 0 : i32
    %dma_wait3A_207 = arith.constant 0 : i32
    %dma_wait3A_208 = tpu.memref_slice %arg3[%add3A, %dma_wait3A_189, %dma_wait3A_206, %dma_wait3A_207] : memref<32x16x2x4096xi32, #tpu.memory_space<hbm>> -> memref<1x1x2x4096xi32, #tpu.memory_space<hbm>>
    %dma_wait3A_209 = tpu.memref_squeeze %dma_wait3A_208 : memref<1x1x2x4096xi32, #tpu.memory_space<hbm>> -> memref<2x4096xi32, #tpu.memory_space<hbm>>
    tpu.wait_dma2 semaphore(%dma_wait3A_201 : memref<!tpu.dma_semaphore, #tpu.memory_space<semaphore_mem>>) src(%dma_wait3A_209 : memref<2x4096xi32, #tpu.memory_space<hbm>>) dst(%dma_wait3A_205 : memref<2x4096xi32, #tpu.memory_space<vmem>>)
    %parallel_loop3A_210 = arith.constant 0 : i32
    %parallel_loop3A_211 = arith.constant 256 : i32
    %parallel_loop3A_212 = arith.constant 1 : i32
    %parallel_loop3A_213:2 = scf.for %parallel_loop3A_748 = %parallel_loop3A_210 to %parallel_loop3A_211 step %parallel_loop3A_212 iter_args(%parallel_loop3A_749 = %parallel_loop3A_167#0, %parallel_loop3A_750 = %parallel_loop3A_167#1) -> (vector<16xf32>, vector<16xf32>)  : i32 {
      %parallel_loop3A_751 = arith.constant 16 : i32
      %parallel_loop3A_752 = arith.muli %parallel_loop3A_748, %parallel_loop3A_751 : i32
      %parallel_loop3A_753 = tpu.assume_multiple %parallel_loop3A_752, 16 : i32
      %parallel_loop3A_754 = arith.constant 1 : i32
      %parallel_loop3A_755 = arith.constant 0 : i32
      %parallel_loop3A_756 = arith.index_cast %parallel_loop3A_754 : i32 to index
      %parallel_loop3A_757 = arith.index_cast %parallel_loop3A_755 : i32 to index
      %parallel_loop3A_758 = arith.index_cast %parallel_loop3A_753 : i32 to index
      %parallel_loop3A_759 = tpu.vector_load %arg7[%parallel_loop3A_756, %parallel_loop3A_757, %parallel_loop3A_758] {strides = array<i32>} : memref<2x2x4096xi32, #tpu.memory_space<vmem>>, vector<16xi32>,
      %parallel_loop3A_760 = arith.constant 1 : i32
      %parallel_loop3A_761 = arith.constant 1 : i32
      %parallel_loop3A_762 = arith.index_cast %parallel_loop3A_760 : i32 to index
      %parallel_loop3A_763 = arith.index_cast %parallel_loop3A_761 : i32 to index
      %parallel_loop3A_764 = arith.index_cast %parallel_loop3A_753 : i32 to index
      %parallel_loop3A_765 = tpu.vector_load %arg7[%parallel_loop3A_762, %parallel_loop3A_763, %parallel_loop3A_764] {strides = array<i32>} : memref<2x2x4096xi32, #tpu.memory_space<vmem>>, vector<16xi32>,
      %parallel_loop3A_766 = tpu.vector_load_idx %arg6[%parallel_loop3A_759] : memref<100000xf32, #tpu.memory_space<vmem>>[vector<16xi32>], vector<16xf32>,
      %parallel_loop3A_767 = tpu.vector_load_idx %arg6[%parallel_loop3A_765] : memref<100000xf32, #tpu.memory_space<vmem>>[vector<16xi32>], vector<16xf32>,
      %parallel_loop3A_768 = vector.bitcast %parallel_loop3A_766 : vector<16xf32> to vector<32xbf16>
      %parallel_loop3A_769 = tpu.unpack_subelements %parallel_loop3A_768, 0 {pack_format = #tpu.pack_format<interleaved>} : vector<32xbf16> -> vector<16xf32>
      %parallel_loop3A_770 = tpu.unpack_subelements %parallel_loop3A_768, 1 {pack_format = #tpu.pack_format<interleaved>} : vector<32xbf16> -> vector<16xf32>
      %parallel_loop3A_771 = vector.bitcast %parallel_loop3A_767 : vector<16xf32> to vector<32xbf16>
      %parallel_loop3A_772 = tpu.unpack_subelements %parallel_loop3A_771, 0 {pack_format = #tpu.pack_format<interleaved>} : vector<32xbf16> -> vector<16xf32>
      %parallel_loop3A_773 = tpu.unpack_subelements %parallel_loop3A_771, 1 {pack_format = #tpu.pack_format<interleaved>} : vector<32xbf16> -> vector<16xf32>
      %parallel_loop3A_774 = arith.subf %parallel_loop3A_769, %parallel_loop3A_772 : vector<16xf32>
      %parallel_loop3A_775 = arith.subf %parallel_loop3A_770, %parallel_loop3A_773 : vector<16xf32>
      %parallel_loop3A_776 = vector.bitcast %parallel_loop3A_775 : vector<16xf32> to vector<16xi32>
      %parallel_loop3A_777 = arith.constant -2147483648 : i32
      %parallel_loop3A_778 = vector.broadcast %parallel_loop3A_777 : i32 to vector<16xi32>
      %parallel_loop3A_779 = arith.andi %parallel_loop3A_776, %parallel_loop3A_778 : vector<16xi32>
      %parallel_loop3A_780 = vector.bitcast %parallel_loop3A_774 : vector<16xf32> to vector<16xi32>
      %parallel_loop3A_781 = arith.xori %parallel_loop3A_780, %parallel_loop3A_779 : vector<16xi32>
      %parallel_loop3A_782 = vector.bitcast %parallel_loop3A_781 : vector<16xi32> to vector<16xf32>
      %parallel_loop3A_783 = arith.constant 1.000000e+00 : f32
      %parallel_loop3A_784 = vector.broadcast %parallel_loop3A_783 : f32 to vector<16xf32>
      %parallel_loop3A_785 = arith.subf %parallel_loop3A_784, %parallel_loop3A_782 : vector<16xf32>
      %parallel_loop3A_786 = arith.constant 0.000000e+00 : f32
      %parallel_loop3A_787 = vector.broadcast %parallel_loop3A_786 : f32 to vector<16xf32>
      %parallel_loop3A_788 = arith.maximumf %parallel_loop3A_785, %parallel_loop3A_787 : vector<16xf32>
      %parallel_loop3A_789 = math.absf %parallel_loop3A_775 : vector<16xf32>
      %parallel_loop3A_790 = arith.constant 1.000000e-01 : f32
      %parallel_loop3A_791 = vector.broadcast %parallel_loop3A_790 : f32 to vector<16xf32>
      %parallel_loop3A_792 = arith.cmpf ogt, %parallel_loop3A_789, %parallel_loop3A_791 : vector<16xf32>
      %parallel_loop3A_793 = arith.constant 1.000000e+00 : f32
      %parallel_loop3A_794 = arith.constant 0.000000e+00 : f32
      %parallel_loop3A_795 = vector.broadcast %parallel_loop3A_793 : f32 to vector<16xf32>
      %parallel_loop3A_796 = vector.broadcast %parallel_loop3A_794 : f32 to vector<16xf32>
      %parallel_loop3A_797 = arith.select %parallel_loop3A_792, %parallel_loop3A_795, %parallel_loop3A_796 : vector<16xi1>, vector<16xf32>
      %parallel_loop3A_798 = arith.mulf %parallel_loop3A_788, %parallel_loop3A_797 : vector<16xf32>
      %parallel_loop3A_799 = arith.addf %parallel_loop3A_749, %parallel_loop3A_798 : vector<16xf32>
      %parallel_loop3A_800 = arith.addf %parallel_loop3A_750, %parallel_loop3A_797 : vector<16xf32>
      scf.yield %parallel_loop3A_799, %parallel_loop3A_800 : vector<16xf32>, vector<16xf32>
    } {sc.loop_unroll_factor = 4 : i64, sc.parallel_access}
    %dma_start3A_214 = arith.constant 5 : i32
    %dma_start3A_215 = arith.constant 1 : i32
    %dma_start3A_216 = arith.constant 1 : i32
    %dma_start3A_217 = arith.constant 0 : i32
    %dma_start3A_218 = arith.constant 0 : i32
    %dma_start3A_219 = tpu.memref_slice %arg7[%dma_start3A_215, %dma_start3A_217, %dma_start3A_218] : memref<2x2x4096xi32, #tpu.memory_space<vmem>> -> memref<1x2x4096xi32, #tpu.memory_space<vmem>>
    %dma_start3A_220 = tpu.memref_squeeze %dma_start3A_219 : memref<1x2x4096xi32, #tpu.memory_space<vmem>> -> memref<2x4096xi32, #tpu.memory_space<vmem>>
    %dma_start3A_221 = arith.constant 0 : i32
    %dma_start3A_222 = arith.constant 0 : i32
    %dma_start3A_223 = tpu.memref_slice %arg3[%add3A, %dma_start3A_214, %dma_start3A_221, %dma_start3A_222] : memref<32x16x2x4096xi32, #tpu.memory_space<hbm>> -> memref<1x1x2x4096xi32, #tpu.memory_space<hbm>>
    %dma_start3A_224 = tpu.memref_squeeze %dma_start3A_223 : memref<1x1x2x4096xi32, #tpu.memory_space<hbm>> -> memref<2x4096xi32, #tpu.memory_space<hbm>>
    %dma_start3A_225 = tpu.memref_slice %arg9[%dma_start3A_216] : memref<2x!tpu.dma_semaphore, #tpu.memory_space<semaphore_mem>> -> memref<1x!tpu.dma_semaphore, #tpu.memory_space<semaphore_mem>>
    %dma_start3A_226 = tpu.memref_squeeze %dma_start3A_225 : memref<1x!tpu.dma_semaphore, #tpu.memory_space<semaphore_mem>> -> memref<!tpu.dma_semaphore, #tpu.memory_space<semaphore_mem>>
    %dma_start3A_227 = arith.constant 0 : i32
    %dma_start3A_228 = arith.constant 0 : i32
    %dma_start3A_229 = tpu.memref_slice %arg7[%dma_start3A_215, %dma_start3A_227, %dma_start3A_228] : memref<2x2x4096xi32, #tpu.memory_space<vmem>> -> memref<1x2x4096xi32, #tpu.memory_space<vmem>>
    %dma_start3A_230 = tpu.memref_squeeze %dma_start3A_229 : memref<1x2x4096xi32, #tpu.memory_space<vmem>> -> memref<2x4096xi32, #tpu.memory_space<vmem>>
    %dma_start3A_231 = arith.constant 0 : i32
    %dma_start3A_232 = arith.constant 0 : i32
    %dma_start3A_233 = tpu.memref_slice %arg3[%add3A, %dma_start3A_214, %dma_start3A_231, %dma_start3A_232] : memref<32x16x2x4096xi32, #tpu.memory_space<hbm>> -> memref<1x1x2x4096xi32, #tpu.memory_space<hbm>>
    %dma_start3A_234 = tpu.memref_squeeze %dma_start3A_233 : memref<1x1x2x4096xi32, #tpu.memory_space<hbm>> -> memref<2x4096xi32, #tpu.memory_space<hbm>>
    tpu.enqueue_dma source(%dma_start3A_234 : memref<2x4096xi32, #tpu.memory_space<hbm>>) target(%dma_start3A_230 : memref<2x4096xi32, #tpu.memory_space<vmem>>) target_semaphore(%dma_start3A_226 : memref<!tpu.dma_semaphore, #tpu.memory_space<semaphore_mem>>)
    %dma_wait3A_235 = arith.constant 4 : i32
    %dma_wait3A_236 = arith.constant 0 : i32
    %dma_wait3A_237 = arith.constant 0 : i32
    %dma_wait3A_238 = arith.constant 0 : i32
    %dma_wait3A_239 = arith.constant 0 : i32
    %dma_wait3A_240 = tpu.memref_slice %arg7[%dma_wait3A_236, %dma_wait3A_238, %dma_wait3A_239] : memref<2x2x4096xi32, #tpu.memory_space<vmem>> -> memref<1x2x4096xi32, #tpu.memory_space<vmem>>
    %dma_wait3A_241 = tpu.memref_squeeze %dma_wait3A_240 : memref<1x2x4096xi32, #tpu.memory_space<vmem>> -> memref<2x4096xi32, #tpu.memory_space<vmem>>
    %dma_wait3A_242 = arith.constant 0 : i32
    %dma_wait3A_243 = arith.constant 0 : i32
    %dma_wait3A_244 = tpu.memref_slice %arg3[%add3A, %dma_wait3A_235, %dma_wait3A_242, %dma_wait3A_243] : memref<32x16x2x4096xi32, #tpu.memory_space<hbm>> -> memref<1x1x2x4096xi32, #tpu.memory_space<hbm>>
    %dma_wait3A_245 = tpu.memref_squeeze %dma_wait3A_244 : memref<1x1x2x4096xi32, #tpu.memory_space<hbm>> -> memref<2x4096xi32, #tpu.memory_space<hbm>>
    %dma_wait3A_246 = tpu.memref_slice %arg9[%dma_wait3A_237] : memref<2x!tpu.dma_semaphore, #tpu.memory_space<semaphore_mem>> -> memref<1x!tpu.dma_semaphore, #tpu.memory_space<semaphore_mem>>
    %dma_wait3A_247 = tpu.memref_squeeze %dma_wait3A_246 : memref<1x!tpu.dma_semaphore, #tpu.memory_space<semaphore_mem>> -> memref<!tpu.dma_semaphore, #tpu.memory_space<semaphore_mem>>
    %dma_wait3A_248 = arith.constant 0 : i32
    %dma_wait3A_249 = arith.constant 0 : i32
    %dma_wait3A_250 = tpu.memref_slice %arg7[%dma_wait3A_236, %dma_wait3A_248, %dma_wait3A_249] : memref<2x2x4096xi32, #tpu.memory_space<vmem>> -> memref<1x2x4096xi32, #tpu.memory_space<vmem>>
    %dma_wait3A_251 = tpu.memref_squeeze %dma_wait3A_250 : memref<1x2x4096xi32, #tpu.memory_space<vmem>> -> memref<2x4096xi32, #tpu.memory_space<vmem>>
    %dma_wait3A_252 = arith.constant 0 : i32
    %dma_wait3A_253 = arith.constant 0 : i32
    %dma_wait3A_254 = tpu.memref_slice %arg3[%add3A, %dma_wait3A_235, %dma_wait3A_252, %dma_wait3A_253] : memref<32x16x2x4096xi32, #tpu.memory_space<hbm>> -> memref<1x1x2x4096xi32, #tpu.memory_space<hbm>>
    %dma_wait3A_255 = tpu.memref_squeeze %dma_wait3A_254 : memref<1x1x2x4096xi32, #tpu.memory_space<hbm>> -> memref<2x4096xi32, #tpu.memory_space<hbm>>
    tpu.wait_dma2 semaphore(%dma_wait3A_247 : memref<!tpu.dma_semaphore, #tpu.memory_space<semaphore_mem>>) src(%dma_wait3A_255 : memref<2x4096xi32, #tpu.memory_space<hbm>>) dst(%dma_wait3A_251 : memref<2x4096xi32, #tpu.memory_space<vmem>>)
    %parallel_loop3A_256 = arith.constant 0 : i32
    %parallel_loop3A_257 = arith.constant 256 : i32
    %parallel_loop3A_258 = arith.constant 1 : i32
    %parallel_loop3A_259:2 = scf.for %parallel_loop3A_748 = %parallel_loop3A_256 to %parallel_loop3A_257 step %parallel_loop3A_258 iter_args(%parallel_loop3A_749 = %parallel_loop3A_213#0, %parallel_loop3A_750 = %parallel_loop3A_213#1) -> (vector<16xf32>, vector<16xf32>)  : i32 {
      %parallel_loop3A_751 = arith.constant 16 : i32
      %parallel_loop3A_752 = arith.muli %parallel_loop3A_748, %parallel_loop3A_751 : i32
      %parallel_loop3A_753 = tpu.assume_multiple %parallel_loop3A_752, 16 : i32
      %parallel_loop3A_754 = arith.constant 0 : i32
      %parallel_loop3A_755 = arith.constant 0 : i32
      %parallel_loop3A_756 = arith.index_cast %parallel_loop3A_754 : i32 to index
      %parallel_loop3A_757 = arith.index_cast %parallel_loop3A_755 : i32 to index
      %parallel_loop3A_758 = arith.index_cast %parallel_loop3A_753 : i32 to index
      %parallel_loop3A_759 = tpu.vector_load %arg7[%parallel_loop3A_756, %parallel_loop3A_757, %parallel_loop3A_758] {strides = array<i32>} : memref<2x2x4096xi32, #tpu.memory_space<vmem>>, vector<16xi32>,
      %parallel_loop3A_760 = arith.constant 0 : i32
      %parallel_loop3A_761 = arith.constant 1 : i32
      %parallel_loop3A_762 = arith.index_cast %parallel_loop3A_760 : i32 to index
      %parallel_loop3A_763 = arith.index_cast %parallel_loop3A_761 : i32 to index
      %parallel_loop3A_764 = arith.index_cast %parallel_loop3A_753 : i32 to index
      %parallel_loop3A_765 = tpu.vector_load %arg7[%parallel_loop3A_762, %parallel_loop3A_763, %parallel_loop3A_764] {strides = array<i32>} : memref<2x2x4096xi32, #tpu.memory_space<vmem>>, vector<16xi32>,
      %parallel_loop3A_766 = tpu.vector_load_idx %arg6[%parallel_loop3A_759] : memref<100000xf32, #tpu.memory_space<vmem>>[vector<16xi32>], vector<16xf32>,
      %parallel_loop3A_767 = tpu.vector_load_idx %arg6[%parallel_loop3A_765] : memref<100000xf32, #tpu.memory_space<vmem>>[vector<16xi32>], vector<16xf32>,
      %parallel_loop3A_768 = vector.bitcast %parallel_loop3A_766 : vector<16xf32> to vector<32xbf16>
      %parallel_loop3A_769 = tpu.unpack_subelements %parallel_loop3A_768, 0 {pack_format = #tpu.pack_format<interleaved>} : vector<32xbf16> -> vector<16xf32>
      %parallel_loop3A_770 = tpu.unpack_subelements %parallel_loop3A_768, 1 {pack_format = #tpu.pack_format<interleaved>} : vector<32xbf16> -> vector<16xf32>
      %parallel_loop3A_771 = vector.bitcast %parallel_loop3A_767 : vector<16xf32> to vector<32xbf16>
      %parallel_loop3A_772 = tpu.unpack_subelements %parallel_loop3A_771, 0 {pack_format = #tpu.pack_format<interleaved>} : vector<32xbf16> -> vector<16xf32>
      %parallel_loop3A_773 = tpu.unpack_subelements %parallel_loop3A_771, 1 {pack_format = #tpu.pack_format<interleaved>} : vector<32xbf16> -> vector<16xf32>
      %parallel_loop3A_774 = arith.subf %parallel_loop3A_769, %parallel_loop3A_772 : vector<16xf32>
      %parallel_loop3A_775 = arith.subf %parallel_loop3A_770, %parallel_loop3A_773 : vector<16xf32>
      %parallel_loop3A_776 = vector.bitcast %parallel_loop3A_775 : vector<16xf32> to vector<16xi32>
      %parallel_loop3A_777 = arith.constant -2147483648 : i32
      %parallel_loop3A_778 = vector.broadcast %parallel_loop3A_777 : i32 to vector<16xi32>
      %parallel_loop3A_779 = arith.andi %parallel_loop3A_776, %parallel_loop3A_778 : vector<16xi32>
      %parallel_loop3A_780 = vector.bitcast %parallel_loop3A_774 : vector<16xf32> to vector<16xi32>
      %parallel_loop3A_781 = arith.xori %parallel_loop3A_780, %parallel_loop3A_779 : vector<16xi32>
      %parallel_loop3A_782 = vector.bitcast %parallel_loop3A_781 : vector<16xi32> to vector<16xf32>
      %parallel_loop3A_783 = arith.constant 1.000000e+00 : f32
      %parallel_loop3A_784 = vector.broadcast %parallel_loop3A_783 : f32 to vector<16xf32>
      %parallel_loop3A_785 = arith.subf %parallel_loop3A_784, %parallel_loop3A_782 : vector<16xf32>
      %parallel_loop3A_786 = arith.constant 0.000000e+00 : f32
      %parallel_loop3A_787 = vector.broadcast %parallel_loop3A_786 : f32 to vector<16xf32>
      %parallel_loop3A_788 = arith.maximumf %parallel_loop3A_785, %parallel_loop3A_787 : vector<16xf32>
      %parallel_loop3A_789 = math.absf %parallel_loop3A_775 : vector<16xf32>
      %parallel_loop3A_790 = arith.constant 1.000000e-01 : f32
      %parallel_loop3A_791 = vector.broadcast %parallel_loop3A_790 : f32 to vector<16xf32>
      %parallel_loop3A_792 = arith.cmpf ogt, %parallel_loop3A_789, %parallel_loop3A_791 : vector<16xf32>
      %parallel_loop3A_793 = arith.constant 1.000000e+00 : f32
      %parallel_loop3A_794 = arith.constant 0.000000e+00 : f32
      %parallel_loop3A_795 = vector.broadcast %parallel_loop3A_793 : f32 to vector<16xf32>
      %parallel_loop3A_796 = vector.broadcast %parallel_loop3A_794 : f32 to vector<16xf32>
      %parallel_loop3A_797 = arith.select %parallel_loop3A_792, %parallel_loop3A_795, %parallel_loop3A_796 : vector<16xi1>, vector<16xf32>
      %parallel_loop3A_798 = arith.mulf %parallel_loop3A_788, %parallel_loop3A_797 : vector<16xf32>
      %parallel_loop3A_799 = arith.addf %parallel_loop3A_749, %parallel_loop3A_798 : vector<16xf32>
      %parallel_loop3A_800 = arith.addf %parallel_loop3A_750, %parallel_loop3A_797 : vector<16xf32>
      scf.yield %parallel_loop3A_799, %parallel_loop3A_800 : vector<16xf32>, vector<16xf32>
    } {sc.loop_unroll_factor = 4 : i64, sc.parallel_access}
    %dma_start3A_260 = arith.constant 6 : i32
    %dma_start3A_261 = arith.constant 0 : i32
    %dma_start3A_262 = arith.constant 0 : i32
    %dma_start3A_263 = arith.constant 0 : i32
    %dma_start3A_264 = arith.constant 0 : i32
    %dma_start3A_265 = tpu.memref_slice %arg7[%dma_start3A_261, %dma_start3A_263, %dma_start3A_264] : memref<2x2x4096xi32, #tpu.memory_space<vmem>> -> memref<1x2x4096xi32, #tpu.memory_space<vmem>>
    %dma_start3A_266 = tpu.memref_squeeze %dma_start3A_265 : memref<1x2x4096xi32, #tpu.memory_space<vmem>> -> memref<2x4096xi32, #tpu.memory_space<vmem>>
    %dma_start3A_267 = arith.constant 0 : i32
    %dma_start3A_268 = arith.constant 0 : i32
    %dma_start3A_269 = tpu.memref_slice %arg3[%add3A, %dma_start3A_260, %dma_start3A_267, %dma_start3A_268] : memref<32x16x2x4096xi32, #tpu.memory_space<hbm>> -> memref<1x1x2x4096xi32, #tpu.memory_space<hbm>>
    %dma_start3A_270 = tpu.memref_squeeze %dma_start3A_269 : memref<1x1x2x4096xi32, #tpu.memory_space<hbm>> -> memref<2x4096xi32, #tpu.memory_space<hbm>>
    %dma_start3A_271 = tpu.memref_slice %arg9[%dma_start3A_262] : memref<2x!tpu.dma_semaphore, #tpu.memory_space<semaphore_mem>> -> memref<1x!tpu.dma_semaphore, #tpu.memory_space<semaphore_mem>>
    %dma_start3A_272 = tpu.memref_squeeze %dma_start3A_271 : memref<1x!tpu.dma_semaphore, #tpu.memory_space<semaphore_mem>> -> memref<!tpu.dma_semaphore, #tpu.memory_space<semaphore_mem>>
    %dma_start3A_273 = arith.constant 0 : i32
    %dma_start3A_274 = arith.constant 0 : i32
    %dma_start3A_275 = tpu.memref_slice %arg7[%dma_start3A_261, %dma_start3A_273, %dma_start3A_274] : memref<2x2x4096xi32, #tpu.memory_space<vmem>> -> memref<1x2x4096xi32, #tpu.memory_space<vmem>>
    %dma_start3A_276 = tpu.memref_squeeze %dma_start3A_275 : memref<1x2x4096xi32, #tpu.memory_space<vmem>> -> memref<2x4096xi32, #tpu.memory_space<vmem>>
    %dma_start3A_277 = arith.constant 0 : i32
    %dma_start3A_278 = arith.constant 0 : i32
    %dma_start3A_279 = tpu.memref_slice %arg3[%add3A, %dma_start3A_260, %dma_start3A_277, %dma_start3A_278] : memref<32x16x2x4096xi32, #tpu.memory_space<hbm>> -> memref<1x1x2x4096xi32, #tpu.memory_space<hbm>>
    %dma_start3A_280 = tpu.memref_squeeze %dma_start3A_279 : memref<1x1x2x4096xi32, #tpu.memory_space<hbm>> -> memref<2x4096xi32, #tpu.memory_space<hbm>>
    tpu.enqueue_dma source(%dma_start3A_280 : memref<2x4096xi32, #tpu.memory_space<hbm>>) target(%dma_start3A_276 : memref<2x4096xi32, #tpu.memory_space<vmem>>) target_semaphore(%dma_start3A_272 : memref<!tpu.dma_semaphore, #tpu.memory_space<semaphore_mem>>)
    %dma_wait3A_281 = arith.constant 5 : i32
    %dma_wait3A_282 = arith.constant 1 : i32
    %dma_wait3A_283 = arith.constant 1 : i32
    %dma_wait3A_284 = arith.constant 0 : i32
    %dma_wait3A_285 = arith.constant 0 : i32
    %dma_wait3A_286 = tpu.memref_slice %arg7[%dma_wait3A_282, %dma_wait3A_284, %dma_wait3A_285] : memref<2x2x4096xi32, #tpu.memory_space<vmem>> -> memref<1x2x4096xi32, #tpu.memory_space<vmem>>
    %dma_wait3A_287 = tpu.memref_squeeze %dma_wait3A_286 : memref<1x2x4096xi32, #tpu.memory_space<vmem>> -> memref<2x4096xi32, #tpu.memory_space<vmem>>
    %dma_wait3A_288 = arith.constant 0 : i32
    %dma_wait3A_289 = arith.constant 0 : i32
    %dma_wait3A_290 = tpu.memref_slice %arg3[%add3A, %dma_wait3A_281, %dma_wait3A_288, %dma_wait3A_289] : memref<32x16x2x4096xi32, #tpu.memory_space<hbm>> -> memref<1x1x2x4096xi32, #tpu.memory_space<hbm>>
    %dma_wait3A_291 = tpu.memref_squeeze %dma_wait3A_290 : memref<1x1x2x4096xi32, #tpu.memory_space<hbm>> -> memref<2x4096xi32, #tpu.memory_space<hbm>>
    %dma_wait3A_292 = tpu.memref_slice %arg9[%dma_wait3A_283] : memref<2x!tpu.dma_semaphore, #tpu.memory_space<semaphore_mem>> -> memref<1x!tpu.dma_semaphore, #tpu.memory_space<semaphore_mem>>
    %dma_wait3A_293 = tpu.memref_squeeze %dma_wait3A_292 : memref<1x!tpu.dma_semaphore, #tpu.memory_space<semaphore_mem>> -> memref<!tpu.dma_semaphore, #tpu.memory_space<semaphore_mem>>
    %dma_wait3A_294 = arith.constant 0 : i32
    %dma_wait3A_295 = arith.constant 0 : i32
    %dma_wait3A_296 = tpu.memref_slice %arg7[%dma_wait3A_282, %dma_wait3A_294, %dma_wait3A_295] : memref<2x2x4096xi32, #tpu.memory_space<vmem>> -> memref<1x2x4096xi32, #tpu.memory_space<vmem>>
    %dma_wait3A_297 = tpu.memref_squeeze %dma_wait3A_296 : memref<1x2x4096xi32, #tpu.memory_space<vmem>> -> memref<2x4096xi32, #tpu.memory_space<vmem>>
    %dma_wait3A_298 = arith.constant 0 : i32
    %dma_wait3A_299 = arith.constant 0 : i32
    %dma_wait3A_300 = tpu.memref_slice %arg3[%add3A, %dma_wait3A_281, %dma_wait3A_298, %dma_wait3A_299] : memref<32x16x2x4096xi32, #tpu.memory_space<hbm>> -> memref<1x1x2x4096xi32, #tpu.memory_space<hbm>>
    %dma_wait3A_301 = tpu.memref_squeeze %dma_wait3A_300 : memref<1x1x2x4096xi32, #tpu.memory_space<hbm>> -> memref<2x4096xi32, #tpu.memory_space<hbm>>
    tpu.wait_dma2 semaphore(%dma_wait3A_293 : memref<!tpu.dma_semaphore, #tpu.memory_space<semaphore_mem>>) src(%dma_wait3A_301 : memref<2x4096xi32, #tpu.memory_space<hbm>>) dst(%dma_wait3A_297 : memref<2x4096xi32, #tpu.memory_space<vmem>>)
    %parallel_loop3A_302 = arith.constant 0 : i32
    %parallel_loop3A_303 = arith.constant 256 : i32
    %parallel_loop3A_304 = arith.constant 1 : i32
    %parallel_loop3A_305:2 = scf.for %parallel_loop3A_748 = %parallel_loop3A_302 to %parallel_loop3A_303 step %parallel_loop3A_304 iter_args(%parallel_loop3A_749 = %parallel_loop3A_259#0, %parallel_loop3A_750 = %parallel_loop3A_259#1) -> (vector<16xf32>, vector<16xf32>)  : i32 {
      %parallel_loop3A_751 = arith.constant 16 : i32
      %parallel_loop3A_752 = arith.muli %parallel_loop3A_748, %parallel_loop3A_751 : i32
      %parallel_loop3A_753 = tpu.assume_multiple %parallel_loop3A_752, 16 : i32
      %parallel_loop3A_754 = arith.constant 1 : i32
      %parallel_loop3A_755 = arith.constant 0 : i32
      %parallel_loop3A_756 = arith.index_cast %parallel_loop3A_754 : i32 to index
      %parallel_loop3A_757 = arith.index_cast %parallel_loop3A_755 : i32 to index
      %parallel_loop3A_758 = arith.index_cast %parallel_loop3A_753 : i32 to index
      %parallel_loop3A_759 = tpu.vector_load %arg7[%parallel_loop3A_756, %parallel_loop3A_757, %parallel_loop3A_758] {strides = array<i32>} : memref<2x2x4096xi32, #tpu.memory_space<vmem>>, vector<16xi32>,
      %parallel_loop3A_760 = arith.constant 1 : i32
      %parallel_loop3A_761 = arith.constant 1 : i32
      %parallel_loop3A_762 = arith.index_cast %parallel_loop3A_760 : i32 to index
      %parallel_loop3A_763 = arith.index_cast %parallel_loop3A_761 : i32 to index
      %parallel_loop3A_764 = arith.index_cast %parallel_loop3A_753 : i32 to index
      %parallel_loop3A_765 = tpu.vector_load %arg7[%parallel_loop3A_762, %parallel_loop3A_763, %parallel_loop3A_764] {strides = array<i32>} : memref<2x2x4096xi32, #tpu.memory_space<vmem>>, vector<16xi32>,
      %parallel_loop3A_766 = tpu.vector_load_idx %arg6[%parallel_loop3A_759] : memref<100000xf32, #tpu.memory_space<vmem>>[vector<16xi32>], vector<16xf32>,
      %parallel_loop3A_767 = tpu.vector_load_idx %arg6[%parallel_loop3A_765] : memref<100000xf32, #tpu.memory_space<vmem>>[vector<16xi32>], vector<16xf32>,
      %parallel_loop3A_768 = vector.bitcast %parallel_loop3A_766 : vector<16xf32> to vector<32xbf16>
      %parallel_loop3A_769 = tpu.unpack_subelements %parallel_loop3A_768, 0 {pack_format = #tpu.pack_format<interleaved>} : vector<32xbf16> -> vector<16xf32>
      %parallel_loop3A_770 = tpu.unpack_subelements %parallel_loop3A_768, 1 {pack_format = #tpu.pack_format<interleaved>} : vector<32xbf16> -> vector<16xf32>
      %parallel_loop3A_771 = vector.bitcast %parallel_loop3A_767 : vector<16xf32> to vector<32xbf16>
      %parallel_loop3A_772 = tpu.unpack_subelements %parallel_loop3A_771, 0 {pack_format = #tpu.pack_format<interleaved>} : vector<32xbf16> -> vector<16xf32>
      %parallel_loop3A_773 = tpu.unpack_subelements %parallel_loop3A_771, 1 {pack_format = #tpu.pack_format<interleaved>} : vector<32xbf16> -> vector<16xf32>
      %parallel_loop3A_774 = arith.subf %parallel_loop3A_769, %parallel_loop3A_772 : vector<16xf32>
      %parallel_loop3A_775 = arith.subf %parallel_loop3A_770, %parallel_loop3A_773 : vector<16xf32>
      %parallel_loop3A_776 = vector.bitcast %parallel_loop3A_775 : vector<16xf32> to vector<16xi32>
      %parallel_loop3A_777 = arith.constant -2147483648 : i32
      %parallel_loop3A_778 = vector.broadcast %parallel_loop3A_777 : i32 to vector<16xi32>
      %parallel_loop3A_779 = arith.andi %parallel_loop3A_776, %parallel_loop3A_778 : vector<16xi32>
      %parallel_loop3A_780 = vector.bitcast %parallel_loop3A_774 : vector<16xf32> to vector<16xi32>
      %parallel_loop3A_781 = arith.xori %parallel_loop3A_780, %parallel_loop3A_779 : vector<16xi32>
      %parallel_loop3A_782 = vector.bitcast %parallel_loop3A_781 : vector<16xi32> to vector<16xf32>
      %parallel_loop3A_783 = arith.constant 1.000000e+00 : f32
      %parallel_loop3A_784 = vector.broadcast %parallel_loop3A_783 : f32 to vector<16xf32>
      %parallel_loop3A_785 = arith.subf %parallel_loop3A_784, %parallel_loop3A_782 : vector<16xf32>
      %parallel_loop3A_786 = arith.constant 0.000000e+00 : f32
      %parallel_loop3A_787 = vector.broadcast %parallel_loop3A_786 : f32 to vector<16xf32>
      %parallel_loop3A_788 = arith.maximumf %parallel_loop3A_785, %parallel_loop3A_787 : vector<16xf32>
      %parallel_loop3A_789 = math.absf %parallel_loop3A_775 : vector<16xf32>
      %parallel_loop3A_790 = arith.constant 1.000000e-01 : f32
      %parallel_loop3A_791 = vector.broadcast %parallel_loop3A_790 : f32 to vector<16xf32>
      %parallel_loop3A_792 = arith.cmpf ogt, %parallel_loop3A_789, %parallel_loop3A_791 : vector<16xf32>
      %parallel_loop3A_793 = arith.constant 1.000000e+00 : f32
      %parallel_loop3A_794 = arith.constant 0.000000e+00 : f32
      %parallel_loop3A_795 = vector.broadcast %parallel_loop3A_793 : f32 to vector<16xf32>
      %parallel_loop3A_796 = vector.broadcast %parallel_loop3A_794 : f32 to vector<16xf32>
      %parallel_loop3A_797 = arith.select %parallel_loop3A_792, %parallel_loop3A_795, %parallel_loop3A_796 : vector<16xi1>, vector<16xf32>
      %parallel_loop3A_798 = arith.mulf %parallel_loop3A_788, %parallel_loop3A_797 : vector<16xf32>
      %parallel_loop3A_799 = arith.addf %parallel_loop3A_749, %parallel_loop3A_798 : vector<16xf32>
      %parallel_loop3A_800 = arith.addf %parallel_loop3A_750, %parallel_loop3A_797 : vector<16xf32>
      scf.yield %parallel_loop3A_799, %parallel_loop3A_800 : vector<16xf32>, vector<16xf32>
    } {sc.loop_unroll_factor = 4 : i64, sc.parallel_access}
    %dma_start3A_306 = arith.constant 7 : i32
    %dma_start3A_307 = arith.constant 1 : i32
    %dma_start3A_308 = arith.constant 1 : i32
    %dma_start3A_309 = arith.constant 0 : i32
    %dma_start3A_310 = arith.constant 0 : i32
    %dma_start3A_311 = tpu.memref_slice %arg7[%dma_start3A_307, %dma_start3A_309, %dma_start3A_310] : memref<2x2x4096xi32, #tpu.memory_space<vmem>> -> memref<1x2x4096xi32, #tpu.memory_space<vmem>>
    %dma_start3A_312 = tpu.memref_squeeze %dma_start3A_311 : memref<1x2x4096xi32, #tpu.memory_space<vmem>> -> memref<2x4096xi32, #tpu.memory_space<vmem>>
    %dma_start3A_313 = arith.constant 0 : i32
    %dma_start3A_314 = arith.constant 0 : i32
    %dma_start3A_315 = tpu.memref_slice %arg3[%add3A, %dma_start3A_306, %dma_start3A_313, %dma_start3A_314] : memref<32x16x2x4096xi32, #tpu.memory_space<hbm>> -> memref<1x1x2x4096xi32, #tpu.memory_space<hbm>>
    %dma_start3A_316 = tpu.memref_squeeze %dma_start3A_315 : memref<1x1x2x4096xi32, #tpu.memory_space<hbm>> -> memref<2x4096xi32, #tpu.memory_space<hbm>>
    %dma_start3A_317 = tpu.memref_slice %arg9[%dma_start3A_308] : memref<2x!tpu.dma_semaphore, #tpu.memory_space<semaphore_mem>> -> memref<1x!tpu.dma_semaphore, #tpu.memory_space<semaphore_mem>>
    %dma_start3A_318 = tpu.memref_squeeze %dma_start3A_317 : memref<1x!tpu.dma_semaphore, #tpu.memory_space<semaphore_mem>> -> memref<!tpu.dma_semaphore, #tpu.memory_space<semaphore_mem>>
    %dma_start3A_319 = arith.constant 0 : i32
    %dma_start3A_320 = arith.constant 0 : i32
    %dma_start3A_321 = tpu.memref_slice %arg7[%dma_start3A_307, %dma_start3A_319, %dma_start3A_320] : memref<2x2x4096xi32, #tpu.memory_space<vmem>> -> memref<1x2x4096xi32, #tpu.memory_space<vmem>>
    %dma_start3A_322 = tpu.memref_squeeze %dma_start3A_321 : memref<1x2x4096xi32, #tpu.memory_space<vmem>> -> memref<2x4096xi32, #tpu.memory_space<vmem>>
    %dma_start3A_323 = arith.constant 0 : i32
    %dma_start3A_324 = arith.constant 0 : i32
    %dma_start3A_325 = tpu.memref_slice %arg3[%add3A, %dma_start3A_306, %dma_start3A_323, %dma_start3A_324] : memref<32x16x2x4096xi32, #tpu.memory_space<hbm>> -> memref<1x1x2x4096xi32, #tpu.memory_space<hbm>>
    %dma_start3A_326 = tpu.memref_squeeze %dma_start3A_325 : memref<1x1x2x4096xi32, #tpu.memory_space<hbm>> -> memref<2x4096xi32, #tpu.memory_space<hbm>>
    tpu.enqueue_dma source(%dma_start3A_326 : memref<2x4096xi32, #tpu.memory_space<hbm>>) target(%dma_start3A_322 : memref<2x4096xi32, #tpu.memory_space<vmem>>) target_semaphore(%dma_start3A_318 : memref<!tpu.dma_semaphore, #tpu.memory_space<semaphore_mem>>)
    %dma_wait3A_327 = arith.constant 6 : i32
    %dma_wait3A_328 = arith.constant 0 : i32
    %dma_wait3A_329 = arith.constant 0 : i32
    %dma_wait3A_330 = arith.constant 0 : i32
    %dma_wait3A_331 = arith.constant 0 : i32
    %dma_wait3A_332 = tpu.memref_slice %arg7[%dma_wait3A_328, %dma_wait3A_330, %dma_wait3A_331] : memref<2x2x4096xi32, #tpu.memory_space<vmem>> -> memref<1x2x4096xi32, #tpu.memory_space<vmem>>
    %dma_wait3A_333 = tpu.memref_squeeze %dma_wait3A_332 : memref<1x2x4096xi32, #tpu.memory_space<vmem>> -> memref<2x4096xi32, #tpu.memory_space<vmem>>
    %dma_wait3A_334 = arith.constant 0 : i32
    %dma_wait3A_335 = arith.constant 0 : i32
    %dma_wait3A_336 = tpu.memref_slice %arg3[%add3A, %dma_wait3A_327, %dma_wait3A_334, %dma_wait3A_335] : memref<32x16x2x4096xi32, #tpu.memory_space<hbm>> -> memref<1x1x2x4096xi32, #tpu.memory_space<hbm>>
    %dma_wait3A_337 = tpu.memref_squeeze %dma_wait3A_336 : memref<1x1x2x4096xi32, #tpu.memory_space<hbm>> -> memref<2x4096xi32, #tpu.memory_space<hbm>>
    %dma_wait3A_338 = tpu.memref_slice %arg9[%dma_wait3A_329] : memref<2x!tpu.dma_semaphore, #tpu.memory_space<semaphore_mem>> -> memref<1x!tpu.dma_semaphore, #tpu.memory_space<semaphore_mem>>
    %dma_wait3A_339 = tpu.memref_squeeze %dma_wait3A_338 : memref<1x!tpu.dma_semaphore, #tpu.memory_space<semaphore_mem>> -> memref<!tpu.dma_semaphore, #tpu.memory_space<semaphore_mem>>
    %dma_wait3A_340 = arith.constant 0 : i32
    %dma_wait3A_341 = arith.constant 0 : i32
    %dma_wait3A_342 = tpu.memref_slice %arg7[%dma_wait3A_328, %dma_wait3A_340, %dma_wait3A_341] : memref<2x2x4096xi32, #tpu.memory_space<vmem>> -> memref<1x2x4096xi32, #tpu.memory_space<vmem>>
    %dma_wait3A_343 = tpu.memref_squeeze %dma_wait3A_342 : memref<1x2x4096xi32, #tpu.memory_space<vmem>> -> memref<2x4096xi32, #tpu.memory_space<vmem>>
    %dma_wait3A_344 = arith.constant 0 : i32
    %dma_wait3A_345 = arith.constant 0 : i32
    %dma_wait3A_346 = tpu.memref_slice %arg3[%add3A, %dma_wait3A_327, %dma_wait3A_344, %dma_wait3A_345] : memref<32x16x2x4096xi32, #tpu.memory_space<hbm>> -> memref<1x1x2x4096xi32, #tpu.memory_space<hbm>>
    %dma_wait3A_347 = tpu.memref_squeeze %dma_wait3A_346 : memref<1x1x2x4096xi32, #tpu.memory_space<hbm>> -> memref<2x4096xi32, #tpu.memory_space<hbm>>
    tpu.wait_dma2 semaphore(%dma_wait3A_339 : memref<!tpu.dma_semaphore, #tpu.memory_space<semaphore_mem>>) src(%dma_wait3A_347 : memref<2x4096xi32, #tpu.memory_space<hbm>>) dst(%dma_wait3A_343 : memref<2x4096xi32, #tpu.memory_space<vmem>>)
    %parallel_loop3A_348 = arith.constant 0 : i32
    %parallel_loop3A_349 = arith.constant 256 : i32
    %parallel_loop3A_350 = arith.constant 1 : i32
    %parallel_loop3A_351:2 = scf.for %parallel_loop3A_748 = %parallel_loop3A_348 to %parallel_loop3A_349 step %parallel_loop3A_350 iter_args(%parallel_loop3A_749 = %parallel_loop3A_305#0, %parallel_loop3A_750 = %parallel_loop3A_305#1) -> (vector<16xf32>, vector<16xf32>)  : i32 {
      %parallel_loop3A_751 = arith.constant 16 : i32
      %parallel_loop3A_752 = arith.muli %parallel_loop3A_748, %parallel_loop3A_751 : i32
      %parallel_loop3A_753 = tpu.assume_multiple %parallel_loop3A_752, 16 : i32
      %parallel_loop3A_754 = arith.constant 0 : i32
      %parallel_loop3A_755 = arith.constant 0 : i32
      %parallel_loop3A_756 = arith.index_cast %parallel_loop3A_754 : i32 to index
      %parallel_loop3A_757 = arith.index_cast %parallel_loop3A_755 : i32 to index
      %parallel_loop3A_758 = arith.index_cast %parallel_loop3A_753 : i32 to index
      %parallel_loop3A_759 = tpu.vector_load %arg7[%parallel_loop3A_756, %parallel_loop3A_757, %parallel_loop3A_758] {strides = array<i32>} : memref<2x2x4096xi32, #tpu.memory_space<vmem>>, vector<16xi32>,
      %parallel_loop3A_760 = arith.constant 0 : i32
      %parallel_loop3A_761 = arith.constant 1 : i32
      %parallel_loop3A_762 = arith.index_cast %parallel_loop3A_760 : i32 to index
      %parallel_loop3A_763 = arith.index_cast %parallel_loop3A_761 : i32 to index
      %parallel_loop3A_764 = arith.index_cast %parallel_loop3A_753 : i32 to index
      %parallel_loop3A_765 = tpu.vector_load %arg7[%parallel_loop3A_762, %parallel_loop3A_763, %parallel_loop3A_764] {strides = array<i32>} : memref<2x2x4096xi32, #tpu.memory_space<vmem>>, vector<16xi32>,
      %parallel_loop3A_766 = tpu.vector_load_idx %arg6[%parallel_loop3A_759] : memref<100000xf32, #tpu.memory_space<vmem>>[vector<16xi32>], vector<16xf32>,
      %parallel_loop3A_767 = tpu.vector_load_idx %arg6[%parallel_loop3A_765] : memref<100000xf32, #tpu.memory_space<vmem>>[vector<16xi32>], vector<16xf32>,
      %parallel_loop3A_768 = vector.bitcast %parallel_loop3A_766 : vector<16xf32> to vector<32xbf16>
      %parallel_loop3A_769 = tpu.unpack_subelements %parallel_loop3A_768, 0 {pack_format = #tpu.pack_format<interleaved>} : vector<32xbf16> -> vector<16xf32>
      %parallel_loop3A_770 = tpu.unpack_subelements %parallel_loop3A_768, 1 {pack_format = #tpu.pack_format<interleaved>} : vector<32xbf16> -> vector<16xf32>
      %parallel_loop3A_771 = vector.bitcast %parallel_loop3A_767 : vector<16xf32> to vector<32xbf16>
      %parallel_loop3A_772 = tpu.unpack_subelements %parallel_loop3A_771, 0 {pack_format = #tpu.pack_format<interleaved>} : vector<32xbf16> -> vector<16xf32>
      %parallel_loop3A_773 = tpu.unpack_subelements %parallel_loop3A_771, 1 {pack_format = #tpu.pack_format<interleaved>} : vector<32xbf16> -> vector<16xf32>
      %parallel_loop3A_774 = arith.subf %parallel_loop3A_769, %parallel_loop3A_772 : vector<16xf32>
      %parallel_loop3A_775 = arith.subf %parallel_loop3A_770, %parallel_loop3A_773 : vector<16xf32>
      %parallel_loop3A_776 = vector.bitcast %parallel_loop3A_775 : vector<16xf32> to vector<16xi32>
      %parallel_loop3A_777 = arith.constant -2147483648 : i32
      %parallel_loop3A_778 = vector.broadcast %parallel_loop3A_777 : i32 to vector<16xi32>
      %parallel_loop3A_779 = arith.andi %parallel_loop3A_776, %parallel_loop3A_778 : vector<16xi32>
      %parallel_loop3A_780 = vector.bitcast %parallel_loop3A_774 : vector<16xf32> to vector<16xi32>
      %parallel_loop3A_781 = arith.xori %parallel_loop3A_780, %parallel_loop3A_779 : vector<16xi32>
      %parallel_loop3A_782 = vector.bitcast %parallel_loop3A_781 : vector<16xi32> to vector<16xf32>
      %parallel_loop3A_783 = arith.constant 1.000000e+00 : f32
      %parallel_loop3A_784 = vector.broadcast %parallel_loop3A_783 : f32 to vector<16xf32>
      %parallel_loop3A_785 = arith.subf %parallel_loop3A_784, %parallel_loop3A_782 : vector<16xf32>
      %parallel_loop3A_786 = arith.constant 0.000000e+00 : f32
      %parallel_loop3A_787 = vector.broadcast %parallel_loop3A_786 : f32 to vector<16xf32>
      %parallel_loop3A_788 = arith.maximumf %parallel_loop3A_785, %parallel_loop3A_787 : vector<16xf32>
      %parallel_loop3A_789 = math.absf %parallel_loop3A_775 : vector<16xf32>
      %parallel_loop3A_790 = arith.constant 1.000000e-01 : f32
      %parallel_loop3A_791 = vector.broadcast %parallel_loop3A_790 : f32 to vector<16xf32>
      %parallel_loop3A_792 = arith.cmpf ogt, %parallel_loop3A_789, %parallel_loop3A_791 : vector<16xf32>
      %parallel_loop3A_793 = arith.constant 1.000000e+00 : f32
      %parallel_loop3A_794 = arith.constant 0.000000e+00 : f32
      %parallel_loop3A_795 = vector.broadcast %parallel_loop3A_793 : f32 to vector<16xf32>
      %parallel_loop3A_796 = vector.broadcast %parallel_loop3A_794 : f32 to vector<16xf32>
      %parallel_loop3A_797 = arith.select %parallel_loop3A_792, %parallel_loop3A_795, %parallel_loop3A_796 : vector<16xi1>, vector<16xf32>
      %parallel_loop3A_798 = arith.mulf %parallel_loop3A_788, %parallel_loop3A_797 : vector<16xf32>
      %parallel_loop3A_799 = arith.addf %parallel_loop3A_749, %parallel_loop3A_798 : vector<16xf32>
      %parallel_loop3A_800 = arith.addf %parallel_loop3A_750, %parallel_loop3A_797 : vector<16xf32>
      scf.yield %parallel_loop3A_799, %parallel_loop3A_800 : vector<16xf32>, vector<16xf32>
    } {sc.loop_unroll_factor = 4 : i64, sc.parallel_access}
    %dma_start3A_352 = arith.constant 8 : i32
    %dma_start3A_353 = arith.constant 0 : i32
    %dma_start3A_354 = arith.constant 0 : i32
    %dma_start3A_355 = arith.constant 0 : i32
    %dma_start3A_356 = arith.constant 0 : i32
    %dma_start3A_357 = tpu.memref_slice %arg7[%dma_start3A_353, %dma_start3A_355, %dma_start3A_356] : memref<2x2x4096xi32, #tpu.memory_space<vmem>> -> memref<1x2x4096xi32, #tpu.memory_space<vmem>>
    %dma_start3A_358 = tpu.memref_squeeze %dma_start3A_357 : memref<1x2x4096xi32, #tpu.memory_space<vmem>> -> memref<2x4096xi32, #tpu.memory_space<vmem>>
    %dma_start3A_359 = arith.constant 0 : i32
    %dma_start3A_360 = arith.constant 0 : i32
    %dma_start3A_361 = tpu.memref_slice %arg3[%add3A, %dma_start3A_352, %dma_start3A_359, %dma_start3A_360] : memref<32x16x2x4096xi32, #tpu.memory_space<hbm>> -> memref<1x1x2x4096xi32, #tpu.memory_space<hbm>>
    %dma_start3A_362 = tpu.memref_squeeze %dma_start3A_361 : memref<1x1x2x4096xi32, #tpu.memory_space<hbm>> -> memref<2x4096xi32, #tpu.memory_space<hbm>>
    %dma_start3A_363 = tpu.memref_slice %arg9[%dma_start3A_354] : memref<2x!tpu.dma_semaphore, #tpu.memory_space<semaphore_mem>> -> memref<1x!tpu.dma_semaphore, #tpu.memory_space<semaphore_mem>>
    %dma_start3A_364 = tpu.memref_squeeze %dma_start3A_363 : memref<1x!tpu.dma_semaphore, #tpu.memory_space<semaphore_mem>> -> memref<!tpu.dma_semaphore, #tpu.memory_space<semaphore_mem>>
    %dma_start3A_365 = arith.constant 0 : i32
    %dma_start3A_366 = arith.constant 0 : i32
    %dma_start3A_367 = tpu.memref_slice %arg7[%dma_start3A_353, %dma_start3A_365, %dma_start3A_366] : memref<2x2x4096xi32, #tpu.memory_space<vmem>> -> memref<1x2x4096xi32, #tpu.memory_space<vmem>>
    %dma_start3A_368 = tpu.memref_squeeze %dma_start3A_367 : memref<1x2x4096xi32, #tpu.memory_space<vmem>> -> memref<2x4096xi32, #tpu.memory_space<vmem>>
    %dma_start3A_369 = arith.constant 0 : i32
    %dma_start3A_370 = arith.constant 0 : i32
    %dma_start3A_371 = tpu.memref_slice %arg3[%add3A, %dma_start3A_352, %dma_start3A_369, %dma_start3A_370] : memref<32x16x2x4096xi32, #tpu.memory_space<hbm>> -> memref<1x1x2x4096xi32, #tpu.memory_space<hbm>>
    %dma_start3A_372 = tpu.memref_squeeze %dma_start3A_371 : memref<1x1x2x4096xi32, #tpu.memory_space<hbm>> -> memref<2x4096xi32, #tpu.memory_space<hbm>>
    tpu.enqueue_dma source(%dma_start3A_372 : memref<2x4096xi32, #tpu.memory_space<hbm>>) target(%dma_start3A_368 : memref<2x4096xi32, #tpu.memory_space<vmem>>) target_semaphore(%dma_start3A_364 : memref<!tpu.dma_semaphore, #tpu.memory_space<semaphore_mem>>)
    %dma_wait3A_373 = arith.constant 7 : i32
    %dma_wait3A_374 = arith.constant 1 : i32
    %dma_wait3A_375 = arith.constant 1 : i32
    %dma_wait3A_376 = arith.constant 0 : i32
    %dma_wait3A_377 = arith.constant 0 : i32
    %dma_wait3A_378 = tpu.memref_slice %arg7[%dma_wait3A_374, %dma_wait3A_376, %dma_wait3A_377] : memref<2x2x4096xi32, #tpu.memory_space<vmem>> -> memref<1x2x4096xi32, #tpu.memory_space<vmem>>
    %dma_wait3A_379 = tpu.memref_squeeze %dma_wait3A_378 : memref<1x2x4096xi32, #tpu.memory_space<vmem>> -> memref<2x4096xi32, #tpu.memory_space<vmem>>
    %dma_wait3A_380 = arith.constant 0 : i32
    %dma_wait3A_381 = arith.constant 0 : i32
    %dma_wait3A_382 = tpu.memref_slice %arg3[%add3A, %dma_wait3A_373, %dma_wait3A_380, %dma_wait3A_381] : memref<32x16x2x4096xi32, #tpu.memory_space<hbm>> -> memref<1x1x2x4096xi32, #tpu.memory_space<hbm>>
    %dma_wait3A_383 = tpu.memref_squeeze %dma_wait3A_382 : memref<1x1x2x4096xi32, #tpu.memory_space<hbm>> -> memref<2x4096xi32, #tpu.memory_space<hbm>>
    %dma_wait3A_384 = tpu.memref_slice %arg9[%dma_wait3A_375] : memref<2x!tpu.dma_semaphore, #tpu.memory_space<semaphore_mem>> -> memref<1x!tpu.dma_semaphore, #tpu.memory_space<semaphore_mem>>
    %dma_wait3A_385 = tpu.memref_squeeze %dma_wait3A_384 : memref<1x!tpu.dma_semaphore, #tpu.memory_space<semaphore_mem>> -> memref<!tpu.dma_semaphore, #tpu.memory_space<semaphore_mem>>
    %dma_wait3A_386 = arith.constant 0 : i32
    %dma_wait3A_387 = arith.constant 0 : i32
    %dma_wait3A_388 = tpu.memref_slice %arg7[%dma_wait3A_374, %dma_wait3A_386, %dma_wait3A_387] : memref<2x2x4096xi32, #tpu.memory_space<vmem>> -> memref<1x2x4096xi32, #tpu.memory_space<vmem>>
    %dma_wait3A_389 = tpu.memref_squeeze %dma_wait3A_388 : memref<1x2x4096xi32, #tpu.memory_space<vmem>> -> memref<2x4096xi32, #tpu.memory_space<vmem>>
    %dma_wait3A_390 = arith.constant 0 : i32
    %dma_wait3A_391 = arith.constant 0 : i32
    %dma_wait3A_392 = tpu.memref_slice %arg3[%add3A, %dma_wait3A_373, %dma_wait3A_390, %dma_wait3A_391] : memref<32x16x2x4096xi32, #tpu.memory_space<hbm>> -> memref<1x1x2x4096xi32, #tpu.memory_space<hbm>>
    %dma_wait3A_393 = tpu.memref_squeeze %dma_wait3A_392 : memref<1x1x2x4096xi32, #tpu.memory_space<hbm>> -> memref<2x4096xi32, #tpu.memory_space<hbm>>
    tpu.wait_dma2 semaphore(%dma_wait3A_385 : memref<!tpu.dma_semaphore, #tpu.memory_space<semaphore_mem>>) src(%dma_wait3A_393 : memref<2x4096xi32, #tpu.memory_space<hbm>>) dst(%dma_wait3A_389 : memref<2x4096xi32, #tpu.memory_space<vmem>>)
    %parallel_loop3A_394 = arith.constant 0 : i32
    %parallel_loop3A_395 = arith.constant 256 : i32
    %parallel_loop3A_396 = arith.constant 1 : i32
    %parallel_loop3A_397:2 = scf.for %parallel_loop3A_748 = %parallel_loop3A_394 to %parallel_loop3A_395 step %parallel_loop3A_396 iter_args(%parallel_loop3A_749 = %parallel_loop3A_351#0, %parallel_loop3A_750 = %parallel_loop3A_351#1) -> (vector<16xf32>, vector<16xf32>)  : i32 {
      %parallel_loop3A_751 = arith.constant 16 : i32
      %parallel_loop3A_752 = arith.muli %parallel_loop3A_748, %parallel_loop3A_751 : i32
      %parallel_loop3A_753 = tpu.assume_multiple %parallel_loop3A_752, 16 : i32
      %parallel_loop3A_754 = arith.constant 1 : i32
      %parallel_loop3A_755 = arith.constant 0 : i32
      %parallel_loop3A_756 = arith.index_cast %parallel_loop3A_754 : i32 to index
      %parallel_loop3A_757 = arith.index_cast %parallel_loop3A_755 : i32 to index
      %parallel_loop3A_758 = arith.index_cast %parallel_loop3A_753 : i32 to index
      %parallel_loop3A_759 = tpu.vector_load %arg7[%parallel_loop3A_756, %parallel_loop3A_757, %parallel_loop3A_758] {strides = array<i32>} : memref<2x2x4096xi32, #tpu.memory_space<vmem>>, vector<16xi32>,
      %parallel_loop3A_760 = arith.constant 1 : i32
      %parallel_loop3A_761 = arith.constant 1 : i32
      %parallel_loop3A_762 = arith.index_cast %parallel_loop3A_760 : i32 to index
      %parallel_loop3A_763 = arith.index_cast %parallel_loop3A_761 : i32 to index
      %parallel_loop3A_764 = arith.index_cast %parallel_loop3A_753 : i32 to index
      %parallel_loop3A_765 = tpu.vector_load %arg7[%parallel_loop3A_762, %parallel_loop3A_763, %parallel_loop3A_764] {strides = array<i32>} : memref<2x2x4096xi32, #tpu.memory_space<vmem>>, vector<16xi32>,
      %parallel_loop3A_766 = tpu.vector_load_idx %arg6[%parallel_loop3A_759] : memref<100000xf32, #tpu.memory_space<vmem>>[vector<16xi32>], vector<16xf32>,
      %parallel_loop3A_767 = tpu.vector_load_idx %arg6[%parallel_loop3A_765] : memref<100000xf32, #tpu.memory_space<vmem>>[vector<16xi32>], vector<16xf32>,
      %parallel_loop3A_768 = vector.bitcast %parallel_loop3A_766 : vector<16xf32> to vector<32xbf16>
      %parallel_loop3A_769 = tpu.unpack_subelements %parallel_loop3A_768, 0 {pack_format = #tpu.pack_format<interleaved>} : vector<32xbf16> -> vector<16xf32>
      %parallel_loop3A_770 = tpu.unpack_subelements %parallel_loop3A_768, 1 {pack_format = #tpu.pack_format<interleaved>} : vector<32xbf16> -> vector<16xf32>
      %parallel_loop3A_771 = vector.bitcast %parallel_loop3A_767 : vector<16xf32> to vector<32xbf16>
      %parallel_loop3A_772 = tpu.unpack_subelements %parallel_loop3A_771, 0 {pack_format = #tpu.pack_format<interleaved>} : vector<32xbf16> -> vector<16xf32>
      %parallel_loop3A_773 = tpu.unpack_subelements %parallel_loop3A_771, 1 {pack_format = #tpu.pack_format<interleaved>} : vector<32xbf16> -> vector<16xf32>
      %parallel_loop3A_774 = arith.subf %parallel_loop3A_769, %parallel_loop3A_772 : vector<16xf32>
      %parallel_loop3A_775 = arith.subf %parallel_loop3A_770, %parallel_loop3A_773 : vector<16xf32>
      %parallel_loop3A_776 = vector.bitcast %parallel_loop3A_775 : vector<16xf32> to vector<16xi32>
      %parallel_loop3A_777 = arith.constant -2147483648 : i32
      %parallel_loop3A_778 = vector.broadcast %parallel_loop3A_777 : i32 to vector<16xi32>
      %parallel_loop3A_779 = arith.andi %parallel_loop3A_776, %parallel_loop3A_778 : vector<16xi32>
      %parallel_loop3A_780 = vector.bitcast %parallel_loop3A_774 : vector<16xf32> to vector<16xi32>
      %parallel_loop3A_781 = arith.xori %parallel_loop3A_780, %parallel_loop3A_779 : vector<16xi32>
      %parallel_loop3A_782 = vector.bitcast %parallel_loop3A_781 : vector<16xi32> to vector<16xf32>
      %parallel_loop3A_783 = arith.constant 1.000000e+00 : f32
      %parallel_loop3A_784 = vector.broadcast %parallel_loop3A_783 : f32 to vector<16xf32>
      %parallel_loop3A_785 = arith.subf %parallel_loop3A_784, %parallel_loop3A_782 : vector<16xf32>
      %parallel_loop3A_786 = arith.constant 0.000000e+00 : f32
      %parallel_loop3A_787 = vector.broadcast %parallel_loop3A_786 : f32 to vector<16xf32>
      %parallel_loop3A_788 = arith.maximumf %parallel_loop3A_785, %parallel_loop3A_787 : vector<16xf32>
      %parallel_loop3A_789 = math.absf %parallel_loop3A_775 : vector<16xf32>
      %parallel_loop3A_790 = arith.constant 1.000000e-01 : f32
      %parallel_loop3A_791 = vector.broadcast %parallel_loop3A_790 : f32 to vector<16xf32>
      %parallel_loop3A_792 = arith.cmpf ogt, %parallel_loop3A_789, %parallel_loop3A_791 : vector<16xf32>
      %parallel_loop3A_793 = arith.constant 1.000000e+00 : f32
      %parallel_loop3A_794 = arith.constant 0.000000e+00 : f32
      %parallel_loop3A_795 = vector.broadcast %parallel_loop3A_793 : f32 to vector<16xf32>
      %parallel_loop3A_796 = vector.broadcast %parallel_loop3A_794 : f32 to vector<16xf32>
      %parallel_loop3A_797 = arith.select %parallel_loop3A_792, %parallel_loop3A_795, %parallel_loop3A_796 : vector<16xi1>, vector<16xf32>
      %parallel_loop3A_798 = arith.mulf %parallel_loop3A_788, %parallel_loop3A_797 : vector<16xf32>
      %parallel_loop3A_799 = arith.addf %parallel_loop3A_749, %parallel_loop3A_798 : vector<16xf32>
      %parallel_loop3A_800 = arith.addf %parallel_loop3A_750, %parallel_loop3A_797 : vector<16xf32>
      scf.yield %parallel_loop3A_799, %parallel_loop3A_800 : vector<16xf32>, vector<16xf32>
    } {sc.loop_unroll_factor = 4 : i64, sc.parallel_access}
    %dma_start3A_398 = arith.constant 9 : i32
    %dma_start3A_399 = arith.constant 1 : i32
    %dma_start3A_400 = arith.constant 1 : i32
    %dma_start3A_401 = arith.constant 0 : i32
    %dma_start3A_402 = arith.constant 0 : i32
    %dma_start3A_403 = tpu.memref_slice %arg7[%dma_start3A_399, %dma_start3A_401, %dma_start3A_402] : memref<2x2x4096xi32, #tpu.memory_space<vmem>> -> memref<1x2x4096xi32, #tpu.memory_space<vmem>>
    %dma_start3A_404 = tpu.memref_squeeze %dma_start3A_403 : memref<1x2x4096xi32, #tpu.memory_space<vmem>> -> memref<2x4096xi32, #tpu.memory_space<vmem>>
    %dma_start3A_405 = arith.constant 0 : i32
    %dma_start3A_406 = arith.constant 0 : i32
    %dma_start3A_407 = tpu.memref_slice %arg3[%add3A, %dma_start3A_398, %dma_start3A_405, %dma_start3A_406] : memref<32x16x2x4096xi32, #tpu.memory_space<hbm>> -> memref<1x1x2x4096xi32, #tpu.memory_space<hbm>>
    %dma_start3A_408 = tpu.memref_squeeze %dma_start3A_407 : memref<1x1x2x4096xi32, #tpu.memory_space<hbm>> -> memref<2x4096xi32, #tpu.memory_space<hbm>>
    %dma_start3A_409 = tpu.memref_slice %arg9[%dma_start3A_400] : memref<2x!tpu.dma_semaphore, #tpu.memory_space<semaphore_mem>> -> memref<1x!tpu.dma_semaphore, #tpu.memory_space<semaphore_mem>>
    %dma_start3A_410 = tpu.memref_squeeze %dma_start3A_409 : memref<1x!tpu.dma_semaphore, #tpu.memory_space<semaphore_mem>> -> memref<!tpu.dma_semaphore, #tpu.memory_space<semaphore_mem>>
    %dma_start3A_411 = arith.constant 0 : i32
    %dma_start3A_412 = arith.constant 0 : i32
    %dma_start3A_413 = tpu.memref_slice %arg7[%dma_start3A_399, %dma_start3A_411, %dma_start3A_412] : memref<2x2x4096xi32, #tpu.memory_space<vmem>> -> memref<1x2x4096xi32, #tpu.memory_space<vmem>>
    %dma_start3A_414 = tpu.memref_squeeze %dma_start3A_413 : memref<1x2x4096xi32, #tpu.memory_space<vmem>> -> memref<2x4096xi32, #tpu.memory_space<vmem>>
    %dma_start3A_415 = arith.constant 0 : i32
    %dma_start3A_416 = arith.constant 0 : i32
    %dma_start3A_417 = tpu.memref_slice %arg3[%add3A, %dma_start3A_398, %dma_start3A_415, %dma_start3A_416] : memref<32x16x2x4096xi32, #tpu.memory_space<hbm>> -> memref<1x1x2x4096xi32, #tpu.memory_space<hbm>>
    %dma_start3A_418 = tpu.memref_squeeze %dma_start3A_417 : memref<1x1x2x4096xi32, #tpu.memory_space<hbm>> -> memref<2x4096xi32, #tpu.memory_space<hbm>>
    tpu.enqueue_dma source(%dma_start3A_418 : memref<2x4096xi32, #tpu.memory_space<hbm>>) target(%dma_start3A_414 : memref<2x4096xi32, #tpu.memory_space<vmem>>) target_semaphore(%dma_start3A_410 : memref<!tpu.dma_semaphore, #tpu.memory_space<semaphore_mem>>)
    %dma_wait3A_419 = arith.constant 8 : i32
    %dma_wait3A_420 = arith.constant 0 : i32
    %dma_wait3A_421 = arith.constant 0 : i32
    %dma_wait3A_422 = arith.constant 0 : i32
    %dma_wait3A_423 = arith.constant 0 : i32
    %dma_wait3A_424 = tpu.memref_slice %arg7[%dma_wait3A_420, %dma_wait3A_422, %dma_wait3A_423] : memref<2x2x4096xi32, #tpu.memory_space<vmem>> -> memref<1x2x4096xi32, #tpu.memory_space<vmem>>
    %dma_wait3A_425 = tpu.memref_squeeze %dma_wait3A_424 : memref<1x2x4096xi32, #tpu.memory_space<vmem>> -> memref<2x4096xi32, #tpu.memory_space<vmem>>
    %dma_wait3A_426 = arith.constant 0 : i32
    %dma_wait3A_427 = arith.constant 0 : i32
    %dma_wait3A_428 = tpu.memref_slice %arg3[%add3A, %dma_wait3A_419, %dma_wait3A_426, %dma_wait3A_427] : memref<32x16x2x4096xi32, #tpu.memory_space<hbm>> -> memref<1x1x2x4096xi32, #tpu.memory_space<hbm>>
    %dma_wait3A_429 = tpu.memref_squeeze %dma_wait3A_428 : memref<1x1x2x4096xi32, #tpu.memory_space<hbm>> -> memref<2x4096xi32, #tpu.memory_space<hbm>>
    %dma_wait3A_430 = tpu.memref_slice %arg9[%dma_wait3A_421] : memref<2x!tpu.dma_semaphore, #tpu.memory_space<semaphore_mem>> -> memref<1x!tpu.dma_semaphore, #tpu.memory_space<semaphore_mem>>
    %dma_wait3A_431 = tpu.memref_squeeze %dma_wait3A_430 : memref<1x!tpu.dma_semaphore, #tpu.memory_space<semaphore_mem>> -> memref<!tpu.dma_semaphore, #tpu.memory_space<semaphore_mem>>
    %dma_wait3A_432 = arith.constant 0 : i32
    %dma_wait3A_433 = arith.constant 0 : i32
    %dma_wait3A_434 = tpu.memref_slice %arg7[%dma_wait3A_420, %dma_wait3A_432, %dma_wait3A_433] : memref<2x2x4096xi32, #tpu.memory_space<vmem>> -> memref<1x2x4096xi32, #tpu.memory_space<vmem>>
    %dma_wait3A_435 = tpu.memref_squeeze %dma_wait3A_434 : memref<1x2x4096xi32, #tpu.memory_space<vmem>> -> memref<2x4096xi32, #tpu.memory_space<vmem>>
    %dma_wait3A_436 = arith.constant 0 : i32
    %dma_wait3A_437 = arith.constant 0 : i32
    %dma_wait3A_438 = tpu.memref_slice %arg3[%add3A, %dma_wait3A_419, %dma_wait3A_436, %dma_wait3A_437] : memref<32x16x2x4096xi32, #tpu.memory_space<hbm>> -> memref<1x1x2x4096xi32, #tpu.memory_space<hbm>>
    %dma_wait3A_439 = tpu.memref_squeeze %dma_wait3A_438 : memref<1x1x2x4096xi32, #tpu.memory_space<hbm>> -> memref<2x4096xi32, #tpu.memory_space<hbm>>
    tpu.wait_dma2 semaphore(%dma_wait3A_431 : memref<!tpu.dma_semaphore, #tpu.memory_space<semaphore_mem>>) src(%dma_wait3A_439 : memref<2x4096xi32, #tpu.memory_space<hbm>>) dst(%dma_wait3A_435 : memref<2x4096xi32, #tpu.memory_space<vmem>>)
    %parallel_loop3A_440 = arith.constant 0 : i32
    %parallel_loop3A_441 = arith.constant 256 : i32
    %parallel_loop3A_442 = arith.constant 1 : i32
    %parallel_loop3A_443:2 = scf.for %parallel_loop3A_748 = %parallel_loop3A_440 to %parallel_loop3A_441 step %parallel_loop3A_442 iter_args(%parallel_loop3A_749 = %parallel_loop3A_397#0, %parallel_loop3A_750 = %parallel_loop3A_397#1) -> (vector<16xf32>, vector<16xf32>)  : i32 {
      %parallel_loop3A_751 = arith.constant 16 : i32
      %parallel_loop3A_752 = arith.muli %parallel_loop3A_748, %parallel_loop3A_751 : i32
      %parallel_loop3A_753 = tpu.assume_multiple %parallel_loop3A_752, 16 : i32
      %parallel_loop3A_754 = arith.constant 0 : i32
      %parallel_loop3A_755 = arith.constant 0 : i32
      %parallel_loop3A_756 = arith.index_cast %parallel_loop3A_754 : i32 to index
      %parallel_loop3A_757 = arith.index_cast %parallel_loop3A_755 : i32 to index
      %parallel_loop3A_758 = arith.index_cast %parallel_loop3A_753 : i32 to index
      %parallel_loop3A_759 = tpu.vector_load %arg7[%parallel_loop3A_756, %parallel_loop3A_757, %parallel_loop3A_758] {strides = array<i32>} : memref<2x2x4096xi32, #tpu.memory_space<vmem>>, vector<16xi32>,
      %parallel_loop3A_760 = arith.constant 0 : i32
      %parallel_loop3A_761 = arith.constant 1 : i32
      %parallel_loop3A_762 = arith.index_cast %parallel_loop3A_760 : i32 to index
      %parallel_loop3A_763 = arith.index_cast %parallel_loop3A_761 : i32 to index
      %parallel_loop3A_764 = arith.index_cast %parallel_loop3A_753 : i32 to index
      %parallel_loop3A_765 = tpu.vector_load %arg7[%parallel_loop3A_762, %parallel_loop3A_763, %parallel_loop3A_764] {strides = array<i32>} : memref<2x2x4096xi32, #tpu.memory_space<vmem>>, vector<16xi32>,
      %parallel_loop3A_766 = tpu.vector_load_idx %arg6[%parallel_loop3A_759] : memref<100000xf32, #tpu.memory_space<vmem>>[vector<16xi32>], vector<16xf32>,
      %parallel_loop3A_767 = tpu.vector_load_idx %arg6[%parallel_loop3A_765] : memref<100000xf32, #tpu.memory_space<vmem>>[vector<16xi32>], vector<16xf32>,
      %parallel_loop3A_768 = vector.bitcast %parallel_loop3A_766 : vector<16xf32> to vector<32xbf16>
      %parallel_loop3A_769 = tpu.unpack_subelements %parallel_loop3A_768, 0 {pack_format = #tpu.pack_format<interleaved>} : vector<32xbf16> -> vector<16xf32>
      %parallel_loop3A_770 = tpu.unpack_subelements %parallel_loop3A_768, 1 {pack_format = #tpu.pack_format<interleaved>} : vector<32xbf16> -> vector<16xf32>
      %parallel_loop3A_771 = vector.bitcast %parallel_loop3A_767 : vector<16xf32> to vector<32xbf16>
      %parallel_loop3A_772 = tpu.unpack_subelements %parallel_loop3A_771, 0 {pack_format = #tpu.pack_format<interleaved>} : vector<32xbf16> -> vector<16xf32>
      %parallel_loop3A_773 = tpu.unpack_subelements %parallel_loop3A_771, 1 {pack_format = #tpu.pack_format<interleaved>} : vector<32xbf16> -> vector<16xf32>
      %parallel_loop3A_774 = arith.subf %parallel_loop3A_769, %parallel_loop3A_772 : vector<16xf32>
      %parallel_loop3A_775 = arith.subf %parallel_loop3A_770, %parallel_loop3A_773 : vector<16xf32>
      %parallel_loop3A_776 = vector.bitcast %parallel_loop3A_775 : vector<16xf32> to vector<16xi32>
      %parallel_loop3A_777 = arith.constant -2147483648 : i32
      %parallel_loop3A_778 = vector.broadcast %parallel_loop3A_777 : i32 to vector<16xi32>
      %parallel_loop3A_779 = arith.andi %parallel_loop3A_776, %parallel_loop3A_778 : vector<16xi32>
      %parallel_loop3A_780 = vector.bitcast %parallel_loop3A_774 : vector<16xf32> to vector<16xi32>
      %parallel_loop3A_781 = arith.xori %parallel_loop3A_780, %parallel_loop3A_779 : vector<16xi32>
      %parallel_loop3A_782 = vector.bitcast %parallel_loop3A_781 : vector<16xi32> to vector<16xf32>
      %parallel_loop3A_783 = arith.constant 1.000000e+00 : f32
      %parallel_loop3A_784 = vector.broadcast %parallel_loop3A_783 : f32 to vector<16xf32>
      %parallel_loop3A_785 = arith.subf %parallel_loop3A_784, %parallel_loop3A_782 : vector<16xf32>
      %parallel_loop3A_786 = arith.constant 0.000000e+00 : f32
      %parallel_loop3A_787 = vector.broadcast %parallel_loop3A_786 : f32 to vector<16xf32>
      %parallel_loop3A_788 = arith.maximumf %parallel_loop3A_785, %parallel_loop3A_787 : vector<16xf32>
      %parallel_loop3A_789 = math.absf %parallel_loop3A_775 : vector<16xf32>
      %parallel_loop3A_790 = arith.constant 1.000000e-01 : f32
      %parallel_loop3A_791 = vector.broadcast %parallel_loop3A_790 : f32 to vector<16xf32>
      %parallel_loop3A_792 = arith.cmpf ogt, %parallel_loop3A_789, %parallel_loop3A_791 : vector<16xf32>
      %parallel_loop3A_793 = arith.constant 1.000000e+00 : f32
      %parallel_loop3A_794 = arith.constant 0.000000e+00 : f32
      %parallel_loop3A_795 = vector.broadcast %parallel_loop3A_793 : f32 to vector<16xf32>
      %parallel_loop3A_796 = vector.broadcast %parallel_loop3A_794 : f32 to vector<16xf32>
      %parallel_loop3A_797 = arith.select %parallel_loop3A_792, %parallel_loop3A_795, %parallel_loop3A_796 : vector<16xi1>, vector<16xf32>
      %parallel_loop3A_798 = arith.mulf %parallel_loop3A_788, %parallel_loop3A_797 : vector<16xf32>
      %parallel_loop3A_799 = arith.addf %parallel_loop3A_749, %parallel_loop3A_798 : vector<16xf32>
      %parallel_loop3A_800 = arith.addf %parallel_loop3A_750, %parallel_loop3A_797 : vector<16xf32>
      scf.yield %parallel_loop3A_799, %parallel_loop3A_800 : vector<16xf32>, vector<16xf32>
    } {sc.loop_unroll_factor = 4 : i64, sc.parallel_access}
    %dma_start3A_444 = arith.constant 10 : i32
    %dma_start3A_445 = arith.constant 0 : i32
    %dma_start3A_446 = arith.constant 0 : i32
    %dma_start3A_447 = arith.constant 0 : i32
    %dma_start3A_448 = arith.constant 0 : i32
    %dma_start3A_449 = tpu.memref_slice %arg7[%dma_start3A_445, %dma_start3A_447, %dma_start3A_448] : memref<2x2x4096xi32, #tpu.memory_space<vmem>> -> memref<1x2x4096xi32, #tpu.memory_space<vmem>>
    %dma_start3A_450 = tpu.memref_squeeze %dma_start3A_449 : memref<1x2x4096xi32, #tpu.memory_space<vmem>> -> memref<2x4096xi32, #tpu.memory_space<vmem>>
    %dma_start3A_451 = arith.constant 0 : i32
    %dma_start3A_452 = arith.constant 0 : i32
    %dma_start3A_453 = tpu.memref_slice %arg3[%add3A, %dma_start3A_444, %dma_start3A_451, %dma_start3A_452] : memref<32x16x2x4096xi32, #tpu.memory_space<hbm>> -> memref<1x1x2x4096xi32, #tpu.memory_space<hbm>>
    %dma_start3A_454 = tpu.memref_squeeze %dma_start3A_453 : memref<1x1x2x4096xi32, #tpu.memory_space<hbm>> -> memref<2x4096xi32, #tpu.memory_space<hbm>>
    %dma_start3A_455 = tpu.memref_slice %arg9[%dma_start3A_446] : memref<2x!tpu.dma_semaphore, #tpu.memory_space<semaphore_mem>> -> memref<1x!tpu.dma_semaphore, #tpu.memory_space<semaphore_mem>>
    %dma_start3A_456 = tpu.memref_squeeze %dma_start3A_455 : memref<1x!tpu.dma_semaphore, #tpu.memory_space<semaphore_mem>> -> memref<!tpu.dma_semaphore, #tpu.memory_space<semaphore_mem>>
    %dma_start3A_457 = arith.constant 0 : i32
    %dma_start3A_458 = arith.constant 0 : i32
    %dma_start3A_459 = tpu.memref_slice %arg7[%dma_start3A_445, %dma_start3A_457, %dma_start3A_458] : memref<2x2x4096xi32, #tpu.memory_space<vmem>> -> memref<1x2x4096xi32, #tpu.memory_space<vmem>>
    %dma_start3A_460 = tpu.memref_squeeze %dma_start3A_459 : memref<1x2x4096xi32, #tpu.memory_space<vmem>> -> memref<2x4096xi32, #tpu.memory_space<vmem>>
    %dma_start3A_461 = arith.constant 0 : i32
    %dma_start3A_462 = arith.constant 0 : i32
    %dma_start3A_463 = tpu.memref_slice %arg3[%add3A, %dma_start3A_444, %dma_start3A_461, %dma_start3A_462] : memref<32x16x2x4096xi32, #tpu.memory_space<hbm>> -> memref<1x1x2x4096xi32, #tpu.memory_space<hbm>>
    %dma_start3A_464 = tpu.memref_squeeze %dma_start3A_463 : memref<1x1x2x4096xi32, #tpu.memory_space<hbm>> -> memref<2x4096xi32, #tpu.memory_space<hbm>>
    tpu.enqueue_dma source(%dma_start3A_464 : memref<2x4096xi32, #tpu.memory_space<hbm>>) target(%dma_start3A_460 : memref<2x4096xi32, #tpu.memory_space<vmem>>) target_semaphore(%dma_start3A_456 : memref<!tpu.dma_semaphore, #tpu.memory_space<semaphore_mem>>)
    %dma_wait3A_465 = arith.constant 9 : i32
    %dma_wait3A_466 = arith.constant 1 : i32
    %dma_wait3A_467 = arith.constant 1 : i32
    %dma_wait3A_468 = arith.constant 0 : i32
    %dma_wait3A_469 = arith.constant 0 : i32
    %dma_wait3A_470 = tpu.memref_slice %arg7[%dma_wait3A_466, %dma_wait3A_468, %dma_wait3A_469] : memref<2x2x4096xi32, #tpu.memory_space<vmem>> -> memref<1x2x4096xi32, #tpu.memory_space<vmem>>
    %dma_wait3A_471 = tpu.memref_squeeze %dma_wait3A_470 : memref<1x2x4096xi32, #tpu.memory_space<vmem>> -> memref<2x4096xi32, #tpu.memory_space<vmem>>
    %dma_wait3A_472 = arith.constant 0 : i32
    %dma_wait3A_473 = arith.constant 0 : i32
    %dma_wait3A_474 = tpu.memref_slice %arg3[%add3A, %dma_wait3A_465, %dma_wait3A_472, %dma_wait3A_473] : memref<32x16x2x4096xi32, #tpu.memory_space<hbm>> -> memref<1x1x2x4096xi32, #tpu.memory_space<hbm>>
    %dma_wait3A_475 = tpu.memref_squeeze %dma_wait3A_474 : memref<1x1x2x4096xi32, #tpu.memory_space<hbm>> -> memref<2x4096xi32, #tpu.memory_space<hbm>>
    %dma_wait3A_476 = tpu.memref_slice %arg9[%dma_wait3A_467] : memref<2x!tpu.dma_semaphore, #tpu.memory_space<semaphore_mem>> -> memref<1x!tpu.dma_semaphore, #tpu.memory_space<semaphore_mem>>
    %dma_wait3A_477 = tpu.memref_squeeze %dma_wait3A_476 : memref<1x!tpu.dma_semaphore, #tpu.memory_space<semaphore_mem>> -> memref<!tpu.dma_semaphore, #tpu.memory_space<semaphore_mem>>
    %dma_wait3A_478 = arith.constant 0 : i32
    %dma_wait3A_479 = arith.constant 0 : i32
    %dma_wait3A_480 = tpu.memref_slice %arg7[%dma_wait3A_466, %dma_wait3A_478, %dma_wait3A_479] : memref<2x2x4096xi32, #tpu.memory_space<vmem>> -> memref<1x2x4096xi32, #tpu.memory_space<vmem>>
    %dma_wait3A_481 = tpu.memref_squeeze %dma_wait3A_480 : memref<1x2x4096xi32, #tpu.memory_space<vmem>> -> memref<2x4096xi32, #tpu.memory_space<vmem>>
    %dma_wait3A_482 = arith.constant 0 : i32
    %dma_wait3A_483 = arith.constant 0 : i32
    %dma_wait3A_484 = tpu.memref_slice %arg3[%add3A, %dma_wait3A_465, %dma_wait3A_482, %dma_wait3A_483] : memref<32x16x2x4096xi32, #tpu.memory_space<hbm>> -> memref<1x1x2x4096xi32, #tpu.memory_space<hbm>>
    %dma_wait3A_485 = tpu.memref_squeeze %dma_wait3A_484 : memref<1x1x2x4096xi32, #tpu.memory_space<hbm>> -> memref<2x4096xi32, #tpu.memory_space<hbm>>
    tpu.wait_dma2 semaphore(%dma_wait3A_477 : memref<!tpu.dma_semaphore, #tpu.memory_space<semaphore_mem>>) src(%dma_wait3A_485 : memref<2x4096xi32, #tpu.memory_space<hbm>>) dst(%dma_wait3A_481 : memref<2x4096xi32, #tpu.memory_space<vmem>>)
    %parallel_loop3A_486 = arith.constant 0 : i32
    %parallel_loop3A_487 = arith.constant 256 : i32
    %parallel_loop3A_488 = arith.constant 1 : i32
    %parallel_loop3A_489:2 = scf.for %parallel_loop3A_748 = %parallel_loop3A_486 to %parallel_loop3A_487 step %parallel_loop3A_488 iter_args(%parallel_loop3A_749 = %parallel_loop3A_443#0, %parallel_loop3A_750 = %parallel_loop3A_443#1) -> (vector<16xf32>, vector<16xf32>)  : i32 {
      %parallel_loop3A_751 = arith.constant 16 : i32
      %parallel_loop3A_752 = arith.muli %parallel_loop3A_748, %parallel_loop3A_751 : i32
      %parallel_loop3A_753 = tpu.assume_multiple %parallel_loop3A_752, 16 : i32
      %parallel_loop3A_754 = arith.constant 1 : i32
      %parallel_loop3A_755 = arith.constant 0 : i32
      %parallel_loop3A_756 = arith.index_cast %parallel_loop3A_754 : i32 to index
      %parallel_loop3A_757 = arith.index_cast %parallel_loop3A_755 : i32 to index
      %parallel_loop3A_758 = arith.index_cast %parallel_loop3A_753 : i32 to index
      %parallel_loop3A_759 = tpu.vector_load %arg7[%parallel_loop3A_756, %parallel_loop3A_757, %parallel_loop3A_758] {strides = array<i32>} : memref<2x2x4096xi32, #tpu.memory_space<vmem>>, vector<16xi32>,
      %parallel_loop3A_760 = arith.constant 1 : i32
      %parallel_loop3A_761 = arith.constant 1 : i32
      %parallel_loop3A_762 = arith.index_cast %parallel_loop3A_760 : i32 to index
      %parallel_loop3A_763 = arith.index_cast %parallel_loop3A_761 : i32 to index
      %parallel_loop3A_764 = arith.index_cast %parallel_loop3A_753 : i32 to index
      %parallel_loop3A_765 = tpu.vector_load %arg7[%parallel_loop3A_762, %parallel_loop3A_763, %parallel_loop3A_764] {strides = array<i32>} : memref<2x2x4096xi32, #tpu.memory_space<vmem>>, vector<16xi32>,
      %parallel_loop3A_766 = tpu.vector_load_idx %arg6[%parallel_loop3A_759] : memref<100000xf32, #tpu.memory_space<vmem>>[vector<16xi32>], vector<16xf32>,
      %parallel_loop3A_767 = tpu.vector_load_idx %arg6[%parallel_loop3A_765] : memref<100000xf32, #tpu.memory_space<vmem>>[vector<16xi32>], vector<16xf32>,
      %parallel_loop3A_768 = vector.bitcast %parallel_loop3A_766 : vector<16xf32> to vector<32xbf16>
      %parallel_loop3A_769 = tpu.unpack_subelements %parallel_loop3A_768, 0 {pack_format = #tpu.pack_format<interleaved>} : vector<32xbf16> -> vector<16xf32>
      %parallel_loop3A_770 = tpu.unpack_subelements %parallel_loop3A_768, 1 {pack_format = #tpu.pack_format<interleaved>} : vector<32xbf16> -> vector<16xf32>
      %parallel_loop3A_771 = vector.bitcast %parallel_loop3A_767 : vector<16xf32> to vector<32xbf16>
      %parallel_loop3A_772 = tpu.unpack_subelements %parallel_loop3A_771, 0 {pack_format = #tpu.pack_format<interleaved>} : vector<32xbf16> -> vector<16xf32>
      %parallel_loop3A_773 = tpu.unpack_subelements %parallel_loop3A_771, 1 {pack_format = #tpu.pack_format<interleaved>} : vector<32xbf16> -> vector<16xf32>
      %parallel_loop3A_774 = arith.subf %parallel_loop3A_769, %parallel_loop3A_772 : vector<16xf32>
      %parallel_loop3A_775 = arith.subf %parallel_loop3A_770, %parallel_loop3A_773 : vector<16xf32>
      %parallel_loop3A_776 = vector.bitcast %parallel_loop3A_775 : vector<16xf32> to vector<16xi32>
      %parallel_loop3A_777 = arith.constant -2147483648 : i32
      %parallel_loop3A_778 = vector.broadcast %parallel_loop3A_777 : i32 to vector<16xi32>
      %parallel_loop3A_779 = arith.andi %parallel_loop3A_776, %parallel_loop3A_778 : vector<16xi32>
      %parallel_loop3A_780 = vector.bitcast %parallel_loop3A_774 : vector<16xf32> to vector<16xi32>
      %parallel_loop3A_781 = arith.xori %parallel_loop3A_780, %parallel_loop3A_779 : vector<16xi32>
      %parallel_loop3A_782 = vector.bitcast %parallel_loop3A_781 : vector<16xi32> to vector<16xf32>
      %parallel_loop3A_783 = arith.constant 1.000000e+00 : f32
      %parallel_loop3A_784 = vector.broadcast %parallel_loop3A_783 : f32 to vector<16xf32>
      %parallel_loop3A_785 = arith.subf %parallel_loop3A_784, %parallel_loop3A_782 : vector<16xf32>
      %parallel_loop3A_786 = arith.constant 0.000000e+00 : f32
      %parallel_loop3A_787 = vector.broadcast %parallel_loop3A_786 : f32 to vector<16xf32>
      %parallel_loop3A_788 = arith.maximumf %parallel_loop3A_785, %parallel_loop3A_787 : vector<16xf32>
      %parallel_loop3A_789 = math.absf %parallel_loop3A_775 : vector<16xf32>
      %parallel_loop3A_790 = arith.constant 1.000000e-01 : f32
      %parallel_loop3A_791 = vector.broadcast %parallel_loop3A_790 : f32 to vector<16xf32>
      %parallel_loop3A_792 = arith.cmpf ogt, %parallel_loop3A_789, %parallel_loop3A_791 : vector<16xf32>
      %parallel_loop3A_793 = arith.constant 1.000000e+00 : f32
      %parallel_loop3A_794 = arith.constant 0.000000e+00 : f32
      %parallel_loop3A_795 = vector.broadcast %parallel_loop3A_793 : f32 to vector<16xf32>
      %parallel_loop3A_796 = vector.broadcast %parallel_loop3A_794 : f32 to vector<16xf32>
      %parallel_loop3A_797 = arith.select %parallel_loop3A_792, %parallel_loop3A_795, %parallel_loop3A_796 : vector<16xi1>, vector<16xf32>
      %parallel_loop3A_798 = arith.mulf %parallel_loop3A_788, %parallel_loop3A_797 : vector<16xf32>
      %parallel_loop3A_799 = arith.addf %parallel_loop3A_749, %parallel_loop3A_798 : vector<16xf32>
      %parallel_loop3A_800 = arith.addf %parallel_loop3A_750, %parallel_loop3A_797 : vector<16xf32>
      scf.yield %parallel_loop3A_799, %parallel_loop3A_800 : vector<16xf32>, vector<16xf32>
    } {sc.loop_unroll_factor = 4 : i64, sc.parallel_access}
    %dma_start3A_490 = arith.constant 11 : i32
    %dma_start3A_491 = arith.constant 1 : i32
    %dma_start3A_492 = arith.constant 1 : i32
    %dma_start3A_493 = arith.constant 0 : i32
    %dma_start3A_494 = arith.constant 0 : i32
    %dma_start3A_495 = tpu.memref_slice %arg7[%dma_start3A_491, %dma_start3A_493, %dma_start3A_494] : memref<2x2x4096xi32, #tpu.memory_space<vmem>> -> memref<1x2x4096xi32, #tpu.memory_space<vmem>>
    %dma_start3A_496 = tpu.memref_squeeze %dma_start3A_495 : memref<1x2x4096xi32, #tpu.memory_space<vmem>> -> memref<2x4096xi32, #tpu.memory_space<vmem>>
    %dma_start3A_497 = arith.constant 0 : i32
    %dma_start3A_498 = arith.constant 0 : i32
    %dma_start3A_499 = tpu.memref_slice %arg3[%add3A, %dma_start3A_490, %dma_start3A_497, %dma_start3A_498] : memref<32x16x2x4096xi32, #tpu.memory_space<hbm>> -> memref<1x1x2x4096xi32, #tpu.memory_space<hbm>>
    %dma_start3A_500 = tpu.memref_squeeze %dma_start3A_499 : memref<1x1x2x4096xi32, #tpu.memory_space<hbm>> -> memref<2x4096xi32, #tpu.memory_space<hbm>>
    %dma_start3A_501 = tpu.memref_slice %arg9[%dma_start3A_492] : memref<2x!tpu.dma_semaphore, #tpu.memory_space<semaphore_mem>> -> memref<1x!tpu.dma_semaphore, #tpu.memory_space<semaphore_mem>>
    %dma_start3A_502 = tpu.memref_squeeze %dma_start3A_501 : memref<1x!tpu.dma_semaphore, #tpu.memory_space<semaphore_mem>> -> memref<!tpu.dma_semaphore, #tpu.memory_space<semaphore_mem>>
    %dma_start3A_503 = arith.constant 0 : i32
    %dma_start3A_504 = arith.constant 0 : i32
    %dma_start3A_505 = tpu.memref_slice %arg7[%dma_start3A_491, %dma_start3A_503, %dma_start3A_504] : memref<2x2x4096xi32, #tpu.memory_space<vmem>> -> memref<1x2x4096xi32, #tpu.memory_space<vmem>>
    %dma_start3A_506 = tpu.memref_squeeze %dma_start3A_505 : memref<1x2x4096xi32, #tpu.memory_space<vmem>> -> memref<2x4096xi32, #tpu.memory_space<vmem>>
    %dma_start3A_507 = arith.constant 0 : i32
    %dma_start3A_508 = arith.constant 0 : i32
    %dma_start3A_509 = tpu.memref_slice %arg3[%add3A, %dma_start3A_490, %dma_start3A_507, %dma_start3A_508] : memref<32x16x2x4096xi32, #tpu.memory_space<hbm>> -> memref<1x1x2x4096xi32, #tpu.memory_space<hbm>>
    %dma_start3A_510 = tpu.memref_squeeze %dma_start3A_509 : memref<1x1x2x4096xi32, #tpu.memory_space<hbm>> -> memref<2x4096xi32, #tpu.memory_space<hbm>>
    tpu.enqueue_dma source(%dma_start3A_510 : memref<2x4096xi32, #tpu.memory_space<hbm>>) target(%dma_start3A_506 : memref<2x4096xi32, #tpu.memory_space<vmem>>) target_semaphore(%dma_start3A_502 : memref<!tpu.dma_semaphore, #tpu.memory_space<semaphore_mem>>)
    %dma_wait3A_511 = arith.constant 10 : i32
    %dma_wait3A_512 = arith.constant 0 : i32
    %dma_wait3A_513 = arith.constant 0 : i32
    %dma_wait3A_514 = arith.constant 0 : i32
    %dma_wait3A_515 = arith.constant 0 : i32
    %dma_wait3A_516 = tpu.memref_slice %arg7[%dma_wait3A_512, %dma_wait3A_514, %dma_wait3A_515] : memref<2x2x4096xi32, #tpu.memory_space<vmem>> -> memref<1x2x4096xi32, #tpu.memory_space<vmem>>
    %dma_wait3A_517 = tpu.memref_squeeze %dma_wait3A_516 : memref<1x2x4096xi32, #tpu.memory_space<vmem>> -> memref<2x4096xi32, #tpu.memory_space<vmem>>
    %dma_wait3A_518 = arith.constant 0 : i32
    %dma_wait3A_519 = arith.constant 0 : i32
    %dma_wait3A_520 = tpu.memref_slice %arg3[%add3A, %dma_wait3A_511, %dma_wait3A_518, %dma_wait3A_519] : memref<32x16x2x4096xi32, #tpu.memory_space<hbm>> -> memref<1x1x2x4096xi32, #tpu.memory_space<hbm>>
    %dma_wait3A_521 = tpu.memref_squeeze %dma_wait3A_520 : memref<1x1x2x4096xi32, #tpu.memory_space<hbm>> -> memref<2x4096xi32, #tpu.memory_space<hbm>>
    %dma_wait3A_522 = tpu.memref_slice %arg9[%dma_wait3A_513] : memref<2x!tpu.dma_semaphore, #tpu.memory_space<semaphore_mem>> -> memref<1x!tpu.dma_semaphore, #tpu.memory_space<semaphore_mem>>
    %dma_wait3A_523 = tpu.memref_squeeze %dma_wait3A_522 : memref<1x!tpu.dma_semaphore, #tpu.memory_space<semaphore_mem>> -> memref<!tpu.dma_semaphore, #tpu.memory_space<semaphore_mem>>
    %dma_wait3A_524 = arith.constant 0 : i32
    %dma_wait3A_525 = arith.constant 0 : i32
    %dma_wait3A_526 = tpu.memref_slice %arg7[%dma_wait3A_512, %dma_wait3A_524, %dma_wait3A_525] : memref<2x2x4096xi32, #tpu.memory_space<vmem>> -> memref<1x2x4096xi32, #tpu.memory_space<vmem>>
    %dma_wait3A_527 = tpu.memref_squeeze %dma_wait3A_526 : memref<1x2x4096xi32, #tpu.memory_space<vmem>> -> memref<2x4096xi32, #tpu.memory_space<vmem>>
    %dma_wait3A_528 = arith.constant 0 : i32
    %dma_wait3A_529 = arith.constant 0 : i32
    %dma_wait3A_530 = tpu.memref_slice %arg3[%add3A, %dma_wait3A_511, %dma_wait3A_528, %dma_wait3A_529] : memref<32x16x2x4096xi32, #tpu.memory_space<hbm>> -> memref<1x1x2x4096xi32, #tpu.memory_space<hbm>>
    %dma_wait3A_531 = tpu.memref_squeeze %dma_wait3A_530 : memref<1x1x2x4096xi32, #tpu.memory_space<hbm>> -> memref<2x4096xi32, #tpu.memory_space<hbm>>
    tpu.wait_dma2 semaphore(%dma_wait3A_523 : memref<!tpu.dma_semaphore, #tpu.memory_space<semaphore_mem>>) src(%dma_wait3A_531 : memref<2x4096xi32, #tpu.memory_space<hbm>>) dst(%dma_wait3A_527 : memref<2x4096xi32, #tpu.memory_space<vmem>>)
    %parallel_loop3A_532 = arith.constant 0 : i32
    %parallel_loop3A_533 = arith.constant 256 : i32
    %parallel_loop3A_534 = arith.constant 1 : i32
    %parallel_loop3A_535:2 = scf.for %parallel_loop3A_748 = %parallel_loop3A_532 to %parallel_loop3A_533 step %parallel_loop3A_534 iter_args(%parallel_loop3A_749 = %parallel_loop3A_489#0, %parallel_loop3A_750 = %parallel_loop3A_489#1) -> (vector<16xf32>, vector<16xf32>)  : i32 {
      %parallel_loop3A_751 = arith.constant 16 : i32
      %parallel_loop3A_752 = arith.muli %parallel_loop3A_748, %parallel_loop3A_751 : i32
      %parallel_loop3A_753 = tpu.assume_multiple %parallel_loop3A_752, 16 : i32
      %parallel_loop3A_754 = arith.constant 0 : i32
      %parallel_loop3A_755 = arith.constant 0 : i32
      %parallel_loop3A_756 = arith.index_cast %parallel_loop3A_754 : i32 to index
      %parallel_loop3A_757 = arith.index_cast %parallel_loop3A_755 : i32 to index
      %parallel_loop3A_758 = arith.index_cast %parallel_loop3A_753 : i32 to index
      %parallel_loop3A_759 = tpu.vector_load %arg7[%parallel_loop3A_756, %parallel_loop3A_757, %parallel_loop3A_758] {strides = array<i32>} : memref<2x2x4096xi32, #tpu.memory_space<vmem>>, vector<16xi32>,
      %parallel_loop3A_760 = arith.constant 0 : i32
      %parallel_loop3A_761 = arith.constant 1 : i32
      %parallel_loop3A_762 = arith.index_cast %parallel_loop3A_760 : i32 to index
      %parallel_loop3A_763 = arith.index_cast %parallel_loop3A_761 : i32 to index
      %parallel_loop3A_764 = arith.index_cast %parallel_loop3A_753 : i32 to index
      %parallel_loop3A_765 = tpu.vector_load %arg7[%parallel_loop3A_762, %parallel_loop3A_763, %parallel_loop3A_764] {strides = array<i32>} : memref<2x2x4096xi32, #tpu.memory_space<vmem>>, vector<16xi32>,
      %parallel_loop3A_766 = tpu.vector_load_idx %arg6[%parallel_loop3A_759] : memref<100000xf32, #tpu.memory_space<vmem>>[vector<16xi32>], vector<16xf32>,
      %parallel_loop3A_767 = tpu.vector_load_idx %arg6[%parallel_loop3A_765] : memref<100000xf32, #tpu.memory_space<vmem>>[vector<16xi32>], vector<16xf32>,
      %parallel_loop3A_768 = vector.bitcast %parallel_loop3A_766 : vector<16xf32> to vector<32xbf16>
      %parallel_loop3A_769 = tpu.unpack_subelements %parallel_loop3A_768, 0 {pack_format = #tpu.pack_format<interleaved>} : vector<32xbf16> -> vector<16xf32>
      %parallel_loop3A_770 = tpu.unpack_subelements %parallel_loop3A_768, 1 {pack_format = #tpu.pack_format<interleaved>} : vector<32xbf16> -> vector<16xf32>
      %parallel_loop3A_771 = vector.bitcast %parallel_loop3A_767 : vector<16xf32> to vector<32xbf16>
      %parallel_loop3A_772 = tpu.unpack_subelements %parallel_loop3A_771, 0 {pack_format = #tpu.pack_format<interleaved>} : vector<32xbf16> -> vector<16xf32>
      %parallel_loop3A_773 = tpu.unpack_subelements %parallel_loop3A_771, 1 {pack_format = #tpu.pack_format<interleaved>} : vector<32xbf16> -> vector<16xf32>
      %parallel_loop3A_774 = arith.subf %parallel_loop3A_769, %parallel_loop3A_772 : vector<16xf32>
      %parallel_loop3A_775 = arith.subf %parallel_loop3A_770, %parallel_loop3A_773 : vector<16xf32>
      %parallel_loop3A_776 = vector.bitcast %parallel_loop3A_775 : vector<16xf32> to vector<16xi32>
      %parallel_loop3A_777 = arith.constant -2147483648 : i32
      %parallel_loop3A_778 = vector.broadcast %parallel_loop3A_777 : i32 to vector<16xi32>
      %parallel_loop3A_779 = arith.andi %parallel_loop3A_776, %parallel_loop3A_778 : vector<16xi32>
      %parallel_loop3A_780 = vector.bitcast %parallel_loop3A_774 : vector<16xf32> to vector<16xi32>
      %parallel_loop3A_781 = arith.xori %parallel_loop3A_780, %parallel_loop3A_779 : vector<16xi32>
      %parallel_loop3A_782 = vector.bitcast %parallel_loop3A_781 : vector<16xi32> to vector<16xf32>
      %parallel_loop3A_783 = arith.constant 1.000000e+00 : f32
      %parallel_loop3A_784 = vector.broadcast %parallel_loop3A_783 : f32 to vector<16xf32>
      %parallel_loop3A_785 = arith.subf %parallel_loop3A_784, %parallel_loop3A_782 : vector<16xf32>
      %parallel_loop3A_786 = arith.constant 0.000000e+00 : f32
      %parallel_loop3A_787 = vector.broadcast %parallel_loop3A_786 : f32 to vector<16xf32>
      %parallel_loop3A_788 = arith.maximumf %parallel_loop3A_785, %parallel_loop3A_787 : vector<16xf32>
      %parallel_loop3A_789 = math.absf %parallel_loop3A_775 : vector<16xf32>
      %parallel_loop3A_790 = arith.constant 1.000000e-01 : f32
      %parallel_loop3A_791 = vector.broadcast %parallel_loop3A_790 : f32 to vector<16xf32>
      %parallel_loop3A_792 = arith.cmpf ogt, %parallel_loop3A_789, %parallel_loop3A_791 : vector<16xf32>
      %parallel_loop3A_793 = arith.constant 1.000000e+00 : f32
      %parallel_loop3A_794 = arith.constant 0.000000e+00 : f32
      %parallel_loop3A_795 = vector.broadcast %parallel_loop3A_793 : f32 to vector<16xf32>
      %parallel_loop3A_796 = vector.broadcast %parallel_loop3A_794 : f32 to vector<16xf32>
      %parallel_loop3A_797 = arith.select %parallel_loop3A_792, %parallel_loop3A_795, %parallel_loop3A_796 : vector<16xi1>, vector<16xf32>
      %parallel_loop3A_798 = arith.mulf %parallel_loop3A_788, %parallel_loop3A_797 : vector<16xf32>
      %parallel_loop3A_799 = arith.addf %parallel_loop3A_749, %parallel_loop3A_798 : vector<16xf32>
      %parallel_loop3A_800 = arith.addf %parallel_loop3A_750, %parallel_loop3A_797 : vector<16xf32>
      scf.yield %parallel_loop3A_799, %parallel_loop3A_800 : vector<16xf32>, vector<16xf32>
    } {sc.loop_unroll_factor = 4 : i64, sc.parallel_access}
    %dma_start3A_536 = arith.constant 12 : i32
    %dma_start3A_537 = arith.constant 0 : i32
    %dma_start3A_538 = arith.constant 0 : i32
    %dma_start3A_539 = arith.constant 0 : i32
    %dma_start3A_540 = arith.constant 0 : i32
    %dma_start3A_541 = tpu.memref_slice %arg7[%dma_start3A_537, %dma_start3A_539, %dma_start3A_540] : memref<2x2x4096xi32, #tpu.memory_space<vmem>> -> memref<1x2x4096xi32, #tpu.memory_space<vmem>>
    %dma_start3A_542 = tpu.memref_squeeze %dma_start3A_541 : memref<1x2x4096xi32, #tpu.memory_space<vmem>> -> memref<2x4096xi32, #tpu.memory_space<vmem>>
    %dma_start3A_543 = arith.constant 0 : i32
    %dma_start3A_544 = arith.constant 0 : i32
    %dma_start3A_545 = tpu.memref_slice %arg3[%add3A, %dma_start3A_536, %dma_start3A_543, %dma_start3A_544] : memref<32x16x2x4096xi32, #tpu.memory_space<hbm>> -> memref<1x1x2x4096xi32, #tpu.memory_space<hbm>>
    %dma_start3A_546 = tpu.memref_squeeze %dma_start3A_545 : memref<1x1x2x4096xi32, #tpu.memory_space<hbm>> -> memref<2x4096xi32, #tpu.memory_space<hbm>>
    %dma_start3A_547 = tpu.memref_slice %arg9[%dma_start3A_538] : memref<2x!tpu.dma_semaphore, #tpu.memory_space<semaphore_mem>> -> memref<1x!tpu.dma_semaphore, #tpu.memory_space<semaphore_mem>>
    %dma_start3A_548 = tpu.memref_squeeze %dma_start3A_547 : memref<1x!tpu.dma_semaphore, #tpu.memory_space<semaphore_mem>> -> memref<!tpu.dma_semaphore, #tpu.memory_space<semaphore_mem>>
    %dma_start3A_549 = arith.constant 0 : i32
    %dma_start3A_550 = arith.constant 0 : i32
    %dma_start3A_551 = tpu.memref_slice %arg7[%dma_start3A_537, %dma_start3A_549, %dma_start3A_550] : memref<2x2x4096xi32, #tpu.memory_space<vmem>> -> memref<1x2x4096xi32, #tpu.memory_space<vmem>>
    %dma_start3A_552 = tpu.memref_squeeze %dma_start3A_551 : memref<1x2x4096xi32, #tpu.memory_space<vmem>> -> memref<2x4096xi32, #tpu.memory_space<vmem>>
    %dma_start3A_553 = arith.constant 0 : i32
    %dma_start3A_554 = arith.constant 0 : i32
    %dma_start3A_555 = tpu.memref_slice %arg3[%add3A, %dma_start3A_536, %dma_start3A_553, %dma_start3A_554] : memref<32x16x2x4096xi32, #tpu.memory_space<hbm>> -> memref<1x1x2x4096xi32, #tpu.memory_space<hbm>>
    %dma_start3A_556 = tpu.memref_squeeze %dma_start3A_555 : memref<1x1x2x4096xi32, #tpu.memory_space<hbm>> -> memref<2x4096xi32, #tpu.memory_space<hbm>>
    tpu.enqueue_dma source(%dma_start3A_556 : memref<2x4096xi32, #tpu.memory_space<hbm>>) target(%dma_start3A_552 : memref<2x4096xi32, #tpu.memory_space<vmem>>) target_semaphore(%dma_start3A_548 : memref<!tpu.dma_semaphore, #tpu.memory_space<semaphore_mem>>)
    %dma_wait3A_557 = arith.constant 11 : i32
    %dma_wait3A_558 = arith.constant 1 : i32
    %dma_wait3A_559 = arith.constant 1 : i32
    %dma_wait3A_560 = arith.constant 0 : i32
    %dma_wait3A_561 = arith.constant 0 : i32
    %dma_wait3A_562 = tpu.memref_slice %arg7[%dma_wait3A_558, %dma_wait3A_560, %dma_wait3A_561] : memref<2x2x4096xi32, #tpu.memory_space<vmem>> -> memref<1x2x4096xi32, #tpu.memory_space<vmem>>
    %dma_wait3A_563 = tpu.memref_squeeze %dma_wait3A_562 : memref<1x2x4096xi32, #tpu.memory_space<vmem>> -> memref<2x4096xi32, #tpu.memory_space<vmem>>
    %dma_wait3A_564 = arith.constant 0 : i32
    %dma_wait3A_565 = arith.constant 0 : i32
    %dma_wait3A_566 = tpu.memref_slice %arg3[%add3A, %dma_wait3A_557, %dma_wait3A_564, %dma_wait3A_565] : memref<32x16x2x4096xi32, #tpu.memory_space<hbm>> -> memref<1x1x2x4096xi32, #tpu.memory_space<hbm>>
    %dma_wait3A_567 = tpu.memref_squeeze %dma_wait3A_566 : memref<1x1x2x4096xi32, #tpu.memory_space<hbm>> -> memref<2x4096xi32, #tpu.memory_space<hbm>>
    %dma_wait3A_568 = tpu.memref_slice %arg9[%dma_wait3A_559] : memref<2x!tpu.dma_semaphore, #tpu.memory_space<semaphore_mem>> -> memref<1x!tpu.dma_semaphore, #tpu.memory_space<semaphore_mem>>
    %dma_wait3A_569 = tpu.memref_squeeze %dma_wait3A_568 : memref<1x!tpu.dma_semaphore, #tpu.memory_space<semaphore_mem>> -> memref<!tpu.dma_semaphore, #tpu.memory_space<semaphore_mem>>
    %dma_wait3A_570 = arith.constant 0 : i32
    %dma_wait3A_571 = arith.constant 0 : i32
    %dma_wait3A_572 = tpu.memref_slice %arg7[%dma_wait3A_558, %dma_wait3A_570, %dma_wait3A_571] : memref<2x2x4096xi32, #tpu.memory_space<vmem>> -> memref<1x2x4096xi32, #tpu.memory_space<vmem>>
    %dma_wait3A_573 = tpu.memref_squeeze %dma_wait3A_572 : memref<1x2x4096xi32, #tpu.memory_space<vmem>> -> memref<2x4096xi32, #tpu.memory_space<vmem>>
    %dma_wait3A_574 = arith.constant 0 : i32
    %dma_wait3A_575 = arith.constant 0 : i32
    %dma_wait3A_576 = tpu.memref_slice %arg3[%add3A, %dma_wait3A_557, %dma_wait3A_574, %dma_wait3A_575] : memref<32x16x2x4096xi32, #tpu.memory_space<hbm>> -> memref<1x1x2x4096xi32, #tpu.memory_space<hbm>>
    %dma_wait3A_577 = tpu.memref_squeeze %dma_wait3A_576 : memref<1x1x2x4096xi32, #tpu.memory_space<hbm>> -> memref<2x4096xi32, #tpu.memory_space<hbm>>
    tpu.wait_dma2 semaphore(%dma_wait3A_569 : memref<!tpu.dma_semaphore, #tpu.memory_space<semaphore_mem>>) src(%dma_wait3A_577 : memref<2x4096xi32, #tpu.memory_space<hbm>>) dst(%dma_wait3A_573 : memref<2x4096xi32, #tpu.memory_space<vmem>>)
    %parallel_loop3A_578 = arith.constant 0 : i32
    %parallel_loop3A_579 = arith.constant 256 : i32
    %parallel_loop3A_580 = arith.constant 1 : i32
    %parallel_loop3A_581:2 = scf.for %parallel_loop3A_748 = %parallel_loop3A_578 to %parallel_loop3A_579 step %parallel_loop3A_580 iter_args(%parallel_loop3A_749 = %parallel_loop3A_535#0, %parallel_loop3A_750 = %parallel_loop3A_535#1) -> (vector<16xf32>, vector<16xf32>)  : i32 {
      %parallel_loop3A_751 = arith.constant 16 : i32
      %parallel_loop3A_752 = arith.muli %parallel_loop3A_748, %parallel_loop3A_751 : i32
      %parallel_loop3A_753 = tpu.assume_multiple %parallel_loop3A_752, 16 : i32
      %parallel_loop3A_754 = arith.constant 1 : i32
      %parallel_loop3A_755 = arith.constant 0 : i32
      %parallel_loop3A_756 = arith.index_cast %parallel_loop3A_754 : i32 to index
      %parallel_loop3A_757 = arith.index_cast %parallel_loop3A_755 : i32 to index
      %parallel_loop3A_758 = arith.index_cast %parallel_loop3A_753 : i32 to index
      %parallel_loop3A_759 = tpu.vector_load %arg7[%parallel_loop3A_756, %parallel_loop3A_757, %parallel_loop3A_758] {strides = array<i32>} : memref<2x2x4096xi32, #tpu.memory_space<vmem>>, vector<16xi32>,
      %parallel_loop3A_760 = arith.constant 1 : i32
      %parallel_loop3A_761 = arith.constant 1 : i32
      %parallel_loop3A_762 = arith.index_cast %parallel_loop3A_760 : i32 to index
      %parallel_loop3A_763 = arith.index_cast %parallel_loop3A_761 : i32 to index
      %parallel_loop3A_764 = arith.index_cast %parallel_loop3A_753 : i32 to index
      %parallel_loop3A_765 = tpu.vector_load %arg7[%parallel_loop3A_762, %parallel_loop3A_763, %parallel_loop3A_764] {strides = array<i32>} : memref<2x2x4096xi32, #tpu.memory_space<vmem>>, vector<16xi32>,
      %parallel_loop3A_766 = tpu.vector_load_idx %arg6[%parallel_loop3A_759] : memref<100000xf32, #tpu.memory_space<vmem>>[vector<16xi32>], vector<16xf32>,
      %parallel_loop3A_767 = tpu.vector_load_idx %arg6[%parallel_loop3A_765] : memref<100000xf32, #tpu.memory_space<vmem>>[vector<16xi32>], vector<16xf32>,
      %parallel_loop3A_768 = vector.bitcast %parallel_loop3A_766 : vector<16xf32> to vector<32xbf16>
      %parallel_loop3A_769 = tpu.unpack_subelements %parallel_loop3A_768, 0 {pack_format = #tpu.pack_format<interleaved>} : vector<32xbf16> -> vector<16xf32>
      %parallel_loop3A_770 = tpu.unpack_subelements %parallel_loop3A_768, 1 {pack_format = #tpu.pack_format<interleaved>} : vector<32xbf16> -> vector<16xf32>
      %parallel_loop3A_771 = vector.bitcast %parallel_loop3A_767 : vector<16xf32> to vector<32xbf16>
      %parallel_loop3A_772 = tpu.unpack_subelements %parallel_loop3A_771, 0 {pack_format = #tpu.pack_format<interleaved>} : vector<32xbf16> -> vector<16xf32>
      %parallel_loop3A_773 = tpu.unpack_subelements %parallel_loop3A_771, 1 {pack_format = #tpu.pack_format<interleaved>} : vector<32xbf16> -> vector<16xf32>
      %parallel_loop3A_774 = arith.subf %parallel_loop3A_769, %parallel_loop3A_772 : vector<16xf32>
      %parallel_loop3A_775 = arith.subf %parallel_loop3A_770, %parallel_loop3A_773 : vector<16xf32>
      %parallel_loop3A_776 = vector.bitcast %parallel_loop3A_775 : vector<16xf32> to vector<16xi32>
      %parallel_loop3A_777 = arith.constant -2147483648 : i32
      %parallel_loop3A_778 = vector.broadcast %parallel_loop3A_777 : i32 to vector<16xi32>
      %parallel_loop3A_779 = arith.andi %parallel_loop3A_776, %parallel_loop3A_778 : vector<16xi32>
      %parallel_loop3A_780 = vector.bitcast %parallel_loop3A_774 : vector<16xf32> to vector<16xi32>
      %parallel_loop3A_781 = arith.xori %parallel_loop3A_780, %parallel_loop3A_779 : vector<16xi32>
      %parallel_loop3A_782 = vector.bitcast %parallel_loop3A_781 : vector<16xi32> to vector<16xf32>
      %parallel_loop3A_783 = arith.constant 1.000000e+00 : f32
      %parallel_loop3A_784 = vector.broadcast %parallel_loop3A_783 : f32 to vector<16xf32>
      %parallel_loop3A_785 = arith.subf %parallel_loop3A_784, %parallel_loop3A_782 : vector<16xf32>
      %parallel_loop3A_786 = arith.constant 0.000000e+00 : f32
      %parallel_loop3A_787 = vector.broadcast %parallel_loop3A_786 : f32 to vector<16xf32>
      %parallel_loop3A_788 = arith.maximumf %parallel_loop3A_785, %parallel_loop3A_787 : vector<16xf32>
      %parallel_loop3A_789 = math.absf %parallel_loop3A_775 : vector<16xf32>
      %parallel_loop3A_790 = arith.constant 1.000000e-01 : f32
      %parallel_loop3A_791 = vector.broadcast %parallel_loop3A_790 : f32 to vector<16xf32>
      %parallel_loop3A_792 = arith.cmpf ogt, %parallel_loop3A_789, %parallel_loop3A_791 : vector<16xf32>
      %parallel_loop3A_793 = arith.constant 1.000000e+00 : f32
      %parallel_loop3A_794 = arith.constant 0.000000e+00 : f32
      %parallel_loop3A_795 = vector.broadcast %parallel_loop3A_793 : f32 to vector<16xf32>
      %parallel_loop3A_796 = vector.broadcast %parallel_loop3A_794 : f32 to vector<16xf32>
      %parallel_loop3A_797 = arith.select %parallel_loop3A_792, %parallel_loop3A_795, %parallel_loop3A_796 : vector<16xi1>, vector<16xf32>
      %parallel_loop3A_798 = arith.mulf %parallel_loop3A_788, %parallel_loop3A_797 : vector<16xf32>
      %parallel_loop3A_799 = arith.addf %parallel_loop3A_749, %parallel_loop3A_798 : vector<16xf32>
      %parallel_loop3A_800 = arith.addf %parallel_loop3A_750, %parallel_loop3A_797 : vector<16xf32>
      scf.yield %parallel_loop3A_799, %parallel_loop3A_800 : vector<16xf32>, vector<16xf32>
    } {sc.loop_unroll_factor = 4 : i64, sc.parallel_access}
    %dma_start3A_582 = arith.constant 13 : i32
    %dma_start3A_583 = arith.constant 1 : i32
    %dma_start3A_584 = arith.constant 1 : i32
    %dma_start3A_585 = arith.constant 0 : i32
    %dma_start3A_586 = arith.constant 0 : i32
    %dma_start3A_587 = tpu.memref_slice %arg7[%dma_start3A_583, %dma_start3A_585, %dma_start3A_586] : memref<2x2x4096xi32, #tpu.memory_space<vmem>> -> memref<1x2x4096xi32, #tpu.memory_space<vmem>>
    %dma_start3A_588 = tpu.memref_squeeze %dma_start3A_587 : memref<1x2x4096xi32, #tpu.memory_space<vmem>> -> memref<2x4096xi32, #tpu.memory_space<vmem>>
    %dma_start3A_589 = arith.constant 0 : i32
    %dma_start3A_590 = arith.constant 0 : i32
    %dma_start3A_591 = tpu.memref_slice %arg3[%add3A, %dma_start3A_582, %dma_start3A_589, %dma_start3A_590] : memref<32x16x2x4096xi32, #tpu.memory_space<hbm>> -> memref<1x1x2x4096xi32, #tpu.memory_space<hbm>>
    %dma_start3A_592 = tpu.memref_squeeze %dma_start3A_591 : memref<1x1x2x4096xi32, #tpu.memory_space<hbm>> -> memref<2x4096xi32, #tpu.memory_space<hbm>>
    %dma_start3A_593 = tpu.memref_slice %arg9[%dma_start3A_584] : memref<2x!tpu.dma_semaphore, #tpu.memory_space<semaphore_mem>> -> memref<1x!tpu.dma_semaphore, #tpu.memory_space<semaphore_mem>>
    %dma_start3A_594 = tpu.memref_squeeze %dma_start3A_593 : memref<1x!tpu.dma_semaphore, #tpu.memory_space<semaphore_mem>> -> memref<!tpu.dma_semaphore, #tpu.memory_space<semaphore_mem>>
    %dma_start3A_595 = arith.constant 0 : i32
    %dma_start3A_596 = arith.constant 0 : i32
    %dma_start3A_597 = tpu.memref_slice %arg7[%dma_start3A_583, %dma_start3A_595, %dma_start3A_596] : memref<2x2x4096xi32, #tpu.memory_space<vmem>> -> memref<1x2x4096xi32, #tpu.memory_space<vmem>>
    %dma_start3A_598 = tpu.memref_squeeze %dma_start3A_597 : memref<1x2x4096xi32, #tpu.memory_space<vmem>> -> memref<2x4096xi32, #tpu.memory_space<vmem>>
    %dma_start3A_599 = arith.constant 0 : i32
    %dma_start3A_600 = arith.constant 0 : i32
    %dma_start3A_601 = tpu.memref_slice %arg3[%add3A, %dma_start3A_582, %dma_start3A_599, %dma_start3A_600] : memref<32x16x2x4096xi32, #tpu.memory_space<hbm>> -> memref<1x1x2x4096xi32, #tpu.memory_space<hbm>>
    %dma_start3A_602 = tpu.memref_squeeze %dma_start3A_601 : memref<1x1x2x4096xi32, #tpu.memory_space<hbm>> -> memref<2x4096xi32, #tpu.memory_space<hbm>>
    tpu.enqueue_dma source(%dma_start3A_602 : memref<2x4096xi32, #tpu.memory_space<hbm>>) target(%dma_start3A_598 : memref<2x4096xi32, #tpu.memory_space<vmem>>) target_semaphore(%dma_start3A_594 : memref<!tpu.dma_semaphore, #tpu.memory_space<semaphore_mem>>)
    %dma_wait3A_603 = arith.constant 12 : i32
    %dma_wait3A_604 = arith.constant 0 : i32
    %dma_wait3A_605 = arith.constant 0 : i32
    %dma_wait3A_606 = arith.constant 0 : i32
    %dma_wait3A_607 = arith.constant 0 : i32
    %dma_wait3A_608 = tpu.memref_slice %arg7[%dma_wait3A_604, %dma_wait3A_606, %dma_wait3A_607] : memref<2x2x4096xi32, #tpu.memory_space<vmem>> -> memref<1x2x4096xi32, #tpu.memory_space<vmem>>
    %dma_wait3A_609 = tpu.memref_squeeze %dma_wait3A_608 : memref<1x2x4096xi32, #tpu.memory_space<vmem>> -> memref<2x4096xi32, #tpu.memory_space<vmem>>
    %dma_wait3A_610 = arith.constant 0 : i32
    %dma_wait3A_611 = arith.constant 0 : i32
    %dma_wait3A_612 = tpu.memref_slice %arg3[%add3A, %dma_wait3A_603, %dma_wait3A_610, %dma_wait3A_611] : memref<32x16x2x4096xi32, #tpu.memory_space<hbm>> -> memref<1x1x2x4096xi32, #tpu.memory_space<hbm>>
    %dma_wait3A_613 = tpu.memref_squeeze %dma_wait3A_612 : memref<1x1x2x4096xi32, #tpu.memory_space<hbm>> -> memref<2x4096xi32, #tpu.memory_space<hbm>>
    %dma_wait3A_614 = tpu.memref_slice %arg9[%dma_wait3A_605] : memref<2x!tpu.dma_semaphore, #tpu.memory_space<semaphore_mem>> -> memref<1x!tpu.dma_semaphore, #tpu.memory_space<semaphore_mem>>
    %dma_wait3A_615 = tpu.memref_squeeze %dma_wait3A_614 : memref<1x!tpu.dma_semaphore, #tpu.memory_space<semaphore_mem>> -> memref<!tpu.dma_semaphore, #tpu.memory_space<semaphore_mem>>
    %dma_wait3A_616 = arith.constant 0 : i32
    %dma_wait3A_617 = arith.constant 0 : i32
    %dma_wait3A_618 = tpu.memref_slice %arg7[%dma_wait3A_604, %dma_wait3A_616, %dma_wait3A_617] : memref<2x2x4096xi32, #tpu.memory_space<vmem>> -> memref<1x2x4096xi32, #tpu.memory_space<vmem>>
    %dma_wait3A_619 = tpu.memref_squeeze %dma_wait3A_618 : memref<1x2x4096xi32, #tpu.memory_space<vmem>> -> memref<2x4096xi32, #tpu.memory_space<vmem>>
    %dma_wait3A_620 = arith.constant 0 : i32
    %dma_wait3A_621 = arith.constant 0 : i32
    %dma_wait3A_622 = tpu.memref_slice %arg3[%add3A, %dma_wait3A_603, %dma_wait3A_620, %dma_wait3A_621] : memref<32x16x2x4096xi32, #tpu.memory_space<hbm>> -> memref<1x1x2x4096xi32, #tpu.memory_space<hbm>>
    %dma_wait3A_623 = tpu.memref_squeeze %dma_wait3A_622 : memref<1x1x2x4096xi32, #tpu.memory_space<hbm>> -> memref<2x4096xi32, #tpu.memory_space<hbm>>
    tpu.wait_dma2 semaphore(%dma_wait3A_615 : memref<!tpu.dma_semaphore, #tpu.memory_space<semaphore_mem>>) src(%dma_wait3A_623 : memref<2x4096xi32, #tpu.memory_space<hbm>>) dst(%dma_wait3A_619 : memref<2x4096xi32, #tpu.memory_space<vmem>>)
    %parallel_loop3A_624 = arith.constant 0 : i32
    %parallel_loop3A_625 = arith.constant 256 : i32
    %parallel_loop3A_626 = arith.constant 1 : i32
    %parallel_loop3A_627:2 = scf.for %parallel_loop3A_748 = %parallel_loop3A_624 to %parallel_loop3A_625 step %parallel_loop3A_626 iter_args(%parallel_loop3A_749 = %parallel_loop3A_581#0, %parallel_loop3A_750 = %parallel_loop3A_581#1) -> (vector<16xf32>, vector<16xf32>)  : i32 {
      %parallel_loop3A_751 = arith.constant 16 : i32
      %parallel_loop3A_752 = arith.muli %parallel_loop3A_748, %parallel_loop3A_751 : i32
      %parallel_loop3A_753 = tpu.assume_multiple %parallel_loop3A_752, 16 : i32
      %parallel_loop3A_754 = arith.constant 0 : i32
      %parallel_loop3A_755 = arith.constant 0 : i32
      %parallel_loop3A_756 = arith.index_cast %parallel_loop3A_754 : i32 to index
      %parallel_loop3A_757 = arith.index_cast %parallel_loop3A_755 : i32 to index
      %parallel_loop3A_758 = arith.index_cast %parallel_loop3A_753 : i32 to index
      %parallel_loop3A_759 = tpu.vector_load %arg7[%parallel_loop3A_756, %parallel_loop3A_757, %parallel_loop3A_758] {strides = array<i32>} : memref<2x2x4096xi32, #tpu.memory_space<vmem>>, vector<16xi32>,
      %parallel_loop3A_760 = arith.constant 0 : i32
      %parallel_loop3A_761 = arith.constant 1 : i32
      %parallel_loop3A_762 = arith.index_cast %parallel_loop3A_760 : i32 to index
      %parallel_loop3A_763 = arith.index_cast %parallel_loop3A_761 : i32 to index
      %parallel_loop3A_764 = arith.index_cast %parallel_loop3A_753 : i32 to index
      %parallel_loop3A_765 = tpu.vector_load %arg7[%parallel_loop3A_762, %parallel_loop3A_763, %parallel_loop3A_764] {strides = array<i32>} : memref<2x2x4096xi32, #tpu.memory_space<vmem>>, vector<16xi32>,
      %parallel_loop3A_766 = tpu.vector_load_idx %arg6[%parallel_loop3A_759] : memref<100000xf32, #tpu.memory_space<vmem>>[vector<16xi32>], vector<16xf32>,
      %parallel_loop3A_767 = tpu.vector_load_idx %arg6[%parallel_loop3A_765] : memref<100000xf32, #tpu.memory_space<vmem>>[vector<16xi32>], vector<16xf32>,
      %parallel_loop3A_768 = vector.bitcast %parallel_loop3A_766 : vector<16xf32> to vector<32xbf16>
      %parallel_loop3A_769 = tpu.unpack_subelements %parallel_loop3A_768, 0 {pack_format = #tpu.pack_format<interleaved>} : vector<32xbf16> -> vector<16xf32>
      %parallel_loop3A_770 = tpu.unpack_subelements %parallel_loop3A_768, 1 {pack_format = #tpu.pack_format<interleaved>} : vector<32xbf16> -> vector<16xf32>
      %parallel_loop3A_771 = vector.bitcast %parallel_loop3A_767 : vector<16xf32> to vector<32xbf16>
      %parallel_loop3A_772 = tpu.unpack_subelements %parallel_loop3A_771, 0 {pack_format = #tpu.pack_format<interleaved>} : vector<32xbf16> -> vector<16xf32>
      %parallel_loop3A_773 = tpu.unpack_subelements %parallel_loop3A_771, 1 {pack_format = #tpu.pack_format<interleaved>} : vector<32xbf16> -> vector<16xf32>
      %parallel_loop3A_774 = arith.subf %parallel_loop3A_769, %parallel_loop3A_772 : vector<16xf32>
      %parallel_loop3A_775 = arith.subf %parallel_loop3A_770, %parallel_loop3A_773 : vector<16xf32>
      %parallel_loop3A_776 = vector.bitcast %parallel_loop3A_775 : vector<16xf32> to vector<16xi32>
      %parallel_loop3A_777 = arith.constant -2147483648 : i32
      %parallel_loop3A_778 = vector.broadcast %parallel_loop3A_777 : i32 to vector<16xi32>
      %parallel_loop3A_779 = arith.andi %parallel_loop3A_776, %parallel_loop3A_778 : vector<16xi32>
      %parallel_loop3A_780 = vector.bitcast %parallel_loop3A_774 : vector<16xf32> to vector<16xi32>
      %parallel_loop3A_781 = arith.xori %parallel_loop3A_780, %parallel_loop3A_779 : vector<16xi32>
      %parallel_loop3A_782 = vector.bitcast %parallel_loop3A_781 : vector<16xi32> to vector<16xf32>
      %parallel_loop3A_783 = arith.constant 1.000000e+00 : f32
      %parallel_loop3A_784 = vector.broadcast %parallel_loop3A_783 : f32 to vector<16xf32>
      %parallel_loop3A_785 = arith.subf %parallel_loop3A_784, %parallel_loop3A_782 : vector<16xf32>
      %parallel_loop3A_786 = arith.constant 0.000000e+00 : f32
      %parallel_loop3A_787 = vector.broadcast %parallel_loop3A_786 : f32 to vector<16xf32>
      %parallel_loop3A_788 = arith.maximumf %parallel_loop3A_785, %parallel_loop3A_787 : vector<16xf32>
      %parallel_loop3A_789 = math.absf %parallel_loop3A_775 : vector<16xf32>
      %parallel_loop3A_790 = arith.constant 1.000000e-01 : f32
      %parallel_loop3A_791 = vector.broadcast %parallel_loop3A_790 : f32 to vector<16xf32>
      %parallel_loop3A_792 = arith.cmpf ogt, %parallel_loop3A_789, %parallel_loop3A_791 : vector<16xf32>
      %parallel_loop3A_793 = arith.constant 1.000000e+00 : f32
      %parallel_loop3A_794 = arith.constant 0.000000e+00 : f32
      %parallel_loop3A_795 = vector.broadcast %parallel_loop3A_793 : f32 to vector<16xf32>
      %parallel_loop3A_796 = vector.broadcast %parallel_loop3A_794 : f32 to vector<16xf32>
      %parallel_loop3A_797 = arith.select %parallel_loop3A_792, %parallel_loop3A_795, %parallel_loop3A_796 : vector<16xi1>, vector<16xf32>
      %parallel_loop3A_798 = arith.mulf %parallel_loop3A_788, %parallel_loop3A_797 : vector<16xf32>
      %parallel_loop3A_799 = arith.addf %parallel_loop3A_749, %parallel_loop3A_798 : vector<16xf32>
      %parallel_loop3A_800 = arith.addf %parallel_loop3A_750, %parallel_loop3A_797 : vector<16xf32>
      scf.yield %parallel_loop3A_799, %parallel_loop3A_800 : vector<16xf32>, vector<16xf32>
    } {sc.loop_unroll_factor = 4 : i64, sc.parallel_access}
    %dma_start3A_628 = arith.constant 14 : i32
    %dma_start3A_629 = arith.constant 0 : i32
    %dma_start3A_630 = arith.constant 0 : i32
    %dma_start3A_631 = arith.constant 0 : i32
    %dma_start3A_632 = arith.constant 0 : i32
    %dma_start3A_633 = tpu.memref_slice %arg7[%dma_start3A_629, %dma_start3A_631, %dma_start3A_632] : memref<2x2x4096xi32, #tpu.memory_space<vmem>> -> memref<1x2x4096xi32, #tpu.memory_space<vmem>>
    %dma_start3A_634 = tpu.memref_squeeze %dma_start3A_633 : memref<1x2x4096xi32, #tpu.memory_space<vmem>> -> memref<2x4096xi32, #tpu.memory_space<vmem>>
    %dma_start3A_635 = arith.constant 0 : i32
    %dma_start3A_636 = arith.constant 0 : i32
    %dma_start3A_637 = tpu.memref_slice %arg3[%add3A, %dma_start3A_628, %dma_start3A_635, %dma_start3A_636] : memref<32x16x2x4096xi32, #tpu.memory_space<hbm>> -> memref<1x1x2x4096xi32, #tpu.memory_space<hbm>>
    %dma_start3A_638 = tpu.memref_squeeze %dma_start3A_637 : memref<1x1x2x4096xi32, #tpu.memory_space<hbm>> -> memref<2x4096xi32, #tpu.memory_space<hbm>>
    %dma_start3A_639 = tpu.memref_slice %arg9[%dma_start3A_630] : memref<2x!tpu.dma_semaphore, #tpu.memory_space<semaphore_mem>> -> memref<1x!tpu.dma_semaphore, #tpu.memory_space<semaphore_mem>>
    %dma_start3A_640 = tpu.memref_squeeze %dma_start3A_639 : memref<1x!tpu.dma_semaphore, #tpu.memory_space<semaphore_mem>> -> memref<!tpu.dma_semaphore, #tpu.memory_space<semaphore_mem>>
    %dma_start3A_641 = arith.constant 0 : i32
    %dma_start3A_642 = arith.constant 0 : i32
    %dma_start3A_643 = tpu.memref_slice %arg7[%dma_start3A_629, %dma_start3A_641, %dma_start3A_642] : memref<2x2x4096xi32, #tpu.memory_space<vmem>> -> memref<1x2x4096xi32, #tpu.memory_space<vmem>>
    %dma_start3A_644 = tpu.memref_squeeze %dma_start3A_643 : memref<1x2x4096xi32, #tpu.memory_space<vmem>> -> memref<2x4096xi32, #tpu.memory_space<vmem>>
    %dma_start3A_645 = arith.constant 0 : i32
    %dma_start3A_646 = arith.constant 0 : i32
    %dma_start3A_647 = tpu.memref_slice %arg3[%add3A, %dma_start3A_628, %dma_start3A_645, %dma_start3A_646] : memref<32x16x2x4096xi32, #tpu.memory_space<hbm>> -> memref<1x1x2x4096xi32, #tpu.memory_space<hbm>>
    %dma_start3A_648 = tpu.memref_squeeze %dma_start3A_647 : memref<1x1x2x4096xi32, #tpu.memory_space<hbm>> -> memref<2x4096xi32, #tpu.memory_space<hbm>>
    tpu.enqueue_dma source(%dma_start3A_648 : memref<2x4096xi32, #tpu.memory_space<hbm>>) target(%dma_start3A_644 : memref<2x4096xi32, #tpu.memory_space<vmem>>) target_semaphore(%dma_start3A_640 : memref<!tpu.dma_semaphore, #tpu.memory_space<semaphore_mem>>)
    %dma_wait3A_649 = arith.constant 13 : i32
    %dma_wait3A_650 = arith.constant 1 : i32
    %dma_wait3A_651 = arith.constant 1 : i32
    %dma_wait3A_652 = arith.constant 0 : i32
    %dma_wait3A_653 = arith.constant 0 : i32
    %dma_wait3A_654 = tpu.memref_slice %arg7[%dma_wait3A_650, %dma_wait3A_652, %dma_wait3A_653] : memref<2x2x4096xi32, #tpu.memory_space<vmem>> -> memref<1x2x4096xi32, #tpu.memory_space<vmem>>
    %dma_wait3A_655 = tpu.memref_squeeze %dma_wait3A_654 : memref<1x2x4096xi32, #tpu.memory_space<vmem>> -> memref<2x4096xi32, #tpu.memory_space<vmem>>
    %dma_wait3A_656 = arith.constant 0 : i32
    %dma_wait3A_657 = arith.constant 0 : i32
    %dma_wait3A_658 = tpu.memref_slice %arg3[%add3A, %dma_wait3A_649, %dma_wait3A_656, %dma_wait3A_657] : memref<32x16x2x4096xi32, #tpu.memory_space<hbm>> -> memref<1x1x2x4096xi32, #tpu.memory_space<hbm>>
    %dma_wait3A_659 = tpu.memref_squeeze %dma_wait3A_658 : memref<1x1x2x4096xi32, #tpu.memory_space<hbm>> -> memref<2x4096xi32, #tpu.memory_space<hbm>>
    %dma_wait3A_660 = tpu.memref_slice %arg9[%dma_wait3A_651] : memref<2x!tpu.dma_semaphore, #tpu.memory_space<semaphore_mem>> -> memref<1x!tpu.dma_semaphore, #tpu.memory_space<semaphore_mem>>
    %dma_wait3A_661 = tpu.memref_squeeze %dma_wait3A_660 : memref<1x!tpu.dma_semaphore, #tpu.memory_space<semaphore_mem>> -> memref<!tpu.dma_semaphore, #tpu.memory_space<semaphore_mem>>
    %dma_wait3A_662 = arith.constant 0 : i32
    %dma_wait3A_663 = arith.constant 0 : i32
    %dma_wait3A_664 = tpu.memref_slice %arg7[%dma_wait3A_650, %dma_wait3A_662, %dma_wait3A_663] : memref<2x2x4096xi32, #tpu.memory_space<vmem>> -> memref<1x2x4096xi32, #tpu.memory_space<vmem>>
    %dma_wait3A_665 = tpu.memref_squeeze %dma_wait3A_664 : memref<1x2x4096xi32, #tpu.memory_space<vmem>> -> memref<2x4096xi32, #tpu.memory_space<vmem>>
    %dma_wait3A_666 = arith.constant 0 : i32
    %dma_wait3A_667 = arith.constant 0 : i32
    %dma_wait3A_668 = tpu.memref_slice %arg3[%add3A, %dma_wait3A_649, %dma_wait3A_666, %dma_wait3A_667] : memref<32x16x2x4096xi32, #tpu.memory_space<hbm>> -> memref<1x1x2x4096xi32, #tpu.memory_space<hbm>>
    %dma_wait3A_669 = tpu.memref_squeeze %dma_wait3A_668 : memref<1x1x2x4096xi32, #tpu.memory_space<hbm>> -> memref<2x4096xi32, #tpu.memory_space<hbm>>
    tpu.wait_dma2 semaphore(%dma_wait3A_661 : memref<!tpu.dma_semaphore, #tpu.memory_space<semaphore_mem>>) src(%dma_wait3A_669 : memref<2x4096xi32, #tpu.memory_space<hbm>>) dst(%dma_wait3A_665 : memref<2x4096xi32, #tpu.memory_space<vmem>>)
    %parallel_loop3A_670 = arith.constant 0 : i32
    %parallel_loop3A_671 = arith.constant 256 : i32
    %parallel_loop3A_672 = arith.constant 1 : i32
    %parallel_loop3A_673:2 = scf.for %parallel_loop3A_748 = %parallel_loop3A_670 to %parallel_loop3A_671 step %parallel_loop3A_672 iter_args(%parallel_loop3A_749 = %parallel_loop3A_627#0, %parallel_loop3A_750 = %parallel_loop3A_627#1) -> (vector<16xf32>, vector<16xf32>)  : i32 {
      %parallel_loop3A_751 = arith.constant 16 : i32
      %parallel_loop3A_752 = arith.muli %parallel_loop3A_748, %parallel_loop3A_751 : i32
      %parallel_loop3A_753 = tpu.assume_multiple %parallel_loop3A_752, 16 : i32
      %parallel_loop3A_754 = arith.constant 1 : i32
      %parallel_loop3A_755 = arith.constant 0 : i32
      %parallel_loop3A_756 = arith.index_cast %parallel_loop3A_754 : i32 to index
      %parallel_loop3A_757 = arith.index_cast %parallel_loop3A_755 : i32 to index
      %parallel_loop3A_758 = arith.index_cast %parallel_loop3A_753 : i32 to index
      %parallel_loop3A_759 = tpu.vector_load %arg7[%parallel_loop3A_756, %parallel_loop3A_757, %parallel_loop3A_758] {strides = array<i32>} : memref<2x2x4096xi32, #tpu.memory_space<vmem>>, vector<16xi32>,
      %parallel_loop3A_760 = arith.constant 1 : i32
      %parallel_loop3A_761 = arith.constant 1 : i32
      %parallel_loop3A_762 = arith.index_cast %parallel_loop3A_760 : i32 to index
      %parallel_loop3A_763 = arith.index_cast %parallel_loop3A_761 : i32 to index
      %parallel_loop3A_764 = arith.index_cast %parallel_loop3A_753 : i32 to index
      %parallel_loop3A_765 = tpu.vector_load %arg7[%parallel_loop3A_762, %parallel_loop3A_763, %parallel_loop3A_764] {strides = array<i32>} : memref<2x2x4096xi32, #tpu.memory_space<vmem>>, vector<16xi32>,
      %parallel_loop3A_766 = tpu.vector_load_idx %arg6[%parallel_loop3A_759] : memref<100000xf32, #tpu.memory_space<vmem>>[vector<16xi32>], vector<16xf32>,
      %parallel_loop3A_767 = tpu.vector_load_idx %arg6[%parallel_loop3A_765] : memref<100000xf32, #tpu.memory_space<vmem>>[vector<16xi32>], vector<16xf32>,
      %parallel_loop3A_768 = vector.bitcast %parallel_loop3A_766 : vector<16xf32> to vector<32xbf16>
      %parallel_loop3A_769 = tpu.unpack_subelements %parallel_loop3A_768, 0 {pack_format = #tpu.pack_format<interleaved>} : vector<32xbf16> -> vector<16xf32>
      %parallel_loop3A_770 = tpu.unpack_subelements %parallel_loop3A_768, 1 {pack_format = #tpu.pack_format<interleaved>} : vector<32xbf16> -> vector<16xf32>
      %parallel_loop3A_771 = vector.bitcast %parallel_loop3A_767 : vector<16xf32> to vector<32xbf16>
      %parallel_loop3A_772 = tpu.unpack_subelements %parallel_loop3A_771, 0 {pack_format = #tpu.pack_format<interleaved>} : vector<32xbf16> -> vector<16xf32>
      %parallel_loop3A_773 = tpu.unpack_subelements %parallel_loop3A_771, 1 {pack_format = #tpu.pack_format<interleaved>} : vector<32xbf16> -> vector<16xf32>
      %parallel_loop3A_774 = arith.subf %parallel_loop3A_769, %parallel_loop3A_772 : vector<16xf32>
      %parallel_loop3A_775 = arith.subf %parallel_loop3A_770, %parallel_loop3A_773 : vector<16xf32>
      %parallel_loop3A_776 = vector.bitcast %parallel_loop3A_775 : vector<16xf32> to vector<16xi32>
      %parallel_loop3A_777 = arith.constant -2147483648 : i32
      %parallel_loop3A_778 = vector.broadcast %parallel_loop3A_777 : i32 to vector<16xi32>
      %parallel_loop3A_779 = arith.andi %parallel_loop3A_776, %parallel_loop3A_778 : vector<16xi32>
      %parallel_loop3A_780 = vector.bitcast %parallel_loop3A_774 : vector<16xf32> to vector<16xi32>
      %parallel_loop3A_781 = arith.xori %parallel_loop3A_780, %parallel_loop3A_779 : vector<16xi32>
      %parallel_loop3A_782 = vector.bitcast %parallel_loop3A_781 : vector<16xi32> to vector<16xf32>
      %parallel_loop3A_783 = arith.constant 1.000000e+00 : f32
      %parallel_loop3A_784 = vector.broadcast %parallel_loop3A_783 : f32 to vector<16xf32>
      %parallel_loop3A_785 = arith.subf %parallel_loop3A_784, %parallel_loop3A_782 : vector<16xf32>
      %parallel_loop3A_786 = arith.constant 0.000000e+00 : f32
      %parallel_loop3A_787 = vector.broadcast %parallel_loop3A_786 : f32 to vector<16xf32>
      %parallel_loop3A_788 = arith.maximumf %parallel_loop3A_785, %parallel_loop3A_787 : vector<16xf32>
      %parallel_loop3A_789 = math.absf %parallel_loop3A_775 : vector<16xf32>
      %parallel_loop3A_790 = arith.constant 1.000000e-01 : f32
      %parallel_loop3A_791 = vector.broadcast %parallel_loop3A_790 : f32 to vector<16xf32>
      %parallel_loop3A_792 = arith.cmpf ogt, %parallel_loop3A_789, %parallel_loop3A_791 : vector<16xf32>
      %parallel_loop3A_793 = arith.constant 1.000000e+00 : f32
      %parallel_loop3A_794 = arith.constant 0.000000e+00 : f32
      %parallel_loop3A_795 = vector.broadcast %parallel_loop3A_793 : f32 to vector<16xf32>
      %parallel_loop3A_796 = vector.broadcast %parallel_loop3A_794 : f32 to vector<16xf32>
      %parallel_loop3A_797 = arith.select %parallel_loop3A_792, %parallel_loop3A_795, %parallel_loop3A_796 : vector<16xi1>, vector<16xf32>
      %parallel_loop3A_798 = arith.mulf %parallel_loop3A_788, %parallel_loop3A_797 : vector<16xf32>
      %parallel_loop3A_799 = arith.addf %parallel_loop3A_749, %parallel_loop3A_798 : vector<16xf32>
      %parallel_loop3A_800 = arith.addf %parallel_loop3A_750, %parallel_loop3A_797 : vector<16xf32>
      scf.yield %parallel_loop3A_799, %parallel_loop3A_800 : vector<16xf32>, vector<16xf32>
    } {sc.loop_unroll_factor = 4 : i64, sc.parallel_access}
    %dma_start3A_674 = arith.constant 15 : i32
    %dma_start3A_675 = arith.constant 1 : i32
    %dma_start3A_676 = arith.constant 1 : i32
    %dma_start3A_677 = arith.constant 0 : i32
    %dma_start3A_678 = arith.constant 0 : i32
    %dma_start3A_679 = tpu.memref_slice %arg7[%dma_start3A_675, %dma_start3A_677, %dma_start3A_678] : memref<2x2x4096xi32, #tpu.memory_space<vmem>> -> memref<1x2x4096xi32, #tpu.memory_space<vmem>>
    %dma_start3A_680 = tpu.memref_squeeze %dma_start3A_679 : memref<1x2x4096xi32, #tpu.memory_space<vmem>> -> memref<2x4096xi32, #tpu.memory_space<vmem>>
    %dma_start3A_681 = arith.constant 0 : i32
    %dma_start3A_682 = arith.constant 0 : i32
    %dma_start3A_683 = tpu.memref_slice %arg3[%add3A, %dma_start3A_674, %dma_start3A_681, %dma_start3A_682] : memref<32x16x2x4096xi32, #tpu.memory_space<hbm>> -> memref<1x1x2x4096xi32, #tpu.memory_space<hbm>>
    %dma_start3A_684 = tpu.memref_squeeze %dma_start3A_683 : memref<1x1x2x4096xi32, #tpu.memory_space<hbm>> -> memref<2x4096xi32, #tpu.memory_space<hbm>>
    %dma_start3A_685 = tpu.memref_slice %arg9[%dma_start3A_676] : memref<2x!tpu.dma_semaphore, #tpu.memory_space<semaphore_mem>> -> memref<1x!tpu.dma_semaphore, #tpu.memory_space<semaphore_mem>>
    %dma_start3A_686 = tpu.memref_squeeze %dma_start3A_685 : memref<1x!tpu.dma_semaphore, #tpu.memory_space<semaphore_mem>> -> memref<!tpu.dma_semaphore, #tpu.memory_space<semaphore_mem>>
    %dma_start3A_687 = arith.constant 0 : i32
    %dma_start3A_688 = arith.constant 0 : i32
    %dma_start3A_689 = tpu.memref_slice %arg7[%dma_start3A_675, %dma_start3A_687, %dma_start3A_688] : memref<2x2x4096xi32, #tpu.memory_space<vmem>> -> memref<1x2x4096xi32, #tpu.memory_space<vmem>>
    %dma_start3A_690 = tpu.memref_squeeze %dma_start3A_689 : memref<1x2x4096xi32, #tpu.memory_space<vmem>> -> memref<2x4096xi32, #tpu.memory_space<vmem>>
    %dma_start3A_691 = arith.constant 0 : i32
    %dma_start3A_692 = arith.constant 0 : i32
    %dma_start3A_693 = tpu.memref_slice %arg3[%add3A, %dma_start3A_674, %dma_start3A_691, %dma_start3A_692] : memref<32x16x2x4096xi32, #tpu.memory_space<hbm>> -> memref<1x1x2x4096xi32, #tpu.memory_space<hbm>>
    %dma_start3A_694 = tpu.memref_squeeze %dma_start3A_693 : memref<1x1x2x4096xi32, #tpu.memory_space<hbm>> -> memref<2x4096xi32, #tpu.memory_space<hbm>>
    tpu.enqueue_dma source(%dma_start3A_694 : memref<2x4096xi32, #tpu.memory_space<hbm>>) target(%dma_start3A_690 : memref<2x4096xi32, #tpu.memory_space<vmem>>) target_semaphore(%dma_start3A_686 : memref<!tpu.dma_semaphore, #tpu.memory_space<semaphore_mem>>)
    %dma_wait3A_695 = arith.constant 14 : i32
    %dma_wait3A_696 = arith.constant 0 : i32
    %dma_wait3A_697 = arith.constant 0 : i32
    %dma_wait3A_698 = arith.constant 0 : i32
    %dma_wait3A_699 = arith.constant 0 : i32
    %dma_wait3A_700 = tpu.memref_slice %arg7[%dma_wait3A_696, %dma_wait3A_698, %dma_wait3A_699] : memref<2x2x4096xi32, #tpu.memory_space<vmem>> -> memref<1x2x4096xi32, #tpu.memory_space<vmem>>
    %dma_wait3A_701 = tpu.memref_squeeze %dma_wait3A_700 : memref<1x2x4096xi32, #tpu.memory_space<vmem>> -> memref<2x4096xi32, #tpu.memory_space<vmem>>
    %dma_wait3A_702 = arith.constant 0 : i32
    %dma_wait3A_703 = arith.constant 0 : i32
    %dma_wait3A_704 = tpu.memref_slice %arg3[%add3A, %dma_wait3A_695, %dma_wait3A_702, %dma_wait3A_703] : memref<32x16x2x4096xi32, #tpu.memory_space<hbm>> -> memref<1x1x2x4096xi32, #tpu.memory_space<hbm>>
    %dma_wait3A_705 = tpu.memref_squeeze %dma_wait3A_704 : memref<1x1x2x4096xi32, #tpu.memory_space<hbm>> -> memref<2x4096xi32, #tpu.memory_space<hbm>>
    %dma_wait3A_706 = tpu.memref_slice %arg9[%dma_wait3A_697] : memref<2x!tpu.dma_semaphore, #tpu.memory_space<semaphore_mem>> -> memref<1x!tpu.dma_semaphore, #tpu.memory_space<semaphore_mem>>
    %dma_wait3A_707 = tpu.memref_squeeze %dma_wait3A_706 : memref<1x!tpu.dma_semaphore, #tpu.memory_space<semaphore_mem>> -> memref<!tpu.dma_semaphore, #tpu.memory_space<semaphore_mem>>
    %dma_wait3A_708 = arith.constant 0 : i32
    %dma_wait3A_709 = arith.constant 0 : i32
    %dma_wait3A_710 = tpu.memref_slice %arg7[%dma_wait3A_696, %dma_wait3A_708, %dma_wait3A_709] : memref<2x2x4096xi32, #tpu.memory_space<vmem>> -> memref<1x2x4096xi32, #tpu.memory_space<vmem>>
    %dma_wait3A_711 = tpu.memref_squeeze %dma_wait3A_710 : memref<1x2x4096xi32, #tpu.memory_space<vmem>> -> memref<2x4096xi32, #tpu.memory_space<vmem>>
    %dma_wait3A_712 = arith.constant 0 : i32
    %dma_wait3A_713 = arith.constant 0 : i32
    %dma_wait3A_714 = tpu.memref_slice %arg3[%add3A, %dma_wait3A_695, %dma_wait3A_712, %dma_wait3A_713] : memref<32x16x2x4096xi32, #tpu.memory_space<hbm>> -> memref<1x1x2x4096xi32, #tpu.memory_space<hbm>>
    %dma_wait3A_715 = tpu.memref_squeeze %dma_wait3A_714 : memref<1x1x2x4096xi32, #tpu.memory_space<hbm>> -> memref<2x4096xi32, #tpu.memory_space<hbm>>
    tpu.wait_dma2 semaphore(%dma_wait3A_707 : memref<!tpu.dma_semaphore, #tpu.memory_space<semaphore_mem>>) src(%dma_wait3A_715 : memref<2x4096xi32, #tpu.memory_space<hbm>>) dst(%dma_wait3A_711 : memref<2x4096xi32, #tpu.memory_space<vmem>>)
    %parallel_loop3A_716 = arith.constant 0 : i32
    %parallel_loop3A_717 = arith.constant 256 : i32
    %parallel_loop3A_718 = arith.constant 1 : i32
    %parallel_loop3A_719:2 = scf.for %parallel_loop3A_748 = %parallel_loop3A_716 to %parallel_loop3A_717 step %parallel_loop3A_718 iter_args(%parallel_loop3A_749 = %parallel_loop3A_673#0, %parallel_loop3A_750 = %parallel_loop3A_673#1) -> (vector<16xf32>, vector<16xf32>)  : i32 {
      %parallel_loop3A_751 = arith.constant 16 : i32
      %parallel_loop3A_752 = arith.muli %parallel_loop3A_748, %parallel_loop3A_751 : i32
      %parallel_loop3A_753 = tpu.assume_multiple %parallel_loop3A_752, 16 : i32
      %parallel_loop3A_754 = arith.constant 0 : i32
      %parallel_loop3A_755 = arith.constant 0 : i32
      %parallel_loop3A_756 = arith.index_cast %parallel_loop3A_754 : i32 to index
      %parallel_loop3A_757 = arith.index_cast %parallel_loop3A_755 : i32 to index
      %parallel_loop3A_758 = arith.index_cast %parallel_loop3A_753 : i32 to index
      %parallel_loop3A_759 = tpu.vector_load %arg7[%parallel_loop3A_756, %parallel_loop3A_757, %parallel_loop3A_758] {strides = array<i32>} : memref<2x2x4096xi32, #tpu.memory_space<vmem>>, vector<16xi32>,
      %parallel_loop3A_760 = arith.constant 0 : i32
      %parallel_loop3A_761 = arith.constant 1 : i32
      %parallel_loop3A_762 = arith.index_cast %parallel_loop3A_760 : i32 to index
      %parallel_loop3A_763 = arith.index_cast %parallel_loop3A_761 : i32 to index
      %parallel_loop3A_764 = arith.index_cast %parallel_loop3A_753 : i32 to index
      %parallel_loop3A_765 = tpu.vector_load %arg7[%parallel_loop3A_762, %parallel_loop3A_763, %parallel_loop3A_764] {strides = array<i32>} : memref<2x2x4096xi32, #tpu.memory_space<vmem>>, vector<16xi32>,
      %parallel_loop3A_766 = tpu.vector_load_idx %arg6[%parallel_loop3A_759] : memref<100000xf32, #tpu.memory_space<vmem>>[vector<16xi32>], vector<16xf32>,
      %parallel_loop3A_767 = tpu.vector_load_idx %arg6[%parallel_loop3A_765] : memref<100000xf32, #tpu.memory_space<vmem>>[vector<16xi32>], vector<16xf32>,
      %parallel_loop3A_768 = vector.bitcast %parallel_loop3A_766 : vector<16xf32> to vector<32xbf16>
      %parallel_loop3A_769 = tpu.unpack_subelements %parallel_loop3A_768, 0 {pack_format = #tpu.pack_format<interleaved>} : vector<32xbf16> -> vector<16xf32>
      %parallel_loop3A_770 = tpu.unpack_subelements %parallel_loop3A_768, 1 {pack_format = #tpu.pack_format<interleaved>} : vector<32xbf16> -> vector<16xf32>
      %parallel_loop3A_771 = vector.bitcast %parallel_loop3A_767 : vector<16xf32> to vector<32xbf16>
      %parallel_loop3A_772 = tpu.unpack_subelements %parallel_loop3A_771, 0 {pack_format = #tpu.pack_format<interleaved>} : vector<32xbf16> -> vector<16xf32>
      %parallel_loop3A_773 = tpu.unpack_subelements %parallel_loop3A_771, 1 {pack_format = #tpu.pack_format<interleaved>} : vector<32xbf16> -> vector<16xf32>
      %parallel_loop3A_774 = arith.subf %parallel_loop3A_769, %parallel_loop3A_772 : vector<16xf32>
      %parallel_loop3A_775 = arith.subf %parallel_loop3A_770, %parallel_loop3A_773 : vector<16xf32>
      %parallel_loop3A_776 = vector.bitcast %parallel_loop3A_775 : vector<16xf32> to vector<16xi32>
      %parallel_loop3A_777 = arith.constant -2147483648 : i32
      %parallel_loop3A_778 = vector.broadcast %parallel_loop3A_777 : i32 to vector<16xi32>
      %parallel_loop3A_779 = arith.andi %parallel_loop3A_776, %parallel_loop3A_778 : vector<16xi32>
      %parallel_loop3A_780 = vector.bitcast %parallel_loop3A_774 : vector<16xf32> to vector<16xi32>
      %parallel_loop3A_781 = arith.xori %parallel_loop3A_780, %parallel_loop3A_779 : vector<16xi32>
      %parallel_loop3A_782 = vector.bitcast %parallel_loop3A_781 : vector<16xi32> to vector<16xf32>
      %parallel_loop3A_783 = arith.constant 1.000000e+00 : f32
      %parallel_loop3A_784 = vector.broadcast %parallel_loop3A_783 : f32 to vector<16xf32>
      %parallel_loop3A_785 = arith.subf %parallel_loop3A_784, %parallel_loop3A_782 : vector<16xf32>
      %parallel_loop3A_786 = arith.constant 0.000000e+00 : f32
      %parallel_loop3A_787 = vector.broadcast %parallel_loop3A_786 : f32 to vector<16xf32>
      %parallel_loop3A_788 = arith.maximumf %parallel_loop3A_785, %parallel_loop3A_787 : vector<16xf32>
      %parallel_loop3A_789 = math.absf %parallel_loop3A_775 : vector<16xf32>
      %parallel_loop3A_790 = arith.constant 1.000000e-01 : f32
      %parallel_loop3A_791 = vector.broadcast %parallel_loop3A_790 : f32 to vector<16xf32>
      %parallel_loop3A_792 = arith.cmpf ogt, %parallel_loop3A_789, %parallel_loop3A_791 : vector<16xf32>
      %parallel_loop3A_793 = arith.constant 1.000000e+00 : f32
      %parallel_loop3A_794 = arith.constant 0.000000e+00 : f32
      %parallel_loop3A_795 = vector.broadcast %parallel_loop3A_793 : f32 to vector<16xf32>
      %parallel_loop3A_796 = vector.broadcast %parallel_loop3A_794 : f32 to vector<16xf32>
      %parallel_loop3A_797 = arith.select %parallel_loop3A_792, %parallel_loop3A_795, %parallel_loop3A_796 : vector<16xi1>, vector<16xf32>
      %parallel_loop3A_798 = arith.mulf %parallel_loop3A_788, %parallel_loop3A_797 : vector<16xf32>
      %parallel_loop3A_799 = arith.addf %parallel_loop3A_749, %parallel_loop3A_798 : vector<16xf32>
      %parallel_loop3A_800 = arith.addf %parallel_loop3A_750, %parallel_loop3A_797 : vector<16xf32>
      scf.yield %parallel_loop3A_799, %parallel_loop3A_800 : vector<16xf32>, vector<16xf32>
    } {sc.loop_unroll_factor = 4 : i64, sc.parallel_access}
    %dma_wait3A_720 = arith.constant 15 : i32
    %dma_wait3A_721 = arith.constant 1 : i32
    %dma_wait3A_722 = arith.constant 1 : i32
    %dma_wait3A_723 = arith.constant 0 : i32
    %dma_wait3A_724 = arith.constant 0 : i32
    %dma_wait3A_725 = tpu.memref_slice %arg7[%dma_wait3A_721, %dma_wait3A_723, %dma_wait3A_724] : memref<2x2x4096xi32, #tpu.memory_space<vmem>> -> memref<1x2x4096xi32, #tpu.memory_space<vmem>>
    %dma_wait3A_726 = tpu.memref_squeeze %dma_wait3A_725 : memref<1x2x4096xi32, #tpu.memory_space<vmem>> -> memref<2x4096xi32, #tpu.memory_space<vmem>>
    %dma_wait3A_727 = arith.constant 0 : i32
    %dma_wait3A_728 = arith.constant 0 : i32
    %dma_wait3A_729 = tpu.memref_slice %arg3[%add3A, %dma_wait3A_720, %dma_wait3A_727, %dma_wait3A_728] : memref<32x16x2x4096xi32, #tpu.memory_space<hbm>> -> memref<1x1x2x4096xi32, #tpu.memory_space<hbm>>
    %dma_wait3A_730 = tpu.memref_squeeze %dma_wait3A_729 : memref<1x1x2x4096xi32, #tpu.memory_space<hbm>> -> memref<2x4096xi32, #tpu.memory_space<hbm>>
    %dma_wait3A_731 = tpu.memref_slice %arg9[%dma_wait3A_722] : memref<2x!tpu.dma_semaphore, #tpu.memory_space<semaphore_mem>> -> memref<1x!tpu.dma_semaphore, #tpu.memory_space<semaphore_mem>>
    %dma_wait3A_732 = tpu.memref_squeeze %dma_wait3A_731 : memref<1x!tpu.dma_semaphore, #tpu.memory_space<semaphore_mem>> -> memref<!tpu.dma_semaphore, #tpu.memory_space<semaphore_mem>>
    %dma_wait3A_733 = arith.constant 0 : i32
    %dma_wait3A_734 = arith.constant 0 : i32
    %dma_wait3A_735 = tpu.memref_slice %arg7[%dma_wait3A_721, %dma_wait3A_733, %dma_wait3A_734] : memref<2x2x4096xi32, #tpu.memory_space<vmem>> -> memref<1x2x4096xi32, #tpu.memory_space<vmem>>
    %dma_wait3A_736 = tpu.memref_squeeze %dma_wait3A_735 : memref<1x2x4096xi32, #tpu.memory_space<vmem>> -> memref<2x4096xi32, #tpu.memory_space<vmem>>
    %dma_wait3A_737 = arith.constant 0 : i32
    %dma_wait3A_738 = arith.constant 0 : i32
    %dma_wait3A_739 = tpu.memref_slice %arg3[%add3A, %dma_wait3A_720, %dma_wait3A_737, %dma_wait3A_738] : memref<32x16x2x4096xi32, #tpu.memory_space<hbm>> -> memref<1x1x2x4096xi32, #tpu.memory_space<hbm>>
    %dma_wait3A_740 = tpu.memref_squeeze %dma_wait3A_739 : memref<1x1x2x4096xi32, #tpu.memory_space<hbm>> -> memref<2x4096xi32, #tpu.memory_space<hbm>>
    tpu.wait_dma2 semaphore(%dma_wait3A_732 : memref<!tpu.dma_semaphore, #tpu.memory_space<semaphore_mem>>) src(%dma_wait3A_740 : memref<2x4096xi32, #tpu.memory_space<hbm>>) dst(%dma_wait3A_736 : memref<2x4096xi32, #tpu.memory_space<vmem>>)
    %parallel_loop3A_741 = arith.constant 0 : i32
    %parallel_loop3A_742 = arith.constant 256 : i32
    %parallel_loop3A_743 = arith.constant 1 : i32
    %parallel_loop3A_744:2 = scf.for %parallel_loop3A_748 = %parallel_loop3A_741 to %parallel_loop3A_742 step %parallel_loop3A_743 iter_args(%parallel_loop3A_749 = %parallel_loop3A_719#0, %parallel_loop3A_750 = %parallel_loop3A_719#1) -> (vector<16xf32>, vector<16xf32>)  : i32 {
      %parallel_loop3A_751 = arith.constant 16 : i32
      %parallel_loop3A_752 = arith.muli %parallel_loop3A_748, %parallel_loop3A_751 : i32
      %parallel_loop3A_753 = tpu.assume_multiple %parallel_loop3A_752, 16 : i32
      %parallel_loop3A_754 = arith.constant 1 : i32
      %parallel_loop3A_755 = arith.constant 0 : i32
      %parallel_loop3A_756 = arith.index_cast %parallel_loop3A_754 : i32 to index
      %parallel_loop3A_757 = arith.index_cast %parallel_loop3A_755 : i32 to index
      %parallel_loop3A_758 = arith.index_cast %parallel_loop3A_753 : i32 to index
      %parallel_loop3A_759 = tpu.vector_load %arg7[%parallel_loop3A_756, %parallel_loop3A_757, %parallel_loop3A_758] {strides = array<i32>} : memref<2x2x4096xi32, #tpu.memory_space<vmem>>, vector<16xi32>,
      %parallel_loop3A_760 = arith.constant 1 : i32
      %parallel_loop3A_761 = arith.constant 1 : i32
      %parallel_loop3A_762 = arith.index_cast %parallel_loop3A_760 : i32 to index
      %parallel_loop3A_763 = arith.index_cast %parallel_loop3A_761 : i32 to index
      %parallel_loop3A_764 = arith.index_cast %parallel_loop3A_753 : i32 to index
      %parallel_loop3A_765 = tpu.vector_load %arg7[%parallel_loop3A_762, %parallel_loop3A_763, %parallel_loop3A_764] {strides = array<i32>} : memref<2x2x4096xi32, #tpu.memory_space<vmem>>, vector<16xi32>,
      %parallel_loop3A_766 = tpu.vector_load_idx %arg6[%parallel_loop3A_759] : memref<100000xf32, #tpu.memory_space<vmem>>[vector<16xi32>], vector<16xf32>,
      %parallel_loop3A_767 = tpu.vector_load_idx %arg6[%parallel_loop3A_765] : memref<100000xf32, #tpu.memory_space<vmem>>[vector<16xi32>], vector<16xf32>,
      %parallel_loop3A_768 = vector.bitcast %parallel_loop3A_766 : vector<16xf32> to vector<32xbf16>
      %parallel_loop3A_769 = tpu.unpack_subelements %parallel_loop3A_768, 0 {pack_format = #tpu.pack_format<interleaved>} : vector<32xbf16> -> vector<16xf32>
      %parallel_loop3A_770 = tpu.unpack_subelements %parallel_loop3A_768, 1 {pack_format = #tpu.pack_format<interleaved>} : vector<32xbf16> -> vector<16xf32>
      %parallel_loop3A_771 = vector.bitcast %parallel_loop3A_767 : vector<16xf32> to vector<32xbf16>
      %parallel_loop3A_772 = tpu.unpack_subelements %parallel_loop3A_771, 0 {pack_format = #tpu.pack_format<interleaved>} : vector<32xbf16> -> vector<16xf32>
      %parallel_loop3A_773 = tpu.unpack_subelements %parallel_loop3A_771, 1 {pack_format = #tpu.pack_format<interleaved>} : vector<32xbf16> -> vector<16xf32>
      %parallel_loop3A_774 = arith.subf %parallel_loop3A_769, %parallel_loop3A_772 : vector<16xf32>
      %parallel_loop3A_775 = arith.subf %parallel_loop3A_770, %parallel_loop3A_773 : vector<16xf32>
      %parallel_loop3A_776 = vector.bitcast %parallel_loop3A_775 : vector<16xf32> to vector<16xi32>
      %parallel_loop3A_777 = arith.constant -2147483648 : i32
      %parallel_loop3A_778 = vector.broadcast %parallel_loop3A_777 : i32 to vector<16xi32>
      %parallel_loop3A_779 = arith.andi %parallel_loop3A_776, %parallel_loop3A_778 : vector<16xi32>
      %parallel_loop3A_780 = vector.bitcast %parallel_loop3A_774 : vector<16xf32> to vector<16xi32>
      %parallel_loop3A_781 = arith.xori %parallel_loop3A_780, %parallel_loop3A_779 : vector<16xi32>
      %parallel_loop3A_782 = vector.bitcast %parallel_loop3A_781 : vector<16xi32> to vector<16xf32>
      %parallel_loop3A_783 = arith.constant 1.000000e+00 : f32
      %parallel_loop3A_784 = vector.broadcast %parallel_loop3A_783 : f32 to vector<16xf32>
      %parallel_loop3A_785 = arith.subf %parallel_loop3A_784, %parallel_loop3A_782 : vector<16xf32>
      %parallel_loop3A_786 = arith.constant 0.000000e+00 : f32
      %parallel_loop3A_787 = vector.broadcast %parallel_loop3A_786 : f32 to vector<16xf32>
      %parallel_loop3A_788 = arith.maximumf %parallel_loop3A_785, %parallel_loop3A_787 : vector<16xf32>
      %parallel_loop3A_789 = math.absf %parallel_loop3A_775 : vector<16xf32>
      %parallel_loop3A_790 = arith.constant 1.000000e-01 : f32
      %parallel_loop3A_791 = vector.broadcast %parallel_loop3A_790 : f32 to vector<16xf32>
      %parallel_loop3A_792 = arith.cmpf ogt, %parallel_loop3A_789, %parallel_loop3A_791 : vector<16xf32>
      %parallel_loop3A_793 = arith.constant 1.000000e+00 : f32
      %parallel_loop3A_794 = arith.constant 0.000000e+00 : f32
      %parallel_loop3A_795 = vector.broadcast %parallel_loop3A_793 : f32 to vector<16xf32>
      %parallel_loop3A_796 = vector.broadcast %parallel_loop3A_794 : f32 to vector<16xf32>
      %parallel_loop3A_797 = arith.select %parallel_loop3A_792, %parallel_loop3A_795, %parallel_loop3A_796 : vector<16xi1>, vector<16xf32>
      %parallel_loop3A_798 = arith.mulf %parallel_loop3A_788, %parallel_loop3A_797 : vector<16xf32>
      %parallel_loop3A_799 = arith.addf %parallel_loop3A_749, %parallel_loop3A_798 : vector<16xf32>
      %parallel_loop3A_800 = arith.addf %parallel_loop3A_750, %parallel_loop3A_797 : vector<16xf32>
      scf.yield %parallel_loop3A_799, %parallel_loop3A_800 : vector<16xf32>, vector<16xf32>
    } {sc.loop_unroll_factor = 4 : i64, sc.parallel_access}
    %swap3A = arith.constant 0 : index
    %swap3A_745 = tpu.vector_load %arg8[%swap3A] {strides = array<i32>} : memref<32xf32, #tpu.memory_space<vmem>>, vector<16xf32>,
    tpu.vector_store %arg8[%swap3A], %parallel_loop3A_744#0 {strides = array<i32>} : memref<32xf32, #tpu.memory_space<vmem>>, vector<16xf32>,
    %swap3A_746 = arith.constant 16 : index
    %swap3A_747 = tpu.vector_load %arg8[%swap3A_746] {strides = array<i32>} : memref<32xf32, #tpu.memory_space<vmem>>, vector<16xf32>,
    tpu.vector_store %arg8[%swap3A_746], %parallel_loop3A_744#1 {strides = array<i32>} : memref<32xf32, #tpu.memory_space<vmem>>, vector<16xf32>,
    "tpu.region"() ({
      %run_scoped3A = tpu.sem_alloc : memref<!tpu.dma_semaphore, #tpu.memory_space<semaphore_mem>>
      %dma_start3A_748 = arith.constant 0 : i32
      %dma_start3A_749 = tpu.memref_slice %arg8[%dma_start3A_748] : memref<32xf32, #tpu.memory_space<vmem>> -> memref<16xf32, #tpu.memory_space<vmem>>
      %dma_start3A_750 = arith.constant 0 : i32
      %dma_start3A_751 = tpu.memref_slice %arg4[%add3A, %dma_start3A_750] : memref<32x16xf32, #tpu.memory_space<hbm>> -> memref<1x16xf32, #tpu.memory_space<hbm>>
      %dma_start3A_752 = tpu.memref_squeeze %dma_start3A_751 : memref<1x16xf32, #tpu.memory_space<hbm>> -> memref<16xf32, #tpu.memory_space<hbm>>
      %dma_start3A_753 = arith.constant 0 : i32
      %dma_start3A_754 = tpu.memref_slice %arg4[%add3A, %dma_start3A_753] : memref<32x16xf32, #tpu.memory_space<hbm>> -> memref<1x16xf32, #tpu.memory_space<hbm>>
      %dma_start3A_755 = tpu.memref_squeeze %dma_start3A_754 : memref<1x16xf32, #tpu.memory_space<hbm>> -> memref<16xf32, #tpu.memory_space<hbm>>
      %dma_start3A_756 = arith.constant 0 : i32
      %dma_start3A_757 = tpu.memref_slice %arg8[%dma_start3A_756] : memref<32xf32, #tpu.memory_space<vmem>> -> memref<16xf32, #tpu.memory_space<vmem>>
      tpu.enqueue_dma source(%dma_start3A_757 : memref<16xf32, #tpu.memory_space<vmem>>) target(%dma_start3A_755 : memref<16xf32, #tpu.memory_space<hbm>>) target_semaphore(%run_scoped3A : memref<!tpu.dma_semaphore, #tpu.memory_space<semaphore_mem>>)
      %dma_wait3A_758 = arith.constant 0 : i32
      %dma_wait3A_759 = tpu.memref_slice %arg8[%dma_wait3A_758] : memref<32xf32, #tpu.memory_space<vmem>> -> memref<16xf32, #tpu.memory_space<vmem>>
      %dma_wait3A_760 = arith.constant 0 : i32
      %dma_wait3A_761 = tpu.memref_slice %arg4[%add3A, %dma_wait3A_760] : memref<32x16xf32, #tpu.memory_space<hbm>> -> memref<1x16xf32, #tpu.memory_space<hbm>>
      %dma_wait3A_762 = tpu.memref_squeeze %dma_wait3A_761 : memref<1x16xf32, #tpu.memory_space<hbm>> -> memref<16xf32, #tpu.memory_space<hbm>>
      %dma_wait3A_763 = arith.constant 0 : i32
      %dma_wait3A_764 = tpu.memref_slice %arg4[%add3A, %dma_wait3A_763] : memref<32x16xf32, #tpu.memory_space<hbm>> -> memref<1x16xf32, #tpu.memory_space<hbm>>
      %dma_wait3A_765 = tpu.memref_squeeze %dma_wait3A_764 : memref<1x16xf32, #tpu.memory_space<hbm>> -> memref<16xf32, #tpu.memory_space<hbm>>
      %dma_wait3A_766 = arith.constant 0 : i32
      %dma_wait3A_767 = tpu.memref_slice %arg8[%dma_wait3A_766] : memref<32xf32, #tpu.memory_space<vmem>> -> memref<16xf32, #tpu.memory_space<vmem>>
      tpu.wait_dma2 semaphore(%run_scoped3A : memref<!tpu.dma_semaphore, #tpu.memory_space<semaphore_mem>>) src(%dma_wait3A_767 : memref<16xf32, #tpu.memory_space<vmem>>) dst(%dma_wait3A_765 : memref<16xf32, #tpu.memory_space<hbm>>)
      tpu.yield
    }) : () -> ()
    "tpu.region"() ({
      %run_scoped3A = tpu.sem_alloc : memref<!tpu.dma_semaphore, #tpu.memory_space<semaphore_mem>>
      %dma_start3A_748 = arith.constant 16 : i32
      %dma_start3A_749 = tpu.memref_slice %arg8[%dma_start3A_748] : memref<32xf32, #tpu.memory_space<vmem>> -> memref<16xf32, #tpu.memory_space<vmem>>
      %dma_start3A_750 = arith.constant 0 : i32
      %dma_start3A_751 = tpu.memref_slice %arg5[%add3A, %dma_start3A_750] : memref<32x16xf32, #tpu.memory_space<hbm>> -> memref<1x16xf32, #tpu.memory_space<hbm>>
      %dma_start3A_752 = tpu.memref_squeeze %dma_start3A_751 : memref<1x16xf32, #tpu.memory_space<hbm>> -> memref<16xf32, #tpu.memory_space<hbm>>
      %dma_start3A_753 = arith.constant 0 : i32
      %dma_start3A_754 = tpu.memref_slice %arg5[%add3A, %dma_start3A_753] : memref<32x16xf32, #tpu.memory_space<hbm>> -> memref<1x16xf32, #tpu.memory_space<hbm>>
      %dma_start3A_755 = tpu.memref_squeeze %dma_start3A_754 : memref<1x16xf32, #tpu.memory_space<hbm>> -> memref<16xf32, #tpu.memory_space<hbm>>
      %dma_start3A_756 = arith.constant 16 : i32
      %dma_start3A_757 = tpu.memref_slice %arg8[%dma_start3A_756] : memref<32xf32, #tpu.memory_space<vmem>> -> memref<16xf32, #tpu.memory_space<vmem>>
      tpu.enqueue_dma source(%dma_start3A_757 : memref<16xf32, #tpu.memory_space<vmem>>) target(%dma_start3A_755 : memref<16xf32, #tpu.memory_space<hbm>>) target_semaphore(%run_scoped3A : memref<!tpu.dma_semaphore, #tpu.memory_space<semaphore_mem>>)
      %dma_wait3A_758 = arith.constant 16 : i32
      %dma_wait3A_759 = tpu.memref_slice %arg8[%dma_wait3A_758] : memref<32xf32, #tpu.memory_space<vmem>> -> memref<16xf32, #tpu.memory_space<vmem>>
      %dma_wait3A_760 = arith.constant 0 : i32
      %dma_wait3A_761 = tpu.memref_slice %arg5[%add3A, %dma_wait3A_760] : memref<32x16xf32, #tpu.memory_space<hbm>> -> memref<1x16xf32, #tpu.memory_space<hbm>>
      %dma_wait3A_762 = tpu.memref_squeeze %dma_wait3A_761 : memref<1x16xf32, #tpu.memory_space<hbm>> -> memref<16xf32, #tpu.memory_space<hbm>>
      %dma_wait3A_763 = arith.constant 0 : i32
      %dma_wait3A_764 = tpu.memref_slice %arg5[%add3A, %dma_wait3A_763] : memref<32x16xf32, #tpu.memory_space<hbm>> -> memref<1x16xf32, #tpu.memory_space<hbm>>
      %dma_wait3A_765 = tpu.memref_squeeze %dma_wait3A_764 : memref<1x16xf32, #tpu.memory_space<hbm>> -> memref<16xf32, #tpu.memory_space<hbm>>
      %dma_wait3A_766 = arith.constant 16 : i32
      %dma_wait3A_767 = tpu.memref_slice %arg8[%dma_wait3A_766] : memref<32xf32, #tpu.memory_space<vmem>> -> memref<16xf32, #tpu.memory_space<vmem>>
      tpu.wait_dma2 semaphore(%run_scoped3A : memref<!tpu.dma_semaphore, #tpu.memory_space<semaphore_mem>>) src(%dma_wait3A_767 : memref<16xf32, #tpu.memory_space<vmem>>) dst(%dma_wait3A_765 : memref<16xf32, #tpu.memory_space<hbm>>)
      tpu.yield
    }) : () -> ()
    return
  }
}

module attributes {stable_mosaic.version = 14 : i64} {
  func.func @_pack_kernel(%arg0: memref<782x128xf32, #tpu.memory_space<vmem>>, %arg1: memref<782x128xf32, #tpu.memory_space<vmem>>, %arg2: memref<782x128xf32, #tpu.memory_space<vmem>>, %arg3: memref<782x128xf32, #tpu.memory_space<vmem>>, %arg4: memref<782x128xf32, #tpu.memory_space<vmem>>, %arg5: memref<782x128xf32, #tpu.memory_space<vmem>>) attributes {dimension_semantics = [], scalar_prefetch = 0 : i64, scratch_operands = 0 : i64, tpu.core_type = #tpu.core_type<tc>} {
    %get3A = arith.constant 0 : index
    %get3A_0 = arith.constant 0 : index
    %get3A_1 = vector.load %arg0[%get3A, %get3A_0] : memref<782x128xf32, #tpu.memory_space<vmem>>, vector<782x128xf32>
    %jit3A = arith.constant 0.000000e+00 : f32
    %jit3A_2 = arith.constant 1.000000e+00 : f32
    %max3A = vector.broadcast %jit3A : f32 to vector<782x128xf32>
    %max3A_3 = arith.maximumf %max3A, %get3A_1 : vector<782x128xf32>
    %min3A = vector.broadcast %jit3A_2 : f32 to vector<782x128xf32>
    %min3A_4 = arith.minimumf %min3A, %max3A_3 : vector<782x128xf32>
    %mul3A = arith.constant 2.500000e-01 : f32
    %mul3A_5 = vector.broadcast %mul3A : f32 to vector<782x128xf32>
    %mul3A_6 = arith.mulf %mul3A_5, %min3A_4 : vector<782x128xf32>
    %sub3A = arith.constant 1.000000e+00 : f32
    %sub3A_7 = vector.broadcast %sub3A : f32 to vector<782x128xf32>
    %sub3A_8 = arith.subf %sub3A_7, %mul3A_6 : vector<782x128xf32>
    %get3A_9 = arith.constant 0 : index
    %get3A_10 = arith.constant 0 : index
    %get3A_11 = vector.load %arg1[%get3A_9, %get3A_10] : memref<782x128xf32, #tpu.memory_space<vmem>>, vector<782x128xf32>
    %jit3A_12 = arith.constant 0.000000e+00 : f32
    %jit3A_13 = arith.constant 1.000000e+00 : f32
    %max3A_14 = vector.broadcast %jit3A_12 : f32 to vector<782x128xf32>
    %max3A_15 = arith.maximumf %max3A_14, %get3A_11 : vector<782x128xf32>
    %min3A_16 = vector.broadcast %jit3A_13 : f32 to vector<782x128xf32>
    %min3A_17 = arith.minimumf %min3A_16, %max3A_15 : vector<782x128xf32>
    %mul3A_18 = arith.constant 2.500000e-01 : f32
    %mul3A_19 = vector.broadcast %mul3A_18 : f32 to vector<782x128xf32>
    %mul3A_20 = arith.mulf %mul3A_19, %min3A_17 : vector<782x128xf32>
    %sub3A_21 = arith.constant 1.000000e+00 : f32
    %sub3A_22 = vector.broadcast %sub3A_21 : f32 to vector<782x128xf32>
    %sub3A_23 = arith.subf %sub3A_22, %mul3A_20 : vector<782x128xf32>
    %get3A_24 = arith.constant 0 : index
    %get3A_25 = arith.constant 0 : index
    %get3A_26 = vector.load %arg2[%get3A_24, %get3A_25] : memref<782x128xf32, #tpu.memory_space<vmem>>, vector<782x128xf32>
    %jit3A_27 = arith.constant 0.000000e+00 : f32
    %jit3A_28 = arith.constant 1.000000e+00 : f32
    %max3A_29 = vector.broadcast %jit3A_27 : f32 to vector<782x128xf32>
    %max3A_30 = arith.maximumf %max3A_29, %get3A_26 : vector<782x128xf32>
    %min3A_31 = vector.broadcast %jit3A_28 : f32 to vector<782x128xf32>
    %min3A_32 = arith.minimumf %min3A_31, %max3A_30 : vector<782x128xf32>
    %mul3A_33 = arith.constant 2.500000e-01 : f32
    %mul3A_34 = vector.broadcast %mul3A_33 : f32 to vector<782x128xf32>
    %mul3A_35 = arith.mulf %mul3A_34, %min3A_32 : vector<782x128xf32>
    %sub3A_36 = arith.constant 1.000000e+00 : f32
    %sub3A_37 = vector.broadcast %sub3A_36 : f32 to vector<782x128xf32>
    %sub3A_38 = arith.subf %sub3A_37, %mul3A_35 : vector<782x128xf32>
    %get3A_39 = arith.constant 0 : index
    %get3A_40 = arith.constant 0 : index
    %get3A_41 = vector.load %arg3[%get3A_39, %get3A_40] : memref<782x128xf32, #tpu.memory_space<vmem>>, vector<782x128xf32>
    %jit3A_42 = arith.constant 0.000000e+00 : f32
    %jit3A_43 = arith.constant 1.000000e+00 : f32
    %max3A_44 = vector.broadcast %jit3A_42 : f32 to vector<782x128xf32>
    %max3A_45 = arith.maximumf %max3A_44, %get3A_41 : vector<782x128xf32>
    %min3A_46 = vector.broadcast %jit3A_43 : f32 to vector<782x128xf32>
    %min3A_47 = arith.minimumf %min3A_46, %max3A_45 : vector<782x128xf32>
    %mul3A_48 = arith.constant 2.500000e-01 : f32
    %mul3A_49 = vector.broadcast %mul3A_48 : f32 to vector<782x128xf32>
    %mul3A_50 = arith.mulf %mul3A_49, %min3A_47 : vector<782x128xf32>
    %sub3A_51 = arith.constant 1.000000e+00 : f32
    %sub3A_52 = vector.broadcast %sub3A_51 : f32 to vector<782x128xf32>
    %sub3A_53 = arith.subf %sub3A_52, %mul3A_50 : vector<782x128xf32>
    %mul3A_54 = arith.mulf %sub3A_8, %sub3A_23 : vector<782x128xf32>
    %mul3A_55 = arith.mulf %mul3A_54, %sub3A_38 : vector<782x128xf32>
    %mul3A_56 = arith.mulf %mul3A_55, %sub3A_53 : vector<782x128xf32>
    %sub3A_57 = arith.constant 1.000000e+00 : f32
    %sub3A_58 = vector.broadcast %sub3A_57 : f32 to vector<782x128xf32>
    %sub3A_59 = arith.subf %sub3A_58, %mul3A_56 : vector<782x128xf32>
    %get3A_60 = arith.constant 0 : index
    %get3A_61 = arith.constant 0 : index
    %get3A_62 = vector.load %arg4[%get3A_60, %get3A_61] : memref<782x128xf32, #tpu.memory_space<vmem>>, vector<782x128xf32>
    %convert_element_type3A = arith.truncf %get3A_62 : vector<782x128xf32> to vector<782x128xbf16>
    %bitcast_convert_type3A = tpu.bitcast %convert_element_type3A : vector<782x128xbf16> -> vector<782x128xi16>
    %convert_element_type3A_63 = arith.truncf %sub3A_59 : vector<782x128xf32> to vector<782x128xbf16>
    %bitcast_convert_type3A_64 = tpu.bitcast %convert_element_type3A_63 : vector<782x128xbf16> -> vector<782x128xi16>
    %convert_element_type3A_65 = arith.extui %bitcast_convert_type3A_64 : vector<782x128xi16> to vector<782x128xi32>
    %shift_left3A = arith.constant 16 : i32
    %shift_left3A_66 = vector.broadcast %shift_left3A : i32 to vector<782x128xi32>
    %shift_left3A_67 = arith.shli %convert_element_type3A_65, %shift_left3A_66 : vector<782x128xi32>
    %convert_element_type3A_68 = arith.extui %bitcast_convert_type3A : vector<782x128xi16> to vector<782x128xi32>
    %or3A = arith.ori %shift_left3A_67, %convert_element_type3A_68 : vector<782x128xi32>
    %bitcast_convert_type3A_69 = tpu.bitcast %or3A : vector<782x128xi32> -> vector<782x128xf32>
    %swap3A = arith.constant 0 : index
    %swap3A_70 = arith.constant 0 : index
    %swap3A_71 = vector.load %arg5[%swap3A, %swap3A_70] : memref<782x128xf32, #tpu.memory_space<vmem>>, vector<782x128xf32>
    tpu.vector_store %arg5[%swap3A, %swap3A_70], %bitcast_convert_type3A_69 {strides = array<i32>} : memref<782x128xf32, #tpu.memory_space<vmem>>, vector<782x128xf32>,
    return
  }
}

module attributes {stable_mosaic.version = 14 : i64} {
  func.func @_final_kernel(%arg0: memref<32x16xf32, #tpu.memory_space<vmem>>, %arg1: memref<32x16xf32, #tpu.memory_space<vmem>>, %arg2: memref<1xf32, #tpu.memory_space<smem>>) attributes {dimension_semantics = [], scalar_prefetch = 0 : i64, scratch_operands = 0 : i64, tpu.core_type = #tpu.core_type<tc>} {
    %get3A = arith.constant 0 : index
    %get3A_0 = arith.constant 0 : index
    %get3A_1 = vector.load %arg0[%get3A, %get3A_0] : memref<32x16xf32, #tpu.memory_space<vmem>>, vector<32x16xf32>
    %reduce_sum3A = vector.shape_cast %get3A_1 : vector<32x16xf32> to vector<1x32x16xf32>
    %reduce_sum3A_2 = arith.constant dense<0.000000e+00> : vector<1xf32>
    %reduce_sum3A_3 = vector.multi_reduction <add>, %reduce_sum3A, %reduce_sum3A_2 [1, 2] : vector<1x32x16xf32> to vector<1xf32>
    %reduce_sum3A_4 = vector.shape_cast %reduce_sum3A_3 : vector<1xf32> to vector<1x1x1xf32>
    %reduce_sum3A_5 = vector.extract %reduce_sum3A_4[0, 0, 0] : f32 from vector<1x1x1xf32>
    %get3A_6 = arith.constant 0 : index
    %get3A_7 = arith.constant 0 : index
    %get3A_8 = vector.load %arg1[%get3A_6, %get3A_7] : memref<32x16xf32, #tpu.memory_space<vmem>>, vector<32x16xf32>
    %reduce_sum3A_9 = vector.shape_cast %get3A_8 : vector<32x16xf32> to vector<1x32x16xf32>
    %reduce_sum3A_10 = arith.constant dense<0.000000e+00> : vector<1xf32>
    %reduce_sum3A_11 = vector.multi_reduction <add>, %reduce_sum3A_9, %reduce_sum3A_10 [1, 2] : vector<1x32x16xf32> to vector<1xf32>
    %reduce_sum3A_12 = vector.shape_cast %reduce_sum3A_11 : vector<1xf32> to vector<1x1x1xf32>
    %reduce_sum3A_13 = vector.extract %reduce_sum3A_12[0, 0, 0] : f32 from vector<1x1x1xf32>
    %max3A = arith.constant 1.000000e+00 : f32
    %max3A_14 = arith.maximumf %reduce_sum3A_13, %max3A : f32
    %div3A = arith.divf %reduce_sum3A_5, %max3A_14 : f32
    %swap3A = arith.constant 0 : index
    %swap3A_15 = memref.load %arg2[%swap3A] : memref<1xf32, #tpu.memory_space<smem>>
    memref.store %div3A, %arg2[%swap3A] : memref<1xf32, #tpu.memory_space<smem>>
    return
  }
}

</mosaic_0001>

<sc_bundles>
// kernel: kernel.5.cloned.1.call-start
scs
__scs_entry_jumppad:
0x0: {  	(pc) =	sbr.rel $0x88, $3  }
0x1: {  	(tag) =	ssettag $0x0;
	lr =	simm.s32 $0x1  }
0x2: {  	[smem:$0x3F9F] =	sst lr;
	_ =	strace $0xD0000000  }
0x3: {  	_ = 	snop  }
0x4: {  	_ = 	snop  }
0x5: {  	_ = 	snop  }
0x6: {  	_ = 	snop  }
0x7: {  	_ = 	snop  }
__scs_overlays_trampoline_lowered:
0x8: {  	[smem:$0x3FAE] =	sst s0  }
0x9: {  	[smem:$0x3FAF] =	sst s1  }
0xa: {  	[smem:$0x3FB0] =	sst s2  }
0xb: {  	[smem:$0x3FB1] =	sst s3  }
0xc: {  	[smem:$0x3FB2] =	sst s4  }
0xd: {  	[smem:$0x3FB3] =	sst s5  }
0xe: {  	[smem:$0x3FB4] =	sst s6  }
0xf: {  	[smem:$0x3FB5] =	sst s7  }
0x10: {  	[smem:$0x3FB6] =	sst s8  }
0x11: {  	[smem:$0x3FB7] =	sst s9;
	s0 =	simm.s32 @!p0 $0x0  }
0x12: {  	s1 =	sld [smem:$0x3F9D];
	s0 =	simm.s32 @p0 $0x1  }
0x13: {  	[smem:$0x3FB8] =	sst s0;
	s0 =	simm.s32 @!p1 $0x0  }
0x14: {  	s2 =	sld [smem:$0x3F9C];
	s0 =	simm.s32 @p1 $0x1  }
0x15: {  	[smem:$0x3FB9] =	sst s0;
	s0 =	simm.s32 @!p2 $0x0  }
0x16: {  	s3 =	sld [smem:$0x3FDB];
	s0 =	simm.s32 @p2 $0x1  }
0x17: {  	s4 =	simm.s32 $0x1BF5;
	[smem:$0x3FBB] =	sst s0  }
0x18: {  	s0 =	sld [smem:$0x3F9E];
	_ =	swait.ge [sflag:s4], $0x0  }
0x19: {  	s7 =	sld [smem:$0x3F9F]  }
0x1a: {  	s8 =	sadd.s32 $0xFFFFE003, lr  }
0x1b: {  	s9 =	sadd.s32 $0xFFFFFEF7, lr;
	s5 =	simm.s32 $0xFFFFFFFF;
	p2 =	slt.u32 s8, $0xFFFFF086  }
0x1c: {  	p1 =	slt.u32 s9, $0xF7A;
	s5 =	simm.s32 @!p2 $0x0  }
0x1d: {  	s5 =	simm.s32 @p1 $0x1;
	p0 =	seq.s32 s7, s2  }
0x1e: {  	s7 =	smul.u32 @!p0 $0xF7A, s2;
	p2 =	seq.s32 @!p0 s5, $0x0  }
0x1f: {  	s9 =	smul.u32 $0xF7A, s1;
	s8 =	simm.s32 @!p0 $0x1BF5;
	p2 =	por !p2, p0  }
0x20: {  	[sflag:s8] =	ssyncset.s32 @!p0 $0xFFFFF086;
	s6 =	sadd.s32 @!p0 s3, s7;
	s7 =	simm.s32 @!p0 $0x108  }
0x21: {  	s3 =	sadd.s32 s3, s9;
	s6 =	sadd.s32 @!p0 $0x88, s6;
	s7 =	simm.s32 @p2 $0x1082  }
0x22: {  	[simem:s7], [sflag:s8] =	dma.local @!p0 [hbm:s6], $0xF7A  }
0x23: {  	s9 =	sor.u32 $0xD0000000, s2;
	s6 =	simm.s32 $0x108;
	_ =	swait.ge @!p0 [sflag:s8], $0x0  }
0x24: {  	s3 =	sadd.s32 $0x88, s3;
	s6 =	simm.s32 @!p1 $0x1082;
	[sflag:s4] =	ssyncset.s32 $0xFFFFF086  }
0x25: {  	[simem:s6], [sflag:s4] =	dma.local [hbm:s3], $0xF7A  }
0x26: {  	[smem:$0x3F9F] =	sst s1;
	(tag) =	ssettag s2;
	_ =	strace s9  }
0x27: {  	s1 =	sld [smem:$0x3FAF]  }
0x28: {  	s2 =	sld [smem:$0x3FB0]  }
0x29: {  	s4 =	sld [smem:$0x3FB2]  }
0x2a: {  	p0 =	seq.s32 s5, $0x0;
	s5 =	sld [smem:$0x3FB3]  }
0x2b: {  	s6 =	sld [smem:$0x3FB4]  }
0x2c: {  	s7 =	sld [smem:$0x3FB5]  }
0x2d: {  	s3 =	simm.s32 $0x108;
	s8 =	sld [smem:$0x3FB6]  }
0x2e: {  	s3 =	simm.s32 @!p0 $0x1082;
	s9 =	sld [smem:$0x3FB7]  }
0x2f: {  	lr =	sadd.s32 s0, s3;
	s0 =	sld [smem:$0x3FAE]  }
0x30: {  	s3 =	sld [smem:$0x3FB1]  }
0x31: {  	[smem:$0x3FBA] =	sst s10  }
0x32: {  	s10 =	sld [smem:$0x3FB8];
	_ =	sdelay $0x3  }
0x33: {  	p0 =	seq.s32 s10, $0x1;
	s10 =	sld [smem:$0x3FBA];
	_ =	sdelay $0x3  }
0x34: {  	[smem:$0x3FBA] =	sst s10  }
0x35: {  	s10 =	sld [smem:$0x3FB9];
	_ =	sdelay $0x3  }
0x36: {  	p1 =	seq.s32 s10, $0x1;
	s10 =	sld [smem:$0x3FBA];
	_ =	sdelay $0x3  }
0x37: {  	[smem:$0x3FBA] =	sst s10  }
0x38: {  	s10 =	sld [smem:$0x3FBB]  }
0x39: {  	_ = 	snop;
	(pc) =	sbr.ind lr, $3  }
0x3a: {  	_ = 	snop  }
0x3b: {  	_ = 	snop  }
0x3c: {  	p2 =	seq.s32 s10, $0x1;
	s10 =	sld [smem:$0x3FBA]  }
0x3d: {  	_ =	shalt  }
0x3e: {  	_ =	shalt  }
0x3f: {  	_ =	shalt  }
0x40: {  	_ =	shalt  }
0x41: {  	_ =	shalt  }
0x42: {  	_ =	shalt  }
0x43: {  	_ =	shalt  }
0x44: {  	_ =	shalt  }
0x45: {  	_ =	shalt  }
0x46: {  	_ =	shalt  }
0x47: {  	_ =	shalt  }
0x48: {  	_ =	shalt  }
0x49: {  	_ =	shalt  }
0x4a: {  	_ =	shalt  }
0x4b: {  	_ =	shalt  }
0x4c: {  	_ =	shalt  }
0x4d: {  	_ =	shalt  }
0x4e: {  	_ =	shalt  }
0x4f: {  	_ =	shalt  }
0x50: {  	_ =	shalt  }
0x51: {  	_ =	shalt  }
0x52: {  	_ =	shalt  }
0x53: {  	_ =	shalt  }
0x54: {  	_ =	shalt  }
0x55: {  	_ =	shalt  }
0x56: {  	_ =	shalt  }
0x57: {  	_ =	shalt  }
0x58: {  	_ =	shalt  }
0x59: {  	_ =	shalt  }
0x5a: {  	_ =	shalt  }
0x5b: {  	_ =	shalt  }
0x5c: {  	_ =	shalt  }
0x5d: {  	_ =	shalt  }
0x5e: {  	_ =	shalt  }
0x5f: {  	_ =	shalt  }
0x60: {  	_ =	shalt  }
0x61: {  	_ =	shalt  }
0x62: {  	_ =	shalt  }
0x63: {  	_ =	shalt  }
0x64: {  	_ =	shalt  }
0x65: {  	_ =	shalt  }
0x66: {  	_ =	shalt  }
0x67: {  	_ =	shalt  }
0x68: {  	_ =	shalt  }
0x69: {  	_ =	shalt  }
0x6a: {  	_ =	shalt  }
0x6b: {  	_ =	shalt  }
0x6c: {  	_ =	shalt  }
0x6d: {  	_ =	shalt  }
0x6e: {  	_ =	shalt  }
0x6f: {  	_ =	shalt  }
0x70: {  	_ =	shalt  }
0x71: {  	_ =	shalt  }
0x72: {  	_ =	shalt  }
0x73: {  	_ =	shalt  }
0x74: {  	_ =	shalt  }
0x75: {  	_ =	shalt  }
0x76: {  	_ =	shalt  }
0x77: {  	_ =	shalt  }
0x78: {  	_ =	shalt  }
0x79: {  	_ =	shalt  }
0x7a: {  	_ =	shalt  }
0x7b: {  	_ =	shalt  }
0x7c: {  	_ =	shalt  }
0x7d: {  	_ =	shalt  }
0x7e: {  	_ =	shalt  }
0x7f: {  	_ =	shalt  }
0x80: {  	_ =	shalt  }
0x81: {  	_ =	shalt  }
0x82: {  	_ =	shalt  }
0x83: {  	_ =	shalt  }
0x84: {  	_ =	shalt  }
0x85: {  	_ =	shalt  }
0x86: {  	_ =	shalt  }
0x87: {  	_ =	shalt  }
.Lfunc_end0:
.L_simem_size_0:
called_computation_lowered:
.L_overlay_start_0:
0x88: {  	s2 =	sld [smem:$0x3FD9]  }
0x89: {  	s3 =	sld [smem:$0x3FFE];
	_ =	sdelay $0x1  }
0x8a: {  	s1 =	srdreg.scid  }
0x8b: {  	s0 =	sand.u32 $0x1, s1  }
0x8c: {  	s16 =	sshll.u32 s0, $0xA;
	s2 =	sadd.s32 s3, s2  }
0x8d: {  	s2 =	sadd.s32 s2, s16  }
0x8e: {  	[smem:$0x3FC6] =	sst s2  }
0x8f: {  	_ = 	snop  }
0x90: {  	(tm) =	ssettm $0x1  }
0x91: {  	s17 =	sld [smem:$0x3FFB];
	_ =	sdelay $0x3  }
0x92: {  	_ =	strace s17  }
0x93: {  	s2 =	sld [smem:$0x3FFC];
	_ =	sdelay $0x3  }
0x94: {  	_ =	strace s2  }
0x95: {  	s2 =	sld [smem:$0x3FFD];
	_ =	sdelay $0x3  }
0x96: {  	_ =	strace s2  }
0x97: {  	_ =	strace $0x8FFFFFFF  }
0x98: {  	s18 =	sld [smem:$0x3FDB];
	_ =	sdelay $0x1  }
0x99: {  	s19 =	simm.s32 $_scs_section_size  }
0x9a: {  	s4 =	simm.s32 $_size__tile_overlayer_lowered;
	s5 =	simm.s32 $_tile_overlayer_lowered  }
0x9b: {  	s22 =	simm.s32 $0x1BFF;
	s21 =	sshll.u32 s5, $0x1;
	s2 =	sadd.s32 s19, s18  }
0x9c: {  	s6 =	simm.s32 $0x0;
	s20 =	sshll.u32 s4, $0x1;
	s4 =	sadd.s32 s21, s2  }
0x9d: {  	[timem:s6], [sflag:s22] =	dma.local [hbm:s4], s20  }
0x9e: {  	_ =	swait.ge [sflag:s22], s20  }
0x9f: {  	s3 =	ssub.s32 $0x0, s20;
	[sflag:s22] =	ssyncset.done $0x0  }
0xa0: {  	[sflag:s22] =	ssyncadd.s32 s3;
	_ =	sdelay $0x1  }
0xa1: {  	s23 =	simm.s32 $0x1B8B  }
0xa2: {  	_ =	swait.ge [sflag:s23], $0x1  }
0xa3: {  	[sflag:s23] =	ssyncset.done $0x0  }
0xa4: {  	s25 =	simm.s32 $0x1B8E;
	s24 =	sld [smem:$0x3FFE];
	[sflag:s23] =	ssyncadd.s32 $0xFFFFFFFF  }
0xa5: {  	s26 =	simm.s32 $execute0_lowered;
	[smem:$0x3FD2] =	sst s25  }
0xa6: {  	s4 =	sshll.u32 s26, $0x1;
	_ =	strace $0x80000046;
	[dreg:$0x1] =	wrdreg $0xFFFFFFFF  }
0xa7: {  	s28 =	simm.s32 $_size_execute0_lowered;
	s2 =	sadd.s32 s2, s4;
	[dreg:$0x0] =	wrdreg $0x0  }
0xa8: {  	s4 =	sshll.u32 s28, $0x1;
	[dreg:$0x2] =	wrdreg s2  }
0xa9: {  	[dreg:$0x3] =	wrdreg s4  }
0xaa: {  	[dreg:$0x4] =	wrdreg $0xC0  }
0xab: {  	_ =	task [dreg:s6], $0x5FFFF  }
0xac: {  	[dreg:$0x1] =	wrdreg $0xFFFFFFFF  }
0xad: {  	[dreg:$0x0] =	wrdreg $0x60  }
0xae: {  	[dreg:$0x2] =	wrdreg s24  }
0xaf: {  	[dreg:$0x3] =	wrdreg $0x9  }
0xb0: {  	_ =	task.clear_ibuf [dreg:s6], $0x4FFFF;
	_ =	strace $0x90000046  }
0xb1: {  	s29 =	simm.s32 $0x9;
	_ =	strace $0x80000048  }
0xb2: {  	_ =	swait.ge [sflag:s29], $0x1  }
0xb3: {  	[sflag:s29] =	ssyncadd.s32 $0xFFFFFFFF  }
0xb4: {  	_ =	strace $0x90000048  }
0xb5: {  	_ =	sfence  }
0xb6: {  	s30 =	sld [smem:$0x0];
	_ =	sdelay $0x2  }
0xb7: {  	s31 =	sshll.u32 s1, $0xD;
	s1 =	sshrl.u32 s1, $0x2  }
0xb8: {  	s3 =	sand.u32 $0x4000, s31;
	s1 =	sadd.s32 s1, s30  }
0xb9: {  	s0 =	sor.u32 s3, s0;
	s1 =	sshll.u32 s1, $0x11  }
0xba: {  	s0 =	sor.u32 s1, s0  }
0xbb: {  	s0 =	sadd.s32 $0x8F2B, s0  }
0xbc: {  	[sflag:s0] =	ssyncadd.remote.s32 $0x1  }
0xbd: {  	_ =	sfence.sel $0xFFFF  }
0xbe: {  	[dreg:$0x0] =	wrdreg $0xFFFFFFFF;
	(pc) =	sbr.abs _section_cstart, $3  }
0xbf: {  	[dreg:$0x1] =	wrdreg $0xFFFFFFFF  }
0xc0: {  	_ =	task.clear_ibuf [dreg:s6], $0x2FFFF;
	_ =	strace $0x9FFFFFFF  }
0xc1: {  	(tm) =	ssettm $0x7FFFFFFF  }
tec
execute0_lowered:
.L_overlay_start_1:
0x0: {  	(tag) =	ssettag $0x1  }
0x1: {  	s0 =	rddreg [dreg:$0x0];
	s2 =	simm.s32 $0x0  }
0x2: {  	s1 =	srdreg.scid;
	s3 =	stileid.u32;
	s23 =	simm.s32 $0x186A0  }
0x3: {  	s24 =	simm.s32 $0x3;
	s25 =	simm.s32 $0x1A6A0;
	s26 =	simm.s32 $0x1  }
0x4: {  	s28 =	simm.s32 $0x2;
	s30 =	simm.s32 $0x4;
	s31 =	simm.s32 $0x1C6B0  }
0x5: {  	[smem:$0x7FF] =	sst s2;
	s1 =	sand.u32 $0x1, s1;
	s3 =	sshll.u32 s3, $0x1  }
0x6: {  	_ =	strace $0x80000047;
	s4 =	sor.u32 s1, s3;
	s3 =	sadd.s32 $0x80A00, s0  }
0x7: {  	s1 =	ssub.s32 $0x2, s1;
	s5 =	sshll.u32 s4, $0xE;
	s4 =	sshll.u32 s4, $0x1  }
0x8: {  	s29 =	sshrl.u32 s1, $0x1;
	s19 =	sadd.s32 s5, s0;
	s0 =	sadd.s32 s4, s0  }
0x9: {  	s1 =	ssub.s32 s1, s29;
	s4 =	sadd.s32 $0xA00, s19;
	s5 =	sadd.s32 $0xE00, s19  }
0xa: {  	s6 =	sadd.s32 $0x1200, s19;
	s7 =	sadd.s32 $0x1600, s19;
	s8 =	sadd.s32 $0x1A00, s19  }
0xb: {  	s9 =	sadd.s32 $0x1E00, s19;
	s10 =	sadd.s32 $0x2200, s19;
	s11 =	sadd.s32 $0x2600, s19  }
0xc: {  	s12 =	sadd.s32 $0x2A00, s19;
	s13 =	sadd.s32 $0x2E00, s19;
	s14 =	sadd.s32 $0x3200, s19  }
0xd: {  	s15 =	sadd.s32 $0x3600, s19;
	s16 =	sadd.s32 $0x3A00, s19;
	s17 =	sadd.s32 $0x3E00, s19  }
0xe: {  	s18 =	sadd.s32 $0x4200, s19;
	s19 =	sadd.s32 $0x4600, s19;
	s20 =	sadd.s32 $0x83E00, s0  }
0xf: {  	v0 =	vimm.f32 $0.0e+00;
	s21 =	sadd.s32 $0x83C00, s0;
	s22 =	smax.u32 s1, $0x1;
	s0 =	simm.s32 $0x0  }
.LBB2_1:
0x10: {  	[tilespmem:s23], [sflag:$0x1] =	stream.linear.gather [hbm4b:s4+s2], $0x2000, $0x38;
	[tilespmem:$0x1C6C0] =	vst v63  }
0x11: {  	_ = 	snop  }
0x12: {  	[tilespmem:s2], [sflag:$0x3] =	stream.linear.gather [hbm4b:s3+s2], $0x186A0, $0x38;
	[tilespmem:$0x1C6C0] =	vst v63  }
0x13: {  	_ =	swait.ge [sflag:s24], $0x186A0  }
0x14: {  	[sflag:s24] =	ssyncset.done $0x0  }
0x15: {  	[sflag:s24] =	ssyncadd.s32 $0xFFFE7960  }
0x16: {  	[tilespmem:s25], [sflag:$0x2] =	stream.linear.gather [hbm4b:s5+s2], $0x2000, $0x38;
	[tilespmem:$0x1C6C0] =	vst v63  }
0x17: {  	_ =	swait.ge [sflag:s26], $0x2000  }
0x18: {  	[sflag:s26] =	ssyncset.done $0x0  }
0x19: {  	s1 =	simm.s32 $0x196A0;
	[sflag:s26] =	ssyncadd.s32 $0xFFFFE000  }
0x1a: {  	v1 =	vld [tilespmem:s1+$0xFFFFF030]  }
0x1b: {  	v2 =	vld [tilespmem:s1+$0x30]  }
0x1c: {  	v3 =	vld [tilespmem:s1+$0xFFFFF020]  }
0x1d: {  	v4 =	vld [tilespmem:s1+$0x20]  }
0x1e: {  	v5 =	vld [tilespmem:s1+$0xFFFFF010]  }
0x1f: {  	v6 =	vld [tilespmem:s1+$0x10]  }
0x20: {  	v7 =	vld [tilespmem:s1+$0xFFFFF000]  }
0x21: {  	v8 =	vld [tilespmem:s1+$0x0]  }
0x22: {  	v1 =	vld.idx.msk [tilespmem:v1+s2+$0x0], $0xffff  }
0x23: {  	v2 =	vld.idx.msk [tilespmem:v2+s2+$0x0], $0xffff  }
0x24: {  	v3 =	vld.idx.msk [tilespmem:v3+s2+$0x0], $0xffff  }
0x25: {  	v9 =	vld.idx.msk [tilespmem:v4+s2+$0x0], $0xffff  }
0x26: {  	v13 =	vld.idx.msk [tilespmem:v5+s2+$0x0], $0xffff  }
0x27: {  	v15 =	vld.idx.msk [tilespmem:v6+s2+$0x0], $0xffff  }
0x28: {  	v5 =	vld.idx.msk [tilespmem:v7+s2+$0x0], $0xffff  }
0x29: {  	v4 =	vld.idx.msk [tilespmem:v8+s2+$0x0], $0xffff  }
0x2a: {  	v17 =	vunpack.i.u.bf16.f32 v1;
	v1 =	vunpack.i.l.bf16.f32 v1;
	v18 =	vunpack.i.l.bf16.f32 v2  }
0x2b: {  	v2 =	vunpack.i.u.bf16.f32 v2;
	v7 =	vunpack.i.u.bf16.f32 v3;
	v11 =	vunpack.i.l.bf16.f32 v3  }
0x2c: {  	v12 =	vunpack.i.l.bf16.f32 v9;
	v8 =	vunpack.i.l.bf16.f32 v13;
	v10 =	vunpack.i.l.bf16.f32 v15  }
0x2d: {  	v16 =	vunpack.i.u.bf16.f32 v9;
	v6 =	vunpack.i.l.bf16.f32 v5;
	v14 =	vunpack.i.u.bf16.f32 v13  }
0x2e: {  	v15 =	vunpack.i.u.bf16.f32 v15;
	v13 =	vunpack.i.l.bf16.f32 v4;
	v3 =	vsub.f32 v1, v18  }
0x2f: {  	s29 =	simm.s32 $0x196E0;
	s1 =	simm.s32 $0x0;
	v9 =	vsub.f32 v17, v2;
	v1 =	vimm.f32 $0.0e+00;
	v2 =	vimm.f32 $0.0e+00  }
.LBB2_2:
0x30: {  	v17 =	vld [tilespmem:s29+$0xFFFFF030];
	v5 =	vunpack.i.u.bf16.f32 v5;
	v11 =	vsub.f32 v11, v12;
	v7 =	vsub.f32 v7, v16  }
0x31: {  	v4 =	vunpack.i.u.bf16.f32 v4;
	v8 =	vsub.f32 v8, v10;
	v10 =	vsub.f32 v14, v15;
	v12 =	vld [tilespmem:s29+$0x30]  }
0x32: {  	v6 =	vsub.f32 v6, v13;
	v4 =	vsub.f32 v5, v4;
	v14 =	vld [tilespmem:s29+$0xFFFFF020]  }
0x33: {  	v15 =	vand.u32 $0x80000000, v9;
	v9 =	vand.u32 $0x7FFFFFFF, v9;
	v13 =	vand.u32 $0x7FFFFFFF, v7;
	v5 =	vld [tilespmem:s29+$0x20]  }
0x34: {  	v19 =	vand.u32 $0x7FFFFFFF, v10;
	v7 =	vand.u32 $0x80000000, v7;
	v18 =	vand.u32 $0x80000000, v4;
	v16 =	vld [tilespmem:s29+$0xFFFFF010]  }
0x35: {  	v10 =	vand.u32 $0x80000000, v10;
	v4 =	vand.u32 $0x7FFFFFFF, v4;
	v6 =	vxor.u32 v6, v18;
	v20 =	vld [tilespmem:s29+$0x10]  }
0x36: {  	vm0 =	vgt.f32 v9, $1.000000010e-01;
	vm1 =	vgt.f32 v13, $1.000000010e-01;
	v6 =	vsub.f32 $1.000000000e+00, v6;
	v18 =	vld [tilespmem:s29+$0xFFFFF000]  }
0x37: {  	v3 =	vxor.u32 v3, v15;
	vm2 =	vgt.f32 v4, $1.000000010e-01;
	v4 =	vxor.u32 v8, v10;
	v9 =	vld [tilespmem:s29+$0x0]  }
0x38: {  	v10 =	vsel vm2, $0x3F800000, v0;
	v4 =	vsub.f32 $1.000000000e+00, v4;
	v6 =	vmax.f32 v6, $0.0e+00;
	v8 =	vld.idx.msk [tilespmem:v17+s2+$0x0], $0xffff  }
0x39: {  	s1 =	sadd.s32 $0x4, s1;
	v7 =	vxor.u32 v11, v7;
	vm2 =	vgt.f32 v19, $1.000000010e-01;
	v6 =	vmul.f32 v6, v10;
	v12 =	vld.idx.msk [tilespmem:v12+s2+$0x0], $0xffff  }
0x3a: {  	p0 =	slt.u32 s1, $0xFC;
	v7 =	vsub.f32 $1.000000000e+00, v7;
	v13 =	vsel vm2, $0x3F800000, v0;
	v4 =	vmax.f32 v4, $0.0e+00;
	v11 =	vld.idx.msk [tilespmem:v14+s2+$0x0], $0xffff  }
0x3b: {  	v2 =	vadd.f32 v10, v2;
	v4 =	vmul.f32 v4, v13;
	v1 =	vadd.f32 v6, v1;
	v14 =	vld.idx.msk [tilespmem:v5+s2+$0x0], $0xffff  }
0x3c: {  	v3 =	vsub.f32 $1.000000000e+00, v3;
	v6 =	vsel vm1, $0x3F800000, v0;
	v5 =	vmax.f32 v7, $0.0e+00;
	v15 =	vld.idx.msk [tilespmem:v16+s2+$0x0], $0xffff  }
0x3d: {  	v2 =	vadd.f32 v13, v2;
	v1 =	vadd.f32 v4, v1;
	v7 =	vmul.f32 v5, v6;
	v17 =	vld.idx.msk [tilespmem:v20+s2+$0x0], $0xffff  }
0x3e: {  	v3 =	vmax.f32 v3, $0.0e+00;
	v10 =	vsel vm0, $0x3F800000, v0;
	v5 =	vld.idx.msk [tilespmem:v18+s2+$0x0], $0xffff  }
0x3f: {  	v3 =	vmul.f32 v3, v10;
	v2 =	vadd.f32 v6, v2;
	v1 =	vadd.f32 v7, v1;
	v4 =	vld.idx.msk [tilespmem:v9+s2+$0x0], $0xffff  }
0x40: {  	v18 =	vunpack.i.l.bf16.f32 v8;
	v19 =	vunpack.i.l.bf16.f32 v12;
	v9 =	vunpack.i.u.bf16.f32 v8  }
.Ltmp0:
0x41: {  	v2 =	vadd.f32 v10, v2;
	v20 =	vunpack.i.u.bf16.f32 v12;
	v1 =	vadd.f32 v3, v1;
	(pc) =	sbr.rel @p0 .LBB2_2-.Ltmp0, $4  }
0x42: {  	v7 =	vunpack.i.u.bf16.f32 v11;
	v11 =	vunpack.i.l.bf16.f32 v11;
	v12 =	vunpack.i.l.bf16.f32 v14  }
0x43: {  	v16 =	vunpack.i.u.bf16.f32 v14;
	v8 =	vunpack.i.l.bf16.f32 v15;
	v10 =	vunpack.i.l.bf16.f32 v17  }
0x44: {  	v14 =	vunpack.i.u.bf16.f32 v15;
	v15 =	vunpack.i.u.bf16.f32 v17;
	v6 =	vunpack.i.l.bf16.f32 v5  }
0x45: {  	s29 =	sadd.s32 $0x40, s29;
	v3 =	vsub.f32 v18, v19;
	v9 =	vsub.f32 v9, v20;
	v13 =	vunpack.i.l.bf16.f32 v4  }
0x46: {  	[tilespmem:s23], [sflag:$0x1] =	stream.linear.gather [hbm4b:s6+s2], $0x2000, $0x38;
	[tilespmem:$0x1C6C0] =	vst v63  }
0x47: {  	_ =	swait.ge [sflag:s28], $0x2000  }
0x48: {  	v5 =	vunpack.i.u.bf16.f32 v5;
	v11 =	vsub.f32 v11, v12;
	v7 =	vsub.f32 v7, v16;
	[sflag:s28] =	ssyncset.done $0x0  }
0x49: {  	v4 =	vunpack.i.u.bf16.f32 v4;
	v8 =	vsub.f32 v8, v10;
	v10 =	vsub.f32 v14, v15;
	s1 =	simm.s32 $0x1B6D0;
	[sflag:s28] =	ssyncadd.s32 $0xFFFFE000  }
0x4a: {  	v6 =	vsub.f32 v6, v13;
	v4 =	vsub.f32 v5, v4;
	v5 =	vld [tilespmem:s1+$0xFFFFF000]  }
0x4b: {  	v13 =	vand.u32 $0x80000000, v9;
	v9 =	vand.u32 $0x7FFFFFFF, v9;
	v12 =	vand.u32 $0x7FFFFFFF, v7;
	v14 =	vld [tilespmem:s1+$0x0]  }
0x4c: {  	v16 =	vand.u32 $0x7FFFFFFF, v10;
	v7 =	vand.u32 $0x80000000, v7;
	v15 =	vand.u32 $0x80000000, v4;
	v17 =	vld [tilespmem:s1+$0xFFFFEFF0]  }
0x4d: {  	v10 =	vand.u32 $0x80000000, v10;
	vm1 =	vgt.f32 v9, $1.000000010e-01;
	v6 =	vxor.u32 v6, v15;
	v15 =	vld [tilespmem:s1+$0xFFFFFFF0]  }
0x4e: {  	v3 =	vxor.u32 v3, v13;
	v4 =	vand.u32 $0x7FFFFFFF, v4;
	v9 =	vld [tilespmem:s1+$0xFFFFEFE0];
	v6 =	vsub.f32 $1.000000000e+00, v6  }
0x4f: {  	vm0 =	vgt.f32 v12, $1.000000010e-01;
	vm2 =	vgt.f32 v4, $1.000000010e-01;
	v4 =	vxor.u32 v8, v10;
	v8 =	vld [tilespmem:s1+$0xFFFFFFE0]  }
0x50: {  	v12 =	vld [tilespmem:s1+$0xFFFFEFD0];
	v10 =	vsel vm2, $0x3F800000, v0;
	v4 =	vsub.f32 $1.000000000e+00, v4;
	v6 =	vmax.f32 v6, $0.0e+00  }
0x51: {  	vm15 =	vgt.f32 v16, $1.000000010e-01;
	v7 =	vxor.u32 v11, v7;
	v11 =	vld [tilespmem:s1+$0xFFFFFFD0];
	v6 =	vmul.f32 v6, v10  }
0x52: {  	v13 =	vsel vm15, $0x3F800000, v0;
	v7 =	vsub.f32 $1.000000000e+00, v7;
	v4 =	vmax.f32 v4, $0.0e+00;
	v16 =	vld.idx.msk [tilespmem:v5+s2+$0x0], $0xffff  }
0x53: {  	v2 =	vadd.f32 v10, v2;
	v4 =	vmul.f32 v4, v13;
	v1 =	vadd.f32 v6, v1;
	v6 =	vld.idx.msk [tilespmem:v14+s2+$0x0], $0xffff  }
0x54: {  	v3 =	vsub.f32 $1.000000000e+00, v3;
	v5 =	vmax.f32 v7, $0.0e+00;
	v7 =	vsel vm0, $0x3F800000, v0;
	v10 =	vld.idx.msk [tilespmem:v17+s2+$0x0], $0xffff  }
0x55: {  	v2 =	vadd.f32 v13, v2;
	v1 =	vadd.f32 v4, v1;
	v13 =	vld.idx.msk [tilespmem:v15+s2+$0x0], $0xffff;
	v4 =	vmul.f32 v5, v7  }
0x56: {  	v3 =	vmax.f32 v3, $0.0e+00;
	v14 =	vsel vm1, $0x3F800000, v0;
	v9 =	vld.idx.msk [tilespmem:v9+s2+$0x0], $0xffff  }
0x57: {  	v15 =	vld.idx.msk [tilespmem:v8+s2+$0x0], $0xffff;
	v2 =	vadd.f32 v7, v2;
	v3 =	vmul.f32 v3, v14;
	v1 =	vadd.f32 v4, v1  }
0x58: {  	v5 =	vld.idx.msk [tilespmem:v12+s2+$0x0], $0xffff  }
0x59: {  	v2 =	vadd.f32 v14, v2;
	v4 =	vld.idx.msk [tilespmem:v11+s2+$0x0], $0xffff;
	v1 =	vadd.f32 v3, v1;
	v17 =	vunpack.i.u.bf16.f32 v16  }
0x5a: {  	v3 =	vunpack.i.l.bf16.f32 v16;
	v18 =	vunpack.i.l.bf16.f32 v6;
	v19 =	vunpack.i.u.bf16.f32 v6  }
0x5b: {  	v7 =	vunpack.i.u.bf16.f32 v10;
	v11 =	vunpack.i.l.bf16.f32 v10;
	v12 =	vunpack.i.l.bf16.f32 v13  }
0x5c: {  	v8 =	vunpack.i.l.bf16.f32 v9;
	v10 =	vunpack.i.l.bf16.f32 v15;
	v16 =	vunpack.i.u.bf16.f32 v13  }
0x5d: {  	v13 =	vunpack.i.u.bf16.f32 v9;
	v15 =	vunpack.i.u.bf16.f32 v15;
	v6 =	vunpack.i.l.bf16.f32 v5  }
0x5e: {  	s29 =	simm.s32 $0x1B710;
	s1 =	simm.s32 $0x0;
	v3 =	vsub.f32 v3, v18;
	v9 =	vsub.f32 v17, v19;
	v14 =	vunpack.i.l.bf16.f32 v4  }
.LBB2_4:
0x5f: {  	v17 =	vld [tilespmem:s29+$0xFFFFF000];
	v5 =	vunpack.i.u.bf16.f32 v5;
	v11 =	vsub.f32 v11, v12;
	v7 =	vsub.f32 v7, v16  }
0x60: {  	v4 =	vunpack.i.u.bf16.f32 v4;
	v8 =	vsub.f32 v8, v10;
	v10 =	vsub.f32 v13, v15;
	v12 =	vld [tilespmem:s29+$0x0]  }
0x61: {  	v6 =	vsub.f32 v6, v14;
	v4 =	vsub.f32 v5, v4;
	v13 =	vld [tilespmem:s29+$0xFFFFEFF0]  }
0x62: {  	v15 =	vand.u32 $0x80000000, v9;
	v9 =	vand.u32 $0x7FFFFFFF, v9;
	v14 =	vand.u32 $0x7FFFFFFF, v7;
	v5 =	vld [tilespmem:s29+$0xFFFFFFF0]  }
0x63: {  	v19 =	vand.u32 $0x7FFFFFFF, v10;
	v7 =	vand.u32 $0x80000000, v7;
	v18 =	vand.u32 $0x80000000, v4;
	v16 =	vld [tilespmem:s29+$0xFFFFEFE0]  }
0x64: {  	v10 =	vand.u32 $0x80000000, v10;
	v4 =	vand.u32 $0x7FFFFFFF, v4;
	v6 =	vxor.u32 v6, v18;
	v20 =	vld [tilespmem:s29+$0xFFFFFFE0]  }
0x65: {  	vm0 =	vgt.f32 v9, $1.000000010e-01;
	vm1 =	vgt.f32 v14, $1.000000010e-01;
	v6 =	vsub.f32 $1.000000000e+00, v6;
	v18 =	vld [tilespmem:s29+$0xFFFFEFD0]  }
0x66: {  	v3 =	vxor.u32 v3, v15;
	vm2 =	vgt.f32 v4, $1.000000010e-01;
	v4 =	vxor.u32 v8, v10;
	v9 =	vld [tilespmem:s29+$0xFFFFFFD0]  }
0x67: {  	v10 =	vsel vm2, $0x3F800000, v0;
	v4 =	vsub.f32 $1.000000000e+00, v4;
	v6 =	vmax.f32 v6, $0.0e+00;
	v8 =	vld.idx.msk [tilespmem:v17+s2+$0x0], $0xffff  }
0x68: {  	s1 =	sadd.s32 $0x4, s1;
	v7 =	vxor.u32 v11, v7;
	vm2 =	vgt.f32 v19, $1.000000010e-01;
	v6 =	vmul.f32 v6, v10;
	v12 =	vld.idx.msk [tilespmem:v12+s2+$0x0], $0xffff  }
0x69: {  	p0 =	slt.u32 s1, $0xFC;
	v7 =	vsub.f32 $1.000000000e+00, v7;
	v4 =	vmax.f32 v4, $0.0e+00;
	v11 =	vld.idx.msk [tilespmem:v13+s2+$0x0], $0xffff;
	v13 =	vsel vm2, $0x3F800000, v0  }
0x6a: {  	v2 =	vadd.f32 v10, v2;
	v1 =	vadd.f32 v6, v1;
	v14 =	vld.idx.msk [tilespmem:v5+s2+$0x0], $0xffff;
	v4 =	vmul.f32 v4, v13  }
0x6b: {  	v3 =	vsub.f32 $1.000000000e+00, v3;
	v6 =	vsel vm1, $0x3F800000, v0;
	v5 =	vmax.f32 v7, $0.0e+00;
	v15 =	vld.idx.msk [tilespmem:v16+s2+$0x0], $0xffff  }
0x6c: {  	v2 =	vadd.f32 v13, v2;
	v7 =	vmul.f32 v5, v6;
	v17 =	vld.idx.msk [tilespmem:v20+s2+$0x0], $0xffff;
	v1 =	vadd.f32 v4, v1  }
0x6d: {  	v3 =	vmax.f32 v3, $0.0e+00;
	v10 =	vsel vm0, $0x3F800000, v0;
	v5 =	vld.idx.msk [tilespmem:v18+s2+$0x0], $0xffff  }
0x6e: {  	v3 =	vmul.f32 v3, v10;
	v2 =	vadd.f32 v6, v2;
	v4 =	vld.idx.msk [tilespmem:v9+s2+$0x0], $0xffff;
	v1 =	vadd.f32 v7, v1  }
0x6f: {  	v18 =	vunpack.i.l.bf16.f32 v8;
	v19 =	vunpack.i.l.bf16.f32 v12;
	v9 =	vunpack.i.u.bf16.f32 v8  }
.Ltmp1:
0x70: {  	v20 =	vunpack.i.u.bf16.f32 v12;
	v2 =	vadd.f32 v10, v2;
	v1 =	vadd.f32 v3, v1;
	(pc) =	sbr.rel @p0 .LBB2_4-.Ltmp1, $4  }
0x71: {  	v7 =	vunpack.i.u.bf16.f32 v11;
	v11 =	vunpack.i.l.bf16.f32 v11;
	v12 =	vunpack.i.l.bf16.f32 v14  }
0x72: {  	v16 =	vunpack.i.u.bf16.f32 v14;
	v8 =	vunpack.i.l.bf16.f32 v15;
	v10 =	vunpack.i.l.bf16.f32 v17  }
0x73: {  	v13 =	vunpack.i.u.bf16.f32 v15;
	v15 =	vunpack.i.u.bf16.f32 v17;
	v6 =	vunpack.i.l.bf16.f32 v5  }
0x74: {  	s29 =	sadd.s32 $0x40, s29;
	v9 =	vsub.f32 v9, v20;
	v3 =	vsub.f32 v18, v19;
	v14 =	vunpack.i.l.bf16.f32 v4  }
0x75: {  	[tilespmem:s25], [sflag:$0x2] =	stream.linear.gather [hbm4b:s7+s2], $0x2000, $0x38;
	[tilespmem:$0x1C6C0] =	vst v63  }
0x76: {  	_ =	swait.ge [sflag:s26], $0x2000  }
0x77: {  	v5 =	vunpack.i.u.bf16.f32 v5;
	v11 =	vsub.f32 v11, v12;
	v7 =	vsub.f32 v7, v16;
	[sflag:s26] =	ssyncset.done $0x0  }
0x78: {  	v4 =	vunpack.i.u.bf16.f32 v4;
	v8 =	vsub.f32 v8, v10;
	v10 =	vsub.f32 v13, v15;
	s1 =	simm.s32 $0x196A0;
	[sflag:s26] =	ssyncadd.s32 $0xFFFFE000  }
0x79: {  	v6 =	vsub.f32 v6, v14;
	v4 =	vsub.f32 v5, v4;
	v5 =	vld [tilespmem:s1+$0xFFFFF030]  }
0x7a: {  	v13 =	vand.u32 $0x80000000, v9;
	v9 =	vand.u32 $0x7FFFFFFF, v9;
	v12 =	vand.u32 $0x7FFFFFFF, v7;
	v14 =	vld [tilespmem:s1+$0x30]  }
0x7b: {  	v16 =	vand.u32 $0x7FFFFFFF, v10;
	v7 =	vand.u32 $0x80000000, v7;
	v15 =	vand.u32 $0x80000000, v4;
	v17 =	vld [tilespmem:s1+$0xFFFFF020]  }
0x7c: {  	v10 =	vand.u32 $0x80000000, v10;
	vm1 =	vgt.f32 v9, $1.000000010e-01;
	v6 =	vxor.u32 v6, v15;
	v15 =	vld [tilespmem:s1+$0x20]  }
0x7d: {  	v3 =	vxor.u32 v3, v13;
	v4 =	vand.u32 $0x7FFFFFFF, v4;
	v9 =	vld [tilespmem:s1+$0xFFFFF010];
	v6 =	vsub.f32 $1.000000000e+00, v6  }
0x7e: {  	vm0 =	vgt.f32 v12, $1.000000010e-01;
	vm2 =	vgt.f32 v4, $1.000000010e-01;
	v4 =	vxor.u32 v8, v10;
	v8 =	vld [tilespmem:s1+$0x10]  }
0x7f: {  	v12 =	vld [tilespmem:s1+$0xFFFFF000];
	v10 =	vsel vm2, $0x3F800000, v0;
	v4 =	vsub.f32 $1.000000000e+00, v4;
	v6 =	vmax.f32 v6, $0.0e+00  }
0x80: {  	vm15 =	vgt.f32 v16, $1.000000010e-01;
	v7 =	vxor.u32 v11, v7;
	v11 =	vld [tilespmem:s1+$0x0];
	v6 =	vmul.f32 v6, v10  }
0x81: {  	v13 =	vsel vm15, $0x3F800000, v0;
	v7 =	vsub.f32 $1.000000000e+00, v7;
	v4 =	vmax.f32 v4, $0.0e+00;
	v16 =	vld.idx.msk [tilespmem:v5+s2+$0x0], $0xffff  }
0x82: {  	v2 =	vadd.f32 v10, v2;
	v4 =	vmul.f32 v4, v13;
	v1 =	vadd.f32 v6, v1;
	v6 =	vld.idx.msk [tilespmem:v14+s2+$0x0], $0xffff  }
0x83: {  	v3 =	vsub.f32 $1.000000000e+00, v3;
	v5 =	vmax.f32 v7, $0.0e+00;
	v7 =	vsel vm0, $0x3F800000, v0;
	v10 =	vld.idx.msk [tilespmem:v17+s2+$0x0], $0xffff  }
0x84: {  	v2 =	vadd.f32 v13, v2;
	v1 =	vadd.f32 v4, v1;
	v13 =	vld.idx.msk [tilespmem:v15+s2+$0x0], $0xffff;
	v4 =	vmul.f32 v5, v7  }
0x85: {  	v3 =	vmax.f32 v3, $0.0e+00;
	v14 =	vsel vm1, $0x3F800000, v0;
	v9 =	vld.idx.msk [tilespmem:v9+s2+$0x0], $0xffff  }
0x86: {  	v15 =	vld.idx.msk [tilespmem:v8+s2+$0x0], $0xffff;
	v2 =	vadd.f32 v7, v2;
	v3 =	vmul.f32 v3, v14;
	v1 =	vadd.f32 v4, v1  }
0x87: {  	v5 =	vld.idx.msk [tilespmem:v12+s2+$0x0], $0xffff  }
0x88: {  	v2 =	vadd.f32 v14, v2;
	v4 =	vld.idx.msk [tilespmem:v11+s2+$0x0], $0xffff;
	v1 =	vadd.f32 v3, v1;
	v17 =	vunpack.i.u.bf16.f32 v16  }
0x89: {  	v3 =	vunpack.i.l.bf16.f32 v16;
	v18 =	vunpack.i.l.bf16.f32 v6;
	v19 =	vunpack.i.u.bf16.f32 v6  }
0x8a: {  	v7 =	vunpack.i.u.bf16.f32 v10;
	v11 =	vunpack.i.l.bf16.f32 v10;
	v12 =	vunpack.i.l.bf16.f32 v13  }
0x8b: {  	v8 =	vunpack.i.l.bf16.f32 v9;
	v10 =	vunpack.i.l.bf16.f32 v15;
	v16 =	vunpack.i.u.bf16.f32 v13  }
0x8c: {  	v13 =	vunpack.i.u.bf16.f32 v9;
	v15 =	vunpack.i.u.bf16.f32 v15;
	v6 =	vunpack.i.l.bf16.f32 v5  }
0x8d: {  	s29 =	simm.s32 $0x196E0;
	s1 =	simm.s32 $0x0;
	v3 =	vsub.f32 v3, v18;
	v9 =	vsub.f32 v17, v19;
	v14 =	vunpack.i.l.bf16.f32 v4  }
.LBB2_6:
0x8e: {  	v17 =	vld [tilespmem:s29+$0xFFFFF030];
	v5 =	vunpack.i.u.bf16.f32 v5;
	v11 =	vsub.f32 v11, v12;
	v7 =	vsub.f32 v7, v16  }
0x8f: {  	v4 =	vunpack.i.u.bf16.f32 v4;
	v8 =	vsub.f32 v8, v10;
	v10 =	vsub.f32 v13, v15;
	v12 =	vld [tilespmem:s29+$0x30]  }
0x90: {  	v6 =	vsub.f32 v6, v14;
	v4 =	vsub.f32 v5, v4;
	v13 =	vld [tilespmem:s29+$0xFFFFF020]  }
0x91: {  	v15 =	vand.u32 $0x80000000, v9;
	v9 =	vand.u32 $0x7FFFFFFF, v9;
	v14 =	vand.u32 $0x7FFFFFFF, v7;
	v5 =	vld [tilespmem:s29+$0x20]  }
0x92: {  	v19 =	vand.u32 $0x7FFFFFFF, v10;
	v7 =	vand.u32 $0x80000000, v7;
	v18 =	vand.u32 $0x80000000, v4;
	v16 =	vld [tilespmem:s29+$0xFFFFF010]  }
0x93: {  	v10 =	vand.u32 $0x80000000, v10;
	v4 =	vand.u32 $0x7FFFFFFF, v4;
	v6 =	vxor.u32 v6, v18;
	v20 =	vld [tilespmem:s29+$0x10]  }
0x94: {  	vm0 =	vgt.f32 v9, $1.000000010e-01;
	vm1 =	vgt.f32 v14, $1.000000010e-01;
	v6 =	vsub.f32 $1.000000000e+00, v6;
	v18 =	vld [tilespmem:s29+$0xFFFFF000]  }
0x95: {  	v3 =	vxor.u32 v3, v15;
	vm2 =	vgt.f32 v4, $1.000000010e-01;
	v4 =	vxor.u32 v8, v10;
	v9 =	vld [tilespmem:s29+$0x0]  }
0x96: {  	v10 =	vsel vm2, $0x3F800000, v0;
	v4 =	vsub.f32 $1.000000000e+00, v4;
	v6 =	vmax.f32 v6, $0.0e+00;
	v8 =	vld.idx.msk [tilespmem:v17+s2+$0x0], $0xffff  }
0x97: {  	s1 =	sadd.s32 $0x4, s1;
	v7 =	vxor.u32 v11, v7;
	vm2 =	vgt.f32 v19, $1.000000010e-01;
	v6 =	vmul.f32 v6, v10;
	v12 =	vld.idx.msk [tilespmem:v12+s2+$0x0], $0xffff  }
0x98: {  	p0 =	slt.u32 s1, $0xFC;
	v7 =	vsub.f32 $1.000000000e+00, v7;
	v4 =	vmax.f32 v4, $0.0e+00;
	v11 =	vld.idx.msk [tilespmem:v13+s2+$0x0], $0xffff;
	v13 =	vsel vm2, $0x3F800000, v0  }
0x99: {  	v2 =	vadd.f32 v10, v2;
	v1 =	vadd.f32 v6, v1;
	v14 =	vld.idx.msk [tilespmem:v5+s2+$0x0], $0xffff;
	v4 =	vmul.f32 v4, v13  }
0x9a: {  	v3 =	vsub.f32 $1.000000000e+00, v3;
	v6 =	vsel vm1, $0x3F800000, v0;
	v5 =	vmax.f32 v7, $0.0e+00;
	v15 =	vld.idx.msk [tilespmem:v16+s2+$0x0], $0xffff  }
0x9b: {  	v2 =	vadd.f32 v13, v2;
	v7 =	vmul.f32 v5, v6;
	v17 =	vld.idx.msk [tilespmem:v20+s2+$0x0], $0xffff;
	v1 =	vadd.f32 v4, v1  }
0x9c: {  	v3 =	vmax.f32 v3, $0.0e+00;
	v10 =	vsel vm0, $0x3F800000, v0;
	v5 =	vld.idx.msk [tilespmem:v18+s2+$0x0], $0xffff  }
0x9d: {  	v3 =	vmul.f32 v3, v10;
	v2 =	vadd.f32 v6, v2;
	v4 =	vld.idx.msk [tilespmem:v9+s2+$0x0], $0xffff;
	v1 =	vadd.f32 v7, v1  }
0x9e: {  	v18 =	vunpack.i.l.bf16.f32 v8;
	v19 =	vunpack.i.l.bf16.f32 v12;
	v9 =	vunpack.i.u.bf16.f32 v8  }
.Ltmp2:
0x9f: {  	v20 =	vunpack.i.u.bf16.f32 v12;
	v2 =	vadd.f32 v10, v2;
	v1 =	vadd.f32 v3, v1;
	(pc) =	sbr.rel @p0 .LBB2_6-.Ltmp2, $4  }
0xa0: {  	v7 =	vunpack.i.u.bf16.f32 v11;
	v11 =	vunpack.i.l.bf16.f32 v11;
	v12 =	vunpack.i.l.bf16.f32 v14  }
0xa1: {  	v16 =	vunpack.i.u.bf16.f32 v14;
	v8 =	vunpack.i.l.bf16.f32 v15;
	v10 =	vunpack.i.l.bf16.f32 v17  }
0xa2: {  	v13 =	vunpack.i.u.bf16.f32 v15;
	v15 =	vunpack.i.u.bf16.f32 v17;
	v6 =	vunpack.i.l.bf16.f32 v5  }
0xa3: {  	s29 =	sadd.s32 $0x40, s29;
	v9 =	vsub.f32 v9, v20;
	v3 =	vsub.f32 v18, v19;
	v14 =	vunpack.i.l.bf16.f32 v4  }
0xa4: {  	[tilespmem:s23], [sflag:$0x1] =	stream.linear.gather [hbm4b:s8+s2], $0x2000, $0x38;
	[tilespmem:$0x1C6C0] =	vst v63  }
0xa5: {  	_ =	swait.ge [sflag:s28], $0x2000  }
0xa6: {  	v5 =	vunpack.i.u.bf16.f32 v5;
	v11 =	vsub.f32 v11, v12;
	v7 =	vsub.f32 v7, v16;
	[sflag:s28] =	ssyncset.done $0x0  }
0xa7: {  	v4 =	vunpack.i.u.bf16.f32 v4;
	v8 =	vsub.f32 v8, v10;
	v10 =	vsub.f32 v13, v15;
	s1 =	simm.s32 $0x1B6D0;
	[sflag:s28] =	ssyncadd.s32 $0xFFFFE000  }
0xa8: {  	v6 =	vsub.f32 v6, v14;
	v4 =	vsub.f32 v5, v4;
	v5 =	vld [tilespmem:s1+$0xFFFFF000]  }
0xa9: {  	v13 =	vand.u32 $0x80000000, v9;
	v9 =	vand.u32 $0x7FFFFFFF, v9;
	v12 =	vand.u32 $0x7FFFFFFF, v7;
	v14 =	vld [tilespmem:s1+$0x0]  }
0xaa: {  	v16 =	vand.u32 $0x7FFFFFFF, v10;
	v7 =	vand.u32 $0x80000000, v7;
	v15 =	vand.u32 $0x80000000, v4;
	v17 =	vld [tilespmem:s1+$0xFFFFEFF0]  }
0xab: {  	v10 =	vand.u32 $0x80000000, v10;
	vm1 =	vgt.f32 v9, $1.000000010e-01;
	v6 =	vxor.u32 v6, v15;
	v15 =	vld [tilespmem:s1+$0xFFFFFFF0]  }
0xac: {  	v3 =	vxor.u32 v3, v13;
	v4 =	vand.u32 $0x7FFFFFFF, v4;
	v9 =	vld [tilespmem:s1+$0xFFFFEFE0];
	v6 =	vsub.f32 $1.000000000e+00, v6  }
0xad: {  	vm0 =	vgt.f32 v12, $1.000000010e-01;
	vm2 =	vgt.f32 v4, $1.000000010e-01;
	v4 =	vxor.u32 v8, v10;
	v8 =	vld [tilespmem:s1+$0xFFFFFFE0]  }
0xae: {  	v12 =	vld [tilespmem:s1+$0xFFFFEFD0];
	v10 =	vsel vm2, $0x3F800000, v0;
	v4 =	vsub.f32 $1.000000000e+00, v4;
	v6 =	vmax.f32 v6, $0.0e+00  }
0xaf: {  	vm15 =	vgt.f32 v16, $1.000000010e-01;
	v7 =	vxor.u32 v11, v7;
	v11 =	vld [tilespmem:s1+$0xFFFFFFD0];
	v6 =	vmul.f32 v6, v10  }
0xb0: {  	v13 =	vsel vm15, $0x3F800000, v0;
	v7 =	vsub.f32 $1.000000000e+00, v7;
	v4 =	vmax.f32 v4, $0.0e+00;
	v16 =	vld.idx.msk [tilespmem:v5+s2+$0x0], $0xffff  }
0xb1: {  	v2 =	vadd.f32 v10, v2;
	v4 =	vmul.f32 v4, v13;
	v1 =	vadd.f32 v6, v1;
	v6 =	vld.idx.msk [tilespmem:v14+s2+$0x0], $0xffff  }
0xb2: {  	v3 =	vsub.f32 $1.000000000e+00, v3;
	v5 =	vmax.f32 v7, $0.0e+00;
	v7 =	vsel vm0, $0x3F800000, v0;
	v10 =	vld.idx.msk [tilespmem:v17+s2+$0x0], $0xffff  }
0xb3: {  	v2 =	vadd.f32 v13, v2;
	v1 =	vadd.f32 v4, v1;
	v13 =	vld.idx.msk [tilespmem:v15+s2+$0x0], $0xffff;
	v4 =	vmul.f32 v5, v7  }
0xb4: {  	v3 =	vmax.f32 v3, $0.0e+00;
	v14 =	vsel vm1, $0x3F800000, v0;
	v9 =	vld.idx.msk [tilespmem:v9+s2+$0x0], $0xffff  }
0xb5: {  	v15 =	vld.idx.msk [tilespmem:v8+s2+$0x0], $0xffff;
	v2 =	vadd.f32 v7, v2;
	v3 =	vmul.f32 v3, v14;
	v1 =	vadd.f32 v4, v1  }
0xb6: {  	v5 =	vld.idx.msk [tilespmem:v12+s2+$0x0], $0xffff  }
0xb7: {  	v2 =	vadd.f32 v14, v2;
	v4 =	vld.idx.msk [tilespmem:v11+s2+$0x0], $0xffff;
	v1 =	vadd.f32 v3, v1;
	v17 =	vunpack.i.u.bf16.f32 v16  }
0xb8: {  	v3 =	vunpack.i.l.bf16.f32 v16;
	v18 =	vunpack.i.l.bf16.f32 v6;
	v19 =	vunpack.i.u.bf16.f32 v6  }
0xb9: {  	v7 =	vunpack.i.u.bf16.f32 v10;
	v11 =	vunpack.i.l.bf16.f32 v10;
	v12 =	vunpack.i.l.bf16.f32 v13  }
0xba: {  	v8 =	vunpack.i.l.bf16.f32 v9;
	v10 =	vunpack.i.l.bf16.f32 v15;
	v16 =	vunpack.i.u.bf16.f32 v13  }
0xbb: {  	v13 =	vunpack.i.u.bf16.f32 v9;
	v15 =	vunpack.i.u.bf16.f32 v15;
	v6 =	vunpack.i.l.bf16.f32 v5  }
0xbc: {  	s29 =	simm.s32 $0x1B710;
	s1 =	simm.s32 $0x0;
	v3 =	vsub.f32 v3, v18;
	v9 =	vsub.f32 v17, v19;
	v14 =	vunpack.i.l.bf16.f32 v4  }
.LBB2_8:
0xbd: {  	v17 =	vld [tilespmem:s29+$0xFFFFF000];
	v5 =	vunpack.i.u.bf16.f32 v5;
	v11 =	vsub.f32 v11, v12;
	v7 =	vsub.f32 v7, v16  }
0xbe: {  	v4 =	vunpack.i.u.bf16.f32 v4;
	v8 =	vsub.f32 v8, v10;
	v10 =	vsub.f32 v13, v15;
	v12 =	vld [tilespmem:s29+$0x0]  }
0xbf: {  	v6 =	vsub.f32 v6, v14;
	v4 =	vsub.f32 v5, v4;
	v13 =	vld [tilespmem:s29+$0xFFFFEFF0]  }
0xc0: {  	v15 =	vand.u32 $0x80000000, v9;
	v9 =	vand.u32 $0x7FFFFFFF, v9;
	v14 =	vand.u32 $0x7FFFFFFF, v7;
	v5 =	vld [tilespmem:s29+$0xFFFFFFF0]  }
0xc1: {  	v19 =	vand.u32 $0x7FFFFFFF, v10;
	v7 =	vand.u32 $0x80000000, v7;
	v18 =	vand.u32 $0x80000000, v4;
	v16 =	vld [tilespmem:s29+$0xFFFFEFE0]  }
0xc2: {  	v10 =	vand.u32 $0x80000000, v10;
	v4 =	vand.u32 $0x7FFFFFFF, v4;
	v6 =	vxor.u32 v6, v18;
	v20 =	vld [tilespmem:s29+$0xFFFFFFE0]  }
0xc3: {  	vm0 =	vgt.f32 v9, $1.000000010e-01;
	vm1 =	vgt.f32 v14, $1.000000010e-01;
	v6 =	vsub.f32 $1.000000000e+00, v6;
	v18 =	vld [tilespmem:s29+$0xFFFFEFD0]  }
0xc4: {  	v3 =	vxor.u32 v3, v15;
	vm2 =	vgt.f32 v4, $1.000000010e-01;
	v4 =	vxor.u32 v8, v10;
	v9 =	vld [tilespmem:s29+$0xFFFFFFD0]  }
0xc5: {  	v10 =	vsel vm2, $0x3F800000, v0;
	v4 =	vsub.f32 $1.000000000e+00, v4;
	v6 =	vmax.f32 v6, $0.0e+00;
	v8 =	vld.idx.msk [tilespmem:v17+s2+$0x0], $0xffff  }
0xc6: {  	s1 =	sadd.s32 $0x4, s1;
	v7 =	vxor.u32 v11, v7;
	vm2 =	vgt.f32 v19, $1.000000010e-01;
	v6 =	vmul.f32 v6, v10;
	v12 =	vld.idx.msk [tilespmem:v12+s2+$0x0], $0xffff  }
0xc7: {  	p0 =	slt.u32 s1, $0xFC;
	v7 =	vsub.f32 $1.000000000e+00, v7;
	v4 =	vmax.f32 v4, $0.0e+00;
	v11 =	vld.idx.msk [tilespmem:v13+s2+$0x0], $0xffff;
	v13 =	vsel vm2, $0x3F800000, v0  }
0xc8: {  	v2 =	vadd.f32 v10, v2;
	v1 =	vadd.f32 v6, v1;
	v14 =	vld.idx.msk [tilespmem:v5+s2+$0x0], $0xffff;
	v4 =	vmul.f32 v4, v13  }
0xc9: {  	v3 =	vsub.f32 $1.000000000e+00, v3;
	v6 =	vsel vm1, $0x3F800000, v0;
	v5 =	vmax.f32 v7, $0.0e+00;
	v15 =	vld.idx.msk [tilespmem:v16+s2+$0x0], $0xffff  }
0xca: {  	v2 =	vadd.f32 v13, v2;
	v7 =	vmul.f32 v5, v6;
	v17 =	vld.idx.msk [tilespmem:v20+s2+$0x0], $0xffff;
	v1 =	vadd.f32 v4, v1  }
0xcb: {  	v3 =	vmax.f32 v3, $0.0e+00;
	v10 =	vsel vm0, $0x3F800000, v0;
	v5 =	vld.idx.msk [tilespmem:v18+s2+$0x0], $0xffff  }
0xcc: {  	v3 =	vmul.f32 v3, v10;
	v2 =	vadd.f32 v6, v2;
	v4 =	vld.idx.msk [tilespmem:v9+s2+$0x0], $0xffff;
	v1 =	vadd.f32 v7, v1  }
0xcd: {  	v18 =	vunpack.i.l.bf16.f32 v8;
	v19 =	vunpack.i.l.bf16.f32 v12;
	v9 =	vunpack.i.u.bf16.f32 v8  }
.Ltmp3:
0xce: {  	v20 =	vunpack.i.u.bf16.f32 v12;
	v2 =	vadd.f32 v10, v2;
	v1 =	vadd.f32 v3, v1;
	(pc) =	sbr.rel @p0 .LBB2_8-.Ltmp3, $4  }
0xcf: {  	v7 =	vunpack.i.u.bf16.f32 v11;
	v11 =	vunpack.i.l.bf16.f32 v11;
	v12 =	vunpack.i.l.bf16.f32 v14  }
0xd0: {  	v16 =	vunpack.i.u.bf16.f32 v14;
	v8 =	vunpack.i.l.bf16.f32 v15;
	v10 =	vunpack.i.l.bf16.f32 v17  }
0xd1: {  	v13 =	vunpack.i.u.bf16.f32 v15;
	v15 =	vunpack.i.u.bf16.f32 v17;
	v6 =	vunpack.i.l.bf16.f32 v5  }
0xd2: {  	s29 =	sadd.s32 $0x40, s29;
	v9 =	vsub.f32 v9, v20;
	v3 =	vsub.f32 v18, v19;
	v14 =	vunpack.i.l.bf16.f32 v4  }
0xd3: {  	[tilespmem:s25], [sflag:$0x2] =	stream.linear.gather [hbm4b:s9+s2], $0x2000, $0x38;
	[tilespmem:$0x1C6C0] =	vst v63  }
0xd4: {  	_ =	swait.ge [sflag:s26], $0x2000  }
0xd5: {  	v5 =	vunpack.i.u.bf16.f32 v5;
	v11 =	vsub.f32 v11, v12;
	v7 =	vsub.f32 v7, v16;
	[sflag:s26] =	ssyncset.done $0x0  }
0xd6: {  	v4 =	vunpack.i.u.bf16.f32 v4;
	v8 =	vsub.f32 v8, v10;
	v10 =	vsub.f32 v13, v15;
	s1 =	simm.s32 $0x196A0;
	[sflag:s26] =	ssyncadd.s32 $0xFFFFE000  }
0xd7: {  	v6 =	vsub.f32 v6, v14;
	v4 =	vsub.f32 v5, v4;
	v5 =	vld [tilespmem:s1+$0xFFFFF030]  }
0xd8: {  	v13 =	vand.u32 $0x80000000, v9;
	v9 =	vand.u32 $0x7FFFFFFF, v9;
	v12 =	vand.u32 $0x7FFFFFFF, v7;
	v14 =	vld [tilespmem:s1+$0x30]  }
0xd9: {  	v16 =	vand.u32 $0x7FFFFFFF, v10;
	v7 =	vand.u32 $0x80000000, v7;
	v15 =	vand.u32 $0x80000000, v4;
	v17 =	vld [tilespmem:s1+$0xFFFFF020]  }
0xda: {  	v10 =	vand.u32 $0x80000000, v10;
	vm1 =	vgt.f32 v9, $1.000000010e-01;
	v6 =	vxor.u32 v6, v15;
	v15 =	vld [tilespmem:s1+$0x20]  }
0xdb: {  	v3 =	vxor.u32 v3, v13;
	v4 =	vand.u32 $0x7FFFFFFF, v4;
	v9 =	vld [tilespmem:s1+$0xFFFFF010];
	v6 =	vsub.f32 $1.000000000e+00, v6  }
0xdc: {  	vm0 =	vgt.f32 v12, $1.000000010e-01;
	vm2 =	vgt.f32 v4, $1.000000010e-01;
	v4 =	vxor.u32 v8, v10;
	v8 =	vld [tilespmem:s1+$0x10]  }
0xdd: {  	v12 =	vld [tilespmem:s1+$0xFFFFF000];
	v10 =	vsel vm2, $0x3F800000, v0;
	v4 =	vsub.f32 $1.000000000e+00, v4;
	v6 =	vmax.f32 v6, $0.0e+00  }
0xde: {  	vm15 =	vgt.f32 v16, $1.000000010e-01;
	v7 =	vxor.u32 v11, v7;
	v11 =	vld [tilespmem:s1+$0x0];
	v6 =	vmul.f32 v6, v10  }
0xdf: {  	v13 =	vsel vm15, $0x3F800000, v0;
	v7 =	vsub.f32 $1.000000000e+00, v7;
	v4 =	vmax.f32 v4, $0.0e+00;
	v16 =	vld.idx.msk [tilespmem:v5+s2+$0x0], $0xffff  }
0xe0: {  	v2 =	vadd.f32 v10, v2;
	v4 =	vmul.f32 v4, v13;
	v1 =	vadd.f32 v6, v1;
	v6 =	vld.idx.msk [tilespmem:v14+s2+$0x0], $0xffff  }
0xe1: {  	v3 =	vsub.f32 $1.000000000e+00, v3;
	v5 =	vmax.f32 v7, $0.0e+00;
	v7 =	vsel vm0, $0x3F800000, v0;
	v10 =	vld.idx.msk [tilespmem:v17+s2+$0x0], $0xffff  }
0xe2: {  	v2 =	vadd.f32 v13, v2;
	v1 =	vadd.f32 v4, v1;
	v13 =	vld.idx.msk [tilespmem:v15+s2+$0x0], $0xffff;
	v4 =	vmul.f32 v5, v7  }
0xe3: {  	v3 =	vmax.f32 v3, $0.0e+00;
	v14 =	vsel vm1, $0x3F800000, v0;
	v9 =	vld.idx.msk [tilespmem:v9+s2+$0x0], $0xffff  }
0xe4: {  	v15 =	vld.idx.msk [tilespmem:v8+s2+$0x0], $0xffff;
	v2 =	vadd.f32 v7, v2;
	v3 =	vmul.f32 v3, v14;
	v1 =	vadd.f32 v4, v1  }
0xe5: {  	v5 =	vld.idx.msk [tilespmem:v12+s2+$0x0], $0xffff  }
0xe6: {  	v2 =	vadd.f32 v14, v2;
	v4 =	vld.idx.msk [tilespmem:v11+s2+$0x0], $0xffff;
	v1 =	vadd.f32 v3, v1;
	v17 =	vunpack.i.u.bf16.f32 v16  }
0xe7: {  	v3 =	vunpack.i.l.bf16.f32 v16;
	v18 =	vunpack.i.l.bf16.f32 v6;
	v19 =	vunpack.i.u.bf16.f32 v6  }
0xe8: {  	v7 =	vunpack.i.u.bf16.f32 v10;
	v11 =	vunpack.i.l.bf16.f32 v10;
	v12 =	vunpack.i.l.bf16.f32 v13  }
0xe9: {  	v8 =	vunpack.i.l.bf16.f32 v9;
	v10 =	vunpack.i.l.bf16.f32 v15;
	v16 =	vunpack.i.u.bf16.f32 v13  }
0xea: {  	v13 =	vunpack.i.u.bf16.f32 v9;
	v15 =	vunpack.i.u.bf16.f32 v15;
	v6 =	vunpack.i.l.bf16.f32 v5  }
0xeb: {  	s29 =	simm.s32 $0x196E0;
	s1 =	simm.s32 $0x0;
	v3 =	vsub.f32 v3, v18;
	v9 =	vsub.f32 v17, v19;
	v14 =	vunpack.i.l.bf16.f32 v4  }
.LBB2_10:
0xec: {  	v17 =	vld [tilespmem:s29+$0xFFFFF030];
	v5 =	vunpack.i.u.bf16.f32 v5;
	v11 =	vsub.f32 v11, v12;
	v7 =	vsub.f32 v7, v16  }
0xed: {  	v4 =	vunpack.i.u.bf16.f32 v4;
	v8 =	vsub.f32 v8, v10;
	v10 =	vsub.f32 v13, v15;
	v12 =	vld [tilespmem:s29+$0x30]  }
0xee: {  	v6 =	vsub.f32 v6, v14;
	v4 =	vsub.f32 v5, v4;
	v13 =	vld [tilespmem:s29+$0xFFFFF020]  }
0xef: {  	v15 =	vand.u32 $0x80000000, v9;
	v9 =	vand.u32 $0x7FFFFFFF, v9;
	v14 =	vand.u32 $0x7FFFFFFF, v7;
	v5 =	vld [tilespmem:s29+$0x20]  }
0xf0: {  	v19 =	vand.u32 $0x7FFFFFFF, v10;
	v7 =	vand.u32 $0x80000000, v7;
	v18 =	vand.u32 $0x80000000, v4;
	v16 =	vld [tilespmem:s29+$0xFFFFF010]  }
0xf1: {  	v10 =	vand.u32 $0x80000000, v10;
	v4 =	vand.u32 $0x7FFFFFFF, v4;
	v6 =	vxor.u32 v6, v18;
	v20 =	vld [tilespmem:s29+$0x10]  }
0xf2: {  	vm0 =	vgt.f32 v9, $1.000000010e-01;
	vm1 =	vgt.f32 v14, $1.000000010e-01;
	v6 =	vsub.f32 $1.000000000e+00, v6;
	v18 =	vld [tilespmem:s29+$0xFFFFF000]  }
0xf3: {  	v3 =	vxor.u32 v3, v15;
	vm2 =	vgt.f32 v4, $1.000000010e-01;
	v4 =	vxor.u32 v8, v10;
	v9 =	vld [tilespmem:s29+$0x0]  }
0xf4: {  	v10 =	vsel vm2, $0x3F800000, v0;
	v4 =	vsub.f32 $1.000000000e+00, v4;
	v6 =	vmax.f32 v6, $0.0e+00;
	v8 =	vld.idx.msk [tilespmem:v17+s2+$0x0], $0xffff  }
0xf5: {  	s1 =	sadd.s32 $0x4, s1;
	v7 =	vxor.u32 v11, v7;
	vm2 =	vgt.f32 v19, $1.000000010e-01;
	v6 =	vmul.f32 v6, v10;
	v12 =	vld.idx.msk [tilespmem:v12+s2+$0x0], $0xffff  }
0xf6: {  	p0 =	slt.u32 s1, $0xFC;
	v7 =	vsub.f32 $1.000000000e+00, v7;
	v4 =	vmax.f32 v4, $0.0e+00;
	v11 =	vld.idx.msk [tilespmem:v13+s2+$0x0], $0xffff;
	v13 =	vsel vm2, $0x3F800000, v0  }
0xf7: {  	v2 =	vadd.f32 v10, v2;
	v1 =	vadd.f32 v6, v1;
	v14 =	vld.idx.msk [tilespmem:v5+s2+$0x0], $0xffff;
	v4 =	vmul.f32 v4, v13  }
0xf8: {  	v3 =	vsub.f32 $1.000000000e+00, v3;
	v6 =	vsel vm1, $0x3F800000, v0;
	v5 =	vmax.f32 v7, $0.0e+00;
	v15 =	vld.idx.msk [tilespmem:v16+s2+$0x0], $0xffff  }
0xf9: {  	v2 =	vadd.f32 v13, v2;
	v7 =	vmul.f32 v5, v6;
	v17 =	vld.idx.msk [tilespmem:v20+s2+$0x0], $0xffff;
	v1 =	vadd.f32 v4, v1  }
0xfa: {  	v3 =	vmax.f32 v3, $0.0e+00;
	v10 =	vsel vm0, $0x3F800000, v0;
	v5 =	vld.idx.msk [tilespmem:v18+s2+$0x0], $0xffff  }
0xfb: {  	v3 =	vmul.f32 v3, v10;
	v2 =	vadd.f32 v6, v2;
	v4 =	vld.idx.msk [tilespmem:v9+s2+$0x0], $0xffff;
	v1 =	vadd.f32 v7, v1  }
0xfc: {  	v18 =	vunpack.i.l.bf16.f32 v8;
	v19 =	vunpack.i.l.bf16.f32 v12;
	v9 =	vunpack.i.u.bf16.f32 v8  }
.Ltmp4:
0xfd: {  	v20 =	vunpack.i.u.bf16.f32 v12;
	v2 =	vadd.f32 v10, v2;
	v1 =	vadd.f32 v3, v1;
	(pc) =	sbr.rel @p0 .LBB2_10-.Ltmp4, $4  }
0xfe: {  	v7 =	vunpack.i.u.bf16.f32 v11;
	v11 =	vunpack.i.l.bf16.f32 v11;
	v12 =	vunpack.i.l.bf16.f32 v14  }
0xff: {  	v16 =	vunpack.i.u.bf16.f32 v14;
	v8 =	vunpack.i.l.bf16.f32 v15;
	v10 =	vunpack.i.l.bf16.f32 v17  }
0x100: {  	v13 =	vunpack.i.u.bf16.f32 v15;
	v15 =	vunpack.i.u.bf16.f32 v17;
	v6 =	vunpack.i.l.bf16.f32 v5  }
0x101: {  	s29 =	sadd.s32 $0x40, s29;
	v9 =	vsub.f32 v9, v20;
	v3 =	vsub.f32 v18, v19;
	v14 =	vunpack.i.l.bf16.f32 v4  }
0x102: {  	[tilespmem:s23], [sflag:$0x1] =	stream.linear.gather [hbm4b:s10+s2], $0x2000, $0x38;
	[tilespmem:$0x1C6C0] =	vst v63  }
0x103: {  	_ =	swait.ge [sflag:s28], $0x2000  }
0x104: {  	v5 =	vunpack.i.u.bf16.f32 v5;
	v11 =	vsub.f32 v11, v12;
	v7 =	vsub.f32 v7, v16;
	[sflag:s28] =	ssyncset.done $0x0  }
0x105: {  	v4 =	vunpack.i.u.bf16.f32 v4;
	v8 =	vsub.f32 v8, v10;
	v10 =	vsub.f32 v13, v15;
	s1 =	simm.s32 $0x1B6D0;
	[sflag:s28] =	ssyncadd.s32 $0xFFFFE000  }
0x106: {  	v6 =	vsub.f32 v6, v14;
	v4 =	vsub.f32 v5, v4;
	v5 =	vld [tilespmem:s1+$0xFFFFF000]  }
0x107: {  	v13 =	vand.u32 $0x80000000, v9;
	v9 =	vand.u32 $0x7FFFFFFF, v9;
	v12 =	vand.u32 $0x7FFFFFFF, v7;
	v14 =	vld [tilespmem:s1+$0x0]  }
0x108: {  	v16 =	vand.u32 $0x7FFFFFFF, v10;
	v7 =	vand.u32 $0x80000000, v7;
	v15 =	vand.u32 $0x80000000, v4;
	v17 =	vld [tilespmem:s1+$0xFFFFEFF0]  }
0x109: {  	v10 =	vand.u32 $0x80000000, v10;
	vm1 =	vgt.f32 v9, $1.000000010e-01;
	v6 =	vxor.u32 v6, v15;
	v15 =	vld [tilespmem:s1+$0xFFFFFFF0]  }
0x10a: {  	v3 =	vxor.u32 v3, v13;
	v4 =	vand.u32 $0x7FFFFFFF, v4;
	v9 =	vld [tilespmem:s1+$0xFFFFEFE0];
	v6 =	vsub.f32 $1.000000000e+00, v6  }
0x10b: {  	vm0 =	vgt.f32 v12, $1.000000010e-01;
	vm2 =	vgt.f32 v4, $1.000000010e-01;
	v4 =	vxor.u32 v8, v10;
	v8 =	vld [tilespmem:s1+$0xFFFFFFE0]  }
0x10c: {  	v12 =	vld [tilespmem:s1+$0xFFFFEFD0];
	v10 =	vsel vm2, $0x3F800000, v0;
	v4 =	vsub.f32 $1.000000000e+00, v4;
	v6 =	vmax.f32 v6, $0.0e+00  }
0x10d: {  	vm15 =	vgt.f32 v16, $1.000000010e-01;
	v7 =	vxor.u32 v11, v7;
	v11 =	vld [tilespmem:s1+$0xFFFFFFD0];
	v6 =	vmul.f32 v6, v10  }
0x10e: {  	v13 =	vsel vm15, $0x3F800000, v0;
	v7 =	vsub.f32 $1.000000000e+00, v7;
	v4 =	vmax.f32 v4, $0.0e+00;
	v16 =	vld.idx.msk [tilespmem:v5+s2+$0x0], $0xffff  }
0x10f: {  	v2 =	vadd.f32 v10, v2;
	v4 =	vmul.f32 v4, v13;
	v1 =	vadd.f32 v6, v1;
	v6 =	vld.idx.msk [tilespmem:v14+s2+$0x0], $0xffff  }
0x110: {  	v3 =	vsub.f32 $1.000000000e+00, v3;
	v5 =	vmax.f32 v7, $0.0e+00;
	v7 =	vsel vm0, $0x3F800000, v0;
	v10 =	vld.idx.msk [tilespmem:v17+s2+$0x0], $0xffff  }
0x111: {  	v2 =	vadd.f32 v13, v2;
	v1 =	vadd.f32 v4, v1;
	v13 =	vld.idx.msk [tilespmem:v15+s2+$0x0], $0xffff;
	v4 =	vmul.f32 v5, v7  }
0x112: {  	v3 =	vmax.f32 v3, $0.0e+00;
	v14 =	vsel vm1, $0x3F800000, v0;
	v9 =	vld.idx.msk [tilespmem:v9+s2+$0x0], $0xffff  }
0x113: {  	v15 =	vld.idx.msk [tilespmem:v8+s2+$0x0], $0xffff;
	v2 =	vadd.f32 v7, v2;
	v3 =	vmul.f32 v3, v14;
	v1 =	vadd.f32 v4, v1  }
0x114: {  	v5 =	vld.idx.msk [tilespmem:v12+s2+$0x0], $0xffff  }
0x115: {  	v2 =	vadd.f32 v14, v2;
	v4 =	vld.idx.msk [tilespmem:v11+s2+$0x0], $0xffff;
	v1 =	vadd.f32 v3, v1;
	v17 =	vunpack.i.u.bf16.f32 v16  }
0x116: {  	v3 =	vunpack.i.l.bf16.f32 v16;
	v18 =	vunpack.i.l.bf16.f32 v6;
	v19 =	vunpack.i.u.bf16.f32 v6  }
0x117: {  	v7 =	vunpack.i.u.bf16.f32 v10;
	v11 =	vunpack.i.l.bf16.f32 v10;
	v12 =	vunpack.i.l.bf16.f32 v13  }
0x118: {  	v8 =	vunpack.i.l.bf16.f32 v9;
	v10 =	vunpack.i.l.bf16.f32 v15;
	v16 =	vunpack.i.u.bf16.f32 v13  }
0x119: {  	v13 =	vunpack.i.u.bf16.f32 v9;
	v15 =	vunpack.i.u.bf16.f32 v15;
	v6 =	vunpack.i.l.bf16.f32 v5  }
0x11a: {  	s29 =	simm.s32 $0x1B710;
	s1 =	simm.s32 $0x0;
	v3 =	vsub.f32 v3, v18;
	v9 =	vsub.f32 v17, v19;
	v14 =	vunpack.i.l.bf16.f32 v4  }
.LBB2_12:
0x11b: {  	v17 =	vld [tilespmem:s29+$0xFFFFF000];
	v5 =	vunpack.i.u.bf16.f32 v5;
	v11 =	vsub.f32 v11, v12;
	v7 =	vsub.f32 v7, v16  }
0x11c: {  	v4 =	vunpack.i.u.bf16.f32 v4;
	v8 =	vsub.f32 v8, v10;
	v10 =	vsub.f32 v13, v15;
	v12 =	vld [tilespmem:s29+$0x0]  }
0x11d: {  	v6 =	vsub.f32 v6, v14;
	v4 =	vsub.f32 v5, v4;
	v13 =	vld [tilespmem:s29+$0xFFFFEFF0]  }
0x11e: {  	v15 =	vand.u32 $0x80000000, v9;
	v9 =	vand.u32 $0x7FFFFFFF, v9;
	v14 =	vand.u32 $0x7FFFFFFF, v7;
	v5 =	vld [tilespmem:s29+$0xFFFFFFF0]  }
0x11f: {  	v19 =	vand.u32 $0x7FFFFFFF, v10;
	v7 =	vand.u32 $0x80000000, v7;
	v18 =	vand.u32 $0x80000000, v4;
	v16 =	vld [tilespmem:s29+$0xFFFFEFE0]  }
0x120: {  	v10 =	vand.u32 $0x80000000, v10;
	v4 =	vand.u32 $0x7FFFFFFF, v4;
	v6 =	vxor.u32 v6, v18;
	v20 =	vld [tilespmem:s29+$0xFFFFFFE0]  }
0x121: {  	vm0 =	vgt.f32 v9, $1.000000010e-01;
	vm1 =	vgt.f32 v14, $1.000000010e-01;
	v6 =	vsub.f32 $1.000000000e+00, v6;
	v18 =	vld [tilespmem:s29+$0xFFFFEFD0]  }
0x122: {  	v3 =	vxor.u32 v3, v15;
	vm2 =	vgt.f32 v4, $1.000000010e-01;
	v4 =	vxor.u32 v8, v10;
	v9 =	vld [tilespmem:s29+$0xFFFFFFD0]  }
0x123: {  	v10 =	vsel vm2, $0x3F800000, v0;
	v4 =	vsub.f32 $1.000000000e+00, v4;
	v6 =	vmax.f32 v6, $0.0e+00;
	v8 =	vld.idx.msk [tilespmem:v17+s2+$0x0], $0xffff  }
0x124: {  	s1 =	sadd.s32 $0x4, s1;
	v7 =	vxor.u32 v11, v7;
	vm2 =	vgt.f32 v19, $1.000000010e-01;
	v6 =	vmul.f32 v6, v10;
	v12 =	vld.idx.msk [tilespmem:v12+s2+$0x0], $0xffff  }
0x125: {  	p0 =	slt.u32 s1, $0xFC;
	v7 =	vsub.f32 $1.000000000e+00, v7;
	v4 =	vmax.f32 v4, $0.0e+00;
	v11 =	vld.idx.msk [tilespmem:v13+s2+$0x0], $0xffff;
	v13 =	vsel vm2, $0x3F800000, v0  }
0x126: {  	v2 =	vadd.f32 v10, v2;
	v1 =	vadd.f32 v6, v1;
	v14 =	vld.idx.msk [tilespmem:v5+s2+$0x0], $0xffff;
	v4 =	vmul.f32 v4, v13  }
0x127: {  	v3 =	vsub.f32 $1.000000000e+00, v3;
	v6 =	vsel vm1, $0x3F800000, v0;
	v5 =	vmax.f32 v7, $0.0e+00;
	v15 =	vld.idx.msk [tilespmem:v16+s2+$0x0], $0xffff  }
0x128: {  	v2 =	vadd.f32 v13, v2;
	v7 =	vmul.f32 v5, v6;
	v17 =	vld.idx.msk [tilespmem:v20+s2+$0x0], $0xffff;
	v1 =	vadd.f32 v4, v1  }
0x129: {  	v3 =	vmax.f32 v3, $0.0e+00;
	v10 =	vsel vm0, $0x3F800000, v0;
	v5 =	vld.idx.msk [tilespmem:v18+s2+$0x0], $0xffff  }
0x12a: {  	v3 =	vmul.f32 v3, v10;
	v2 =	vadd.f32 v6, v2;
	v4 =	vld.idx.msk [tilespmem:v9+s2+$0x0], $0xffff;
	v1 =	vadd.f32 v7, v1  }
0x12b: {  	v18 =	vunpack.i.l.bf16.f32 v8;
	v19 =	vunpack.i.l.bf16.f32 v12;
	v9 =	vunpack.i.u.bf16.f32 v8  }
.Ltmp5:
0x12c: {  	v20 =	vunpack.i.u.bf16.f32 v12;
	v2 =	vadd.f32 v10, v2;
	v1 =	vadd.f32 v3, v1;
	(pc) =	sbr.rel @p0 .LBB2_12-.Ltmp5, $4  }
0x12d: {  	v7 =	vunpack.i.u.bf16.f32 v11;
	v11 =	vunpack.i.l.bf16.f32 v11;
	v12 =	vunpack.i.l.bf16.f32 v14  }
0x12e: {  	v16 =	vunpack.i.u.bf16.f32 v14;
	v8 =	vunpack.i.l.bf16.f32 v15;
	v10 =	vunpack.i.l.bf16.f32 v17  }
0x12f: {  	v13 =	vunpack.i.u.bf16.f32 v15;
	v15 =	vunpack.i.u.bf16.f32 v17;
	v6 =	vunpack.i.l.bf16.f32 v5  }
0x130: {  	s29 =	sadd.s32 $0x40, s29;
	v9 =	vsub.f32 v9, v20;
	v3 =	vsub.f32 v18, v19;
	v14 =	vunpack.i.l.bf16.f32 v4  }
0x131: {  	[tilespmem:s25], [sflag:$0x2] =	stream.linear.gather [hbm4b:s11+s2], $0x2000, $0x38;
	[tilespmem:$0x1C6C0] =	vst v63  }
0x132: {  	_ =	swait.ge [sflag:s26], $0x2000  }
0x133: {  	v5 =	vunpack.i.u.bf16.f32 v5;
	v11 =	vsub.f32 v11, v12;
	v7 =	vsub.f32 v7, v16;
	[sflag:s26] =	ssyncset.done $0x0  }
0x134: {  	v4 =	vunpack.i.u.bf16.f32 v4;
	v8 =	vsub.f32 v8, v10;
	v10 =	vsub.f32 v13, v15;
	s1 =	simm.s32 $0x196A0;
	[sflag:s26] =	ssyncadd.s32 $0xFFFFE000  }
0x135: {  	v6 =	vsub.f32 v6, v14;
	v4 =	vsub.f32 v5, v4;
	v5 =	vld [tilespmem:s1+$0xFFFFF030]  }
0x136: {  	v13 =	vand.u32 $0x80000000, v9;
	v9 =	vand.u32 $0x7FFFFFFF, v9;
	v12 =	vand.u32 $0x7FFFFFFF, v7;
	v14 =	vld [tilespmem:s1+$0x30]  }
0x137: {  	v16 =	vand.u32 $0x7FFFFFFF, v10;
	v7 =	vand.u32 $0x80000000, v7;
	v15 =	vand.u32 $0x80000000, v4;
	v17 =	vld [tilespmem:s1+$0xFFFFF020]  }
0x138: {  	v10 =	vand.u32 $0x80000000, v10;
	vm1 =	vgt.f32 v9, $1.000000010e-01;
	v6 =	vxor.u32 v6, v15;
	v15 =	vld [tilespmem:s1+$0x20]  }
0x139: {  	v3 =	vxor.u32 v3, v13;
	v4 =	vand.u32 $0x7FFFFFFF, v4;
	v9 =	vld [tilespmem:s1+$0xFFFFF010];
	v6 =	vsub.f32 $1.000000000e+00, v6  }
0x13a: {  	vm0 =	vgt.f32 v12, $1.000000010e-01;
	vm2 =	vgt.f32 v4, $1.000000010e-01;
	v4 =	vxor.u32 v8, v10;
	v8 =	vld [tilespmem:s1+$0x10]  }
0x13b: {  	v12 =	vld [tilespmem:s1+$0xFFFFF000];
	v10 =	vsel vm2, $0x3F800000, v0;
	v4 =	vsub.f32 $1.000000000e+00, v4;
	v6 =	vmax.f32 v6, $0.0e+00  }
0x13c: {  	vm15 =	vgt.f32 v16, $1.000000010e-01;
	v7 =	vxor.u32 v11, v7;
	v11 =	vld [tilespmem:s1+$0x0];
	v6 =	vmul.f32 v6, v10  }
0x13d: {  	v13 =	vsel vm15, $0x3F800000, v0;
	v7 =	vsub.f32 $1.000000000e+00, v7;
	v4 =	vmax.f32 v4, $0.0e+00;
	v16 =	vld.idx.msk [tilespmem:v5+s2+$0x0], $0xffff  }
0x13e: {  	v2 =	vadd.f32 v10, v2;
	v4 =	vmul.f32 v4, v13;
	v1 =	vadd.f32 v6, v1;
	v6 =	vld.idx.msk [tilespmem:v14+s2+$0x0], $0xffff  }
0x13f: {  	v3 =	vsub.f32 $1.000000000e+00, v3;
	v5 =	vmax.f32 v7, $0.0e+00;
	v7 =	vsel vm0, $0x3F800000, v0;
	v10 =	vld.idx.msk [tilespmem:v17+s2+$0x0], $0xffff  }
0x140: {  	v2 =	vadd.f32 v13, v2;
	v1 =	vadd.f32 v4, v1;
	v13 =	vld.idx.msk [tilespmem:v15+s2+$0x0], $0xffff;
	v4 =	vmul.f32 v5, v7  }
0x141: {  	v3 =	vmax.f32 v3, $0.0e+00;
	v14 =	vsel vm1, $0x3F800000, v0;
	v9 =	vld.idx.msk [tilespmem:v9+s2+$0x0], $0xffff  }
0x142: {  	v15 =	vld.idx.msk [tilespmem:v8+s2+$0x0], $0xffff;
	v2 =	vadd.f32 v7, v2;
	v3 =	vmul.f32 v3, v14;
	v1 =	vadd.f32 v4, v1  }
0x143: {  	v5 =	vld.idx.msk [tilespmem:v12+s2+$0x0], $0xffff  }
0x144: {  	v2 =	vadd.f32 v14, v2;
	v4 =	vld.idx.msk [tilespmem:v11+s2+$0x0], $0xffff;
	v1 =	vadd.f32 v3, v1;
	v17 =	vunpack.i.u.bf16.f32 v16  }
0x145: {  	v3 =	vunpack.i.l.bf16.f32 v16;
	v18 =	vunpack.i.l.bf16.f32 v6;
	v19 =	vunpack.i.u.bf16.f32 v6  }
0x146: {  	v7 =	vunpack.i.u.bf16.f32 v10;
	v11 =	vunpack.i.l.bf16.f32 v10;
	v12 =	vunpack.i.l.bf16.f32 v13  }
0x147: {  	v8 =	vunpack.i.l.bf16.f32 v9;
	v10 =	vunpack.i.l.bf16.f32 v15;
	v16 =	vunpack.i.u.bf16.f32 v13  }
0x148: {  	v13 =	vunpack.i.u.bf16.f32 v9;
	v15 =	vunpack.i.u.bf16.f32 v15;
	v6 =	vunpack.i.l.bf16.f32 v5  }
0x149: {  	s29 =	simm.s32 $0x196E0;
	s1 =	simm.s32 $0x0;
	v3 =	vsub.f32 v3, v18;
	v9 =	vsub.f32 v17, v19;
	v14 =	vunpack.i.l.bf16.f32 v4  }
.LBB2_14:
0x14a: {  	v17 =	vld [tilespmem:s29+$0xFFFFF030];
	v5 =	vunpack.i.u.bf16.f32 v5;
	v11 =	vsub.f32 v11, v12;
	v7 =	vsub.f32 v7, v16  }
0x14b: {  	v4 =	vunpack.i.u.bf16.f32 v4;
	v8 =	vsub.f32 v8, v10;
	v10 =	vsub.f32 v13, v15;
	v12 =	vld [tilespmem:s29+$0x30]  }
0x14c: {  	v6 =	vsub.f32 v6, v14;
	v4 =	vsub.f32 v5, v4;
	v13 =	vld [tilespmem:s29+$0xFFFFF020]  }
0x14d: {  	v15 =	vand.u32 $0x80000000, v9;
	v9 =	vand.u32 $0x7FFFFFFF, v9;
	v14 =	vand.u32 $0x7FFFFFFF, v7;
	v5 =	vld [tilespmem:s29+$0x20]  }
0x14e: {  	v19 =	vand.u32 $0x7FFFFFFF, v10;
	v7 =	vand.u32 $0x80000000, v7;
	v18 =	vand.u32 $0x80000000, v4;
	v16 =	vld [tilespmem:s29+$0xFFFFF010]  }
0x14f: {  	v10 =	vand.u32 $0x80000000, v10;
	v4 =	vand.u32 $0x7FFFFFFF, v4;
	v6 =	vxor.u32 v6, v18;
	v20 =	vld [tilespmem:s29+$0x10]  }
0x150: {  	vm0 =	vgt.f32 v9, $1.000000010e-01;
	vm1 =	vgt.f32 v14, $1.000000010e-01;
	v6 =	vsub.f32 $1.000000000e+00, v6;
	v18 =	vld [tilespmem:s29+$0xFFFFF000]  }
0x151: {  	v3 =	vxor.u32 v3, v15;
	vm2 =	vgt.f32 v4, $1.000000010e-01;
	v4 =	vxor.u32 v8, v10;
	v9 =	vld [tilespmem:s29+$0x0]  }
0x152: {  	v10 =	vsel vm2, $0x3F800000, v0;
	v4 =	vsub.f32 $1.000000000e+00, v4;
	v6 =	vmax.f32 v6, $0.0e+00;
	v8 =	vld.idx.msk [tilespmem:v17+s2+$0x0], $0xffff  }
0x153: {  	s1 =	sadd.s32 $0x4, s1;
	v7 =	vxor.u32 v11, v7;
	vm2 =	vgt.f32 v19, $1.000000010e-01;
	v6 =	vmul.f32 v6, v10;
	v12 =	vld.idx.msk [tilespmem:v12+s2+$0x0], $0xffff  }
0x154: {  	p0 =	slt.u32 s1, $0xFC;
	v7 =	vsub.f32 $1.000000000e+00, v7;
	v4 =	vmax.f32 v4, $0.0e+00;
	v11 =	vld.idx.msk [tilespmem:v13+s2+$0x0], $0xffff;
	v13 =	vsel vm2, $0x3F800000, v0  }
0x155: {  	v2 =	vadd.f32 v10, v2;
	v1 =	vadd.f32 v6, v1;
	v14 =	vld.idx.msk [tilespmem:v5+s2+$0x0], $0xffff;
	v4 =	vmul.f32 v4, v13  }
0x156: {  	v3 =	vsub.f32 $1.000000000e+00, v3;
	v6 =	vsel vm1, $0x3F800000, v0;
	v5 =	vmax.f32 v7, $0.0e+00;
	v15 =	vld.idx.msk [tilespmem:v16+s2+$0x0], $0xffff  }
0x157: {  	v2 =	vadd.f32 v13, v2;
	v7 =	vmul.f32 v5, v6;
	v17 =	vld.idx.msk [tilespmem:v20+s2+$0x0], $0xffff;
	v1 =	vadd.f32 v4, v1  }
0x158: {  	v3 =	vmax.f32 v3, $0.0e+00;
	v10 =	vsel vm0, $0x3F800000, v0;
	v5 =	vld.idx.msk [tilespmem:v18+s2+$0x0], $0xffff  }
0x159: {  	v3 =	vmul.f32 v3, v10;
	v2 =	vadd.f32 v6, v2;
	v4 =	vld.idx.msk [tilespmem:v9+s2+$0x0], $0xffff;
	v1 =	vadd.f32 v7, v1  }
0x15a: {  	v18 =	vunpack.i.l.bf16.f32 v8;
	v19 =	vunpack.i.l.bf16.f32 v12;
	v9 =	vunpack.i.u.bf16.f32 v8  }
.Ltmp6:
0x15b: {  	v20 =	vunpack.i.u.bf16.f32 v12;
	v2 =	vadd.f32 v10, v2;
	v1 =	vadd.f32 v3, v1;
	(pc) =	sbr.rel @p0 .LBB2_14-.Ltmp6, $4  }
0x15c: {  	v7 =	vunpack.i.u.bf16.f32 v11;
	v11 =	vunpack.i.l.bf16.f32 v11;
	v12 =	vunpack.i.l.bf16.f32 v14  }
0x15d: {  	v16 =	vunpack.i.u.bf16.f32 v14;
	v8 =	vunpack.i.l.bf16.f32 v15;
	v10 =	vunpack.i.l.bf16.f32 v17  }
0x15e: {  	v13 =	vunpack.i.u.bf16.f32 v15;
	v15 =	vunpack.i.u.bf16.f32 v17;
	v6 =	vunpack.i.l.bf16.f32 v5  }
0x15f: {  	s29 =	sadd.s32 $0x40, s29;
	v9 =	vsub.f32 v9, v20;
	v3 =	vsub.f32 v18, v19;
	v14 =	vunpack.i.l.bf16.f32 v4  }
0x160: {  	[tilespmem:s23], [sflag:$0x1] =	stream.linear.gather [hbm4b:s12+s2], $0x2000, $0x38;
	[tilespmem:$0x1C6C0] =	vst v63  }
0x161: {  	_ =	swait.ge [sflag:s28], $0x2000  }
0x162: {  	v5 =	vunpack.i.u.bf16.f32 v5;
	v11 =	vsub.f32 v11, v12;
	v7 =	vsub.f32 v7, v16;
	[sflag:s28] =	ssyncset.done $0x0  }
0x163: {  	v4 =	vunpack.i.u.bf16.f32 v4;
	v8 =	vsub.f32 v8, v10;
	v10 =	vsub.f32 v13, v15;
	s1 =	simm.s32 $0x1B6D0;
	[sflag:s28] =	ssyncadd.s32 $0xFFFFE000  }
0x164: {  	v6 =	vsub.f32 v6, v14;
	v4 =	vsub.f32 v5, v4;
	v5 =	vld [tilespmem:s1+$0xFFFFF000]  }
0x165: {  	v13 =	vand.u32 $0x80000000, v9;
	v9 =	vand.u32 $0x7FFFFFFF, v9;
	v12 =	vand.u32 $0x7FFFFFFF, v7;
	v14 =	vld [tilespmem:s1+$0x0]  }
0x166: {  	v16 =	vand.u32 $0x7FFFFFFF, v10;
	v7 =	vand.u32 $0x80000000, v7;
	v15 =	vand.u32 $0x80000000, v4;
	v17 =	vld [tilespmem:s1+$0xFFFFEFF0]  }
0x167: {  	v10 =	vand.u32 $0x80000000, v10;
	vm1 =	vgt.f32 v9, $1.000000010e-01;
	v6 =	vxor.u32 v6, v15;
	v15 =	vld [tilespmem:s1+$0xFFFFFFF0]  }
0x168: {  	v3 =	vxor.u32 v3, v13;
	v4 =	vand.u32 $0x7FFFFFFF, v4;
	v9 =	vld [tilespmem:s1+$0xFFFFEFE0];
	v6 =	vsub.f32 $1.000000000e+00, v6  }
0x169: {  	vm0 =	vgt.f32 v12, $1.000000010e-01;
	vm2 =	vgt.f32 v4, $1.000000010e-01;
	v4 =	vxor.u32 v8, v10;
	v8 =	vld [tilespmem:s1+$0xFFFFFFE0]  }
0x16a: {  	v12 =	vld [tilespmem:s1+$0xFFFFEFD0];
	v10 =	vsel vm2, $0x3F800000, v0;
	v4 =	vsub.f32 $1.000000000e+00, v4;
	v6 =	vmax.f32 v6, $0.0e+00  }
0x16b: {  	vm15 =	vgt.f32 v16, $1.000000010e-01;
	v7 =	vxor.u32 v11, v7;
	v11 =	vld [tilespmem:s1+$0xFFFFFFD0];
	v6 =	vmul.f32 v6, v10  }
0x16c: {  	v13 =	vsel vm15, $0x3F800000, v0;
	v7 =	vsub.f32 $1.000000000e+00, v7;
	v4 =	vmax.f32 v4, $0.0e+00;
	v16 =	vld.idx.msk [tilespmem:v5+s2+$0x0], $0xffff  }
0x16d: {  	v2 =	vadd.f32 v10, v2;
	v4 =	vmul.f32 v4, v13;
	v1 =	vadd.f32 v6, v1;
	v6 =	vld.idx.msk [tilespmem:v14+s2+$0x0], $0xffff  }
0x16e: {  	v3 =	vsub.f32 $1.000000000e+00, v3;
	v5 =	vmax.f32 v7, $0.0e+00;
	v7 =	vsel vm0, $0x3F800000, v0;
	v10 =	vld.idx.msk [tilespmem:v17+s2+$0x0], $0xffff  }
0x16f: {  	v2 =	vadd.f32 v13, v2;
	v1 =	vadd.f32 v4, v1;
	v13 =	vld.idx.msk [tilespmem:v15+s2+$0x0], $0xffff;
	v4 =	vmul.f32 v5, v7  }
0x170: {  	v3 =	vmax.f32 v3, $0.0e+00;
	v14 =	vsel vm1, $0x3F800000, v0;
	v9 =	vld.idx.msk [tilespmem:v9+s2+$0x0], $0xffff  }
0x171: {  	v15 =	vld.idx.msk [tilespmem:v8+s2+$0x0], $0xffff;
	v2 =	vadd.f32 v7, v2;
	v3 =	vmul.f32 v3, v14;
	v1 =	vadd.f32 v4, v1  }
0x172: {  	v5 =	vld.idx.msk [tilespmem:v12+s2+$0x0], $0xffff  }
0x173: {  	v2 =	vadd.f32 v14, v2;
	v4 =	vld.idx.msk [tilespmem:v11+s2+$0x0], $0xffff;
	v1 =	vadd.f32 v3, v1;
	v17 =	vunpack.i.u.bf16.f32 v16  }
0x174: {  	v3 =	vunpack.i.l.bf16.f32 v16;
	v18 =	vunpack.i.l.bf16.f32 v6;
	v19 =	vunpack.i.u.bf16.f32 v6  }
0x175: {  	v7 =	vunpack.i.u.bf16.f32 v10;
	v11 =	vunpack.i.l.bf16.f32 v10;
	v12 =	vunpack.i.l.bf16.f32 v13  }
0x176: {  	v8 =	vunpack.i.l.bf16.f32 v9;
	v10 =	vunpack.i.l.bf16.f32 v15;
	v16 =	vunpack.i.u.bf16.f32 v13  }
0x177: {  	v13 =	vunpack.i.u.bf16.f32 v9;
	v15 =	vunpack.i.u.bf16.f32 v15;
	v6 =	vunpack.i.l.bf16.f32 v5  }
0x178: {  	s29 =	simm.s32 $0x1B710;
	s1 =	simm.s32 $0x0;
	v3 =	vsub.f32 v3, v18;
	v9 =	vsub.f32 v17, v19;
	v14 =	vunpack.i.l.bf16.f32 v4  }
.LBB2_16:
0x179: {  	v17 =	vld [tilespmem:s29+$0xFFFFF000];
	v5 =	vunpack.i.u.bf16.f32 v5;
	v11 =	vsub.f32 v11, v12;
	v7 =	vsub.f32 v7, v16  }
0x17a: {  	v4 =	vunpack.i.u.bf16.f32 v4;
	v8 =	vsub.f32 v8, v10;
	v10 =	vsub.f32 v13, v15;
	v12 =	vld [tilespmem:s29+$0x0]  }
0x17b: {  	v6 =	vsub.f32 v6, v14;
	v4 =	vsub.f32 v5, v4;
	v13 =	vld [tilespmem:s29+$0xFFFFEFF0]  }
0x17c: {  	v15 =	vand.u32 $0x80000000, v9;
	v9 =	vand.u32 $0x7FFFFFFF, v9;
	v14 =	vand.u32 $0x7FFFFFFF, v7;
	v5 =	vld [tilespmem:s29+$0xFFFFFFF0]  }
0x17d: {  	v19 =	vand.u32 $0x7FFFFFFF, v10;
	v7 =	vand.u32 $0x80000000, v7;
	v18 =	vand.u32 $0x80000000, v4;
	v16 =	vld [tilespmem:s29+$0xFFFFEFE0]  }
0x17e: {  	v10 =	vand.u32 $0x80000000, v10;
	v4 =	vand.u32 $0x7FFFFFFF, v4;
	v6 =	vxor.u32 v6, v18;
	v20 =	vld [tilespmem:s29+$0xFFFFFFE0]  }
0x17f: {  	vm0 =	vgt.f32 v9, $1.000000010e-01;
	vm1 =	vgt.f32 v14, $1.000000010e-01;
	v6 =	vsub.f32 $1.000000000e+00, v6;
	v18 =	vld [tilespmem:s29+$0xFFFFEFD0]  }
0x180: {  	v3 =	vxor.u32 v3, v15;
	vm2 =	vgt.f32 v4, $1.000000010e-01;
	v4 =	vxor.u32 v8, v10;
	v9 =	vld [tilespmem:s29+$0xFFFFFFD0]  }
0x181: {  	v10 =	vsel vm2, $0x3F800000, v0;
	v4 =	vsub.f32 $1.000000000e+00, v4;
	v6 =	vmax.f32 v6, $0.0e+00;
	v8 =	vld.idx.msk [tilespmem:v17+s2+$0x0], $0xffff  }
0x182: {  	s1 =	sadd.s32 $0x4, s1;
	v7 =	vxor.u32 v11, v7;
	vm2 =	vgt.f32 v19, $1.000000010e-01;
	v6 =	vmul.f32 v6, v10;
	v12 =	vld.idx.msk [tilespmem:v12+s2+$0x0], $0xffff  }
0x183: {  	p0 =	slt.u32 s1, $0xFC;
	v7 =	vsub.f32 $1.000000000e+00, v7;
	v4 =	vmax.f32 v4, $0.0e+00;
	v11 =	vld.idx.msk [tilespmem:v13+s2+$0x0], $0xffff;
	v13 =	vsel vm2, $0x3F800000, v0  }
0x184: {  	v2 =	vadd.f32 v10, v2;
	v1 =	vadd.f32 v6, v1;
	v14 =	vld.idx.msk [tilespmem:v5+s2+$0x0], $0xffff;
	v4 =	vmul.f32 v4, v13  }
0x185: {  	v3 =	vsub.f32 $1.000000000e+00, v3;
	v6 =	vsel vm1, $0x3F800000, v0;
	v5 =	vmax.f32 v7, $0.0e+00;
	v15 =	vld.idx.msk [tilespmem:v16+s2+$0x0], $0xffff  }
0x186: {  	v2 =	vadd.f32 v13, v2;
	v7 =	vmul.f32 v5, v6;
	v17 =	vld.idx.msk [tilespmem:v20+s2+$0x0], $0xffff;
	v1 =	vadd.f32 v4, v1  }
0x187: {  	v3 =	vmax.f32 v3, $0.0e+00;
	v10 =	vsel vm0, $0x3F800000, v0;
	v5 =	vld.idx.msk [tilespmem:v18+s2+$0x0], $0xffff  }
0x188: {  	v3 =	vmul.f32 v3, v10;
	v2 =	vadd.f32 v6, v2;
	v4 =	vld.idx.msk [tilespmem:v9+s2+$0x0], $0xffff;
	v1 =	vadd.f32 v7, v1  }
0x189: {  	v18 =	vunpack.i.l.bf16.f32 v8;
	v19 =	vunpack.i.l.bf16.f32 v12;
	v9 =	vunpack.i.u.bf16.f32 v8  }
.Ltmp7:
0x18a: {  	v20 =	vunpack.i.u.bf16.f32 v12;
	v2 =	vadd.f32 v10, v2;
	v1 =	vadd.f32 v3, v1;
	(pc) =	sbr.rel @p0 .LBB2_16-.Ltmp7, $4  }
0x18b: {  	v7 =	vunpack.i.u.bf16.f32 v11;
	v11 =	vunpack.i.l.bf16.f32 v11;
	v12 =	vunpack.i.l.bf16.f32 v14  }
0x18c: {  	v16 =	vunpack.i.u.bf16.f32 v14;
	v8 =	vunpack.i.l.bf16.f32 v15;
	v10 =	vunpack.i.l.bf16.f32 v17  }
0x18d: {  	v13 =	vunpack.i.u.bf16.f32 v15;
	v15 =	vunpack.i.u.bf16.f32 v17;
	v6 =	vunpack.i.l.bf16.f32 v5  }
0x18e: {  	s29 =	sadd.s32 $0x40, s29;
	v9 =	vsub.f32 v9, v20;
	v3 =	vsub.f32 v18, v19;
	v14 =	vunpack.i.l.bf16.f32 v4  }
0x18f: {  	[tilespmem:s25], [sflag:$0x2] =	stream.linear.gather [hbm4b:s13+s2], $0x2000, $0x38;
	[tilespmem:$0x1C6C0] =	vst v63  }
0x190: {  	_ =	swait.ge [sflag:s26], $0x2000  }
0x191: {  	v5 =	vunpack.i.u.bf16.f32 v5;
	v11 =	vsub.f32 v11, v12;
	v7 =	vsub.f32 v7, v16;
	[sflag:s26] =	ssyncset.done $0x0  }
0x192: {  	v4 =	vunpack.i.u.bf16.f32 v4;
	v8 =	vsub.f32 v8, v10;
	v10 =	vsub.f32 v13, v15;
	s1 =	simm.s32 $0x196A0;
	[sflag:s26] =	ssyncadd.s32 $0xFFFFE000  }
0x193: {  	v6 =	vsub.f32 v6, v14;
	v4 =	vsub.f32 v5, v4;
	v5 =	vld [tilespmem:s1+$0xFFFFF030]  }
0x194: {  	v13 =	vand.u32 $0x80000000, v9;
	v9 =	vand.u32 $0x7FFFFFFF, v9;
	v12 =	vand.u32 $0x7FFFFFFF, v7;
	v14 =	vld [tilespmem:s1+$0x30]  }
0x195: {  	v16 =	vand.u32 $0x7FFFFFFF, v10;
	v7 =	vand.u32 $0x80000000, v7;
	v15 =	vand.u32 $0x80000000, v4;
	v17 =	vld [tilespmem:s1+$0xFFFFF020]  }
0x196: {  	v10 =	vand.u32 $0x80000000, v10;
	vm1 =	vgt.f32 v9, $1.000000010e-01;
	v6 =	vxor.u32 v6, v15;
	v15 =	vld [tilespmem:s1+$0x20]  }
0x197: {  	v3 =	vxor.u32 v3, v13;
	v4 =	vand.u32 $0x7FFFFFFF, v4;
	v9 =	vld [tilespmem:s1+$0xFFFFF010];
	v6 =	vsub.f32 $1.000000000e+00, v6  }
0x198: {  	vm0 =	vgt.f32 v12, $1.000000010e-01;
	vm2 =	vgt.f32 v4, $1.000000010e-01;
	v4 =	vxor.u32 v8, v10;
	v8 =	vld [tilespmem:s1+$0x10]  }
0x199: {  	v12 =	vld [tilespmem:s1+$0xFFFFF000];
	v10 =	vsel vm2, $0x3F800000, v0;
	v4 =	vsub.f32 $1.000000000e+00, v4;
	v6 =	vmax.f32 v6, $0.0e+00  }
0x19a: {  	vm15 =	vgt.f32 v16, $1.000000010e-01;
	v7 =	vxor.u32 v11, v7;
	v11 =	vld [tilespmem:s1+$0x0];
	v6 =	vmul.f32 v6, v10  }
0x19b: {  	v13 =	vsel vm15, $0x3F800000, v0;
	v7 =	vsub.f32 $1.000000000e+00, v7;
	v4 =	vmax.f32 v4, $0.0e+00;
	v16 =	vld.idx.msk [tilespmem:v5+s2+$0x0], $0xffff  }
0x19c: {  	v2 =	vadd.f32 v10, v2;
	v4 =	vmul.f32 v4, v13;
	v1 =	vadd.f32 v6, v1;
	v6 =	vld.idx.msk [tilespmem:v14+s2+$0x0], $0xffff  }
0x19d: {  	v3 =	vsub.f32 $1.000000000e+00, v3;
	v5 =	vmax.f32 v7, $0.0e+00;
	v7 =	vsel vm0, $0x3F800000, v0;
	v10 =	vld.idx.msk [tilespmem:v17+s2+$0x0], $0xffff  }
0x19e: {  	v2 =	vadd.f32 v13, v2;
	v1 =	vadd.f32 v4, v1;
	v13 =	vld.idx.msk [tilespmem:v15+s2+$0x0], $0xffff;
	v4 =	vmul.f32 v5, v7  }
0x19f: {  	v3 =	vmax.f32 v3, $0.0e+00;
	v14 =	vsel vm1, $0x3F800000, v0;
	v9 =	vld.idx.msk [tilespmem:v9+s2+$0x0], $0xffff  }
0x1a0: {  	v15 =	vld.idx.msk [tilespmem:v8+s2+$0x0], $0xffff;
	v2 =	vadd.f32 v7, v2;
	v3 =	vmul.f32 v3, v14;
	v1 =	vadd.f32 v4, v1  }
0x1a1: {  	v5 =	vld.idx.msk [tilespmem:v12+s2+$0x0], $0xffff  }
0x1a2: {  	v2 =	vadd.f32 v14, v2;
	v4 =	vld.idx.msk [tilespmem:v11+s2+$0x0], $0xffff;
	v1 =	vadd.f32 v3, v1;
	v17 =	vunpack.i.u.bf16.f32 v16  }
0x1a3: {  	v3 =	vunpack.i.l.bf16.f32 v16;
	v18 =	vunpack.i.l.bf16.f32 v6;
	v19 =	vunpack.i.u.bf16.f32 v6  }
0x1a4: {  	v7 =	vunpack.i.u.bf16.f32 v10;
	v11 =	vunpack.i.l.bf16.f32 v10;
	v12 =	vunpack.i.l.bf16.f32 v13  }
0x1a5: {  	v8 =	vunpack.i.l.bf16.f32 v9;
	v10 =	vunpack.i.l.bf16.f32 v15;
	v16 =	vunpack.i.u.bf16.f32 v13  }
0x1a6: {  	v13 =	vunpack.i.u.bf16.f32 v9;
	v15 =	vunpack.i.u.bf16.f32 v15;
	v6 =	vunpack.i.l.bf16.f32 v5  }
0x1a7: {  	s29 =	simm.s32 $0x196E0;
	s1 =	simm.s32 $0x0;
	v3 =	vsub.f32 v3, v18;
	v9 =	vsub.f32 v17, v19;
	v14 =	vunpack.i.l.bf16.f32 v4  }
.LBB2_18:
0x1a8: {  	v17 =	vld [tilespmem:s29+$0xFFFFF030];
	v5 =	vunpack.i.u.bf16.f32 v5;
	v11 =	vsub.f32 v11, v12;
	v7 =	vsub.f32 v7, v16  }
0x1a9: {  	v4 =	vunpack.i.u.bf16.f32 v4;
	v8 =	vsub.f32 v8, v10;
	v10 =	vsub.f32 v13, v15;
	v12 =	vld [tilespmem:s29+$0x30]  }
0x1aa: {  	v6 =	vsub.f32 v6, v14;
	v4 =	vsub.f32 v5, v4;
	v13 =	vld [tilespmem:s29+$0xFFFFF020]  }
0x1ab: {  	v15 =	vand.u32 $0x80000000, v9;
	v9 =	vand.u32 $0x7FFFFFFF, v9;
	v14 =	vand.u32 $0x7FFFFFFF, v7;
	v5 =	vld [tilespmem:s29+$0x20]  }
0x1ac: {  	v19 =	vand.u32 $0x7FFFFFFF, v10;
	v7 =	vand.u32 $0x80000000, v7;
	v18 =	vand.u32 $0x80000000, v4;
	v16 =	vld [tilespmem:s29+$0xFFFFF010]  }
0x1ad: {  	v10 =	vand.u32 $0x80000000, v10;
	v4 =	vand.u32 $0x7FFFFFFF, v4;
	v6 =	vxor.u32 v6, v18;
	v20 =	vld [tilespmem:s29+$0x10]  }
0x1ae: {  	vm0 =	vgt.f32 v9, $1.000000010e-01;
	vm1 =	vgt.f32 v14, $1.000000010e-01;
	v6 =	vsub.f32 $1.000000000e+00, v6;
	v18 =	vld [tilespmem:s29+$0xFFFFF000]  }
0x1af: {  	v3 =	vxor.u32 v3, v15;
	vm2 =	vgt.f32 v4, $1.000000010e-01;
	v4 =	vxor.u32 v8, v10;
	v9 =	vld [tilespmem:s29+$0x0]  }
0x1b0: {  	v10 =	vsel vm2, $0x3F800000, v0;
	v4 =	vsub.f32 $1.000000000e+00, v4;
	v6 =	vmax.f32 v6, $0.0e+00;
	v8 =	vld.idx.msk [tilespmem:v17+s2+$0x0], $0xffff  }
0x1b1: {  	s1 =	sadd.s32 $0x4, s1;
	v7 =	vxor.u32 v11, v7;
	vm2 =	vgt.f32 v19, $1.000000010e-01;
	v6 =	vmul.f32 v6, v10;
	v12 =	vld.idx.msk [tilespmem:v12+s2+$0x0], $0xffff  }
0x1b2: {  	p0 =	slt.u32 s1, $0xFC;
	v7 =	vsub.f32 $1.000000000e+00, v7;
	v4 =	vmax.f32 v4, $0.0e+00;
	v11 =	vld.idx.msk [tilespmem:v13+s2+$0x0], $0xffff;
	v13 =	vsel vm2, $0x3F800000, v0  }
0x1b3: {  	v2 =	vadd.f32 v10, v2;
	v1 =	vadd.f32 v6, v1;
	v14 =	vld.idx.msk [tilespmem:v5+s2+$0x0], $0xffff;
	v4 =	vmul.f32 v4, v13  }
0x1b4: {  	v3 =	vsub.f32 $1.000000000e+00, v3;
	v6 =	vsel vm1, $0x3F800000, v0;
	v5 =	vmax.f32 v7, $0.0e+00;
	v15 =	vld.idx.msk [tilespmem:v16+s2+$0x0], $0xffff  }
0x1b5: {  	v2 =	vadd.f32 v13, v2;
	v7 =	vmul.f32 v5, v6;
	v17 =	vld.idx.msk [tilespmem:v20+s2+$0x0], $0xffff;
	v1 =	vadd.f32 v4, v1  }
0x1b6: {  	v3 =	vmax.f32 v3, $0.0e+00;
	v10 =	vsel vm0, $0x3F800000, v0;
	v5 =	vld.idx.msk [tilespmem:v18+s2+$0x0], $0xffff  }
0x1b7: {  	v3 =	vmul.f32 v3, v10;
	v2 =	vadd.f32 v6, v2;
	v4 =	vld.idx.msk [tilespmem:v9+s2+$0x0], $0xffff;
	v1 =	vadd.f32 v7, v1  }
0x1b8: {  	v18 =	vunpack.i.l.bf16.f32 v8;
	v19 =	vunpack.i.l.bf16.f32 v12;
	v9 =	vunpack.i.u.bf16.f32 v8  }
.Ltmp8:
0x1b9: {  	v20 =	vunpack.i.u.bf16.f32 v12;
	v2 =	vadd.f32 v10, v2;
	v1 =	vadd.f32 v3, v1;
	(pc) =	sbr.rel @p0 .LBB2_18-.Ltmp8, $4  }
0x1ba: {  	v7 =	vunpack.i.u.bf16.f32 v11;
	v11 =	vunpack.i.l.bf16.f32 v11;
	v12 =	vunpack.i.l.bf16.f32 v14  }
0x1bb: {  	v16 =	vunpack.i.u.bf16.f32 v14;
	v8 =	vunpack.i.l.bf16.f32 v15;
	v10 =	vunpack.i.l.bf16.f32 v17  }
0x1bc: {  	v13 =	vunpack.i.u.bf16.f32 v15;
	v15 =	vunpack.i.u.bf16.f32 v17;
	v6 =	vunpack.i.l.bf16.f32 v5  }
0x1bd: {  	s29 =	sadd.s32 $0x40, s29;
	v9 =	vsub.f32 v9, v20;
	v3 =	vsub.f32 v18, v19;
	v14 =	vunpack.i.l.bf16.f32 v4  }
0x1be: {  	[tilespmem:s23], [sflag:$0x1] =	stream.linear.gather [hbm4b:s14+s2], $0x2000, $0x38;
	[tilespmem:$0x1C6C0] =	vst v63  }
0x1bf: {  	_ =	swait.ge [sflag:s28], $0x2000  }
0x1c0: {  	v5 =	vunpack.i.u.bf16.f32 v5;
	v11 =	vsub.f32 v11, v12;
	v7 =	vsub.f32 v7, v16;
	[sflag:s28] =	ssyncset.done $0x0  }
0x1c1: {  	v4 =	vunpack.i.u.bf16.f32 v4;
	v8 =	vsub.f32 v8, v10;
	v10 =	vsub.f32 v13, v15;
	s1 =	simm.s32 $0x1B6D0;
	[sflag:s28] =	ssyncadd.s32 $0xFFFFE000  }
0x1c2: {  	v6 =	vsub.f32 v6, v14;
	v4 =	vsub.f32 v5, v4;
	v5 =	vld [tilespmem:s1+$0xFFFFF000]  }
0x1c3: {  	v13 =	vand.u32 $0x80000000, v9;
	v9 =	vand.u32 $0x7FFFFFFF, v9;
	v12 =	vand.u32 $0x7FFFFFFF, v7;
	v14 =	vld [tilespmem:s1+$0x0]  }
0x1c4: {  	v16 =	vand.u32 $0x7FFFFFFF, v10;
	v7 =	vand.u32 $0x80000000, v7;
	v15 =	vand.u32 $0x80000000, v4;
	v17 =	vld [tilespmem:s1+$0xFFFFEFF0]  }
0x1c5: {  	v10 =	vand.u32 $0x80000000, v10;
	vm1 =	vgt.f32 v9, $1.000000010e-01;
	v6 =	vxor.u32 v6, v15;
	v15 =	vld [tilespmem:s1+$0xFFFFFFF0]  }
0x1c6: {  	v3 =	vxor.u32 v3, v13;
	v4 =	vand.u32 $0x7FFFFFFF, v4;
	v9 =	vld [tilespmem:s1+$0xFFFFEFE0];
	v6 =	vsub.f32 $1.000000000e+00, v6  }
0x1c7: {  	vm0 =	vgt.f32 v12, $1.000000010e-01;
	vm2 =	vgt.f32 v4, $1.000000010e-01;
	v4 =	vxor.u32 v8, v10;
	v8 =	vld [tilespmem:s1+$0xFFFFFFE0]  }
0x1c8: {  	v12 =	vld [tilespmem:s1+$0xFFFFEFD0];
	v10 =	vsel vm2, $0x3F800000, v0;
	v4 =	vsub.f32 $1.000000000e+00, v4;
	v6 =	vmax.f32 v6, $0.0e+00  }
0x1c9: {  	vm15 =	vgt.f32 v16, $1.000000010e-01;
	v7 =	vxor.u32 v11, v7;
	v11 =	vld [tilespmem:s1+$0xFFFFFFD0];
	v6 =	vmul.f32 v6, v10  }
0x1ca: {  	v13 =	vsel vm15, $0x3F800000, v0;
	v7 =	vsub.f32 $1.000000000e+00, v7;
	v4 =	vmax.f32 v4, $0.0e+00;
	v16 =	vld.idx.msk [tilespmem:v5+s2+$0x0], $0xffff  }
0x1cb: {  	v2 =	vadd.f32 v10, v2;
	v4 =	vmul.f32 v4, v13;
	v1 =	vadd.f32 v6, v1;
	v6 =	vld.idx.msk [tilespmem:v14+s2+$0x0], $0xffff  }
0x1cc: {  	v3 =	vsub.f32 $1.000000000e+00, v3;
	v5 =	vmax.f32 v7, $0.0e+00;
	v7 =	vsel vm0, $0x3F800000, v0;
	v10 =	vld.idx.msk [tilespmem:v17+s2+$0x0], $0xffff  }
0x1cd: {  	v2 =	vadd.f32 v13, v2;
	v1 =	vadd.f32 v4, v1;
	v13 =	vld.idx.msk [tilespmem:v15+s2+$0x0], $0xffff;
	v4 =	vmul.f32 v5, v7  }
0x1ce: {  	v3 =	vmax.f32 v3, $0.0e+00;
	v14 =	vsel vm1, $0x3F800000, v0;
	v9 =	vld.idx.msk [tilespmem:v9+s2+$0x0], $0xffff  }
0x1cf: {  	v15 =	vld.idx.msk [tilespmem:v8+s2+$0x0], $0xffff;
	v2 =	vadd.f32 v7, v2;
	v3 =	vmul.f32 v3, v14;
	v1 =	vadd.f32 v4, v1  }
0x1d0: {  	v5 =	vld.idx.msk [tilespmem:v12+s2+$0x0], $0xffff  }
0x1d1: {  	v2 =	vadd.f32 v14, v2;
	v4 =	vld.idx.msk [tilespmem:v11+s2+$0x0], $0xffff;
	v1 =	vadd.f32 v3, v1;
	v17 =	vunpack.i.u.bf16.f32 v16  }
0x1d2: {  	v3 =	vunpack.i.l.bf16.f32 v16;
	v18 =	vunpack.i.l.bf16.f32 v6;
	v19 =	vunpack.i.u.bf16.f32 v6  }
0x1d3: {  	v7 =	vunpack.i.u.bf16.f32 v10;
	v11 =	vunpack.i.l.bf16.f32 v10;
	v12 =	vunpack.i.l.bf16.f32 v13  }
0x1d4: {  	v8 =	vunpack.i.l.bf16.f32 v9;
	v10 =	vunpack.i.l.bf16.f32 v15;
	v16 =	vunpack.i.u.bf16.f32 v13  }
0x1d5: {  	v13 =	vunpack.i.u.bf16.f32 v9;
	v15 =	vunpack.i.u.bf16.f32 v15;
	v6 =	vunpack.i.l.bf16.f32 v5  }
0x1d6: {  	s29 =	simm.s32 $0x1B710;
	s1 =	simm.s32 $0x0;
	v3 =	vsub.f32 v3, v18;
	v9 =	vsub.f32 v17, v19;
	v14 =	vunpack.i.l.bf16.f32 v4  }
.LBB2_20:
0x1d7: {  	v17 =	vld [tilespmem:s29+$0xFFFFF000];
	v5 =	vunpack.i.u.bf16.f32 v5;
	v11 =	vsub.f32 v11, v12;
	v7 =	vsub.f32 v7, v16  }
0x1d8: {  	v4 =	vunpack.i.u.bf16.f32 v4;
	v8 =	vsub.f32 v8, v10;
	v10 =	vsub.f32 v13, v15;
	v12 =	vld [tilespmem:s29+$0x0]  }
0x1d9: {  	v6 =	vsub.f32 v6, v14;
	v4 =	vsub.f32 v5, v4;
	v13 =	vld [tilespmem:s29+$0xFFFFEFF0]  }
0x1da: {  	v15 =	vand.u32 $0x80000000, v9;
	v9 =	vand.u32 $0x7FFFFFFF, v9;
	v14 =	vand.u32 $0x7FFFFFFF, v7;
	v5 =	vld [tilespmem:s29+$0xFFFFFFF0]  }
0x1db: {  	v19 =	vand.u32 $0x7FFFFFFF, v10;
	v7 =	vand.u32 $0x80000000, v7;
	v18 =	vand.u32 $0x80000000, v4;
	v16 =	vld [tilespmem:s29+$0xFFFFEFE0]  }
0x1dc: {  	v10 =	vand.u32 $0x80000000, v10;
	v4 =	vand.u32 $0x7FFFFFFF, v4;
	v6 =	vxor.u32 v6, v18;
	v20 =	vld [tilespmem:s29+$0xFFFFFFE0]  }
0x1dd: {  	vm0 =	vgt.f32 v9, $1.000000010e-01;
	vm1 =	vgt.f32 v14, $1.000000010e-01;
	v6 =	vsub.f32 $1.000000000e+00, v6;
	v18 =	vld [tilespmem:s29+$0xFFFFEFD0]  }
0x1de: {  	v3 =	vxor.u32 v3, v15;
	vm2 =	vgt.f32 v4, $1.000000010e-01;
	v4 =	vxor.u32 v8, v10;
	v9 =	vld [tilespmem:s29+$0xFFFFFFD0]  }
0x1df: {  	v10 =	vsel vm2, $0x3F800000, v0;
	v4 =	vsub.f32 $1.000000000e+00, v4;
	v6 =	vmax.f32 v6, $0.0e+00;
	v8 =	vld.idx.msk [tilespmem:v17+s2+$0x0], $0xffff  }
0x1e0: {  	s1 =	sadd.s32 $0x4, s1;
	v7 =	vxor.u32 v11, v7;
	vm2 =	vgt.f32 v19, $1.000000010e-01;
	v6 =	vmul.f32 v6, v10;
	v12 =	vld.idx.msk [tilespmem:v12+s2+$0x0], $0xffff  }
0x1e1: {  	p0 =	slt.u32 s1, $0xFC;
	v7 =	vsub.f32 $1.000000000e+00, v7;
	v4 =	vmax.f32 v4, $0.0e+00;
	v11 =	vld.idx.msk [tilespmem:v13+s2+$0x0], $0xffff;
	v13 =	vsel vm2, $0x3F800000, v0  }
0x1e2: {  	v2 =	vadd.f32 v10, v2;
	v1 =	vadd.f32 v6, v1;
	v14 =	vld.idx.msk [tilespmem:v5+s2+$0x0], $0xffff;
	v4 =	vmul.f32 v4, v13  }
0x1e3: {  	v3 =	vsub.f32 $1.000000000e+00, v3;
	v6 =	vsel vm1, $0x3F800000, v0;
	v5 =	vmax.f32 v7, $0.0e+00;
	v15 =	vld.idx.msk [tilespmem:v16+s2+$0x0], $0xffff  }
0x1e4: {  	v2 =	vadd.f32 v13, v2;
	v7 =	vmul.f32 v5, v6;
	v17 =	vld.idx.msk [tilespmem:v20+s2+$0x0], $0xffff;
	v1 =	vadd.f32 v4, v1  }
0x1e5: {  	v3 =	vmax.f32 v3, $0.0e+00;
	v10 =	vsel vm0, $0x3F800000, v0;
	v5 =	vld.idx.msk [tilespmem:v18+s2+$0x0], $0xffff  }
0x1e6: {  	v3 =	vmul.f32 v3, v10;
	v2 =	vadd.f32 v6, v2;
	v4 =	vld.idx.msk [tilespmem:v9+s2+$0x0], $0xffff;
	v1 =	vadd.f32 v7, v1  }
0x1e7: {  	v18 =	vunpack.i.l.bf16.f32 v8;
	v19 =	vunpack.i.l.bf16.f32 v12;
	v9 =	vunpack.i.u.bf16.f32 v8  }
.Ltmp9:
0x1e8: {  	v20 =	vunpack.i.u.bf16.f32 v12;
	v2 =	vadd.f32 v10, v2;
	v1 =	vadd.f32 v3, v1;
	(pc) =	sbr.rel @p0 .LBB2_20-.Ltmp9, $4  }
0x1e9: {  	v7 =	vunpack.i.u.bf16.f32 v11;
	v11 =	vunpack.i.l.bf16.f32 v11;
	v12 =	vunpack.i.l.bf16.f32 v14  }
0x1ea: {  	v16 =	vunpack.i.u.bf16.f32 v14;
	v8 =	vunpack.i.l.bf16.f32 v15;
	v10 =	vunpack.i.l.bf16.f32 v17  }
0x1eb: {  	v13 =	vunpack.i.u.bf16.f32 v15;
	v15 =	vunpack.i.u.bf16.f32 v17;
	v6 =	vunpack.i.l.bf16.f32 v5  }
0x1ec: {  	s29 =	sadd.s32 $0x40, s29;
	v9 =	vsub.f32 v9, v20;
	v3 =	vsub.f32 v18, v19;
	v14 =	vunpack.i.l.bf16.f32 v4  }
0x1ed: {  	[tilespmem:s25], [sflag:$0x2] =	stream.linear.gather [hbm4b:s15+s2], $0x2000, $0x38;
	[tilespmem:$0x1C6C0] =	vst v63  }
0x1ee: {  	_ =	swait.ge [sflag:s26], $0x2000  }
0x1ef: {  	v5 =	vunpack.i.u.bf16.f32 v5;
	v11 =	vsub.f32 v11, v12;
	v7 =	vsub.f32 v7, v16;
	[sflag:s26] =	ssyncset.done $0x0  }
0x1f0: {  	v4 =	vunpack.i.u.bf16.f32 v4;
	v8 =	vsub.f32 v8, v10;
	v10 =	vsub.f32 v13, v15;
	s1 =	simm.s32 $0x196A0;
	[sflag:s26] =	ssyncadd.s32 $0xFFFFE000  }
0x1f1: {  	v6 =	vsub.f32 v6, v14;
	v4 =	vsub.f32 v5, v4;
	v5 =	vld [tilespmem:s1+$0xFFFFF030]  }
0x1f2: {  	v13 =	vand.u32 $0x80000000, v9;
	v9 =	vand.u32 $0x7FFFFFFF, v9;
	v12 =	vand.u32 $0x7FFFFFFF, v7;
	v14 =	vld [tilespmem:s1+$0x30]  }
0x1f3: {  	v16 =	vand.u32 $0x7FFFFFFF, v10;
	v7 =	vand.u32 $0x80000000, v7;
	v15 =	vand.u32 $0x80000000, v4;
	v17 =	vld [tilespmem:s1+$0xFFFFF020]  }
0x1f4: {  	v10 =	vand.u32 $0x80000000, v10;
	vm1 =	vgt.f32 v9, $1.000000010e-01;
	v6 =	vxor.u32 v6, v15;
	v15 =	vld [tilespmem:s1+$0x20]  }
0x1f5: {  	v3 =	vxor.u32 v3, v13;
	v4 =	vand.u32 $0x7FFFFFFF, v4;
	v9 =	vld [tilespmem:s1+$0xFFFFF010];
	v6 =	vsub.f32 $1.000000000e+00, v6  }
0x1f6: {  	vm0 =	vgt.f32 v12, $1.000000010e-01;
	vm2 =	vgt.f32 v4, $1.000000010e-01;
	v4 =	vxor.u32 v8, v10;
	v8 =	vld [tilespmem:s1+$0x10]  }
0x1f7: {  	v12 =	vld [tilespmem:s1+$0xFFFFF000];
	v10 =	vsel vm2, $0x3F800000, v0;
	v4 =	vsub.f32 $1.000000000e+00, v4;
	v6 =	vmax.f32 v6, $0.0e+00  }
0x1f8: {  	vm15 =	vgt.f32 v16, $1.000000010e-01;
	v7 =	vxor.u32 v11, v7;
	v11 =	vld [tilespmem:s1+$0x0];
	v6 =	vmul.f32 v6, v10  }
0x1f9: {  	v13 =	vsel vm15, $0x3F800000, v0;
	v7 =	vsub.f32 $1.000000000e+00, v7;
	v4 =	vmax.f32 v4, $0.0e+00;
	v16 =	vld.idx.msk [tilespmem:v5+s2+$0x0], $0xffff  }
0x1fa: {  	v2 =	vadd.f32 v10, v2;
	v4 =	vmul.f32 v4, v13;
	v1 =	vadd.f32 v6, v1;
	v6 =	vld.idx.msk [tilespmem:v14+s2+$0x0], $0xffff  }
0x1fb: {  	v3 =	vsub.f32 $1.000000000e+00, v3;
	v5 =	vmax.f32 v7, $0.0e+00;
	v7 =	vsel vm0, $0x3F800000, v0;
	v10 =	vld.idx.msk [tilespmem:v17+s2+$0x0], $0xffff  }
0x1fc: {  	v2 =	vadd.f32 v13, v2;
	v1 =	vadd.f32 v4, v1;
	v13 =	vld.idx.msk [tilespmem:v15+s2+$0x0], $0xffff;
	v4 =	vmul.f32 v5, v7  }
0x1fd: {  	v3 =	vmax.f32 v3, $0.0e+00;
	v14 =	vsel vm1, $0x3F800000, v0;
	v9 =	vld.idx.msk [tilespmem:v9+s2+$0x0], $0xffff  }
0x1fe: {  	v15 =	vld.idx.msk [tilespmem:v8+s2+$0x0], $0xffff;
	v2 =	vadd.f32 v7, v2;
	v3 =	vmul.f32 v3, v14;
	v1 =	vadd.f32 v4, v1  }
0x1ff: {  	v5 =	vld.idx.msk [tilespmem:v12+s2+$0x0], $0xffff  }
0x200: {  	v2 =	vadd.f32 v14, v2;
	v4 =	vld.idx.msk [tilespmem:v11+s2+$0x0], $0xffff;
	v1 =	vadd.f32 v3, v1;
	v17 =	vunpack.i.u.bf16.f32 v16  }
0x201: {  	v3 =	vunpack.i.l.bf16.f32 v16;
	v18 =	vunpack.i.l.bf16.f32 v6;
	v19 =	vunpack.i.u.bf16.f32 v6  }
0x202: {  	v7 =	vunpack.i.u.bf16.f32 v10;
	v11 =	vunpack.i.l.bf16.f32 v10;
	v12 =	vunpack.i.l.bf16.f32 v13  }
0x203: {  	v8 =	vunpack.i.l.bf16.f32 v9;
	v10 =	vunpack.i.l.bf16.f32 v15;
	v16 =	vunpack.i.u.bf16.f32 v13  }
0x204: {  	v13 =	vunpack.i.u.bf16.f32 v9;
	v15 =	vunpack.i.u.bf16.f32 v15;
	v6 =	vunpack.i.l.bf16.f32 v5  }
0x205: {  	s29 =	simm.s32 $0x196E0;
	s1 =	simm.s32 $0x0;
	v3 =	vsub.f32 v3, v18;
	v9 =	vsub.f32 v17, v19;
	v14 =	vunpack.i.l.bf16.f32 v4  }
.LBB2_22:
0x206: {  	v17 =	vld [tilespmem:s29+$0xFFFFF030];
	v5 =	vunpack.i.u.bf16.f32 v5;
	v11 =	vsub.f32 v11, v12;
	v7 =	vsub.f32 v7, v16  }
0x207: {  	v4 =	vunpack.i.u.bf16.f32 v4;
	v8 =	vsub.f32 v8, v10;
	v10 =	vsub.f32 v13, v15;
	v12 =	vld [tilespmem:s29+$0x30]  }
0x208: {  	v6 =	vsub.f32 v6, v14;
	v4 =	vsub.f32 v5, v4;
	v13 =	vld [tilespmem:s29+$0xFFFFF020]  }
0x209: {  	v15 =	vand.u32 $0x80000000, v9;
	v9 =	vand.u32 $0x7FFFFFFF, v9;
	v14 =	vand.u32 $0x7FFFFFFF, v7;
	v5 =	vld [tilespmem:s29+$0x20]  }
0x20a: {  	v19 =	vand.u32 $0x7FFFFFFF, v10;
	v7 =	vand.u32 $0x80000000, v7;
	v18 =	vand.u32 $0x80000000, v4;
	v16 =	vld [tilespmem:s29+$0xFFFFF010]  }
0x20b: {  	v10 =	vand.u32 $0x80000000, v10;
	v4 =	vand.u32 $0x7FFFFFFF, v4;
	v6 =	vxor.u32 v6, v18;
	v20 =	vld [tilespmem:s29+$0x10]  }
0x20c: {  	vm0 =	vgt.f32 v9, $1.000000010e-01;
	vm1 =	vgt.f32 v14, $1.000000010e-01;
	v6 =	vsub.f32 $1.000000000e+00, v6;
	v18 =	vld [tilespmem:s29+$0xFFFFF000]  }
0x20d: {  	v3 =	vxor.u32 v3, v15;
	vm2 =	vgt.f32 v4, $1.000000010e-01;
	v4 =	vxor.u32 v8, v10;
	v9 =	vld [tilespmem:s29+$0x0]  }
0x20e: {  	v10 =	vsel vm2, $0x3F800000, v0;
	v4 =	vsub.f32 $1.000000000e+00, v4;
	v6 =	vmax.f32 v6, $0.0e+00;
	v8 =	vld.idx.msk [tilespmem:v17+s2+$0x0], $0xffff  }
0x20f: {  	s1 =	sadd.s32 $0x4, s1;
	v7 =	vxor.u32 v11, v7;
	vm2 =	vgt.f32 v19, $1.000000010e-01;
	v6 =	vmul.f32 v6, v10;
	v12 =	vld.idx.msk [tilespmem:v12+s2+$0x0], $0xffff  }
0x210: {  	p0 =	slt.u32 s1, $0xFC;
	v7 =	vsub.f32 $1.000000000e+00, v7;
	v4 =	vmax.f32 v4, $0.0e+00;
	v11 =	vld.idx.msk [tilespmem:v13+s2+$0x0], $0xffff;
	v13 =	vsel vm2, $0x3F800000, v0  }
0x211: {  	v2 =	vadd.f32 v10, v2;
	v1 =	vadd.f32 v6, v1;
	v14 =	vld.idx.msk [tilespmem:v5+s2+$0x0], $0xffff;
	v4 =	vmul.f32 v4, v13  }
0x212: {  	v3 =	vsub.f32 $1.000000000e+00, v3;
	v6 =	vsel vm1, $0x3F800000, v0;
	v5 =	vmax.f32 v7, $0.0e+00;
	v15 =	vld.idx.msk [tilespmem:v16+s2+$0x0], $0xffff  }
0x213: {  	v2 =	vadd.f32 v13, v2;
	v7 =	vmul.f32 v5, v6;
	v17 =	vld.idx.msk [tilespmem:v20+s2+$0x0], $0xffff;
	v1 =	vadd.f32 v4, v1  }
0x214: {  	v3 =	vmax.f32 v3, $0.0e+00;
	v10 =	vsel vm0, $0x3F800000, v0;
	v5 =	vld.idx.msk [tilespmem:v18+s2+$0x0], $0xffff  }
0x215: {  	v3 =	vmul.f32 v3, v10;
	v2 =	vadd.f32 v6, v2;
	v4 =	vld.idx.msk [tilespmem:v9+s2+$0x0], $0xffff;
	v1 =	vadd.f32 v7, v1  }
0x216: {  	v18 =	vunpack.i.l.bf16.f32 v8;
	v19 =	vunpack.i.l.bf16.f32 v12;
	v9 =	vunpack.i.u.bf16.f32 v8  }
.Ltmp10:
0x217: {  	v20 =	vunpack.i.u.bf16.f32 v12;
	v2 =	vadd.f32 v10, v2;
	v1 =	vadd.f32 v3, v1;
	(pc) =	sbr.rel @p0 .LBB2_22-.Ltmp10, $4  }
0x218: {  	v7 =	vunpack.i.u.bf16.f32 v11;
	v11 =	vunpack.i.l.bf16.f32 v11;
	v12 =	vunpack.i.l.bf16.f32 v14  }
0x219: {  	v16 =	vunpack.i.u.bf16.f32 v14;
	v8 =	vunpack.i.l.bf16.f32 v15;
	v10 =	vunpack.i.l.bf16.f32 v17  }
0x21a: {  	v13 =	vunpack.i.u.bf16.f32 v15;
	v15 =	vunpack.i.u.bf16.f32 v17;
	v6 =	vunpack.i.l.bf16.f32 v5  }
0x21b: {  	s29 =	sadd.s32 $0x40, s29;
	v9 =	vsub.f32 v9, v20;
	v3 =	vsub.f32 v18, v19;
	v14 =	vunpack.i.l.bf16.f32 v4  }
0x21c: {  	[tilespmem:s23], [sflag:$0x1] =	stream.linear.gather [hbm4b:s16+s2], $0x2000, $0x38;
	[tilespmem:$0x1C6C0] =	vst v63  }
0x21d: {  	_ =	swait.ge [sflag:s28], $0x2000  }
0x21e: {  	v5 =	vunpack.i.u.bf16.f32 v5;
	v11 =	vsub.f32 v11, v12;
	v7 =	vsub.f32 v7, v16;
	[sflag:s28] =	ssyncset.done $0x0  }
0x21f: {  	v4 =	vunpack.i.u.bf16.f32 v4;
	v8 =	vsub.f32 v8, v10;
	v10 =	vsub.f32 v13, v15;
	s1 =	simm.s32 $0x1B6D0;
	[sflag:s28] =	ssyncadd.s32 $0xFFFFE000  }
0x220: {  	v6 =	vsub.f32 v6, v14;
	v4 =	vsub.f32 v5, v4;
	v5 =	vld [tilespmem:s1+$0xFFFFF000]  }
0x221: {  	v13 =	vand.u32 $0x80000000, v9;
	v9 =	vand.u32 $0x7FFFFFFF, v9;
	v12 =	vand.u32 $0x7FFFFFFF, v7;
	v14 =	vld [tilespmem:s1+$0x0]  }
0x222: {  	v16 =	vand.u32 $0x7FFFFFFF, v10;
	v7 =	vand.u32 $0x80000000, v7;
	v15 =	vand.u32 $0x80000000, v4;
	v17 =	vld [tilespmem:s1+$0xFFFFEFF0]  }
0x223: {  	v10 =	vand.u32 $0x80000000, v10;
	vm1 =	vgt.f32 v9, $1.000000010e-01;
	v6 =	vxor.u32 v6, v15;
	v15 =	vld [tilespmem:s1+$0xFFFFFFF0]  }
0x224: {  	v3 =	vxor.u32 v3, v13;
	v4 =	vand.u32 $0x7FFFFFFF, v4;
	v9 =	vld [tilespmem:s1+$0xFFFFEFE0];
	v6 =	vsub.f32 $1.000000000e+00, v6  }
0x225: {  	vm0 =	vgt.f32 v12, $1.000000010e-01;
	vm2 =	vgt.f32 v4, $1.000000010e-01;
	v4 =	vxor.u32 v8, v10;
	v8 =	vld [tilespmem:s1+$0xFFFFFFE0]  }
0x226: {  	v12 =	vld [tilespmem:s1+$0xFFFFEFD0];
	v10 =	vsel vm2, $0x3F800000, v0;
	v4 =	vsub.f32 $1.000000000e+00, v4;
	v6 =	vmax.f32 v6, $0.0e+00  }
0x227: {  	vm15 =	vgt.f32 v16, $1.000000010e-01;
	v7 =	vxor.u32 v11, v7;
	v11 =	vld [tilespmem:s1+$0xFFFFFFD0];
	v6 =	vmul.f32 v6, v10  }
0x228: {  	v13 =	vsel vm15, $0x3F800000, v0;
	v7 =	vsub.f32 $1.000000000e+00, v7;
	v4 =	vmax.f32 v4, $0.0e+00;
	v16 =	vld.idx.msk [tilespmem:v5+s2+$0x0], $0xffff  }
0x229: {  	v2 =	vadd.f32 v10, v2;
	v4 =	vmul.f32 v4, v13;
	v1 =	vadd.f32 v6, v1;
	v6 =	vld.idx.msk [tilespmem:v14+s2+$0x0], $0xffff  }
0x22a: {  	v3 =	vsub.f32 $1.000000000e+00, v3;
	v5 =	vmax.f32 v7, $0.0e+00;
	v7 =	vsel vm0, $0x3F800000, v0;
	v10 =	vld.idx.msk [tilespmem:v17+s2+$0x0], $0xffff  }
0x22b: {  	v2 =	vadd.f32 v13, v2;
	v1 =	vadd.f32 v4, v1;
	v13 =	vld.idx.msk [tilespmem:v15+s2+$0x0], $0xffff;
	v4 =	vmul.f32 v5, v7  }
0x22c: {  	v3 =	vmax.f32 v3, $0.0e+00;
	v14 =	vsel vm1, $0x3F800000, v0;
	v9 =	vld.idx.msk [tilespmem:v9+s2+$0x0], $0xffff  }
0x22d: {  	v15 =	vld.idx.msk [tilespmem:v8+s2+$0x0], $0xffff;
	v2 =	vadd.f32 v7, v2;
	v3 =	vmul.f32 v3, v14;
	v1 =	vadd.f32 v4, v1  }
0x22e: {  	v5 =	vld.idx.msk [tilespmem:v12+s2+$0x0], $0xffff  }
0x22f: {  	v2 =	vadd.f32 v14, v2;
	v4 =	vld.idx.msk [tilespmem:v11+s2+$0x0], $0xffff;
	v1 =	vadd.f32 v3, v1;
	v17 =	vunpack.i.u.bf16.f32 v16  }
0x230: {  	v3 =	vunpack.i.l.bf16.f32 v16;
	v18 =	vunpack.i.l.bf16.f32 v6;
	v19 =	vunpack.i.u.bf16.f32 v6  }
0x231: {  	v7 =	vunpack.i.u.bf16.f32 v10;
	v11 =	vunpack.i.l.bf16.f32 v10;
	v12 =	vunpack.i.l.bf16.f32 v13  }
0x232: {  	v8 =	vunpack.i.l.bf16.f32 v9;
	v10 =	vunpack.i.l.bf16.f32 v15;
	v16 =	vunpack.i.u.bf16.f32 v13  }
0x233: {  	v13 =	vunpack.i.u.bf16.f32 v9;
	v15 =	vunpack.i.u.bf16.f32 v15;
	v6 =	vunpack.i.l.bf16.f32 v5  }
0x234: {  	s29 =	simm.s32 $0x1B710;
	s1 =	simm.s32 $0x0;
	v3 =	vsub.f32 v3, v18;
	v9 =	vsub.f32 v17, v19;
	v14 =	vunpack.i.l.bf16.f32 v4  }
.LBB2_24:
0x235: {  	v17 =	vld [tilespmem:s29+$0xFFFFF000];
	v5 =	vunpack.i.u.bf16.f32 v5;
	v11 =	vsub.f32 v11, v12;
	v7 =	vsub.f32 v7, v16  }
0x236: {  	v4 =	vunpack.i.u.bf16.f32 v4;
	v8 =	vsub.f32 v8, v10;
	v10 =	vsub.f32 v13, v15;
	v12 =	vld [tilespmem:s29+$0x0]  }
0x237: {  	v6 =	vsub.f32 v6, v14;
	v4 =	vsub.f32 v5, v4;
	v13 =	vld [tilespmem:s29+$0xFFFFEFF0]  }
0x238: {  	v15 =	vand.u32 $0x80000000, v9;
	v9 =	vand.u32 $0x7FFFFFFF, v9;
	v14 =	vand.u32 $0x7FFFFFFF, v7;
	v5 =	vld [tilespmem:s29+$0xFFFFFFF0]  }
0x239: {  	v19 =	vand.u32 $0x7FFFFFFF, v10;
	v7 =	vand.u32 $0x80000000, v7;
	v18 =	vand.u32 $0x80000000, v4;
	v16 =	vld [tilespmem:s29+$0xFFFFEFE0]  }
0x23a: {  	v10 =	vand.u32 $0x80000000, v10;
	v4 =	vand.u32 $0x7FFFFFFF, v4;
	v6 =	vxor.u32 v6, v18;
	v20 =	vld [tilespmem:s29+$0xFFFFFFE0]  }
0x23b: {  	vm0 =	vgt.f32 v9, $1.000000010e-01;
	vm1 =	vgt.f32 v14, $1.000000010e-01;
	v6 =	vsub.f32 $1.000000000e+00, v6;
	v18 =	vld [tilespmem:s29+$0xFFFFEFD0]  }
0x23c: {  	v3 =	vxor.u32 v3, v15;
	vm2 =	vgt.f32 v4, $1.000000010e-01;
	v4 =	vxor.u32 v8, v10;
	v9 =	vld [tilespmem:s29+$0xFFFFFFD0]  }
0x23d: {  	v10 =	vsel vm2, $0x3F800000, v0;
	v4 =	vsub.f32 $1.000000000e+00, v4;
	v6 =	vmax.f32 v6, $0.0e+00;
	v8 =	vld.idx.msk [tilespmem:v17+s2+$0x0], $0xffff  }
0x23e: {  	s1 =	sadd.s32 $0x4, s1;
	v7 =	vxor.u32 v11, v7;
	vm2 =	vgt.f32 v19, $1.000000010e-01;
	v6 =	vmul.f32 v6, v10;
	v12 =	vld.idx.msk [tilespmem:v12+s2+$0x0], $0xffff  }
0x23f: {  	p0 =	slt.u32 s1, $0xFC;
	v7 =	vsub.f32 $1.000000000e+00, v7;
	v4 =	vmax.f32 v4, $0.0e+00;
	v11 =	vld.idx.msk [tilespmem:v13+s2+$0x0], $0xffff;
	v13 =	vsel vm2, $0x3F800000, v0  }
0x240: {  	v2 =	vadd.f32 v10, v2;
	v1 =	vadd.f32 v6, v1;
	v14 =	vld.idx.msk [tilespmem:v5+s2+$0x0], $0xffff;
	v4 =	vmul.f32 v4, v13  }
0x241: {  	v3 =	vsub.f32 $1.000000000e+00, v3;
	v6 =	vsel vm1, $0x3F800000, v0;
	v5 =	vmax.f32 v7, $0.0e+00;
	v15 =	vld.idx.msk [tilespmem:v16+s2+$0x0], $0xffff  }
0x242: {  	v2 =	vadd.f32 v13, v2;
	v7 =	vmul.f32 v5, v6;
	v17 =	vld.idx.msk [tilespmem:v20+s2+$0x0], $0xffff;
	v1 =	vadd.f32 v4, v1  }
0x243: {  	v3 =	vmax.f32 v3, $0.0e+00;
	v10 =	vsel vm0, $0x3F800000, v0;
	v5 =	vld.idx.msk [tilespmem:v18+s2+$0x0], $0xffff  }
0x244: {  	v3 =	vmul.f32 v3, v10;
	v2 =	vadd.f32 v6, v2;
	v4 =	vld.idx.msk [tilespmem:v9+s2+$0x0], $0xffff;
	v1 =	vadd.f32 v7, v1  }
0x245: {  	v18 =	vunpack.i.l.bf16.f32 v8;
	v19 =	vunpack.i.l.bf16.f32 v12;
	v9 =	vunpack.i.u.bf16.f32 v8  }
.Ltmp11:
0x246: {  	v20 =	vunpack.i.u.bf16.f32 v12;
	v2 =	vadd.f32 v10, v2;
	v1 =	vadd.f32 v3, v1;
	(pc) =	sbr.rel @p0 .LBB2_24-.Ltmp11, $4  }
0x247: {  	v7 =	vunpack.i.u.bf16.f32 v11;
	v11 =	vunpack.i.l.bf16.f32 v11;
	v12 =	vunpack.i.l.bf16.f32 v14  }
0x248: {  	v16 =	vunpack.i.u.bf16.f32 v14;
	v8 =	vunpack.i.l.bf16.f32 v15;
	v10 =	vunpack.i.l.bf16.f32 v17  }
0x249: {  	v13 =	vunpack.i.u.bf16.f32 v15;
	v15 =	vunpack.i.u.bf16.f32 v17;
	v6 =	vunpack.i.l.bf16.f32 v5  }
0x24a: {  	s29 =	sadd.s32 $0x40, s29;
	v9 =	vsub.f32 v9, v20;
	v3 =	vsub.f32 v18, v19;
	v14 =	vunpack.i.l.bf16.f32 v4  }
0x24b: {  	[tilespmem:s25], [sflag:$0x2] =	stream.linear.gather [hbm4b:s17+s2], $0x2000, $0x38;
	[tilespmem:$0x1C6C0] =	vst v63  }
0x24c: {  	_ =	swait.ge [sflag:s26], $0x2000  }
0x24d: {  	v5 =	vunpack.i.u.bf16.f32 v5;
	v11 =	vsub.f32 v11, v12;
	v7 =	vsub.f32 v7, v16;
	[sflag:s26] =	ssyncset.done $0x0  }
0x24e: {  	v4 =	vunpack.i.u.bf16.f32 v4;
	v8 =	vsub.f32 v8, v10;
	v10 =	vsub.f32 v13, v15;
	s1 =	simm.s32 $0x196A0;
	[sflag:s26] =	ssyncadd.s32 $0xFFFFE000  }
0x24f: {  	v6 =	vsub.f32 v6, v14;
	v4 =	vsub.f32 v5, v4;
	v5 =	vld [tilespmem:s1+$0xFFFFF030]  }
0x250: {  	v13 =	vand.u32 $0x80000000, v9;
	v9 =	vand.u32 $0x7FFFFFFF, v9;
	v12 =	vand.u32 $0x7FFFFFFF, v7;
	v14 =	vld [tilespmem:s1+$0x30]  }
0x251: {  	v16 =	vand.u32 $0x7FFFFFFF, v10;
	v7 =	vand.u32 $0x80000000, v7;
	v15 =	vand.u32 $0x80000000, v4;
	v17 =	vld [tilespmem:s1+$0xFFFFF020]  }
0x252: {  	v10 =	vand.u32 $0x80000000, v10;
	vm1 =	vgt.f32 v9, $1.000000010e-01;
	v6 =	vxor.u32 v6, v15;
	v15 =	vld [tilespmem:s1+$0x20]  }
0x253: {  	v3 =	vxor.u32 v3, v13;
	v4 =	vand.u32 $0x7FFFFFFF, v4;
	v9 =	vld [tilespmem:s1+$0xFFFFF010];
	v6 =	vsub.f32 $1.000000000e+00, v6  }
0x254: {  	vm0 =	vgt.f32 v12, $1.000000010e-01;
	vm2 =	vgt.f32 v4, $1.000000010e-01;
	v4 =	vxor.u32 v8, v10;
	v8 =	vld [tilespmem:s1+$0x10]  }
0x255: {  	v12 =	vld [tilespmem:s1+$0xFFFFF000];
	v10 =	vsel vm2, $0x3F800000, v0;
	v4 =	vsub.f32 $1.000000000e+00, v4;
	v6 =	vmax.f32 v6, $0.0e+00  }
0x256: {  	vm15 =	vgt.f32 v16, $1.000000010e-01;
	v7 =	vxor.u32 v11, v7;
	v11 =	vld [tilespmem:s1+$0x0];
	v6 =	vmul.f32 v6, v10  }
0x257: {  	v13 =	vsel vm15, $0x3F800000, v0;
	v7 =	vsub.f32 $1.000000000e+00, v7;
	v4 =	vmax.f32 v4, $0.0e+00;
	v16 =	vld.idx.msk [tilespmem:v5+s2+$0x0], $0xffff  }
0x258: {  	v2 =	vadd.f32 v10, v2;
	v4 =	vmul.f32 v4, v13;
	v1 =	vadd.f32 v6, v1;
	v6 =	vld.idx.msk [tilespmem:v14+s2+$0x0], $0xffff  }
0x259: {  	v3 =	vsub.f32 $1.000000000e+00, v3;
	v5 =	vmax.f32 v7, $0.0e+00;
	v7 =	vsel vm0, $0x3F800000, v0;
	v10 =	vld.idx.msk [tilespmem:v17+s2+$0x0], $0xffff  }
0x25a: {  	v2 =	vadd.f32 v13, v2;
	v1 =	vadd.f32 v4, v1;
	v13 =	vld.idx.msk [tilespmem:v15+s2+$0x0], $0xffff;
	v4 =	vmul.f32 v5, v7  }
0x25b: {  	v3 =	vmax.f32 v3, $0.0e+00;
	v14 =	vsel vm1, $0x3F800000, v0;
	v9 =	vld.idx.msk [tilespmem:v9+s2+$0x0], $0xffff  }
0x25c: {  	v15 =	vld.idx.msk [tilespmem:v8+s2+$0x0], $0xffff;
	v2 =	vadd.f32 v7, v2;
	v3 =	vmul.f32 v3, v14;
	v1 =	vadd.f32 v4, v1  }
0x25d: {  	v5 =	vld.idx.msk [tilespmem:v12+s2+$0x0], $0xffff  }
0x25e: {  	v2 =	vadd.f32 v14, v2;
	v4 =	vld.idx.msk [tilespmem:v11+s2+$0x0], $0xffff;
	v1 =	vadd.f32 v3, v1;
	v17 =	vunpack.i.u.bf16.f32 v16  }
0x25f: {  	v3 =	vunpack.i.l.bf16.f32 v16;
	v18 =	vunpack.i.l.bf16.f32 v6;
	v19 =	vunpack.i.u.bf16.f32 v6  }
0x260: {  	v7 =	vunpack.i.u.bf16.f32 v10;
	v11 =	vunpack.i.l.bf16.f32 v10;
	v12 =	vunpack.i.l.bf16.f32 v13  }
0x261: {  	v8 =	vunpack.i.l.bf16.f32 v9;
	v10 =	vunpack.i.l.bf16.f32 v15;
	v16 =	vunpack.i.u.bf16.f32 v13  }
0x262: {  	v13 =	vunpack.i.u.bf16.f32 v9;
	v15 =	vunpack.i.u.bf16.f32 v15;
	v6 =	vunpack.i.l.bf16.f32 v5  }
0x263: {  	s29 =	simm.s32 $0x196E0;
	s1 =	simm.s32 $0x0;
	v3 =	vsub.f32 v3, v18;
	v9 =	vsub.f32 v17, v19;
	v14 =	vunpack.i.l.bf16.f32 v4  }
.LBB2_26:
0x264: {  	v17 =	vld [tilespmem:s29+$0xFFFFF030];
	v5 =	vunpack.i.u.bf16.f32 v5;
	v11 =	vsub.f32 v11, v12;
	v7 =	vsub.f32 v7, v16  }
0x265: {  	v4 =	vunpack.i.u.bf16.f32 v4;
	v8 =	vsub.f32 v8, v10;
	v10 =	vsub.f32 v13, v15;
	v12 =	vld [tilespmem:s29+$0x30]  }
0x266: {  	v6 =	vsub.f32 v6, v14;
	v4 =	vsub.f32 v5, v4;
	v13 =	vld [tilespmem:s29+$0xFFFFF020]  }
0x267: {  	v15 =	vand.u32 $0x80000000, v9;
	v9 =	vand.u32 $0x7FFFFFFF, v9;
	v14 =	vand.u32 $0x7FFFFFFF, v7;
	v5 =	vld [tilespmem:s29+$0x20]  }
0x268: {  	v19 =	vand.u32 $0x7FFFFFFF, v10;
	v7 =	vand.u32 $0x80000000, v7;
	v18 =	vand.u32 $0x80000000, v4;
	v16 =	vld [tilespmem:s29+$0xFFFFF010]  }
0x269: {  	v10 =	vand.u32 $0x80000000, v10;
	v4 =	vand.u32 $0x7FFFFFFF, v4;
	v6 =	vxor.u32 v6, v18;
	v20 =	vld [tilespmem:s29+$0x10]  }
0x26a: {  	vm0 =	vgt.f32 v9, $1.000000010e-01;
	vm1 =	vgt.f32 v14, $1.000000010e-01;
	v6 =	vsub.f32 $1.000000000e+00, v6;
	v18 =	vld [tilespmem:s29+$0xFFFFF000]  }
0x26b: {  	v3 =	vxor.u32 v3, v15;
	vm2 =	vgt.f32 v4, $1.000000010e-01;
	v4 =	vxor.u32 v8, v10;
	v9 =	vld [tilespmem:s29+$0x0]  }
0x26c: {  	v10 =	vsel vm2, $0x3F800000, v0;
	v4 =	vsub.f32 $1.000000000e+00, v4;
	v6 =	vmax.f32 v6, $0.0e+00;
	v8 =	vld.idx.msk [tilespmem:v17+s2+$0x0], $0xffff  }
0x26d: {  	s1 =	sadd.s32 $0x4, s1;
	v7 =	vxor.u32 v11, v7;
	vm2 =	vgt.f32 v19, $1.000000010e-01;
	v6 =	vmul.f32 v6, v10;
	v12 =	vld.idx.msk [tilespmem:v12+s2+$0x0], $0xffff  }
0x26e: {  	p0 =	slt.u32 s1, $0xFC;
	v7 =	vsub.f32 $1.000000000e+00, v7;
	v4 =	vmax.f32 v4, $0.0e+00;
	v11 =	vld.idx.msk [tilespmem:v13+s2+$0x0], $0xffff;
	v13 =	vsel vm2, $0x3F800000, v0  }
0x26f: {  	v2 =	vadd.f32 v10, v2;
	v1 =	vadd.f32 v6, v1;
	v14 =	vld.idx.msk [tilespmem:v5+s2+$0x0], $0xffff;
	v4 =	vmul.f32 v4, v13  }
0x270: {  	v3 =	vsub.f32 $1.000000000e+00, v3;
	v6 =	vsel vm1, $0x3F800000, v0;
	v5 =	vmax.f32 v7, $0.0e+00;
	v15 =	vld.idx.msk [tilespmem:v16+s2+$0x0], $0xffff  }
0x271: {  	v2 =	vadd.f32 v13, v2;
	v7 =	vmul.f32 v5, v6;
	v17 =	vld.idx.msk [tilespmem:v20+s2+$0x0], $0xffff;
	v1 =	vadd.f32 v4, v1  }
0x272: {  	v3 =	vmax.f32 v3, $0.0e+00;
	v10 =	vsel vm0, $0x3F800000, v0;
	v5 =	vld.idx.msk [tilespmem:v18+s2+$0x0], $0xffff  }
0x273: {  	v3 =	vmul.f32 v3, v10;
	v2 =	vadd.f32 v6, v2;
	v4 =	vld.idx.msk [tilespmem:v9+s2+$0x0], $0xffff;
	v1 =	vadd.f32 v7, v1  }
0x274: {  	v18 =	vunpack.i.l.bf16.f32 v8;
	v19 =	vunpack.i.l.bf16.f32 v12;
	v9 =	vunpack.i.u.bf16.f32 v8  }
.Ltmp12:
0x275: {  	v20 =	vunpack.i.u.bf16.f32 v12;
	v2 =	vadd.f32 v10, v2;
	v1 =	vadd.f32 v3, v1;
	(pc) =	sbr.rel @p0 .LBB2_26-.Ltmp12, $4  }
0x276: {  	v7 =	vunpack.i.u.bf16.f32 v11;
	v11 =	vunpack.i.l.bf16.f32 v11;
	v12 =	vunpack.i.l.bf16.f32 v14  }
0x277: {  	v16 =	vunpack.i.u.bf16.f32 v14;
	v8 =	vunpack.i.l.bf16.f32 v15;
	v10 =	vunpack.i.l.bf16.f32 v17  }
0x278: {  	v13 =	vunpack.i.u.bf16.f32 v15;
	v15 =	vunpack.i.u.bf16.f32 v17;
	v6 =	vunpack.i.l.bf16.f32 v5  }
0x279: {  	s29 =	sadd.s32 $0x40, s29;
	v9 =	vsub.f32 v9, v20;
	v3 =	vsub.f32 v18, v19;
	v14 =	vunpack.i.l.bf16.f32 v4  }
0x27a: {  	[tilespmem:s23], [sflag:$0x1] =	stream.linear.gather [hbm4b:s18+s2], $0x2000, $0x38;
	[tilespmem:$0x1C6C0] =	vst v63  }
0x27b: {  	_ =	swait.ge [sflag:s28], $0x2000  }
0x27c: {  	v5 =	vunpack.i.u.bf16.f32 v5;
	v11 =	vsub.f32 v11, v12;
	v7 =	vsub.f32 v7, v16;
	[sflag:s28] =	ssyncset.done $0x0  }
0x27d: {  	v4 =	vunpack.i.u.bf16.f32 v4;
	v8 =	vsub.f32 v8, v10;
	v10 =	vsub.f32 v13, v15;
	s1 =	simm.s32 $0x1B6D0;
	[sflag:s28] =	ssyncadd.s32 $0xFFFFE000  }
0x27e: {  	v6 =	vsub.f32 v6, v14;
	v4 =	vsub.f32 v5, v4;
	v5 =	vld [tilespmem:s1+$0xFFFFF000]  }
0x27f: {  	v13 =	vand.u32 $0x80000000, v9;
	v9 =	vand.u32 $0x7FFFFFFF, v9;
	v12 =	vand.u32 $0x7FFFFFFF, v7;
	v14 =	vld [tilespmem:s1+$0x0]  }
0x280: {  	v16 =	vand.u32 $0x7FFFFFFF, v10;
	v7 =	vand.u32 $0x80000000, v7;
	v15 =	vand.u32 $0x80000000, v4;
	v17 =	vld [tilespmem:s1+$0xFFFFEFF0]  }
0x281: {  	v10 =	vand.u32 $0x80000000, v10;
	vm1 =	vgt.f32 v9, $1.000000010e-01;
	v6 =	vxor.u32 v6, v15;
	v15 =	vld [tilespmem:s1+$0xFFFFFFF0]  }
0x282: {  	v3 =	vxor.u32 v3, v13;
	v4 =	vand.u32 $0x7FFFFFFF, v4;
	v9 =	vld [tilespmem:s1+$0xFFFFEFE0];
	v6 =	vsub.f32 $1.000000000e+00, v6  }
0x283: {  	vm0 =	vgt.f32 v12, $1.000000010e-01;
	vm2 =	vgt.f32 v4, $1.000000010e-01;
	v4 =	vxor.u32 v8, v10;
	v8 =	vld [tilespmem:s1+$0xFFFFFFE0]  }
0x284: {  	v12 =	vld [tilespmem:s1+$0xFFFFEFD0];
	v10 =	vsel vm2, $0x3F800000, v0;
	v4 =	vsub.f32 $1.000000000e+00, v4;
	v6 =	vmax.f32 v6, $0.0e+00  }
0x285: {  	vm15 =	vgt.f32 v16, $1.000000010e-01;
	v7 =	vxor.u32 v11, v7;
	v11 =	vld [tilespmem:s1+$0xFFFFFFD0];
	v6 =	vmul.f32 v6, v10  }
0x286: {  	v13 =	vsel vm15, $0x3F800000, v0;
	v7 =	vsub.f32 $1.000000000e+00, v7;
	v4 =	vmax.f32 v4, $0.0e+00;
	v16 =	vld.idx.msk [tilespmem:v5+s2+$0x0], $0xffff  }
0x287: {  	v2 =	vadd.f32 v10, v2;
	v4 =	vmul.f32 v4, v13;
	v1 =	vadd.f32 v6, v1;
	v6 =	vld.idx.msk [tilespmem:v14+s2+$0x0], $0xffff  }
0x288: {  	v3 =	vsub.f32 $1.000000000e+00, v3;
	v5 =	vmax.f32 v7, $0.0e+00;
	v7 =	vsel vm0, $0x3F800000, v0;
	v10 =	vld.idx.msk [tilespmem:v17+s2+$0x0], $0xffff  }
0x289: {  	v2 =	vadd.f32 v13, v2;
	v1 =	vadd.f32 v4, v1;
	v13 =	vld.idx.msk [tilespmem:v15+s2+$0x0], $0xffff;
	v4 =	vmul.f32 v5, v7  }
0x28a: {  	v3 =	vmax.f32 v3, $0.0e+00;
	v14 =	vsel vm1, $0x3F800000, v0;
	v9 =	vld.idx.msk [tilespmem:v9+s2+$0x0], $0xffff  }
0x28b: {  	v15 =	vld.idx.msk [tilespmem:v8+s2+$0x0], $0xffff;
	v2 =	vadd.f32 v7, v2;
	v3 =	vmul.f32 v3, v14;
	v1 =	vadd.f32 v4, v1  }
0x28c: {  	v5 =	vld.idx.msk [tilespmem:v12+s2+$0x0], $0xffff  }
0x28d: {  	v2 =	vadd.f32 v14, v2;
	v4 =	vld.idx.msk [tilespmem:v11+s2+$0x0], $0xffff;
	v1 =	vadd.f32 v3, v1;
	v17 =	vunpack.i.u.bf16.f32 v16  }
0x28e: {  	v3 =	vunpack.i.l.bf16.f32 v16;
	v18 =	vunpack.i.l.bf16.f32 v6;
	v19 =	vunpack.i.u.bf16.f32 v6  }
0x28f: {  	v7 =	vunpack.i.u.bf16.f32 v10;
	v11 =	vunpack.i.l.bf16.f32 v10;
	v12 =	vunpack.i.l.bf16.f32 v13  }
0x290: {  	v8 =	vunpack.i.l.bf16.f32 v9;
	v10 =	vunpack.i.l.bf16.f32 v15;
	v16 =	vunpack.i.u.bf16.f32 v13  }
0x291: {  	v13 =	vunpack.i.u.bf16.f32 v9;
	v15 =	vunpack.i.u.bf16.f32 v15;
	v6 =	vunpack.i.l.bf16.f32 v5  }
0x292: {  	s29 =	simm.s32 $0x1B710;
	s1 =	simm.s32 $0x0;
	v3 =	vsub.f32 v3, v18;
	v9 =	vsub.f32 v17, v19;
	v14 =	vunpack.i.l.bf16.f32 v4  }
.LBB2_28:
0x293: {  	v17 =	vld [tilespmem:s29+$0xFFFFF000];
	v5 =	vunpack.i.u.bf16.f32 v5;
	v11 =	vsub.f32 v11, v12;
	v7 =	vsub.f32 v7, v16  }
0x294: {  	v4 =	vunpack.i.u.bf16.f32 v4;
	v8 =	vsub.f32 v8, v10;
	v10 =	vsub.f32 v13, v15;
	v12 =	vld [tilespmem:s29+$0x0]  }
0x295: {  	v6 =	vsub.f32 v6, v14;
	v4 =	vsub.f32 v5, v4;
	v13 =	vld [tilespmem:s29+$0xFFFFEFF0]  }
0x296: {  	v15 =	vand.u32 $0x80000000, v9;
	v9 =	vand.u32 $0x7FFFFFFF, v9;
	v14 =	vand.u32 $0x7FFFFFFF, v7;
	v5 =	vld [tilespmem:s29+$0xFFFFFFF0]  }
0x297: {  	v19 =	vand.u32 $0x7FFFFFFF, v10;
	v7 =	vand.u32 $0x80000000, v7;
	v18 =	vand.u32 $0x80000000, v4;
	v16 =	vld [tilespmem:s29+$0xFFFFEFE0]  }
0x298: {  	v10 =	vand.u32 $0x80000000, v10;
	v4 =	vand.u32 $0x7FFFFFFF, v4;
	v6 =	vxor.u32 v6, v18;
	v20 =	vld [tilespmem:s29+$0xFFFFFFE0]  }
0x299: {  	vm0 =	vgt.f32 v9, $1.000000010e-01;
	vm1 =	vgt.f32 v14, $1.000000010e-01;
	v6 =	vsub.f32 $1.000000000e+00, v6;
	v18 =	vld [tilespmem:s29+$0xFFFFEFD0]  }
0x29a: {  	v3 =	vxor.u32 v3, v15;
	vm2 =	vgt.f32 v4, $1.000000010e-01;
	v4 =	vxor.u32 v8, v10;
	v9 =	vld [tilespmem:s29+$0xFFFFFFD0]  }
0x29b: {  	v10 =	vsel vm2, $0x3F800000, v0;
	v4 =	vsub.f32 $1.000000000e+00, v4;
	v6 =	vmax.f32 v6, $0.0e+00;
	v8 =	vld.idx.msk [tilespmem:v17+s2+$0x0], $0xffff  }
0x29c: {  	s1 =	sadd.s32 $0x4, s1;
	v7 =	vxor.u32 v11, v7;
	vm2 =	vgt.f32 v19, $1.000000010e-01;
	v6 =	vmul.f32 v6, v10;
	v12 =	vld.idx.msk [tilespmem:v12+s2+$0x0], $0xffff  }
0x29d: {  	p0 =	slt.u32 s1, $0xFC;
	v7 =	vsub.f32 $1.000000000e+00, v7;
	v4 =	vmax.f32 v4, $0.0e+00;
	v11 =	vld.idx.msk [tilespmem:v13+s2+$0x0], $0xffff;
	v13 =	vsel vm2, $0x3F800000, v0  }
0x29e: {  	v2 =	vadd.f32 v10, v2;
	v1 =	vadd.f32 v6, v1;
	v14 =	vld.idx.msk [tilespmem:v5+s2+$0x0], $0xffff;
	v4 =	vmul.f32 v4, v13  }
0x29f: {  	v3 =	vsub.f32 $1.000000000e+00, v3;
	v6 =	vsel vm1, $0x3F800000, v0;
	v5 =	vmax.f32 v7, $0.0e+00;
	v15 =	vld.idx.msk [tilespmem:v16+s2+$0x0], $0xffff  }
0x2a0: {  	v2 =	vadd.f32 v13, v2;
	v7 =	vmul.f32 v5, v6;
	v17 =	vld.idx.msk [tilespmem:v20+s2+$0x0], $0xffff;
	v1 =	vadd.f32 v4, v1  }
0x2a1: {  	v3 =	vmax.f32 v3, $0.0e+00;
	v10 =	vsel vm0, $0x3F800000, v0;
	v5 =	vld.idx.msk [tilespmem:v18+s2+$0x0], $0xffff  }
0x2a2: {  	v3 =	vmul.f32 v3, v10;
	v2 =	vadd.f32 v6, v2;
	v4 =	vld.idx.msk [tilespmem:v9+s2+$0x0], $0xffff;
	v1 =	vadd.f32 v7, v1  }
0x2a3: {  	v18 =	vunpack.i.l.bf16.f32 v8;
	v19 =	vunpack.i.l.bf16.f32 v12;
	v9 =	vunpack.i.u.bf16.f32 v8  }
.Ltmp13:
0x2a4: {  	v20 =	vunpack.i.u.bf16.f32 v12;
	v2 =	vadd.f32 v10, v2;
	v1 =	vadd.f32 v3, v1;
	(pc) =	sbr.rel @p0 .LBB2_28-.Ltmp13, $4  }
0x2a5: {  	v7 =	vunpack.i.u.bf16.f32 v11;
	v11 =	vunpack.i.l.bf16.f32 v11;
	v12 =	vunpack.i.l.bf16.f32 v14  }
0x2a6: {  	v16 =	vunpack.i.u.bf16.f32 v14;
	v8 =	vunpack.i.l.bf16.f32 v15;
	v10 =	vunpack.i.l.bf16.f32 v17  }
0x2a7: {  	v13 =	vunpack.i.u.bf16.f32 v15;
	v15 =	vunpack.i.u.bf16.f32 v17;
	v6 =	vunpack.i.l.bf16.f32 v5  }
0x2a8: {  	s29 =	sadd.s32 $0x40, s29;
	v9 =	vsub.f32 v9, v20;
	v3 =	vsub.f32 v18, v19;
	v14 =	vunpack.i.l.bf16.f32 v4  }
0x2a9: {  	[tilespmem:s25], [sflag:$0x2] =	stream.linear.gather [hbm4b:s19+s2], $0x2000, $0x38;
	[tilespmem:$0x1C6C0] =	vst v63  }
0x2aa: {  	_ =	swait.ge [sflag:s26], $0x2000  }
0x2ab: {  	v5 =	vunpack.i.u.bf16.f32 v5;
	v11 =	vsub.f32 v11, v12;
	v7 =	vsub.f32 v7, v16;
	[sflag:s26] =	ssyncset.done $0x0  }
0x2ac: {  	v4 =	vunpack.i.u.bf16.f32 v4;
	v8 =	vsub.f32 v8, v10;
	v10 =	vsub.f32 v13, v15;
	s1 =	simm.s32 $0x196A0;
	[sflag:s26] =	ssyncadd.s32 $0xFFFFE000  }
0x2ad: {  	v6 =	vsub.f32 v6, v14;
	v4 =	vsub.f32 v5, v4;
	v5 =	vld [tilespmem:s1+$0xFFFFF030]  }
0x2ae: {  	v13 =	vand.u32 $0x80000000, v9;
	v9 =	vand.u32 $0x7FFFFFFF, v9;
	v12 =	vand.u32 $0x7FFFFFFF, v7;
	v14 =	vld [tilespmem:s1+$0x30]  }
0x2af: {  	v16 =	vand.u32 $0x7FFFFFFF, v10;
	v7 =	vand.u32 $0x80000000, v7;
	v15 =	vand.u32 $0x80000000, v4;
	v17 =	vld [tilespmem:s1+$0xFFFFF020]  }
0x2b0: {  	v10 =	vand.u32 $0x80000000, v10;
	vm1 =	vgt.f32 v9, $1.000000010e-01;
	v6 =	vxor.u32 v6, v15;
	v15 =	vld [tilespmem:s1+$0x20]  }
0x2b1: {  	v3 =	vxor.u32 v3, v13;
	v4 =	vand.u32 $0x7FFFFFFF, v4;
	v9 =	vld [tilespmem:s1+$0xFFFFF010];
	v6 =	vsub.f32 $1.000000000e+00, v6  }
0x2b2: {  	vm0 =	vgt.f32 v12, $1.000000010e-01;
	vm2 =	vgt.f32 v4, $1.000000010e-01;
	v4 =	vxor.u32 v8, v10;
	v8 =	vld [tilespmem:s1+$0x10]  }
0x2b3: {  	v12 =	vld [tilespmem:s1+$0xFFFFF000];
	v10 =	vsel vm2, $0x3F800000, v0;
	v4 =	vsub.f32 $1.000000000e+00, v4;
	v6 =	vmax.f32 v6, $0.0e+00  }
0x2b4: {  	vm15 =	vgt.f32 v16, $1.000000010e-01;
	v7 =	vxor.u32 v11, v7;
	v11 =	vld [tilespmem:s1+$0x0];
	v6 =	vmul.f32 v6, v10  }
0x2b5: {  	v13 =	vsel vm15, $0x3F800000, v0;
	v7 =	vsub.f32 $1.000000000e+00, v7;
	v4 =	vmax.f32 v4, $0.0e+00;
	v16 =	vld.idx.msk [tilespmem:v5+s2+$0x0], $0xffff  }
0x2b6: {  	v2 =	vadd.f32 v10, v2;
	v4 =	vmul.f32 v4, v13;
	v1 =	vadd.f32 v6, v1;
	v6 =	vld.idx.msk [tilespmem:v14+s2+$0x0], $0xffff  }
0x2b7: {  	v3 =	vsub.f32 $1.000000000e+00, v3;
	v5 =	vmax.f32 v7, $0.0e+00;
	v7 =	vsel vm0, $0x3F800000, v0;
	v10 =	vld.idx.msk [tilespmem:v17+s2+$0x0], $0xffff  }
0x2b8: {  	v2 =	vadd.f32 v13, v2;
	v1 =	vadd.f32 v4, v1;
	v13 =	vld.idx.msk [tilespmem:v15+s2+$0x0], $0xffff;
	v4 =	vmul.f32 v5, v7  }
0x2b9: {  	v3 =	vmax.f32 v3, $0.0e+00;
	v14 =	vsel vm1, $0x3F800000, v0;
	v9 =	vld.idx.msk [tilespmem:v9+s2+$0x0], $0xffff  }
0x2ba: {  	v15 =	vld.idx.msk [tilespmem:v8+s2+$0x0], $0xffff;
	v2 =	vadd.f32 v7, v2;
	v3 =	vmul.f32 v3, v14;
	v1 =	vadd.f32 v4, v1  }
0x2bb: {  	v5 =	vld.idx.msk [tilespmem:v12+s2+$0x0], $0xffff  }
0x2bc: {  	v2 =	vadd.f32 v14, v2;
	v4 =	vld.idx.msk [tilespmem:v11+s2+$0x0], $0xffff;
	v1 =	vadd.f32 v3, v1;
	v17 =	vunpack.i.u.bf16.f32 v16  }
0x2bd: {  	v3 =	vunpack.i.l.bf16.f32 v16;
	v18 =	vunpack.i.l.bf16.f32 v6;
	v19 =	vunpack.i.u.bf16.f32 v6  }
0x2be: {  	v7 =	vunpack.i.u.bf16.f32 v10;
	v11 =	vunpack.i.l.bf16.f32 v10;
	v12 =	vunpack.i.l.bf16.f32 v13  }
0x2bf: {  	v8 =	vunpack.i.l.bf16.f32 v9;
	v10 =	vunpack.i.l.bf16.f32 v15;
	v16 =	vunpack.i.u.bf16.f32 v13  }
0x2c0: {  	v13 =	vunpack.i.u.bf16.f32 v9;
	v15 =	vunpack.i.u.bf16.f32 v15;
	v6 =	vunpack.i.l.bf16.f32 v5  }
0x2c1: {  	s29 =	simm.s32 $0x196E0;
	s1 =	simm.s32 $0x0;
	v3 =	vsub.f32 v3, v18;
	v9 =	vsub.f32 v17, v19;
	v14 =	vunpack.i.l.bf16.f32 v4  }
.LBB2_30:
0x2c2: {  	v17 =	vld [tilespmem:s29+$0xFFFFF030];
	v5 =	vunpack.i.u.bf16.f32 v5;
	v11 =	vsub.f32 v11, v12;
	v7 =	vsub.f32 v7, v16  }
0x2c3: {  	v4 =	vunpack.i.u.bf16.f32 v4;
	v8 =	vsub.f32 v8, v10;
	v10 =	vsub.f32 v13, v15;
	v12 =	vld [tilespmem:s29+$0x30]  }
0x2c4: {  	v6 =	vsub.f32 v6, v14;
	v4 =	vsub.f32 v5, v4;
	v13 =	vld [tilespmem:s29+$0xFFFFF020]  }
0x2c5: {  	v15 =	vand.u32 $0x80000000, v9;
	v9 =	vand.u32 $0x7FFFFFFF, v9;
	v14 =	vand.u32 $0x7FFFFFFF, v7;
	v5 =	vld [tilespmem:s29+$0x20]  }
0x2c6: {  	v19 =	vand.u32 $0x7FFFFFFF, v10;
	v7 =	vand.u32 $0x80000000, v7;
	v18 =	vand.u32 $0x80000000, v4;
	v16 =	vld [tilespmem:s29+$0xFFFFF010]  }
0x2c7: {  	v10 =	vand.u32 $0x80000000, v10;
	v4 =	vand.u32 $0x7FFFFFFF, v4;
	v6 =	vxor.u32 v6, v18;
	v20 =	vld [tilespmem:s29+$0x10]  }
0x2c8: {  	vm0 =	vgt.f32 v9, $1.000000010e-01;
	vm1 =	vgt.f32 v14, $1.000000010e-01;
	v6 =	vsub.f32 $1.000000000e+00, v6;
	v18 =	vld [tilespmem:s29+$0xFFFFF000]  }
0x2c9: {  	v3 =	vxor.u32 v3, v15;
	vm2 =	vgt.f32 v4, $1.000000010e-01;
	v4 =	vxor.u32 v8, v10;
	v9 =	vld [tilespmem:s29+$0x0]  }
0x2ca: {  	v10 =	vsel vm2, $0x3F800000, v0;
	v4 =	vsub.f32 $1.000000000e+00, v4;
	v6 =	vmax.f32 v6, $0.0e+00;
	v8 =	vld.idx.msk [tilespmem:v17+s2+$0x0], $0xffff  }
0x2cb: {  	s1 =	sadd.s32 $0x4, s1;
	v7 =	vxor.u32 v11, v7;
	vm2 =	vgt.f32 v19, $1.000000010e-01;
	v6 =	vmul.f32 v6, v10;
	v12 =	vld.idx.msk [tilespmem:v12+s2+$0x0], $0xffff  }
0x2cc: {  	p0 =	slt.u32 s1, $0xFC;
	v7 =	vsub.f32 $1.000000000e+00, v7;
	v4 =	vmax.f32 v4, $0.0e+00;
	v11 =	vld.idx.msk [tilespmem:v13+s2+$0x0], $0xffff;
	v13 =	vsel vm2, $0x3F800000, v0  }
0x2cd: {  	v2 =	vadd.f32 v10, v2;
	v1 =	vadd.f32 v6, v1;
	v14 =	vld.idx.msk [tilespmem:v5+s2+$0x0], $0xffff;
	v4 =	vmul.f32 v4, v13  }
0x2ce: {  	v3 =	vsub.f32 $1.000000000e+00, v3;
	v6 =	vsel vm1, $0x3F800000, v0;
	v5 =	vmax.f32 v7, $0.0e+00;
	v15 =	vld.idx.msk [tilespmem:v16+s2+$0x0], $0xffff  }
0x2cf: {  	v2 =	vadd.f32 v13, v2;
	v7 =	vmul.f32 v5, v6;
	v17 =	vld.idx.msk [tilespmem:v20+s2+$0x0], $0xffff;
	v1 =	vadd.f32 v4, v1  }
0x2d0: {  	v3 =	vmax.f32 v3, $0.0e+00;
	v10 =	vsel vm0, $0x3F800000, v0;
	v5 =	vld.idx.msk [tilespmem:v18+s2+$0x0], $0xffff  }
0x2d1: {  	v3 =	vmul.f32 v3, v10;
	v2 =	vadd.f32 v6, v2;
	v4 =	vld.idx.msk [tilespmem:v9+s2+$0x0], $0xffff;
	v1 =	vadd.f32 v7, v1  }
0x2d2: {  	v18 =	vunpack.i.l.bf16.f32 v8;
	v19 =	vunpack.i.l.bf16.f32 v12;
	v9 =	vunpack.i.u.bf16.f32 v8  }
.Ltmp14:
0x2d3: {  	v20 =	vunpack.i.u.bf16.f32 v12;
	v2 =	vadd.f32 v10, v2;
	v1 =	vadd.f32 v3, v1;
	(pc) =	sbr.rel @p0 .LBB2_30-.Ltmp14, $4  }
0x2d4: {  	v7 =	vunpack.i.u.bf16.f32 v11;
	v11 =	vunpack.i.l.bf16.f32 v11;
	v12 =	vunpack.i.l.bf16.f32 v14  }
0x2d5: {  	v16 =	vunpack.i.u.bf16.f32 v14;
	v8 =	vunpack.i.l.bf16.f32 v15;
	v10 =	vunpack.i.l.bf16.f32 v17  }
0x2d6: {  	v13 =	vunpack.i.u.bf16.f32 v15;
	v15 =	vunpack.i.u.bf16.f32 v17;
	v6 =	vunpack.i.l.bf16.f32 v5  }
0x2d7: {  	s29 =	sadd.s32 $0x40, s29;
	v9 =	vsub.f32 v9, v20;
	v3 =	vsub.f32 v18, v19;
	v14 =	vunpack.i.l.bf16.f32 v4  }
0x2d8: {  	_ =	swait.ge [sflag:s28], $0x2000  }
0x2d9: {  	v5 =	vunpack.i.u.bf16.f32 v5;
	v11 =	vsub.f32 v11, v12;
	v7 =	vsub.f32 v7, v16;
	[sflag:s28] =	ssyncset.done $0x0  }
0x2da: {  	v4 =	vunpack.i.u.bf16.f32 v4;
	v8 =	vsub.f32 v8, v10;
	v10 =	vsub.f32 v13, v15;
	s1 =	simm.s32 $0x1B6D0;
	[sflag:s28] =	ssyncadd.s32 $0xFFFFE000  }
0x2db: {  	v6 =	vsub.f32 v6, v14;
	v4 =	vsub.f32 v5, v4;
	v5 =	vld [tilespmem:s1+$0xFFFFF000]  }
0x2dc: {  	v13 =	vand.u32 $0x80000000, v9;
	v9 =	vand.u32 $0x7FFFFFFF, v9;
	v12 =	vand.u32 $0x7FFFFFFF, v7;
	v14 =	vld [tilespmem:s1+$0x0]  }
0x2dd: {  	v16 =	vand.u32 $0x7FFFFFFF, v10;
	v7 =	vand.u32 $0x80000000, v7;
	v15 =	vand.u32 $0x80000000, v4;
	v17 =	vld [tilespmem:s1+$0xFFFFEFF0]  }
0x2de: {  	v10 =	vand.u32 $0x80000000, v10;
	vm1 =	vgt.f32 v9, $1.000000010e-01;
	v6 =	vxor.u32 v6, v15;
	v15 =	vld [tilespmem:s1+$0xFFFFFFF0]  }
0x2df: {  	v3 =	vxor.u32 v3, v13;
	v4 =	vand.u32 $0x7FFFFFFF, v4;
	v9 =	vld [tilespmem:s1+$0xFFFFEFE0];
	v6 =	vsub.f32 $1.000000000e+00, v6  }
0x2e0: {  	vm0 =	vgt.f32 v12, $1.000000010e-01;
	vm2 =	vgt.f32 v4, $1.000000010e-01;
	v4 =	vxor.u32 v8, v10;
	v8 =	vld [tilespmem:s1+$0xFFFFFFE0]  }
0x2e1: {  	v12 =	vld [tilespmem:s1+$0xFFFFEFD0];
	v10 =	vsel vm2, $0x3F800000, v0;
	v4 =	vsub.f32 $1.000000000e+00, v4;
	v6 =	vmax.f32 v6, $0.0e+00  }
0x2e2: {  	vm15 =	vgt.f32 v16, $1.000000010e-01;
	v7 =	vxor.u32 v11, v7;
	v11 =	vld [tilespmem:s1+$0xFFFFFFD0];
	v6 =	vmul.f32 v6, v10  }
0x2e3: {  	v13 =	vsel vm15, $0x3F800000, v0;
	v7 =	vsub.f32 $1.000000000e+00, v7;
	v4 =	vmax.f32 v4, $0.0e+00;
	v16 =	vld.idx.msk [tilespmem:v5+s2+$0x0], $0xffff  }
0x2e4: {  	v2 =	vadd.f32 v10, v2;
	v4 =	vmul.f32 v4, v13;
	v1 =	vadd.f32 v6, v1;
	v6 =	vld.idx.msk [tilespmem:v14+s2+$0x0], $0xffff  }
0x2e5: {  	v3 =	vsub.f32 $1.000000000e+00, v3;
	v5 =	vmax.f32 v7, $0.0e+00;
	v7 =	vsel vm0, $0x3F800000, v0;
	v10 =	vld.idx.msk [tilespmem:v17+s2+$0x0], $0xffff  }
0x2e6: {  	v2 =	vadd.f32 v13, v2;
	v1 =	vadd.f32 v4, v1;
	v4 =	vmul.f32 v5, v7;
	v13 =	vld.idx.msk [tilespmem:v15+s2+$0x0], $0xffff  }
0x2e7: {  	v3 =	vmax.f32 v3, $0.0e+00;
	v14 =	vsel vm1, $0x3F800000, v0;
	v15 =	vld.idx.msk [tilespmem:v9+s2+$0x0], $0xffff  }
0x2e8: {  	v2 =	vadd.f32 v7, v2;
	v3 =	vmul.f32 v3, v14;
	v17 =	vld.idx.msk [tilespmem:v8+s2+$0x0], $0xffff;
	v1 =	vadd.f32 v4, v1  }
0x2e9: {  	v5 =	vld.idx.msk [tilespmem:v12+s2+$0x0], $0xffff  }
0x2ea: {  	v2 =	vadd.f32 v14, v2;
	v4 =	vld.idx.msk [tilespmem:v11+s2+$0x0], $0xffff;
	v1 =	vadd.f32 v3, v1;
	v11 =	vunpack.i.u.bf16.f32 v16  }
0x2eb: {  	v3 =	vunpack.i.l.bf16.f32 v16;
	v18 =	vunpack.i.l.bf16.f32 v6;
	v19 =	vunpack.i.u.bf16.f32 v6  }
0x2ec: {  	v6 =	vunpack.i.u.bf16.f32 v10;
	v10 =	vunpack.i.l.bf16.f32 v10;
	v12 =	vunpack.i.l.bf16.f32 v13  }
0x2ed: {  	v7 =	vunpack.i.l.bf16.f32 v15;
	v9 =	vunpack.i.l.bf16.f32 v17;
	v16 =	vunpack.i.u.bf16.f32 v13  }
0x2ee: {  	v8 =	vunpack.i.l.bf16.f32 v5;
	v13 =	vunpack.i.u.bf16.f32 v15;
	v15 =	vunpack.i.u.bf16.f32 v17  }
0x2ef: {  	s29 =	simm.s32 $0x1B710;
	s1 =	simm.s32 $0x0;
	v3 =	vsub.f32 v3, v18;
	v11 =	vsub.f32 v11, v19;
	v14 =	vunpack.i.l.bf16.f32 v4  }
.LBB2_32:
0x2f0: {  	v17 =	vld [tilespmem:s29+$0xFFFFF000];
	v5 =	vunpack.i.u.bf16.f32 v5;
	v10 =	vsub.f32 v10, v12;
	v6 =	vsub.f32 v6, v16  }
0x2f1: {  	v4 =	vunpack.i.u.bf16.f32 v4;
	v7 =	vsub.f32 v7, v9;
	v9 =	vsub.f32 v13, v15;
	v12 =	vld [tilespmem:s29+$0x0]  }
0x2f2: {  	v8 =	vsub.f32 v8, v14;
	v4 =	vsub.f32 v5, v4;
	v13 =	vld [tilespmem:s29+$0xFFFFEFF0]  }
0x2f3: {  	v15 =	vand.u32 $0x80000000, v11;
	v11 =	vand.u32 $0x7FFFFFFF, v11;
	v14 =	vand.u32 $0x7FFFFFFF, v6;
	v5 =	vld [tilespmem:s29+$0xFFFFFFF0]  }
0x2f4: {  	v19 =	vand.u32 $0x7FFFFFFF, v9;
	v6 =	vand.u32 $0x80000000, v6;
	v18 =	vand.u32 $0x80000000, v4;
	v16 =	vld [tilespmem:s29+$0xFFFFEFE0]  }
0x2f5: {  	v9 =	vand.u32 $0x80000000, v9;
	v4 =	vand.u32 $0x7FFFFFFF, v4;
	v8 =	vxor.u32 v8, v18;
	v20 =	vld [tilespmem:s29+$0xFFFFFFE0]  }
0x2f6: {  	vm0 =	vgt.f32 v11, $1.000000010e-01;
	vm1 =	vgt.f32 v14, $1.000000010e-01;
	v8 =	vsub.f32 $1.000000000e+00, v8;
	v18 =	vld [tilespmem:s29+$0xFFFFEFD0]  }
0x2f7: {  	v3 =	vxor.u32 v3, v15;
	vm2 =	vgt.f32 v4, $1.000000010e-01;
	v4 =	vxor.u32 v7, v9;
	v11 =	vld [tilespmem:s29+$0xFFFFFFD0]  }
0x2f8: {  	v9 =	vsel vm2, $0x3F800000, v0;
	v4 =	vsub.f32 $1.000000000e+00, v4;
	v8 =	vmax.f32 v8, $0.0e+00;
	v7 =	vld.idx.msk [tilespmem:v17+s2+$0x0], $0xffff  }
0x2f9: {  	s1 =	sadd.s32 $0x4, s1;
	v6 =	vxor.u32 v10, v6;
	vm2 =	vgt.f32 v19, $1.000000010e-01;
	v8 =	vmul.f32 v8, v9;
	v12 =	vld.idx.msk [tilespmem:v12+s2+$0x0], $0xffff  }
0x2fa: {  	p0 =	slt.u32 s1, $0xFC;
	v6 =	vsub.f32 $1.000000000e+00, v6;
	v4 =	vmax.f32 v4, $0.0e+00;
	v10 =	vld.idx.msk [tilespmem:v13+s2+$0x0], $0xffff;
	v13 =	vsel vm2, $0x3F800000, v0  }
0x2fb: {  	v2 =	vadd.f32 v9, v2;
	v1 =	vadd.f32 v8, v1;
	v14 =	vld.idx.msk [tilespmem:v5+s2+$0x0], $0xffff;
	v4 =	vmul.f32 v4, v13  }
0x2fc: {  	v3 =	vsub.f32 $1.000000000e+00, v3;
	v5 =	vmax.f32 v6, $0.0e+00;
	v6 =	vsel vm1, $0x3F800000, v0;
	v15 =	vld.idx.msk [tilespmem:v16+s2+$0x0], $0xffff  }
0x2fd: {  	v2 =	vadd.f32 v13, v2;
	v8 =	vmul.f32 v5, v6;
	v17 =	vld.idx.msk [tilespmem:v20+s2+$0x0], $0xffff;
	v1 =	vadd.f32 v4, v1  }
0x2fe: {  	v3 =	vmax.f32 v3, $0.0e+00;
	v9 =	vsel vm0, $0x3F800000, v0;
	v5 =	vld.idx.msk [tilespmem:v18+s2+$0x0], $0xffff  }
0x2ff: {  	v3 =	vmul.f32 v3, v9;
	v2 =	vadd.f32 v6, v2;
	v4 =	vld.idx.msk [tilespmem:v11+s2+$0x0], $0xffff;
	v1 =	vadd.f32 v8, v1  }
0x300: {  	v18 =	vunpack.i.l.bf16.f32 v7;
	v19 =	vunpack.i.l.bf16.f32 v12;
	v11 =	vunpack.i.u.bf16.f32 v7  }
.Ltmp15:
0x301: {  	v20 =	vunpack.i.u.bf16.f32 v12;
	v2 =	vadd.f32 v9, v2;
	v1 =	vadd.f32 v3, v1;
	(pc) =	sbr.rel @p0 .LBB2_32-.Ltmp15, $4  }
0x302: {  	v6 =	vunpack.i.u.bf16.f32 v10;
	v10 =	vunpack.i.l.bf16.f32 v10;
	v12 =	vunpack.i.l.bf16.f32 v14  }
0x303: {  	v16 =	vunpack.i.u.bf16.f32 v14;
	v7 =	vunpack.i.l.bf16.f32 v15;
	v9 =	vunpack.i.l.bf16.f32 v17  }
0x304: {  	v13 =	vunpack.i.u.bf16.f32 v15;
	v15 =	vunpack.i.u.bf16.f32 v17;
	v8 =	vunpack.i.l.bf16.f32 v5  }
0x305: {  	s29 =	sadd.s32 $0x40, s29;
	v11 =	vsub.f32 v11, v20;
	v3 =	vsub.f32 v18, v19;
	v14 =	vunpack.i.l.bf16.f32 v4  }
0x306: {  	v5 =	vunpack.i.u.bf16.f32 v5;
	v10 =	vsub.f32 v10, v12;
	v6 =	vsub.f32 v6, v16  }
0x307: {  	v4 =	vunpack.i.u.bf16.f32 v4;
	v7 =	vsub.f32 v7, v9;
	v50 =	vsub.f32 v13, v15  }
0x308: {  	v51 =	vsub.f32 v8, v14;
	v4 =	vsub.f32 v5, v4  }
0x309: {  	v53 =	vand.u32 $0x80000000, v11;
	v54 =	vand.u32 $0x7FFFFFFF, v11;
	v52 =	vand.u32 $0x7FFFFFFF, v6  }
0x30a: {  	v56 =	vand.u32 $0x7FFFFFFF, v50;
	v6 =	vand.u32 $0x80000000, v6;
	v55 =	vand.u32 $0x80000000, v4  }
0x30b: {  	v9 =	vand.u32 $0x80000000, v50;
	v3 =	vxor.u32 v3, v53;
	v5 =	vxor.u32 v51, v55  }
0x30c: {  	v4 =	vand.u32 $0x7FFFFFFF, v4;
	vm0 =	vgt.f32 v52, $1.000000010e-01;
	v5 =	vsub.f32 $1.000000000e+00, v5  }
0x30d: {  	v57 =	vxor.u32 v7, v9;
	vm14 =	vgt.f32 v56, $1.000000010e-01;
	vm1 =	vgt.f32 v4, $1.000000010e-01  }
0x30e: {  	v4 =	vsub.f32 $1.000000000e+00, v57;
	v58 =	vsel vm1, $0x3F800000, v0;
	v5 =	vmax.f32 v5, $0.0e+00  }
0x30f: {  	v6 =	vxor.u32 v10, v6;
	v59 =	vsel vm14, $0x3F800000, v0;
	v5 =	vmul.f32 v5, v58  }
0x310: {  	v6 =	vsub.f32 $1.000000000e+00, v6;
	v4 =	vmax.f32 v4, $0.0e+00;
	v2 =	vadd.f32 v58, v2  }
0x311: {  	v3 =	vsub.f32 $1.000000000e+00, v3;
	v4 =	vmul.f32 v4, v59;
	v1 =	vadd.f32 v5, v1  }
0x312: {  	v61 =	vsel vm0, $0x3F800000, v0;
	v60 =	vmax.f32 v6, $0.0e+00;
	v2 =	vadd.f32 v59, v2  }
0x313: {  	vm15 =	vgt.f32 v54, $1.000000010e-01;
	v62 =	vmul.f32 v60, v61;
	v1 =	vadd.f32 v4, v1  }
0x314: {  	v63 =	vsel vm15, $0x3F800000, v0;
	v3 =	vmax.f32 v3, $0.0e+00;
	v2 =	vadd.f32 v61, v2  }
0x315: {  	v3 =	vmul.f32 v3, v63;
	v1 =	vadd.f32 v62, v1  }
0x316: {  	v2 =	vadd.f32 v63, v2  }
0x317: {  	v1 =	vadd.f32 v3, v1  }
0x318: {  	[tilespmem:$0x1C6B0] =	vst v2  }
0x319: {  	s1 =	simm.s32 $0x1C6A0;
	[tilespmem:$0x1C6A0] =	vst v1  }
0x31a: {  	[hbm4b:s20+s2] =	stream.linear.scatter [tilespmem:s1], [sflag:$0x4], $0x10, $0x38;
	[tilespmem:$0x1C6C0] =	vst v63  }
0x31b: {  	s0 =	sadd.s32 $0x1, s0;
	_ =	swait.ge [sflag:s30], $0x10  }
0x31c: {  	p0 =	sne.s32 s0, s22;
	[sflag:s30] =	ssyncset.done $0x0  }
.Ltmp16:
0x31d: {  	[sflag:s30] =	ssyncadd.s32 $0xFFFFFFF0;
	(pc) =	sbr.rel @p0 .LBB2_1-.Ltmp16, $4  }
0x31e: {  	[hbm4b:s21+s2] =	stream.linear.scatter [tilespmem:s31], [sflag:$0x4], $0x10, $0x38;
	[tilespmem:$0x1C6C0] =	vst v63  }
0x31f: {  	_ =	swait.ge [sflag:s30], $0x10  }
0x320: {  	[sflag:s30] =	ssyncset.done $0x0  }
0x321: {  	[sflag:s30] =	ssyncadd.s32 $0xFFFFFFF0  }
0x322: {  	_ =	sfence.sel $0x180000  }
0x323: {  	[bflag:$0x0] =	sbarrier.arrive $0xFFFF  }
0x324: {  	_ =	strace $0x90000047  }
0x325: {  	s0 =	stileid.u32;
	[bflag:$0x2] =	sbarrier.arrive $0xFFFF  }
0x326: {  	p0 =	sne.s32 s0, $0x0;
	s0 =	rddreg [dreg:$0x1]  }
0x327: {  	s0 =	sadd.s32 @!p0 $0x100000, s0  }
0x328: {  	[sflag:s0] =	ssyncadd.tile.s32 @!p0 $0x1;
	_ =	shalt  }
.Lfunc_end2:
_tile_overlayer_lowered:
.L_overlay_start_2:
0x329: {  	(tag) =	ssettag $0x2  }
0x32a: {  	s0 =	rddreg [dreg:$0x0];
	s2 =	stileid.u32  }
0x32b: {  	s1 =	rddreg [dreg:$0x1];
	p0 =	sne.s32 s2, $0x0  }
0x32c: {  	s3 =	rddreg [dreg:$0x2];
	[bflag:$0x3] =	sbarrier.arrive $0xFFFF;
	s2 =	simm.s32 @!p0 $0x1C04  }
0x32d: {  	[timem:s3], [sflag:s2] =	dma.local @!p0 [hbm:s0], s1  }
0x32e: {  	s0 =	simm.s32 @!p0 $0x4  }
0x32f: {  	_ =	swait.ge @!p0 [sflag:s0], s1  }
0x330: {  	s1 =	ssub.s32 @!p0 $0x0, s1;
	[sflag:s0] =	ssyncset.done @!p0 $0x0  }
0x331: {  	[sflag:s0] =	ssyncadd.s32 @!p0 s1  }
0x332: {  	[bflag:$0x3] =	sbarrier.arrive $0xFFFF  }
0x333: {  	_ =	shalt  }

</sc_bundles>
